<compile_context>
chip_gen: v7x
topology: tpu7x:2x2x1
jax: 0.10.2.dev20260603
libtpu: 0.0.44.dev20260713+nightly
codegen_flags: <defaults>
</compile_context>

<pallas_src>
import functools

import numpy as np
import jax
import jax.numpy as jnp
from jax import lax
from jax.experimental import pallas as pl
from jax.experimental.pallas import tpu as pltpu
from jax.experimental.pallas import tpu_sc as plsc

_NUM_LEVELS = 16
_MIN_RES = 16
_MAX_RES = 1024
_TABLE_SIZE = 2 ** 19
_MASK = np.int32(_TABLE_SIZE - 1)
_F = 2
_HID = 64
_IN = _NUM_LEVELS * _F
_K2 = np.int32(np.uint32(2654435761).view(np.int32))
_K3 = np.int32(805459861)

_growth = np.exp((np.log(_MAX_RES) - np.log(_MIN_RES)) / (_NUM_LEVELS - 1))
_SCALINGS = [float(s) for s in np.floor(_MIN_RES * _growth ** np.arange(_NUM_LEVELS))]

_NC = 2
_NS = 16
_NW = _NC * _NS
_LANES = 16


@functools.cache
def _make_encode(n_points, interpret=False):
    pw = n_points // _NW
    c = min(512, pw)
    n_chunks = pw // c
    groups = c // _LANES
    n_dma = (8 * c) // 128

    mesh = plsc.VectorSubcoreMesh(core_axis_name="c", subcore_axis_name="s",
                                  num_cores=_NC, num_subcores=_NS)

    @functools.partial(
        pl.kernel,
        out_type=jax.ShapeDtypeStruct((_IN, n_points), jnp.float32),
        mesh=mesh,
        scratch_types=[
            pltpu.VMEM((3, c), jnp.float32),
            pltpu.VMEM((3, c), jnp.float32),
            pltpu.VMEM((3, c), jnp.float32),
            pltpu.VMEM((8 * c,), jnp.int32),
            pltpu.VMEM((8 * c,), jnp.int32),
            pltpu.VMEM((8, c), jnp.int32),
            pltpu.VMEM((8, c), jnp.int32),
            pltpu.VMEM((8 * c, 8), jnp.float32),
            pltpu.VMEM((8 * c, 8), jnp.float32),
            pltpu.VMEM((_IN, c), jnp.float32),
            pltpu.SemaphoreType.DMA,
        ],
        compiler_params=pltpu.CompilerParams(needs_layout_passes=False,
                                             use_tc_tiling_on_sc=False),
        interpret=interpret,
    )
    def encode(xt_hbm, table_hbm, feats_hbm, xv, ova, ovb, idxa, idxb,
               hla, hlb, gva, gvb, fv, sem):
        wid = lax.axis_index("s") * _NC + lax.axis_index("c")
        iota = jnp.arange(_LANES, dtype=jnp.int32)

        def make_idx(l, ov, hlov, idxv):
            lv = jnp.full((_LANES,), l, jnp.int32)
            scale = jnp.full((_LANES,), _SCALINGS[0], jnp.float32)
            for k in range(1, _NUM_LEVELS):
                scale = jnp.where(lv == k, _SCALINGS[k], scale)
            offv = lv * np.int32(_TABLE_SIZE // 4)

            def idx_body(g, _):
                gb = g * _LANES

                def coords(xd):
                    xn = (xd + 1.0) * 0.5
                    v = xn * scale
                    fi = v.astype(jnp.int32)
                    ff = fi.astype(jnp.float32)
                    o = v - ff
                    ci_ = jnp.where(v > ff, fi + 1, fi)
                    return fi, ci_, o

                fx, cx, o0 = coords(xv[0, pl.ds(gb, _LANES)])
                fy, cy, o1 = coords(xv[1, pl.ds(gb, _LANES)])
                fz, cz, o2 = coords(xv[2, pl.ds(gb, _LANES)])
                ov[0, pl.ds(gb, _LANES)] = o0
                ov[1, pl.ds(gb, _LANES)] = o1
                ov[2, pl.ds(gb, _LANES)] = o2
                yf = fy * _K2
                yc = cy * _K2
                zf = fz * _K3
                zc = cz * _K3
                hs = (
                    fx ^ yf ^ zf,
                    cx ^ yf ^ zf,
                    fx ^ yc ^ zf,
                    cx ^ yc ^ zf,
                    fx ^ yf ^ zc,
                    cx ^ yf ^ zc,
                    cx ^ yc ^ zc,
                    fx ^ yc ^ zc,
                )
                for j, h in enumerate(hs):
                    hm = h & _MASK
                    idxv[pl.ds(j * c + gb, _LANES)] = (hm >> 2) + offv
                    hlov[j, pl.ds(gb, _LANES)] = (hm & 3) * 2
                return _

            lax.fori_loop(0, groups, idx_body, None)

        def fire(idxv, gv):
            pltpu.async_copy(table_hbm.at[idxv], gv, sem)

        def drain(idxv, gv):
            pltpu.make_async_copy(table_hbm.at[idxv], gv, sem).wait()

        def lerp(l, ov, hlov, gv):
            def lerp_body(g, _):
                gb = g * _LANES
                o0 = ov[0, pl.ds(gb, _LANES)]
                o1 = ov[1, pl.ds(gb, _LANES)]
                o2 = ov[2, pl.ds(gb, _LANES)]
                t0 = 1.0 - o0
                t1 = 1.0 - o1
                t2 = 1.0 - o2
                fj = []
                for j in range(8):
                    r = iota + (gb + j * c)
                    hl = hlov[j, pl.ds(gb, _LANES)]
                    fj.append((plsc.load_gather(gv, [r, hl]),
                               plsc.load_gather(gv, [r, hl + 1])))
                for ft in range(2):
                    f0, f1, f2, f3 = (fj[j][ft] for j in range(4))
                    f4, f5, f6, f7 = (fj[j][ft] for j in range(4, 8))
                    f03 = f0 * o0 + f3 * t0
                    f12 = f1 * o0 + f2 * t0
                    f56 = f5 * o0 + f6 * t0
                    f47 = f4 * o0 + f7 * t0
                    f0312 = f03 * o1 + f12 * t1
                    f4756 = f47 * o1 + f56 * t1
                    enc = f0312 * o2 + f4756 * t2
                    fv[2 * l + ft, pl.ds(gb, _LANES)] = enc
                return _

            lax.fori_loop(0, groups, lerp_body, None)

        def chunk_body(ci, carry):
            base = wid * pw + ci * c
            pltpu.sync_copy(xt_hbm.at[:, pl.ds(base, c)], xv)
            make_idx(0, ova, hla, idxa)
            fire(idxa, gva)

            def pair_body(q, carry2):
                l0 = 2 * q
                make_idx(l0 + 1, ovb, hlb, idxb)
                drain(idxa, gva)
                fire(idxb, gvb)
                lerp(l0, ova, hla, gva)
                make_idx((l0 + 2) & (_NUM_LEVELS - 1), ova, hla, idxa)
                drain(idxb, gvb)
                fire(idxa, gva)
                lerp(l0 + 1, ovb, hlb, gvb)
                return carry2

            lax.fori_loop(0, _NUM_LEVELS // 2, pair_body, None)
            drain(idxa, gva)
            pltpu.sync_copy(fv, feats_hbm.at[:, pl.ds(base, c)])
            return carry

        lax.fori_loop(0, n_chunks, chunk_body, None)

    return encode


@functools.cache
def _make_interleave(total_words, interpret=False):
    n_blocks = total_words // 256
    bpw = n_blocks // _NW
    batch = 16
    n_batches = bpw // batch

    mesh = plsc.VectorSubcoreMesh(core_axis_name="c", subcore_axis_name="s",
                                  num_cores=_NC, num_subcores=_NS)

    @functools.partial(
        pl.kernel,
        out_type=jax.ShapeDtypeStruct((total_words,), jnp.float32),
        mesh=mesh,
        scratch_types=[
            pltpu.VMEM((batch * 256,), jnp.float32),
            pltpu.VMEM((batch * 256,), jnp.float32),
            pltpu.VMEM((32,), jnp.float32),
            pltpu.SemaphoreType.DMA,
        ],
        compiler_params=pltpu.CompilerParams(needs_layout_passes=False,
                                             use_tc_tiling_on_sc=False),
        interpret=interpret,
    )
    def inter(nat_hbm, out_hbm, inb, outb, tmp, sem):
        wid = lax.axis_index("s") * _NC + lax.axis_index("c")
        iota = jnp.arange(_LANES, dtype=jnp.int32)
        i_a = (iota >> 1) + (iota & 1) * 16
        i_b = i_a + 8

        def batch_body(t, carry):
            off = (wid * bpw + t * batch) * 256
            pltpu.sync_copy(nat_hbm.at[pl.ds(off, batch * 256)], inb)
            for blk in range(batch):
                for k in range(8):
                    tmp[pl.ds(0, _LANES)] = inb[pl.ds(blk * 256 + k * 16,
                                                      _LANES)]
                    tmp[pl.ds(16, _LANES)] = inb[pl.ds(blk * 256 + 128 + k * 16,
                                                       _LANES)]
                    outb[pl.ds(blk * 256 + k * 32, _LANES)] = (
                        plsc.load_gather(tmp, [i_a]))
                    outb[pl.ds(blk * 256 + k * 32 + 16, _LANES)] = (
                        plsc.load_gather(tmp, [i_b]))
            pltpu.sync_copy(outb, out_hbm.at[pl.ds(off, batch * 256)])
            return carry

        lax.fori_loop(0, n_batches, batch_body, None)

    return inter


def _mlp(feats, w1, w2, w3, interpret=False):
    n = feats.shape[1]
    bn = 1024

    def body(f_ref, w1_ref, w2_ref, w3_ref, o_ref):
        f = f_ref[...]
        h = lax.dot_general(f, w1_ref[...], (((0,), (0,)), ((), ())),
                            preferred_element_type=jnp.float32)
        h = jnp.maximum(h, 0.0)
        h = jnp.dot(h, w2_ref[...], preferred_element_type=jnp.float32)
        h = jnp.maximum(h, 0.0)
        o_ref[...] = lax.dot_general(w3_ref[...], h, (((0,), (1,)), ((), ())),
                                     preferred_element_type=jnp.float32)

    return pl.pallas_call(
        body,
        grid=(n // bn,),
        in_specs=[
            pl.BlockSpec((_IN, bn), lambda i: (0, i)),
            pl.BlockSpec((_IN, _HID), lambda i: (0, 0)),
            pl.BlockSpec((_HID, _HID), lambda i: (0, 0)),
            pl.BlockSpec((_HID, 1), lambda i: (0, 0)),
        ],
        out_specs=pl.BlockSpec((1, bn), lambda i: (0, i)),
        out_shape=jax.ShapeDtypeStruct((1, n), jnp.float32),
        interpret=interpret,
    )(feats, w1, w2, w3)


def kernel(x, hash_table, W1, W2, W3):
    n = x.shape[0]
    xt = x.T
    nat_flat = hash_table.reshape(-1, 128, 2).swapaxes(1, 2).reshape(-1)
    table8 = _make_interleave(nat_flat.shape[0])(nat_flat).reshape(-1, 8)
    feats = _make_encode(n)(xt, table8)
    return _mlp(feats, W1, W2, W3).reshape(n, 1)

# --- scband reference (transcript-rebuilt; emitter-appended) ---
"""Pipeline reference for scband-sdfnetwork-27427661153034 (READ-ONLY COPY).

The authoritative reference and input builder live on the scoring server;
editing this copy changes nothing except your own understanding.
"""

import jax, jax.numpy as jnp
import numpy as np

NUM_LEVELS = 16
MIN_RES = 16
MAX_RES = 1024
LOG2_HASHMAP_SIZE = 19
TABLE_SIZE = 2 ** LOG2_HASHMAP_SIZE
F_PER_LEVEL = 2
HIDDEN_DIM = 64
N_POINTS = 262144
IN_DIM = NUM_LEVELS * F_PER_LEVEL


def setup_inputs(seed: int = 0):
    key = jax.random.key(seed)
    k1, k2, k3, k4, k5 = jax.random.split(key, 5)
    x = jax.random.uniform(k1, (N_POINTS, 3), dtype=jnp.float32)
    # hash table init: uniform(-1,1) * hash_init_scale (0.001)
    hash_table = jax.random.uniform(k2, (TABLE_SIZE * NUM_LEVELS, F_PER_LEVEL), dtype=jnp.float32, minval=-1.0, maxval=1.0) * 0.001
    # tcnn-style fully-fused MLP backbone: no biases, 3 layers, hidden 64, out 1
    W1 = jax.random.normal(k3, (IN_DIM, HIDDEN_DIM), dtype=jnp.float32) * (1.0 / np.sqrt(IN_DIM))
    W2 = jax.random.normal(k4, (HIDDEN_DIM, HIDDEN_DIM), dtype=jnp.float32) * (1.0 / np.sqrt(HIDDEN_DIM))
    W3 = jax.random.normal(k5, (HIDDEN_DIM, 1), dtype=jnp.float32) * (1.0 / np.sqrt(HIDDEN_DIM))
    return {'x': x, 'hash_table': hash_table, 'W1': W1, 'W2': W2, 'W3': W3}


def _hash(ix, iy, iz):
    # instant-NGP spatial hash; uint32 wraparound preserves the low log2(T) bits
    h = jnp.bitwise_xor(jnp.bitwise_xor(ix * jnp.uint32(1), iy * jnp.uint32(2654435761)), iz * jnp.uint32(805459861))
    return (h & jnp.uint32(TABLE_SIZE - 1)).astype(jnp.int32)


def hash_encode(x, hash_table):
    levels = np.arange(NUM_LEVELS)
    growth = np.exp((np.log(MAX_RES) - np.log(MIN_RES)) / (NUM_LEVELS - 1))
    scalings = jnp.asarray(np.floor(MIN_RES * growth ** levels), dtype=jnp.float32)  # [L]
    hash_offset = jnp.asarray(levels * TABLE_SIZE, dtype=jnp.int32)  # [L]
    scaled = x[..., None, :] * scalings[:, None]  # [N, L, 3]
    scaled_f_float = jnp.floor(scaled)
    scaled_c = jnp.ceil(scaled).astype(jnp.uint32)
    scaled_f = scaled_f_float.astype(jnp.uint32)
    offset = scaled - scaled_f_float  # [N, L, 3]
    fx, fy, fz = scaled_f[..., 0], scaled_f[..., 1], scaled_f[..., 2]
    cx, cy, cz = scaled_c[..., 0], scaled_c[..., 1], scaled_c[..., 2]
    h0 = _hash(fx, fy, fz) + hash_offset
    h1 = _hash(cx, fy, fz) + hash_offset
    h2 = _hash(fx, cy, fz) + hash_offset
    h3 = _hash(cx, cy, fz) + hash_offset
    h4 = _hash(fx, fy, cz) + hash_offset
    h5 = _hash(cx, fy, cz) + hash_offset
    h6 = _hash(cx, cy, cz) + hash_offset
    h7 = _hash(fx, cy, cz) + hash_offset
    f_0 = jnp.take(hash_table, h0, axis=0)  # [N, L, F]
    f_1 = jnp.take(hash_table, h1, axis=0)
    f_2 = jnp.take(hash_table, h2, axis=0)
    f_3 = jnp.take(hash_table, h3, axis=0)
    f_4 = jnp.take(hash_table, h4, axis=0)
    f_5 = jnp.take(hash_table, h5, axis=0)
    f_6 = jnp.take(hash_table, h6, axis=0)
    f_7 = jnp.take(hash_table, h7, axis=0)
    o0 = offset[..., 0:1]
    o1 = offset[..., 1:2]
    o2 = offset[..., 2:3]
    f_03 = f_0 * o0 + f_3 * (1 - o0)
    f_12 = f_1 * o0 + f_2 * (1 - o0)
    f_56 = f_5 * o0 + f_6 * (1 - o0)
    f_47 = f_4 * o0 + f_7 * (1 - o0)
    f0312 = f_03 * o1 + f_12 * (1 - o1)
    f4756 = f_47 * o1 + f_56 * (1 - o1)
    enc = f0312 * o2 + f4756 * (1 - o2)  # [N, L, F]
    return enc.reshape(enc.shape[0], NUM_LEVELS * F_PER_LEVEL)


def reference(x, hash_table, W1, W2, W3):
    xn = (x + 1.0) / 2.0
    feats = hash_encode(xn, hash_table)
    h = jax.nn.relu(feats @ W1)
    h = jax.nn.relu(h @ W2)
    h = h @ W3
    # clip_sdf is None -> no clamp
    return h

if __name__ == "__main__":
    import jax
    _d = setup_inputs()
    print(jax.jit(kernel)(*tuple(_d.values())))

</pallas_src>

<mosaic_0001>
#map = affine_map<(d0, d1) -> (0)>
module attributes {stable_mosaic.version = 14 : i64} {
  func.func @inter(%arg0: i32, %arg1: i32, %arg2: memref<16777216xf32, #tpu.memory_space<hbm>>, %arg3: memref<16777216xf32, #tpu.memory_space<hbm>>, %arg4: memref<4096xf32, #tpu.memory_space<vmem>>, %arg5: memref<4096xf32, #tpu.memory_space<vmem>>, %arg6: memref<32xf32, #tpu.memory_space<vmem>>, %arg7: memref<!tpu.dma_semaphore, #tpu.memory_space<semaphore_mem>>) attributes {dimension_semantics = [#tpu.dimension_semantics<core_parallel>, #tpu.dimension_semantics<subcore_parallel>], iteration_bounds = array<i64: 2, 16>, scalar_prefetch = 0 : i64, scratch_operands = 4 : i64, tpu.core_type = #tpu.core_type<sc_vector_subcore>, window_params = [{transform_indices = #map}, {transform_indices = #map}]} {
    %mul3A = arith.constant 2 : i32
    %mul3A_0 = arith.muli %arg1, %mul3A : i32
    %add3A = arith.addi %mul3A_0, %arg0 : i32
    %iota3A = tpu.iota {dimensions = array<i32: 0>} : vector<16xi32>
    %shift_right_arithmetic3A = arith.constant 1 : i32
    %shift_right_arithmetic3A_1 = vector.broadcast %shift_right_arithmetic3A : i32 to vector<16xi32>
    %shift_right_arithmetic3A_2 = arith.shrsi %iota3A, %shift_right_arithmetic3A_1 : vector<16xi32>
    %and3A = arith.constant 1 : i32
    %and3A_3 = vector.broadcast %and3A : i32 to vector<16xi32>
    %and3A_4 = arith.andi %iota3A, %and3A_3 : vector<16xi32>
    %mul3A_5 = arith.constant 16 : i32
    %mul3A_6 = vector.broadcast %mul3A_5 : i32 to vector<16xi32>
    %mul3A_7 = arith.muli %and3A_4, %mul3A_6 : vector<16xi32>
    %add3A_8 = arith.addi %shift_right_arithmetic3A_2, %mul3A_7 : vector<16xi32>
    %add3A_9 = arith.constant 8 : i32
    %add3A_10 = vector.broadcast %add3A_9 : i32 to vector<16xi32>
    %add3A_11 = arith.addi %add3A_8, %add3A_10 : vector<16xi32>
    %scan3A = arith.constant 0 : i32
    %scan3A_12 = arith.constant 128 : i32
    %scan3A_13 = arith.addi %scan3A, %scan3A_12 : i32
    %scan3A_14 = arith.constant 1 : i32
    scf.for %scan3A_16 = %scan3A to %scan3A_13 step %scan3A_14  : i32 {
      %mul3A_17 = arith.constant 2048 : i32
      %mul3A_18 = arith.muli %add3A, %mul3A_17 : i32
      %mul3A_19 = arith.constant 16 : i32
      %mul3A_20 = arith.muli %scan3A_16, %mul3A_19 : i32
      %add3A_21 = arith.addi %mul3A_18, %mul3A_20 : i32
      %mul3A_22 = arith.constant 256 : i32
      %mul3A_23 = arith.muli %add3A_21, %mul3A_22 : i32
      "tpu.region"() ({
        %run_scoped3A = tpu.sem_alloc : memref<!tpu.dma_semaphore, #tpu.memory_space<semaphore_mem>>
        %dma_start3A = tpu.memref_slice %arg2[%mul3A_23] : memref<16777216xf32, #tpu.memory_space<hbm>> -> memref<4096xf32, #tpu.memory_space<hbm>>
        %dma_start3A_1813 = tpu.memref_slice %arg2[%mul3A_23] : memref<16777216xf32, #tpu.memory_space<hbm>> -> memref<4096xf32, #tpu.memory_space<hbm>>
        tpu.enqueue_dma source(%dma_start3A_1813 : memref<4096xf32, #tpu.memory_space<hbm>>) target(%arg4 : memref<4096xf32, #tpu.memory_space<vmem>>) target_semaphore(%run_scoped3A : memref<!tpu.dma_semaphore, #tpu.memory_space<semaphore_mem>>)
        %dma_wait3A = tpu.memref_slice %arg2[%mul3A_23] : memref<16777216xf32, #tpu.memory_space<hbm>> -> memref<4096xf32, #tpu.memory_space<hbm>>
        %dma_wait3A_1814 = tpu.memref_slice %arg2[%mul3A_23] : memref<16777216xf32, #tpu.memory_space<hbm>> -> memref<4096xf32, #tpu.memory_space<hbm>>
        tpu.wait_dma2 semaphore(%run_scoped3A : memref<!tpu.dma_semaphore, #tpu.memory_space<semaphore_mem>>) src(%dma_wait3A_1814 : memref<4096xf32, #tpu.memory_space<hbm>>) dst(%arg4 : memref<4096xf32, #tpu.memory_space<vmem>>)
        tpu.yield
      }) : () -> ()
      %get3A = arith.constant 0 : index
      %get3A_24 = tpu.vector_load %arg4[%get3A] {strides = array<i32>} : memref<4096xf32, #tpu.memory_space<vmem>>, vector<16xf32>,
      %swap3A = arith.constant 0 : index
      %swap3A_25 = tpu.vector_load %arg6[%swap3A] {strides = array<i32>} : memref<32xf32, #tpu.memory_space<vmem>>, vector<16xf32>,
      tpu.vector_store %arg6[%swap3A], %get3A_24 {strides = array<i32>} : memref<32xf32, #tpu.memory_space<vmem>>, vector<16xf32>,
      %get3A_26 = arith.constant 128 : index
      %get3A_27 = tpu.vector_load %arg4[%get3A_26] {strides = array<i32>} : memref<4096xf32, #tpu.memory_space<vmem>>, vector<16xf32>,
      %swap3A_28 = arith.constant 16 : index
      %swap3A_29 = tpu.vector_load %arg6[%swap3A_28] {strides = array<i32>} : memref<32xf32, #tpu.memory_space<vmem>>, vector<16xf32>,
      tpu.vector_store %arg6[%swap3A_28], %get3A_27 {strides = array<i32>} : memref<32xf32, #tpu.memory_space<vmem>>, vector<16xf32>,
      %gather3A = tpu.vector_load_idx %arg6[%add3A_8] : memref<32xf32, #tpu.memory_space<vmem>>[vector<16xi32>], vector<16xf32>,
      %swap3A_30 = arith.constant 0 : index
      %swap3A_31 = tpu.vector_load %arg5[%swap3A_30] {strides = array<i32>} : memref<4096xf32, #tpu.memory_space<vmem>>, vector<16xf32>,
      tpu.vector_store %arg5[%swap3A_30], %gather3A {strides = array<i32>} : memref<4096xf32, #tpu.memory_space<vmem>>, vector<16xf32>,
      %gather3A_32 = tpu.vector_load_idx %arg6[%add3A_11] : memref<32xf32, #tpu.memory_space<vmem>>[vector<16xi32>], vector<16xf32>,
      %swap3A_33 = arith.constant 16 : index
      %swap3A_34 = tpu.vector_load %arg5[%swap3A_33] {strides = array<i32>} : memref<4096xf32, #tpu.memory_space<vmem>>, vector<16xf32>,
      tpu.vector_store %arg5[%swap3A_33], %gather3A_32 {strides = array<i32>} : memref<4096xf32, #tpu.memory_space<vmem>>, vector<16xf32>,
      %get3A_35 = arith.constant 16 : index
      %get3A_36 = tpu.vector_load %arg4[%get3A_35] {strides = array<i32>} : memref<4096xf32, #tpu.memory_space<vmem>>, vector<16xf32>,
      %swap3A_37 = arith.constant 0 : index
      %swap3A_38 = tpu.vector_load %arg6[%swap3A_37] {strides = array<i32>} : memref<32xf32, #tpu.memory_space<vmem>>, vector<16xf32>,
      tpu.vector_store %arg6[%swap3A_37], %get3A_36 {strides = array<i32>} : memref<32xf32, #tpu.memory_space<vmem>>, vector<16xf32>,
      %get3A_39 = arith.constant 144 : index
      %get3A_40 = tpu.vector_load %arg4[%get3A_39] {strides = array<i32>} : memref<4096xf32, #tpu.memory_space<vmem>>, vector<16xf32>,
      %swap3A_41 = arith.constant 16 : index
      %swap3A_42 = tpu.vector_load %arg6[%swap3A_41] {strides = array<i32>} : memref<32xf32, #tpu.memory_space<vmem>>, vector<16xf32>,
      tpu.vector_store %arg6[%swap3A_41], %get3A_40 {strides = array<i32>} : memref<32xf32, #tpu.memory_space<vmem>>, vector<16xf32>,
      %gather3A_43 = tpu.vector_load_idx %arg6[%add3A_8] : memref<32xf32, #tpu.memory_space<vmem>>[vector<16xi32>], vector<16xf32>,
      %swap3A_44 = arith.constant 32 : index
      %swap3A_45 = tpu.vector_load %arg5[%swap3A_44] {strides = array<i32>} : memref<4096xf32, #tpu.memory_space<vmem>>, vector<16xf32>,
      tpu.vector_store %arg5[%swap3A_44], %gather3A_43 {strides = array<i32>} : memref<4096xf32, #tpu.memory_space<vmem>>, vector<16xf32>,
      %gather3A_46 = tpu.vector_load_idx %arg6[%add3A_11] : memref<32xf32, #tpu.memory_space<vmem>>[vector<16xi32>], vector<16xf32>,
      %swap3A_47 = arith.constant 48 : index
      %swap3A_48 = tpu.vector_load %arg5[%swap3A_47] {strides = array<i32>} : memref<4096xf32, #tpu.memory_space<vmem>>, vector<16xf32>,
      tpu.vector_store %arg5[%swap3A_47], %gather3A_46 {strides = array<i32>} : memref<4096xf32, #tpu.memory_space<vmem>>, vector<16xf32>,
      %get3A_49 = arith.constant 32 : index
      %get3A_50 = tpu.vector_load %arg4[%get3A_49] {strides = array<i32>} : memref<4096xf32, #tpu.memory_space<vmem>>, vector<16xf32>,
      %swap3A_51 = arith.constant 0 : index
      %swap3A_52 = tpu.vector_load %arg6[%swap3A_51] {strides = array<i32>} : memref<32xf32, #tpu.memory_space<vmem>>, vector<16xf32>,
      tpu.vector_store %arg6[%swap3A_51], %get3A_50 {strides = array<i32>} : memref<32xf32, #tpu.memory_space<vmem>>, vector<16xf32>,
      %get3A_53 = arith.constant 160 : index
      %get3A_54 = tpu.vector_load %arg4[%get3A_53] {strides = array<i32>} : memref<4096xf32, #tpu.memory_space<vmem>>, vector<16xf32>,
      %swap3A_55 = arith.constant 16 : index
      %swap3A_56 = tpu.vector_load %arg6[%swap3A_55] {strides = array<i32>} : memref<32xf32, #tpu.memory_space<vmem>>, vector<16xf32>,
      tpu.vector_store %arg6[%swap3A_55], %get3A_54 {strides = array<i32>} : memref<32xf32, #tpu.memory_space<vmem>>, vector<16xf32>,
      %gather3A_57 = tpu.vector_load_idx %arg6[%add3A_8] : memref<32xf32, #tpu.memory_space<vmem>>[vector<16xi32>], vector<16xf32>,
      %swap3A_58 = arith.constant 64 : index
      %swap3A_59 = tpu.vector_load %arg5[%swap3A_58] {strides = array<i32>} : memref<4096xf32, #tpu.memory_space<vmem>>, vector<16xf32>,
      tpu.vector_store %arg5[%swap3A_58], %gather3A_57 {strides = array<i32>} : memref<4096xf32, #tpu.memory_space<vmem>>, vector<16xf32>,
      %gather3A_60 = tpu.vector_load_idx %arg6[%add3A_11] : memref<32xf32, #tpu.memory_space<vmem>>[vector<16xi32>], vector<16xf32>,
      %swap3A_61 = arith.constant 80 : index
      %swap3A_62 = tpu.vector_load %arg5[%swap3A_61] {strides = array<i32>} : memref<4096xf32, #tpu.memory_space<vmem>>, vector<16xf32>,
      tpu.vector_store %arg5[%swap3A_61], %gather3A_60 {strides = array<i32>} : memref<4096xf32, #tpu.memory_space<vmem>>, vector<16xf32>,
      %get3A_63 = arith.constant 48 : index
      %get3A_64 = tpu.vector_load %arg4[%get3A_63] {strides = array<i32>} : memref<4096xf32, #tpu.memory_space<vmem>>, vector<16xf32>,
      %swap3A_65 = arith.constant 0 : index
      %swap3A_66 = tpu.vector_load %arg6[%swap3A_65] {strides = array<i32>} : memref<32xf32, #tpu.memory_space<vmem>>, vector<16xf32>,
      tpu.vector_store %arg6[%swap3A_65], %get3A_64 {strides = array<i32>} : memref<32xf32, #tpu.memory_space<vmem>>, vector<16xf32>,
      %get3A_67 = arith.constant 176 : index
      %get3A_68 = tpu.vector_load %arg4[%get3A_67] {strides = array<i32>} : memref<4096xf32, #tpu.memory_space<vmem>>, vector<16xf32>,
      %swap3A_69 = arith.constant 16 : index
      %swap3A_70 = tpu.vector_load %arg6[%swap3A_69] {strides = array<i32>} : memref<32xf32, #tpu.memory_space<vmem>>, vector<16xf32>,
      tpu.vector_store %arg6[%swap3A_69], %get3A_68 {strides = array<i32>} : memref<32xf32, #tpu.memory_space<vmem>>, vector<16xf32>,
      %gather3A_71 = tpu.vector_load_idx %arg6[%add3A_8] : memref<32xf32, #tpu.memory_space<vmem>>[vector<16xi32>], vector<16xf32>,
      %swap3A_72 = arith.constant 96 : index
      %swap3A_73 = tpu.vector_load %arg5[%swap3A_72] {strides = array<i32>} : memref<4096xf32, #tpu.memory_space<vmem>>, vector<16xf32>,
      tpu.vector_store %arg5[%swap3A_72], %gather3A_71 {strides = array<i32>} : memref<4096xf32, #tpu.memory_space<vmem>>, vector<16xf32>,
      %gather3A_74 = tpu.vector_load_idx %arg6[%add3A_11] : memref<32xf32, #tpu.memory_space<vmem>>[vector<16xi32>], vector<16xf32>,
      %swap3A_75 = arith.constant 112 : index
      %swap3A_76 = tpu.vector_load %arg5[%swap3A_75] {strides = array<i32>} : memref<4096xf32, #tpu.memory_space<vmem>>, vector<16xf32>,
      tpu.vector_store %arg5[%swap3A_75], %gather3A_74 {strides = array<i32>} : memref<4096xf32, #tpu.memory_space<vmem>>, vector<16xf32>,
      %get3A_77 = arith.constant 64 : index
      %get3A_78 = tpu.vector_load %arg4[%get3A_77] {strides = array<i32>} : memref<4096xf32, #tpu.memory_space<vmem>>, vector<16xf32>,
      %swap3A_79 = arith.constant 0 : index
      %swap3A_80 = tpu.vector_load %arg6[%swap3A_79] {strides = array<i32>} : memref<32xf32, #tpu.memory_space<vmem>>, vector<16xf32>,
      tpu.vector_store %arg6[%swap3A_79], %get3A_78 {strides = array<i32>} : memref<32xf32, #tpu.memory_space<vmem>>, vector<16xf32>,
      %get3A_81 = arith.constant 192 : index
      %get3A_82 = tpu.vector_load %arg4[%get3A_81] {strides = array<i32>} : memref<4096xf32, #tpu.memory_space<vmem>>, vector<16xf32>,
      %swap3A_83 = arith.constant 16 : index
      %swap3A_84 = tpu.vector_load %arg6[%swap3A_83] {strides = array<i32>} : memref<32xf32, #tpu.memory_space<vmem>>, vector<16xf32>,
      tpu.vector_store %arg6[%swap3A_83], %get3A_82 {strides = array<i32>} : memref<32xf32, #tpu.memory_space<vmem>>, vector<16xf32>,
      %gather3A_85 = tpu.vector_load_idx %arg6[%add3A_8] : memref<32xf32, #tpu.memory_space<vmem>>[vector<16xi32>], vector<16xf32>,
      %swap3A_86 = arith.constant 128 : index
      %swap3A_87 = tpu.vector_load %arg5[%swap3A_86] {strides = array<i32>} : memref<4096xf32, #tpu.memory_space<vmem>>, vector<16xf32>,
      tpu.vector_store %arg5[%swap3A_86], %gather3A_85 {strides = array<i32>} : memref<4096xf32, #tpu.memory_space<vmem>>, vector<16xf32>,
      %gather3A_88 = tpu.vector_load_idx %arg6[%add3A_11] : memref<32xf32, #tpu.memory_space<vmem>>[vector<16xi32>], vector<16xf32>,
      %swap3A_89 = arith.constant 144 : index
      %swap3A_90 = tpu.vector_load %arg5[%swap3A_89] {strides = array<i32>} : memref<4096xf32, #tpu.memory_space<vmem>>, vector<16xf32>,
      tpu.vector_store %arg5[%swap3A_89], %gather3A_88 {strides = array<i32>} : memref<4096xf32, #tpu.memory_space<vmem>>, vector<16xf32>,
      %get3A_91 = arith.constant 80 : index
      %get3A_92 = tpu.vector_load %arg4[%get3A_91] {strides = array<i32>} : memref<4096xf32, #tpu.memory_space<vmem>>, vector<16xf32>,
      %swap3A_93 = arith.constant 0 : index
      %swap3A_94 = tpu.vector_load %arg6[%swap3A_93] {strides = array<i32>} : memref<32xf32, #tpu.memory_space<vmem>>, vector<16xf32>,
      tpu.vector_store %arg6[%swap3A_93], %get3A_92 {strides = array<i32>} : memref<32xf32, #tpu.memory_space<vmem>>, vector<16xf32>,
      %get3A_95 = arith.constant 208 : index
      %get3A_96 = tpu.vector_load %arg4[%get3A_95] {strides = array<i32>} : memref<4096xf32, #tpu.memory_space<vmem>>, vector<16xf32>,
      %swap3A_97 = arith.constant 16 : index
      %swap3A_98 = tpu.vector_load %arg6[%swap3A_97] {strides = array<i32>} : memref<32xf32, #tpu.memory_space<vmem>>, vector<16xf32>,
      tpu.vector_store %arg6[%swap3A_97], %get3A_96 {strides = array<i32>} : memref<32xf32, #tpu.memory_space<vmem>>, vector<16xf32>,
      %gather3A_99 = tpu.vector_load_idx %arg6[%add3A_8] : memref<32xf32, #tpu.memory_space<vmem>>[vector<16xi32>], vector<16xf32>,
      %swap3A_100 = arith.constant 160 : index
      %swap3A_101 = tpu.vector_load %arg5[%swap3A_100] {strides = array<i32>} : memref<4096xf32, #tpu.memory_space<vmem>>, vector<16xf32>,
      tpu.vector_store %arg5[%swap3A_100], %gather3A_99 {strides = array<i32>} : memref<4096xf32, #tpu.memory_space<vmem>>, vector<16xf32>,
      %gather3A_102 = tpu.vector_load_idx %arg6[%add3A_11] : memref<32xf32, #tpu.memory_space<vmem>>[vector<16xi32>], vector<16xf32>,
      %swap3A_103 = arith.constant 176 : index
      %swap3A_104 = tpu.vector_load %arg5[%swap3A_103] {strides = array<i32>} : memref<4096xf32, #tpu.memory_space<vmem>>, vector<16xf32>,
      tpu.vector_store %arg5[%swap3A_103], %gather3A_102 {strides = array<i32>} : memref<4096xf32, #tpu.memory_space<vmem>>, vector<16xf32>,
      %get3A_105 = arith.constant 96 : index
      %get3A_106 = tpu.vector_load %arg4[%get3A_105] {strides = array<i32>} : memref<4096xf32, #tpu.memory_space<vmem>>, vector<16xf32>,
      %swap3A_107 = arith.constant 0 : index
      %swap3A_108 = tpu.vector_load %arg6[%swap3A_107] {strides = array<i32>} : memref<32xf32, #tpu.memory_space<vmem>>, vector<16xf32>,
      tpu.vector_store %arg6[%swap3A_107], %get3A_106 {strides = array<i32>} : memref<32xf32, #tpu.memory_space<vmem>>, vector<16xf32>,
      %get3A_109 = arith.constant 224 : index
      %get3A_110 = tpu.vector_load %arg4[%get3A_109] {strides = array<i32>} : memref<4096xf32, #tpu.memory_space<vmem>>, vector<16xf32>,
      %swap3A_111 = arith.constant 16 : index
      %swap3A_112 = tpu.vector_load %arg6[%swap3A_111] {strides = array<i32>} : memref<32xf32, #tpu.memory_space<vmem>>, vector<16xf32>,
      tpu.vector_store %arg6[%swap3A_111], %get3A_110 {strides = array<i32>} : memref<32xf32, #tpu.memory_space<vmem>>, vector<16xf32>,
      %gather3A_113 = tpu.vector_load_idx %arg6[%add3A_8] : memref<32xf32, #tpu.memory_space<vmem>>[vector<16xi32>], vector<16xf32>,
      %swap3A_114 = arith.constant 192 : index
      %swap3A_115 = tpu.vector_load %arg5[%swap3A_114] {strides = array<i32>} : memref<4096xf32, #tpu.memory_space<vmem>>, vector<16xf32>,
      tpu.vector_store %arg5[%swap3A_114], %gather3A_113 {strides = array<i32>} : memref<4096xf32, #tpu.memory_space<vmem>>, vector<16xf32>,
      %gather3A_116 = tpu.vector_load_idx %arg6[%add3A_11] : memref<32xf32, #tpu.memory_space<vmem>>[vector<16xi32>], vector<16xf32>,
      %swap3A_117 = arith.constant 208 : index
      %swap3A_118 = tpu.vector_load %arg5[%swap3A_117] {strides = array<i32>} : memref<4096xf32, #tpu.memory_space<vmem>>, vector<16xf32>,
      tpu.vector_store %arg5[%swap3A_117], %gather3A_116 {strides = array<i32>} : memref<4096xf32, #tpu.memory_space<vmem>>, vector<16xf32>,
      %get3A_119 = arith.constant 112 : index
      %get3A_120 = tpu.vector_load %arg4[%get3A_119] {strides = array<i32>} : memref<4096xf32, #tpu.memory_space<vmem>>, vector<16xf32>,
      %swap3A_121 = arith.constant 0 : index
      %swap3A_122 = tpu.vector_load %arg6[%swap3A_121] {strides = array<i32>} : memref<32xf32, #tpu.memory_space<vmem>>, vector<16xf32>,
      tpu.vector_store %arg6[%swap3A_121], %get3A_120 {strides = array<i32>} : memref<32xf32, #tpu.memory_space<vmem>>, vector<16xf32>,
      %get3A_123 = arith.constant 240 : index
      %get3A_124 = tpu.vector_load %arg4[%get3A_123] {strides = array<i32>} : memref<4096xf32, #tpu.memory_space<vmem>>, vector<16xf32>,
      %swap3A_125 = arith.constant 16 : index
      %swap3A_126 = tpu.vector_load %arg6[%swap3A_125] {strides = array<i32>} : memref<32xf32, #tpu.memory_space<vmem>>, vector<16xf32>,
      tpu.vector_store %arg6[%swap3A_125], %get3A_124 {strides = array<i32>} : memref<32xf32, #tpu.memory_space<vmem>>, vector<16xf32>,
      %gather3A_127 = tpu.vector_load_idx %arg6[%add3A_8] : memref<32xf32, #tpu.memory_space<vmem>>[vector<16xi32>], vector<16xf32>,
      %swap3A_128 = arith.constant 224 : index
      %swap3A_129 = tpu.vector_load %arg5[%swap3A_128] {strides = array<i32>} : memref<4096xf32, #tpu.memory_space<vmem>>, vector<16xf32>,
      tpu.vector_store %arg5[%swap3A_128], %gather3A_127 {strides = array<i32>} : memref<4096xf32, #tpu.memory_space<vmem>>, vector<16xf32>,
      %gather3A_130 = tpu.vector_load_idx %arg6[%add3A_11] : memref<32xf32, #tpu.memory_space<vmem>>[vector<16xi32>], vector<16xf32>,
      %swap3A_131 = arith.constant 240 : index
      %swap3A_132 = tpu.vector_load %arg5[%swap3A_131] {strides = array<i32>} : memref<4096xf32, #tpu.memory_space<vmem>>, vector<16xf32>,
      tpu.vector_store %arg5[%swap3A_131], %gather3A_130 {strides = array<i32>} : memref<4096xf32, #tpu.memory_space<vmem>>, vector<16xf32>,
      %get3A_133 = arith.constant 256 : index
      %get3A_134 = tpu.vector_load %arg4[%get3A_133] {strides = array<i32>} : memref<4096xf32, #tpu.memory_space<vmem>>, vector<16xf32>,
      %swap3A_135 = arith.constant 0 : index
      %swap3A_136 = tpu.vector_load %arg6[%swap3A_135] {strides = array<i32>} : memref<32xf32, #tpu.memory_space<vmem>>, vector<16xf32>,
      tpu.vector_store %arg6[%swap3A_135], %get3A_134 {strides = array<i32>} : memref<32xf32, #tpu.memory_space<vmem>>, vector<16xf32>,
      %get3A_137 = arith.constant 384 : index
      %get3A_138 = tpu.vector_load %arg4[%get3A_137] {strides = array<i32>} : memref<4096xf32, #tpu.memory_space<vmem>>, vector<16xf32>,
      %swap3A_139 = arith.constant 16 : index
      %swap3A_140 = tpu.vector_load %arg6[%swap3A_139] {strides = array<i32>} : memref<32xf32, #tpu.memory_space<vmem>>, vector<16xf32>,
      tpu.vector_store %arg6[%swap3A_139], %get3A_138 {strides = array<i32>} : memref<32xf32, #tpu.memory_space<vmem>>, vector<16xf32>,
      %gather3A_141 = tpu.vector_load_idx %arg6[%add3A_8] : memref<32xf32, #tpu.memory_space<vmem>>[vector<16xi32>], vector<16xf32>,
      %swap3A_142 = arith.constant 256 : index
      %swap3A_143 = tpu.vector_load %arg5[%swap3A_142] {strides = array<i32>} : memref<4096xf32, #tpu.memory_space<vmem>>, vector<16xf32>,
      tpu.vector_store %arg5[%swap3A_142], %gather3A_141 {strides = array<i32>} : memref<4096xf32, #tpu.memory_space<vmem>>, vector<16xf32>,
      %gather3A_144 = tpu.vector_load_idx %arg6[%add3A_11] : memref<32xf32, #tpu.memory_space<vmem>>[vector<16xi32>], vector<16xf32>,
      %swap3A_145 = arith.constant 272 : index
      %swap3A_146 = tpu.vector_load %arg5[%swap3A_145] {strides = array<i32>} : memref<4096xf32, #tpu.memory_space<vmem>>, vector<16xf32>,
      tpu.vector_store %arg5[%swap3A_145], %gather3A_144 {strides = array<i32>} : memref<4096xf32, #tpu.memory_space<vmem>>, vector<16xf32>,
      %get3A_147 = arith.constant 272 : index
      %get3A_148 = tpu.vector_load %arg4[%get3A_147] {strides = array<i32>} : memref<4096xf32, #tpu.memory_space<vmem>>, vector<16xf32>,
      %swap3A_149 = arith.constant 0 : index
      %swap3A_150 = tpu.vector_load %arg6[%swap3A_149] {strides = array<i32>} : memref<32xf32, #tpu.memory_space<vmem>>, vector<16xf32>,
      tpu.vector_store %arg6[%swap3A_149], %get3A_148 {strides = array<i32>} : memref<32xf32, #tpu.memory_space<vmem>>, vector<16xf32>,
      %get3A_151 = arith.constant 400 : index
      %get3A_152 = tpu.vector_load %arg4[%get3A_151] {strides = array<i32>} : memref<4096xf32, #tpu.memory_space<vmem>>, vector<16xf32>,
      %swap3A_153 = arith.constant 16 : index
      %swap3A_154 = tpu.vector_load %arg6[%swap3A_153] {strides = array<i32>} : memref<32xf32, #tpu.memory_space<vmem>>, vector<16xf32>,
      tpu.vector_store %arg6[%swap3A_153], %get3A_152 {strides = array<i32>} : memref<32xf32, #tpu.memory_space<vmem>>, vector<16xf32>,
      %gather3A_155 = tpu.vector_load_idx %arg6[%add3A_8] : memref<32xf32, #tpu.memory_space<vmem>>[vector<16xi32>], vector<16xf32>,
      %swap3A_156 = arith.constant 288 : index
      %swap3A_157 = tpu.vector_load %arg5[%swap3A_156] {strides = array<i32>} : memref<4096xf32, #tpu.memory_space<vmem>>, vector<16xf32>,
      tpu.vector_store %arg5[%swap3A_156], %gather3A_155 {strides = array<i32>} : memref<4096xf32, #tpu.memory_space<vmem>>, vector<16xf32>,
      %gather3A_158 = tpu.vector_load_idx %arg6[%add3A_11] : memref<32xf32, #tpu.memory_space<vmem>>[vector<16xi32>], vector<16xf32>,
      %swap3A_159 = arith.constant 304 : index
      %swap3A_160 = tpu.vector_load %arg5[%swap3A_159] {strides = array<i32>} : memref<4096xf32, #tpu.memory_space<vmem>>, vector<16xf32>,
      tpu.vector_store %arg5[%swap3A_159], %gather3A_158 {strides = array<i32>} : memref<4096xf32, #tpu.memory_space<vmem>>, vector<16xf32>,
      %get3A_161 = arith.constant 288 : index
      %get3A_162 = tpu.vector_load %arg4[%get3A_161] {strides = array<i32>} : memref<4096xf32, #tpu.memory_space<vmem>>, vector<16xf32>,
      %swap3A_163 = arith.constant 0 : index
      %swap3A_164 = tpu.vector_load %arg6[%swap3A_163] {strides = array<i32>} : memref<32xf32, #tpu.memory_space<vmem>>, vector<16xf32>,
      tpu.vector_store %arg6[%swap3A_163], %get3A_162 {strides = array<i32>} : memref<32xf32, #tpu.memory_space<vmem>>, vector<16xf32>,
      %get3A_165 = arith.constant 416 : index
      %get3A_166 = tpu.vector_load %arg4[%get3A_165] {strides = array<i32>} : memref<4096xf32, #tpu.memory_space<vmem>>, vector<16xf32>,
      %swap3A_167 = arith.constant 16 : index
      %swap3A_168 = tpu.vector_load %arg6[%swap3A_167] {strides = array<i32>} : memref<32xf32, #tpu.memory_space<vmem>>, vector<16xf32>,
      tpu.vector_store %arg6[%swap3A_167], %get3A_166 {strides = array<i32>} : memref<32xf32, #tpu.memory_space<vmem>>, vector<16xf32>,
      %gather3A_169 = tpu.vector_load_idx %arg6[%add3A_8] : memref<32xf32, #tpu.memory_space<vmem>>[vector<16xi32>], vector<16xf32>,
      %swap3A_170 = arith.constant 320 : index
      %swap3A_171 = tpu.vector_load %arg5[%swap3A_170] {strides = array<i32>} : memref<4096xf32, #tpu.memory_space<vmem>>, vector<16xf32>,
      tpu.vector_store %arg5[%swap3A_170], %gather3A_169 {strides = array<i32>} : memref<4096xf32, #tpu.memory_space<vmem>>, vector<16xf32>,
      %gather3A_172 = tpu.vector_load_idx %arg6[%add3A_11] : memref<32xf32, #tpu.memory_space<vmem>>[vector<16xi32>], vector<16xf32>,
      %swap3A_173 = arith.constant 336 : index
      %swap3A_174 = tpu.vector_load %arg5[%swap3A_173] {strides = array<i32>} : memref<4096xf32, #tpu.memory_space<vmem>>, vector<16xf32>,
      tpu.vector_store %arg5[%swap3A_173], %gather3A_172 {strides = array<i32>} : memref<4096xf32, #tpu.memory_space<vmem>>, vector<16xf32>,
      %get3A_175 = arith.constant 304 : index
      %get3A_176 = tpu.vector_load %arg4[%get3A_175] {strides = array<i32>} : memref<4096xf32, #tpu.memory_space<vmem>>, vector<16xf32>,
      %swap3A_177 = arith.constant 0 : index
      %swap3A_178 = tpu.vector_load %arg6[%swap3A_177] {strides = array<i32>} : memref<32xf32, #tpu.memory_space<vmem>>, vector<16xf32>,
      tpu.vector_store %arg6[%swap3A_177], %get3A_176 {strides = array<i32>} : memref<32xf32, #tpu.memory_space<vmem>>, vector<16xf32>,
      %get3A_179 = arith.constant 432 : index
      %get3A_180 = tpu.vector_load %arg4[%get3A_179] {strides = array<i32>} : memref<4096xf32, #tpu.memory_space<vmem>>, vector<16xf32>,
      %swap3A_181 = arith.constant 16 : index
      %swap3A_182 = tpu.vector_load %arg6[%swap3A_181] {strides = array<i32>} : memref<32xf32, #tpu.memory_space<vmem>>, vector<16xf32>,
      tpu.vector_store %arg6[%swap3A_181], %get3A_180 {strides = array<i32>} : memref<32xf32, #tpu.memory_space<vmem>>, vector<16xf32>,
      %gather3A_183 = tpu.vector_load_idx %arg6[%add3A_8] : memref<32xf32, #tpu.memory_space<vmem>>[vector<16xi32>], vector<16xf32>,
      %swap3A_184 = arith.constant 352 : index
      %swap3A_185 = tpu.vector_load %arg5[%swap3A_184] {strides = array<i32>} : memref<4096xf32, #tpu.memory_space<vmem>>, vector<16xf32>,
      tpu.vector_store %arg5[%swap3A_184], %gather3A_183 {strides = array<i32>} : memref<4096xf32, #tpu.memory_space<vmem>>, vector<16xf32>,
      %gather3A_186 = tpu.vector_load_idx %arg6[%add3A_11] : memref<32xf32, #tpu.memory_space<vmem>>[vector<16xi32>], vector<16xf32>,
      %swap3A_187 = arith.constant 368 : index
      %swap3A_188 = tpu.vector_load %arg5[%swap3A_187] {strides = array<i32>} : memref<4096xf32, #tpu.memory_space<vmem>>, vector<16xf32>,
      tpu.vector_store %arg5[%swap3A_187], %gather3A_186 {strides = array<i32>} : memref<4096xf32, #tpu.memory_space<vmem>>, vector<16xf32>,
      %get3A_189 = arith.constant 320 : index
      %get3A_190 = tpu.vector_load %arg4[%get3A_189] {strides = array<i32>} : memref<4096xf32, #tpu.memory_space<vmem>>, vector<16xf32>,
      %swap3A_191 = arith.constant 0 : index
      %swap3A_192 = tpu.vector_load %arg6[%swap3A_191] {strides = array<i32>} : memref<32xf32, #tpu.memory_space<vmem>>, vector<16xf32>,
      tpu.vector_store %arg6[%swap3A_191], %get3A_190 {strides = array<i32>} : memref<32xf32, #tpu.memory_space<vmem>>, vector<16xf32>,
      %get3A_193 = arith.constant 448 : index
      %get3A_194 = tpu.vector_load %arg4[%get3A_193] {strides = array<i32>} : memref<4096xf32, #tpu.memory_space<vmem>>, vector<16xf32>,
      %swap3A_195 = arith.constant 16 : index
      %swap3A_196 = tpu.vector_load %arg6[%swap3A_195] {strides = array<i32>} : memref<32xf32, #tpu.memory_space<vmem>>, vector<16xf32>,
      tpu.vector_store %arg6[%swap3A_195], %get3A_194 {strides = array<i32>} : memref<32xf32, #tpu.memory_space<vmem>>, vector<16xf32>,
      %gather3A_197 = tpu.vector_load_idx %arg6[%add3A_8] : memref<32xf32, #tpu.memory_space<vmem>>[vector<16xi32>], vector<16xf32>,
      %swap3A_198 = arith.constant 384 : index
      %swap3A_199 = tpu.vector_load %arg5[%swap3A_198] {strides = array<i32>} : memref<4096xf32, #tpu.memory_space<vmem>>, vector<16xf32>,
      tpu.vector_store %arg5[%swap3A_198], %gather3A_197 {strides = array<i32>} : memref<4096xf32, #tpu.memory_space<vmem>>, vector<16xf32>,
      %gather3A_200 = tpu.vector_load_idx %arg6[%add3A_11] : memref<32xf32, #tpu.memory_space<vmem>>[vector<16xi32>], vector<16xf32>,
      %swap3A_201 = arith.constant 400 : index
      %swap3A_202 = tpu.vector_load %arg5[%swap3A_201] {strides = array<i32>} : memref<4096xf32, #tpu.memory_space<vmem>>, vector<16xf32>,
      tpu.vector_store %arg5[%swap3A_201], %gather3A_200 {strides = array<i32>} : memref<4096xf32, #tpu.memory_space<vmem>>, vector<16xf32>,
      %get3A_203 = arith.constant 336 : index
      %get3A_204 = tpu.vector_load %arg4[%get3A_203] {strides = array<i32>} : memref<4096xf32, #tpu.memory_space<vmem>>, vector<16xf32>,
      %swap3A_205 = arith.constant 0 : index
      %swap3A_206 = tpu.vector_load %arg6[%swap3A_205] {strides = array<i32>} : memref<32xf32, #tpu.memory_space<vmem>>, vector<16xf32>,
      tpu.vector_store %arg6[%swap3A_205], %get3A_204 {strides = array<i32>} : memref<32xf32, #tpu.memory_space<vmem>>, vector<16xf32>,
      %get3A_207 = arith.constant 464 : index
      %get3A_208 = tpu.vector_load %arg4[%get3A_207] {strides = array<i32>} : memref<4096xf32, #tpu.memory_space<vmem>>, vector<16xf32>,
      %swap3A_209 = arith.constant 16 : index
      %swap3A_210 = tpu.vector_load %arg6[%swap3A_209] {strides = array<i32>} : memref<32xf32, #tpu.memory_space<vmem>>, vector<16xf32>,
      tpu.vector_store %arg6[%swap3A_209], %get3A_208 {strides = array<i32>} : memref<32xf32, #tpu.memory_space<vmem>>, vector<16xf32>,
      %gather3A_211 = tpu.vector_load_idx %arg6[%add3A_8] : memref<32xf32, #tpu.memory_space<vmem>>[vector<16xi32>], vector<16xf32>,
      %swap3A_212 = arith.constant 416 : index
      %swap3A_213 = tpu.vector_load %arg5[%swap3A_212] {strides = array<i32>} : memref<4096xf32, #tpu.memory_space<vmem>>, vector<16xf32>,
      tpu.vector_store %arg5[%swap3A_212], %gather3A_211 {strides = array<i32>} : memref<4096xf32, #tpu.memory_space<vmem>>, vector<16xf32>,
      %gather3A_214 = tpu.vector_load_idx %arg6[%add3A_11] : memref<32xf32, #tpu.memory_space<vmem>>[vector<16xi32>], vector<16xf32>,
      %swap3A_215 = arith.constant 432 : index
      %swap3A_216 = tpu.vector_load %arg5[%swap3A_215] {strides = array<i32>} : memref<4096xf32, #tpu.memory_space<vmem>>, vector<16xf32>,
      tpu.vector_store %arg5[%swap3A_215], %gather3A_214 {strides = array<i32>} : memref<4096xf32, #tpu.memory_space<vmem>>, vector<16xf32>,
      %get3A_217 = arith.constant 352 : index
      %get3A_218 = tpu.vector_load %arg4[%get3A_217] {strides = array<i32>} : memref<4096xf32, #tpu.memory_space<vmem>>, vector<16xf32>,
      %swap3A_219 = arith.constant 0 : index
      %swap3A_220 = tpu.vector_load %arg6[%swap3A_219] {strides = array<i32>} : memref<32xf32, #tpu.memory_space<vmem>>, vector<16xf32>,
      tpu.vector_store %arg6[%swap3A_219], %get3A_218 {strides = array<i32>} : memref<32xf32, #tpu.memory_space<vmem>>, vector<16xf32>,
      %get3A_221 = arith.constant 480 : index
      %get3A_222 = tpu.vector_load %arg4[%get3A_221] {strides = array<i32>} : memref<4096xf32, #tpu.memory_space<vmem>>, vector<16xf32>,
      %swap3A_223 = arith.constant 16 : index
      %swap3A_224 = tpu.vector_load %arg6[%swap3A_223] {strides = array<i32>} : memref<32xf32, #tpu.memory_space<vmem>>, vector<16xf32>,
      tpu.vector_store %arg6[%swap3A_223], %get3A_222 {strides = array<i32>} : memref<32xf32, #tpu.memory_space<vmem>>, vector<16xf32>,
      %gather3A_225 = tpu.vector_load_idx %arg6[%add3A_8] : memref<32xf32, #tpu.memory_space<vmem>>[vector<16xi32>], vector<16xf32>,
      %swap3A_226 = arith.constant 448 : index
      %swap3A_227 = tpu.vector_load %arg5[%swap3A_226] {strides = array<i32>} : memref<4096xf32, #tpu.memory_space<vmem>>, vector<16xf32>,
      tpu.vector_store %arg5[%swap3A_226], %gather3A_225 {strides = array<i32>} : memref<4096xf32, #tpu.memory_space<vmem>>, vector<16xf32>,
      %gather3A_228 = tpu.vector_load_idx %arg6[%add3A_11] : memref<32xf32, #tpu.memory_space<vmem>>[vector<16xi32>], vector<16xf32>,
      %swap3A_229 = arith.constant 464 : index
      %swap3A_230 = tpu.vector_load %arg5[%swap3A_229] {strides = array<i32>} : memref<4096xf32, #tpu.memory_space<vmem>>, vector<16xf32>,
      tpu.vector_store %arg5[%swap3A_229], %gather3A_228 {strides = array<i32>} : memref<4096xf32, #tpu.memory_space<vmem>>, vector<16xf32>,
      %get3A_231 = arith.constant 368 : index
      %get3A_232 = tpu.vector_load %arg4[%get3A_231] {strides = array<i32>} : memref<4096xf32, #tpu.memory_space<vmem>>, vector<16xf32>,
      %swap3A_233 = arith.constant 0 : index
      %swap3A_234 = tpu.vector_load %arg6[%swap3A_233] {strides = array<i32>} : memref<32xf32, #tpu.memory_space<vmem>>, vector<16xf32>,
      tpu.vector_store %arg6[%swap3A_233], %get3A_232 {strides = array<i32>} : memref<32xf32, #tpu.memory_space<vmem>>, vector<16xf32>,
      %get3A_235 = arith.constant 496 : index
      %get3A_236 = tpu.vector_load %arg4[%get3A_235] {strides = array<i32>} : memref<4096xf32, #tpu.memory_space<vmem>>, vector<16xf32>,
      %swap3A_237 = arith.constant 16 : index
      %swap3A_238 = tpu.vector_load %arg6[%swap3A_237] {strides = array<i32>} : memref<32xf32, #tpu.memory_space<vmem>>, vector<16xf32>,
      tpu.vector_store %arg6[%swap3A_237], %get3A_236 {strides = array<i32>} : memref<32xf32, #tpu.memory_space<vmem>>, vector<16xf32>,
      %gather3A_239 = tpu.vector_load_idx %arg6[%add3A_8] : memref<32xf32, #tpu.memory_space<vmem>>[vector<16xi32>], vector<16xf32>,
      %swap3A_240 = arith.constant 480 : index
      %swap3A_241 = tpu.vector_load %arg5[%swap3A_240] {strides = array<i32>} : memref<4096xf32, #tpu.memory_space<vmem>>, vector<16xf32>,
      tpu.vector_store %arg5[%swap3A_240], %gather3A_239 {strides = array<i32>} : memref<4096xf32, #tpu.memory_space<vmem>>, vector<16xf32>,
      %gather3A_242 = tpu.vector_load_idx %arg6[%add3A_11] : memref<32xf32, #tpu.memory_space<vmem>>[vector<16xi32>], vector<16xf32>,
      %swap3A_243 = arith.constant 496 : index
      %swap3A_244 = tpu.vector_load %arg5[%swap3A_243] {strides = array<i32>} : memref<4096xf32, #tpu.memory_space<vmem>>, vector<16xf32>,
      tpu.vector_store %arg5[%swap3A_243], %gather3A_242 {strides = array<i32>} : memref<4096xf32, #tpu.memory_space<vmem>>, vector<16xf32>,
      %get3A_245 = arith.constant 512 : index
      %get3A_246 = tpu.vector_load %arg4[%get3A_245] {strides = array<i32>} : memref<4096xf32, #tpu.memory_space<vmem>>, vector<16xf32>,
      %swap3A_247 = arith.constant 0 : index
      %swap3A_248 = tpu.vector_load %arg6[%swap3A_247] {strides = array<i32>} : memref<32xf32, #tpu.memory_space<vmem>>, vector<16xf32>,
      tpu.vector_store %arg6[%swap3A_247], %get3A_246 {strides = array<i32>} : memref<32xf32, #tpu.memory_space<vmem>>, vector<16xf32>,
      %get3A_249 = arith.constant 640 : index
      %get3A_250 = tpu.vector_load %arg4[%get3A_249] {strides = array<i32>} : memref<4096xf32, #tpu.memory_space<vmem>>, vector<16xf32>,
      %swap3A_251 = arith.constant 16 : index
      %swap3A_252 = tpu.vector_load %arg6[%swap3A_251] {strides = array<i32>} : memref<32xf32, #tpu.memory_space<vmem>>, vector<16xf32>,
      tpu.vector_store %arg6[%swap3A_251], %get3A_250 {strides = array<i32>} : memref<32xf32, #tpu.memory_space<vmem>>, vector<16xf32>,
      %gather3A_253 = tpu.vector_load_idx %arg6[%add3A_8] : memref<32xf32, #tpu.memory_space<vmem>>[vector<16xi32>], vector<16xf32>,
      %swap3A_254 = arith.constant 512 : index
      %swap3A_255 = tpu.vector_load %arg5[%swap3A_254] {strides = array<i32>} : memref<4096xf32, #tpu.memory_space<vmem>>, vector<16xf32>,
      tpu.vector_store %arg5[%swap3A_254], %gather3A_253 {strides = array<i32>} : memref<4096xf32, #tpu.memory_space<vmem>>, vector<16xf32>,
      %gather3A_256 = tpu.vector_load_idx %arg6[%add3A_11] : memref<32xf32, #tpu.memory_space<vmem>>[vector<16xi32>], vector<16xf32>,
      %swap3A_257 = arith.constant 528 : index
      %swap3A_258 = tpu.vector_load %arg5[%swap3A_257] {strides = array<i32>} : memref<4096xf32, #tpu.memory_space<vmem>>, vector<16xf32>,
      tpu.vector_store %arg5[%swap3A_257], %gather3A_256 {strides = array<i32>} : memref<4096xf32, #tpu.memory_space<vmem>>, vector<16xf32>,
      %get3A_259 = arith.constant 528 : index
      %get3A_260 = tpu.vector_load %arg4[%get3A_259] {strides = array<i32>} : memref<4096xf32, #tpu.memory_space<vmem>>, vector<16xf32>,
      %swap3A_261 = arith.constant 0 : index
      %swap3A_262 = tpu.vector_load %arg6[%swap3A_261] {strides = array<i32>} : memref<32xf32, #tpu.memory_space<vmem>>, vector<16xf32>,
      tpu.vector_store %arg6[%swap3A_261], %get3A_260 {strides = array<i32>} : memref<32xf32, #tpu.memory_space<vmem>>, vector<16xf32>,
      %get3A_263 = arith.constant 656 : index
      %get3A_264 = tpu.vector_load %arg4[%get3A_263] {strides = array<i32>} : memref<4096xf32, #tpu.memory_space<vmem>>, vector<16xf32>,
      %swap3A_265 = arith.constant 16 : index
      %swap3A_266 = tpu.vector_load %arg6[%swap3A_265] {strides = array<i32>} : memref<32xf32, #tpu.memory_space<vmem>>, vector<16xf32>,
      tpu.vector_store %arg6[%swap3A_265], %get3A_264 {strides = array<i32>} : memref<32xf32, #tpu.memory_space<vmem>>, vector<16xf32>,
      %gather3A_267 = tpu.vector_load_idx %arg6[%add3A_8] : memref<32xf32, #tpu.memory_space<vmem>>[vector<16xi32>], vector<16xf32>,
      %swap3A_268 = arith.constant 544 : index
      %swap3A_269 = tpu.vector_load %arg5[%swap3A_268] {strides = array<i32>} : memref<4096xf32, #tpu.memory_space<vmem>>, vector<16xf32>,
      tpu.vector_store %arg5[%swap3A_268], %gather3A_267 {strides = array<i32>} : memref<4096xf32, #tpu.memory_space<vmem>>, vector<16xf32>,
      %gather3A_270 = tpu.vector_load_idx %arg6[%add3A_11] : memref<32xf32, #tpu.memory_space<vmem>>[vector<16xi32>], vector<16xf32>,
      %swap3A_271 = arith.constant 560 : index
      %swap3A_272 = tpu.vector_load %arg5[%swap3A_271] {strides = array<i32>} : memref<4096xf32, #tpu.memory_space<vmem>>, vector<16xf32>,
      tpu.vector_store %arg5[%swap3A_271], %gather3A_270 {strides = array<i32>} : memref<4096xf32, #tpu.memory_space<vmem>>, vector<16xf32>,
      %get3A_273 = arith.constant 544 : index
      %get3A_274 = tpu.vector_load %arg4[%get3A_273] {strides = array<i32>} : memref<4096xf32, #tpu.memory_space<vmem>>, vector<16xf32>,
      %swap3A_275 = arith.constant 0 : index
      %swap3A_276 = tpu.vector_load %arg6[%swap3A_275] {strides = array<i32>} : memref<32xf32, #tpu.memory_space<vmem>>, vector<16xf32>,
      tpu.vector_store %arg6[%swap3A_275], %get3A_274 {strides = array<i32>} : memref<32xf32, #tpu.memory_space<vmem>>, vector<16xf32>,
      %get3A_277 = arith.constant 672 : index
      %get3A_278 = tpu.vector_load %arg4[%get3A_277] {strides = array<i32>} : memref<4096xf32, #tpu.memory_space<vmem>>, vector<16xf32>,
      %swap3A_279 = arith.constant 16 : index
      %swap3A_280 = tpu.vector_load %arg6[%swap3A_279] {strides = array<i32>} : memref<32xf32, #tpu.memory_space<vmem>>, vector<16xf32>,
      tpu.vector_store %arg6[%swap3A_279], %get3A_278 {strides = array<i32>} : memref<32xf32, #tpu.memory_space<vmem>>, vector<16xf32>,
      %gather3A_281 = tpu.vector_load_idx %arg6[%add3A_8] : memref<32xf32, #tpu.memory_space<vmem>>[vector<16xi32>], vector<16xf32>,
      %swap3A_282 = arith.constant 576 : index
      %swap3A_283 = tpu.vector_load %arg5[%swap3A_282] {strides = array<i32>} : memref<4096xf32, #tpu.memory_space<vmem>>, vector<16xf32>,
      tpu.vector_store %arg5[%swap3A_282], %gather3A_281 {strides = array<i32>} : memref<4096xf32, #tpu.memory_space<vmem>>, vector<16xf32>,
      %gather3A_284 = tpu.vector_load_idx %arg6[%add3A_11] : memref<32xf32, #tpu.memory_space<vmem>>[vector<16xi32>], vector<16xf32>,
      %swap3A_285 = arith.constant 592 : index
      %swap3A_286 = tpu.vector_load %arg5[%swap3A_285] {strides = array<i32>} : memref<4096xf32, #tpu.memory_space<vmem>>, vector<16xf32>,
      tpu.vector_store %arg5[%swap3A_285], %gather3A_284 {strides = array<i32>} : memref<4096xf32, #tpu.memory_space<vmem>>, vector<16xf32>,
      %get3A_287 = arith.constant 560 : index
      %get3A_288 = tpu.vector_load %arg4[%get3A_287] {strides = array<i32>} : memref<4096xf32, #tpu.memory_space<vmem>>, vector<16xf32>,
      %swap3A_289 = arith.constant 0 : index
      %swap3A_290 = tpu.vector_load %arg6[%swap3A_289] {strides = array<i32>} : memref<32xf32, #tpu.memory_space<vmem>>, vector<16xf32>,
      tpu.vector_store %arg6[%swap3A_289], %get3A_288 {strides = array<i32>} : memref<32xf32, #tpu.memory_space<vmem>>, vector<16xf32>,
      %get3A_291 = arith.constant 688 : index
      %get3A_292 = tpu.vector_load %arg4[%get3A_291] {strides = array<i32>} : memref<4096xf32, #tpu.memory_space<vmem>>, vector<16xf32>,
      %swap3A_293 = arith.constant 16 : index
      %swap3A_294 = tpu.vector_load %arg6[%swap3A_293] {strides = array<i32>} : memref<32xf32, #tpu.memory_space<vmem>>, vector<16xf32>,
      tpu.vector_store %arg6[%swap3A_293], %get3A_292 {strides = array<i32>} : memref<32xf32, #tpu.memory_space<vmem>>, vector<16xf32>,
      %gather3A_295 = tpu.vector_load_idx %arg6[%add3A_8] : memref<32xf32, #tpu.memory_space<vmem>>[vector<16xi32>], vector<16xf32>,
      %swap3A_296 = arith.constant 608 : index
      %swap3A_297 = tpu.vector_load %arg5[%swap3A_296] {strides = array<i32>} : memref<4096xf32, #tpu.memory_space<vmem>>, vector<16xf32>,
      tpu.vector_store %arg5[%swap3A_296], %gather3A_295 {strides = array<i32>} : memref<4096xf32, #tpu.memory_space<vmem>>, vector<16xf32>,
      %gather3A_298 = tpu.vector_load_idx %arg6[%add3A_11] : memref<32xf32, #tpu.memory_space<vmem>>[vector<16xi32>], vector<16xf32>,
      %swap3A_299 = arith.constant 624 : index
      %swap3A_300 = tpu.vector_load %arg5[%swap3A_299] {strides = array<i32>} : memref<4096xf32, #tpu.memory_space<vmem>>, vector<16xf32>,
      tpu.vector_store %arg5[%swap3A_299], %gather3A_298 {strides = array<i32>} : memref<4096xf32, #tpu.memory_space<vmem>>, vector<16xf32>,
      %get3A_301 = arith.constant 576 : index
      %get3A_302 = tpu.vector_load %arg4[%get3A_301] {strides = array<i32>} : memref<4096xf32, #tpu.memory_space<vmem>>, vector<16xf32>,
      %swap3A_303 = arith.constant 0 : index
      %swap3A_304 = tpu.vector_load %arg6[%swap3A_303] {strides = array<i32>} : memref<32xf32, #tpu.memory_space<vmem>>, vector<16xf32>,
      tpu.vector_store %arg6[%swap3A_303], %get3A_302 {strides = array<i32>} : memref<32xf32, #tpu.memory_space<vmem>>, vector<16xf32>,
      %get3A_305 = arith.constant 704 : index
      %get3A_306 = tpu.vector_load %arg4[%get3A_305] {strides = array<i32>} : memref<4096xf32, #tpu.memory_space<vmem>>, vector<16xf32>,
      %swap3A_307 = arith.constant 16 : index
      %swap3A_308 = tpu.vector_load %arg6[%swap3A_307] {strides = array<i32>} : memref<32xf32, #tpu.memory_space<vmem>>, vector<16xf32>,
      tpu.vector_store %arg6[%swap3A_307], %get3A_306 {strides = array<i32>} : memref<32xf32, #tpu.memory_space<vmem>>, vector<16xf32>,
      %gather3A_309 = tpu.vector_load_idx %arg6[%add3A_8] : memref<32xf32, #tpu.memory_space<vmem>>[vector<16xi32>], vector<16xf32>,
      %swap3A_310 = arith.constant 640 : index
      %swap3A_311 = tpu.vector_load %arg5[%swap3A_310] {strides = array<i32>} : memref<4096xf32, #tpu.memory_space<vmem>>, vector<16xf32>,
      tpu.vector_store %arg5[%swap3A_310], %gather3A_309 {strides = array<i32>} : memref<4096xf32, #tpu.memory_space<vmem>>, vector<16xf32>,
      %gather3A_312 = tpu.vector_load_idx %arg6[%add3A_11] : memref<32xf32, #tpu.memory_space<vmem>>[vector<16xi32>], vector<16xf32>,
      %swap3A_313 = arith.constant 656 : index
      %swap3A_314 = tpu.vector_load %arg5[%swap3A_313] {strides = array<i32>} : memref<4096xf32, #tpu.memory_space<vmem>>, vector<16xf32>,
      tpu.vector_store %arg5[%swap3A_313], %gather3A_312 {strides = array<i32>} : memref<4096xf32, #tpu.memory_space<vmem>>, vector<16xf32>,
      %get3A_315 = arith.constant 592 : index
      %get3A_316 = tpu.vector_load %arg4[%get3A_315] {strides = array<i32>} : memref<4096xf32, #tpu.memory_space<vmem>>, vector<16xf32>,
      %swap3A_317 = arith.constant 0 : index
      %swap3A_318 = tpu.vector_load %arg6[%swap3A_317] {strides = array<i32>} : memref<32xf32, #tpu.memory_space<vmem>>, vector<16xf32>,
      tpu.vector_store %arg6[%swap3A_317], %get3A_316 {strides = array<i32>} : memref<32xf32, #tpu.memory_space<vmem>>, vector<16xf32>,
      %get3A_319 = arith.constant 720 : index
      %get3A_320 = tpu.vector_load %arg4[%get3A_319] {strides = array<i32>} : memref<4096xf32, #tpu.memory_space<vmem>>, vector<16xf32>,
      %swap3A_321 = arith.constant 16 : index
      %swap3A_322 = tpu.vector_load %arg6[%swap3A_321] {strides = array<i32>} : memref<32xf32, #tpu.memory_space<vmem>>, vector<16xf32>,
      tpu.vector_store %arg6[%swap3A_321], %get3A_320 {strides = array<i32>} : memref<32xf32, #tpu.memory_space<vmem>>, vector<16xf32>,
      %gather3A_323 = tpu.vector_load_idx %arg6[%add3A_8] : memref<32xf32, #tpu.memory_space<vmem>>[vector<16xi32>], vector<16xf32>,
      %swap3A_324 = arith.constant 672 : index
      %swap3A_325 = tpu.vector_load %arg5[%swap3A_324] {strides = array<i32>} : memref<4096xf32, #tpu.memory_space<vmem>>, vector<16xf32>,
      tpu.vector_store %arg5[%swap3A_324], %gather3A_323 {strides = array<i32>} : memref<4096xf32, #tpu.memory_space<vmem>>, vector<16xf32>,
      %gather3A_326 = tpu.vector_load_idx %arg6[%add3A_11] : memref<32xf32, #tpu.memory_space<vmem>>[vector<16xi32>], vector<16xf32>,
      %swap3A_327 = arith.constant 688 : index
      %swap3A_328 = tpu.vector_load %arg5[%swap3A_327] {strides = array<i32>} : memref<4096xf32, #tpu.memory_space<vmem>>, vector<16xf32>,
      tpu.vector_store %arg5[%swap3A_327], %gather3A_326 {strides = array<i32>} : memref<4096xf32, #tpu.memory_space<vmem>>, vector<16xf32>,
      %get3A_329 = arith.constant 608 : index
      %get3A_330 = tpu.vector_load %arg4[%get3A_329] {strides = array<i32>} : memref<4096xf32, #tpu.memory_space<vmem>>, vector<16xf32>,
      %swap3A_331 = arith.constant 0 : index
      %swap3A_332 = tpu.vector_load %arg6[%swap3A_331] {strides = array<i32>} : memref<32xf32, #tpu.memory_space<vmem>>, vector<16xf32>,
      tpu.vector_store %arg6[%swap3A_331], %get3A_330 {strides = array<i32>} : memref<32xf32, #tpu.memory_space<vmem>>, vector<16xf32>,
      %get3A_333 = arith.constant 736 : index
      %get3A_334 = tpu.vector_load %arg4[%get3A_333] {strides = array<i32>} : memref<4096xf32, #tpu.memory_space<vmem>>, vector<16xf32>,
      %swap3A_335 = arith.constant 16 : index
      %swap3A_336 = tpu.vector_load %arg6[%swap3A_335] {strides = array<i32>} : memref<32xf32, #tpu.memory_space<vmem>>, vector<16xf32>,
      tpu.vector_store %arg6[%swap3A_335], %get3A_334 {strides = array<i32>} : memref<32xf32, #tpu.memory_space<vmem>>, vector<16xf32>,
      %gather3A_337 = tpu.vector_load_idx %arg6[%add3A_8] : memref<32xf32, #tpu.memory_space<vmem>>[vector<16xi32>], vector<16xf32>,
      %swap3A_338 = arith.constant 704 : index
      %swap3A_339 = tpu.vector_load %arg5[%swap3A_338] {strides = array<i32>} : memref<4096xf32, #tpu.memory_space<vmem>>, vector<16xf32>,
      tpu.vector_store %arg5[%swap3A_338], %gather3A_337 {strides = array<i32>} : memref<4096xf32, #tpu.memory_space<vmem>>, vector<16xf32>,
      %gather3A_340 = tpu.vector_load_idx %arg6[%add3A_11] : memref<32xf32, #tpu.memory_space<vmem>>[vector<16xi32>], vector<16xf32>,
      %swap3A_341 = arith.constant 720 : index
      %swap3A_342 = tpu.vector_load %arg5[%swap3A_341] {strides = array<i32>} : memref<4096xf32, #tpu.memory_space<vmem>>, vector<16xf32>,
      tpu.vector_store %arg5[%swap3A_341], %gather3A_340 {strides = array<i32>} : memref<4096xf32, #tpu.memory_space<vmem>>, vector<16xf32>,
      %get3A_343 = arith.constant 624 : index
      %get3A_344 = tpu.vector_load %arg4[%get3A_343] {strides = array<i32>} : memref<4096xf32, #tpu.memory_space<vmem>>, vector<16xf32>,
      %swap3A_345 = arith.constant 0 : index
      %swap3A_346 = tpu.vector_load %arg6[%swap3A_345] {strides = array<i32>} : memref<32xf32, #tpu.memory_space<vmem>>, vector<16xf32>,
      tpu.vector_store %arg6[%swap3A_345], %get3A_344 {strides = array<i32>} : memref<32xf32, #tpu.memory_space<vmem>>, vector<16xf32>,
      %get3A_347 = arith.constant 752 : index
      %get3A_348 = tpu.vector_load %arg4[%get3A_347] {strides = array<i32>} : memref<4096xf32, #tpu.memory_space<vmem>>, vector<16xf32>,
      %swap3A_349 = arith.constant 16 : index
      %swap3A_350 = tpu.vector_load %arg6[%swap3A_349] {strides = array<i32>} : memref<32xf32, #tpu.memory_space<vmem>>, vector<16xf32>,
      tpu.vector_store %arg6[%swap3A_349], %get3A_348 {strides = array<i32>} : memref<32xf32, #tpu.memory_space<vmem>>, vector<16xf32>,
      %gather3A_351 = tpu.vector_load_idx %arg6[%add3A_8] : memref<32xf32, #tpu.memory_space<vmem>>[vector<16xi32>], vector<16xf32>,
      %swap3A_352 = arith.constant 736 : index
      %swap3A_353 = tpu.vector_load %arg5[%swap3A_352] {strides = array<i32>} : memref<4096xf32, #tpu.memory_space<vmem>>, vector<16xf32>,
      tpu.vector_store %arg5[%swap3A_352], %gather3A_351 {strides = array<i32>} : memref<4096xf32, #tpu.memory_space<vmem>>, vector<16xf32>,
      %gather3A_354 = tpu.vector_load_idx %arg6[%add3A_11] : memref<32xf32, #tpu.memory_space<vmem>>[vector<16xi32>], vector<16xf32>,
      %swap3A_355 = arith.constant 752 : index
      %swap3A_356 = tpu.vector_load %arg5[%swap3A_355] {strides = array<i32>} : memref<4096xf32, #tpu.memory_space<vmem>>, vector<16xf32>,
      tpu.vector_store %arg5[%swap3A_355], %gather3A_354 {strides = array<i32>} : memref<4096xf32, #tpu.memory_space<vmem>>, vector<16xf32>,
      %get3A_357 = arith.constant 768 : index
      %get3A_358 = tpu.vector_load %arg4[%get3A_357] {strides = array<i32>} : memref<4096xf32, #tpu.memory_space<vmem>>, vector<16xf32>,
      %swap3A_359 = arith.constant 0 : index
      %swap3A_360 = tpu.vector_load %arg6[%swap3A_359] {strides = array<i32>} : memref<32xf32, #tpu.memory_space<vmem>>, vector<16xf32>,
      tpu.vector_store %arg6[%swap3A_359], %get3A_358 {strides = array<i32>} : memref<32xf32, #tpu.memory_space<vmem>>, vector<16xf32>,
      %get3A_361 = arith.constant 896 : index
      %get3A_362 = tpu.vector_load %arg4[%get3A_361] {strides = array<i32>} : memref<4096xf32, #tpu.memory_space<vmem>>, vector<16xf32>,
      %swap3A_363 = arith.constant 16 : index
      %swap3A_364 = tpu.vector_load %arg6[%swap3A_363] {strides = array<i32>} : memref<32xf32, #tpu.memory_space<vmem>>, vector<16xf32>,
      tpu.vector_store %arg6[%swap3A_363], %get3A_362 {strides = array<i32>} : memref<32xf32, #tpu.memory_space<vmem>>, vector<16xf32>,
      %gather3A_365 = tpu.vector_load_idx %arg6[%add3A_8] : memref<32xf32, #tpu.memory_space<vmem>>[vector<16xi32>], vector<16xf32>,
      %swap3A_366 = arith.constant 768 : index
      %swap3A_367 = tpu.vector_load %arg5[%swap3A_366] {strides = array<i32>} : memref<4096xf32, #tpu.memory_space<vmem>>, vector<16xf32>,
      tpu.vector_store %arg5[%swap3A_366], %gather3A_365 {strides = array<i32>} : memref<4096xf32, #tpu.memory_space<vmem>>, vector<16xf32>,
      %gather3A_368 = tpu.vector_load_idx %arg6[%add3A_11] : memref<32xf32, #tpu.memory_space<vmem>>[vector<16xi32>], vector<16xf32>,
      %swap3A_369 = arith.constant 784 : index
      %swap3A_370 = tpu.vector_load %arg5[%swap3A_369] {strides = array<i32>} : memref<4096xf32, #tpu.memory_space<vmem>>, vector<16xf32>,
      tpu.vector_store %arg5[%swap3A_369], %gather3A_368 {strides = array<i32>} : memref<4096xf32, #tpu.memory_space<vmem>>, vector<16xf32>,
      %get3A_371 = arith.constant 784 : index
      %get3A_372 = tpu.vector_load %arg4[%get3A_371] {strides = array<i32>} : memref<4096xf32, #tpu.memory_space<vmem>>, vector<16xf32>,
      %swap3A_373 = arith.constant 0 : index
      %swap3A_374 = tpu.vector_load %arg6[%swap3A_373] {strides = array<i32>} : memref<32xf32, #tpu.memory_space<vmem>>, vector<16xf32>,
      tpu.vector_store %arg6[%swap3A_373], %get3A_372 {strides = array<i32>} : memref<32xf32, #tpu.memory_space<vmem>>, vector<16xf32>,
      %get3A_375 = arith.constant 912 : index
      %get3A_376 = tpu.vector_load %arg4[%get3A_375] {strides = array<i32>} : memref<4096xf32, #tpu.memory_space<vmem>>, vector<16xf32>,
      %swap3A_377 = arith.constant 16 : index
      %swap3A_378 = tpu.vector_load %arg6[%swap3A_377] {strides = array<i32>} : memref<32xf32, #tpu.memory_space<vmem>>, vector<16xf32>,
      tpu.vector_store %arg6[%swap3A_377], %get3A_376 {strides = array<i32>} : memref<32xf32, #tpu.memory_space<vmem>>, vector<16xf32>,
      %gather3A_379 = tpu.vector_load_idx %arg6[%add3A_8] : memref<32xf32, #tpu.memory_space<vmem>>[vector<16xi32>], vector<16xf32>,
      %swap3A_380 = arith.constant 800 : index
      %swap3A_381 = tpu.vector_load %arg5[%swap3A_380] {strides = array<i32>} : memref<4096xf32, #tpu.memory_space<vmem>>, vector<16xf32>,
      tpu.vector_store %arg5[%swap3A_380], %gather3A_379 {strides = array<i32>} : memref<4096xf32, #tpu.memory_space<vmem>>, vector<16xf32>,
      %gather3A_382 = tpu.vector_load_idx %arg6[%add3A_11] : memref<32xf32, #tpu.memory_space<vmem>>[vector<16xi32>], vector<16xf32>,
      %swap3A_383 = arith.constant 816 : index
      %swap3A_384 = tpu.vector_load %arg5[%swap3A_383] {strides = array<i32>} : memref<4096xf32, #tpu.memory_space<vmem>>, vector<16xf32>,
      tpu.vector_store %arg5[%swap3A_383], %gather3A_382 {strides = array<i32>} : memref<4096xf32, #tpu.memory_space<vmem>>, vector<16xf32>,
      %get3A_385 = arith.constant 800 : index
      %get3A_386 = tpu.vector_load %arg4[%get3A_385] {strides = array<i32>} : memref<4096xf32, #tpu.memory_space<vmem>>, vector<16xf32>,
      %swap3A_387 = arith.constant 0 : index
      %swap3A_388 = tpu.vector_load %arg6[%swap3A_387] {strides = array<i32>} : memref<32xf32, #tpu.memory_space<vmem>>, vector<16xf32>,
      tpu.vector_store %arg6[%swap3A_387], %get3A_386 {strides = array<i32>} : memref<32xf32, #tpu.memory_space<vmem>>, vector<16xf32>,
      %get3A_389 = arith.constant 928 : index
      %get3A_390 = tpu.vector_load %arg4[%get3A_389] {strides = array<i32>} : memref<4096xf32, #tpu.memory_space<vmem>>, vector<16xf32>,
      %swap3A_391 = arith.constant 16 : index
      %swap3A_392 = tpu.vector_load %arg6[%swap3A_391] {strides = array<i32>} : memref<32xf32, #tpu.memory_space<vmem>>, vector<16xf32>,
      tpu.vector_store %arg6[%swap3A_391], %get3A_390 {strides = array<i32>} : memref<32xf32, #tpu.memory_space<vmem>>, vector<16xf32>,
      %gather3A_393 = tpu.vector_load_idx %arg6[%add3A_8] : memref<32xf32, #tpu.memory_space<vmem>>[vector<16xi32>], vector<16xf32>,
      %swap3A_394 = arith.constant 832 : index
      %swap3A_395 = tpu.vector_load %arg5[%swap3A_394] {strides = array<i32>} : memref<4096xf32, #tpu.memory_space<vmem>>, vector<16xf32>,
      tpu.vector_store %arg5[%swap3A_394], %gather3A_393 {strides = array<i32>} : memref<4096xf32, #tpu.memory_space<vmem>>, vector<16xf32>,
      %gather3A_396 = tpu.vector_load_idx %arg6[%add3A_11] : memref<32xf32, #tpu.memory_space<vmem>>[vector<16xi32>], vector<16xf32>,
      %swap3A_397 = arith.constant 848 : index
      %swap3A_398 = tpu.vector_load %arg5[%swap3A_397] {strides = array<i32>} : memref<4096xf32, #tpu.memory_space<vmem>>, vector<16xf32>,
      tpu.vector_store %arg5[%swap3A_397], %gather3A_396 {strides = array<i32>} : memref<4096xf32, #tpu.memory_space<vmem>>, vector<16xf32>,
      %get3A_399 = arith.constant 816 : index
      %get3A_400 = tpu.vector_load %arg4[%get3A_399] {strides = array<i32>} : memref<4096xf32, #tpu.memory_space<vmem>>, vector<16xf32>,
      %swap3A_401 = arith.constant 0 : index
      %swap3A_402 = tpu.vector_load %arg6[%swap3A_401] {strides = array<i32>} : memref<32xf32, #tpu.memory_space<vmem>>, vector<16xf32>,
      tpu.vector_store %arg6[%swap3A_401], %get3A_400 {strides = array<i32>} : memref<32xf32, #tpu.memory_space<vmem>>, vector<16xf32>,
      %get3A_403 = arith.constant 944 : index
      %get3A_404 = tpu.vector_load %arg4[%get3A_403] {strides = array<i32>} : memref<4096xf32, #tpu.memory_space<vmem>>, vector<16xf32>,
      %swap3A_405 = arith.constant 16 : index
      %swap3A_406 = tpu.vector_load %arg6[%swap3A_405] {strides = array<i32>} : memref<32xf32, #tpu.memory_space<vmem>>, vector<16xf32>,
      tpu.vector_store %arg6[%swap3A_405], %get3A_404 {strides = array<i32>} : memref<32xf32, #tpu.memory_space<vmem>>, vector<16xf32>,
      %gather3A_407 = tpu.vector_load_idx %arg6[%add3A_8] : memref<32xf32, #tpu.memory_space<vmem>>[vector<16xi32>], vector<16xf32>,
      %swap3A_408 = arith.constant 864 : index
      %swap3A_409 = tpu.vector_load %arg5[%swap3A_408] {strides = array<i32>} : memref<4096xf32, #tpu.memory_space<vmem>>, vector<16xf32>,
      tpu.vector_store %arg5[%swap3A_408], %gather3A_407 {strides = array<i32>} : memref<4096xf32, #tpu.memory_space<vmem>>, vector<16xf32>,
      %gather3A_410 = tpu.vector_load_idx %arg6[%add3A_11] : memref<32xf32, #tpu.memory_space<vmem>>[vector<16xi32>], vector<16xf32>,
      %swap3A_411 = arith.constant 880 : index
      %swap3A_412 = tpu.vector_load %arg5[%swap3A_411] {strides = array<i32>} : memref<4096xf32, #tpu.memory_space<vmem>>, vector<16xf32>,
      tpu.vector_store %arg5[%swap3A_411], %gather3A_410 {strides = array<i32>} : memref<4096xf32, #tpu.memory_space<vmem>>, vector<16xf32>,
      %get3A_413 = arith.constant 832 : index
      %get3A_414 = tpu.vector_load %arg4[%get3A_413] {strides = array<i32>} : memref<4096xf32, #tpu.memory_space<vmem>>, vector<16xf32>,
      %swap3A_415 = arith.constant 0 : index
      %swap3A_416 = tpu.vector_load %arg6[%swap3A_415] {strides = array<i32>} : memref<32xf32, #tpu.memory_space<vmem>>, vector<16xf32>,
      tpu.vector_store %arg6[%swap3A_415], %get3A_414 {strides = array<i32>} : memref<32xf32, #tpu.memory_space<vmem>>, vector<16xf32>,
      %get3A_417 = arith.constant 960 : index
      %get3A_418 = tpu.vector_load %arg4[%get3A_417] {strides = array<i32>} : memref<4096xf32, #tpu.memory_space<vmem>>, vector<16xf32>,
      %swap3A_419 = arith.constant 16 : index
      %swap3A_420 = tpu.vector_load %arg6[%swap3A_419] {strides = array<i32>} : memref<32xf32, #tpu.memory_space<vmem>>, vector<16xf32>,
      tpu.vector_store %arg6[%swap3A_419], %get3A_418 {strides = array<i32>} : memref<32xf32, #tpu.memory_space<vmem>>, vector<16xf32>,
      %gather3A_421 = tpu.vector_load_idx %arg6[%add3A_8] : memref<32xf32, #tpu.memory_space<vmem>>[vector<16xi32>], vector<16xf32>,
      %swap3A_422 = arith.constant 896 : index
      %swap3A_423 = tpu.vector_load %arg5[%swap3A_422] {strides = array<i32>} : memref<4096xf32, #tpu.memory_space<vmem>>, vector<16xf32>,
      tpu.vector_store %arg5[%swap3A_422], %gather3A_421 {strides = array<i32>} : memref<4096xf32, #tpu.memory_space<vmem>>, vector<16xf32>,
      %gather3A_424 = tpu.vector_load_idx %arg6[%add3A_11] : memref<32xf32, #tpu.memory_space<vmem>>[vector<16xi32>], vector<16xf32>,
      %swap3A_425 = arith.constant 912 : index
      %swap3A_426 = tpu.vector_load %arg5[%swap3A_425] {strides = array<i32>} : memref<4096xf32, #tpu.memory_space<vmem>>, vector<16xf32>,
      tpu.vector_store %arg5[%swap3A_425], %gather3A_424 {strides = array<i32>} : memref<4096xf32, #tpu.memory_space<vmem>>, vector<16xf32>,
      %get3A_427 = arith.constant 848 : index
      %get3A_428 = tpu.vector_load %arg4[%get3A_427] {strides = array<i32>} : memref<4096xf32, #tpu.memory_space<vmem>>, vector<16xf32>,
      %swap3A_429 = arith.constant 0 : index
      %swap3A_430 = tpu.vector_load %arg6[%swap3A_429] {strides = array<i32>} : memref<32xf32, #tpu.memory_space<vmem>>, vector<16xf32>,
      tpu.vector_store %arg6[%swap3A_429], %get3A_428 {strides = array<i32>} : memref<32xf32, #tpu.memory_space<vmem>>, vector<16xf32>,
      %get3A_431 = arith.constant 976 : index
      %get3A_432 = tpu.vector_load %arg4[%get3A_431] {strides = array<i32>} : memref<4096xf32, #tpu.memory_space<vmem>>, vector<16xf32>,
      %swap3A_433 = arith.constant 16 : index
      %swap3A_434 = tpu.vector_load %arg6[%swap3A_433] {strides = array<i32>} : memref<32xf32, #tpu.memory_space<vmem>>, vector<16xf32>,
      tpu.vector_store %arg6[%swap3A_433], %get3A_432 {strides = array<i32>} : memref<32xf32, #tpu.memory_space<vmem>>, vector<16xf32>,
      %gather3A_435 = tpu.vector_load_idx %arg6[%add3A_8] : memref<32xf32, #tpu.memory_space<vmem>>[vector<16xi32>], vector<16xf32>,
      %swap3A_436 = arith.constant 928 : index
      %swap3A_437 = tpu.vector_load %arg5[%swap3A_436] {strides = array<i32>} : memref<4096xf32, #tpu.memory_space<vmem>>, vector<16xf32>,
      tpu.vector_store %arg5[%swap3A_436], %gather3A_435 {strides = array<i32>} : memref<4096xf32, #tpu.memory_space<vmem>>, vector<16xf32>,
      %gather3A_438 = tpu.vector_load_idx %arg6[%add3A_11] : memref<32xf32, #tpu.memory_space<vmem>>[vector<16xi32>], vector<16xf32>,
      %swap3A_439 = arith.constant 944 : index
      %swap3A_440 = tpu.vector_load %arg5[%swap3A_439] {strides = array<i32>} : memref<4096xf32, #tpu.memory_space<vmem>>, vector<16xf32>,
      tpu.vector_store %arg5[%swap3A_439], %gather3A_438 {strides = array<i32>} : memref<4096xf32, #tpu.memory_space<vmem>>, vector<16xf32>,
      %get3A_441 = arith.constant 864 : index
      %get3A_442 = tpu.vector_load %arg4[%get3A_441] {strides = array<i32>} : memref<4096xf32, #tpu.memory_space<vmem>>, vector<16xf32>,
      %swap3A_443 = arith.constant 0 : index
      %swap3A_444 = tpu.vector_load %arg6[%swap3A_443] {strides = array<i32>} : memref<32xf32, #tpu.memory_space<vmem>>, vector<16xf32>,
      tpu.vector_store %arg6[%swap3A_443], %get3A_442 {strides = array<i32>} : memref<32xf32, #tpu.memory_space<vmem>>, vector<16xf32>,
      %get3A_445 = arith.constant 992 : index
      %get3A_446 = tpu.vector_load %arg4[%get3A_445] {strides = array<i32>} : memref<4096xf32, #tpu.memory_space<vmem>>, vector<16xf32>,
      %swap3A_447 = arith.constant 16 : index
      %swap3A_448 = tpu.vector_load %arg6[%swap3A_447] {strides = array<i32>} : memref<32xf32, #tpu.memory_space<vmem>>, vector<16xf32>,
      tpu.vector_store %arg6[%swap3A_447], %get3A_446 {strides = array<i32>} : memref<32xf32, #tpu.memory_space<vmem>>, vector<16xf32>,
      %gather3A_449 = tpu.vector_load_idx %arg6[%add3A_8] : memref<32xf32, #tpu.memory_space<vmem>>[vector<16xi32>], vector<16xf32>,
      %swap3A_450 = arith.constant 960 : index
      %swap3A_451 = tpu.vector_load %arg5[%swap3A_450] {strides = array<i32>} : memref<4096xf32, #tpu.memory_space<vmem>>, vector<16xf32>,
      tpu.vector_store %arg5[%swap3A_450], %gather3A_449 {strides = array<i32>} : memref<4096xf32, #tpu.memory_space<vmem>>, vector<16xf32>,
      %gather3A_452 = tpu.vector_load_idx %arg6[%add3A_11] : memref<32xf32, #tpu.memory_space<vmem>>[vector<16xi32>], vector<16xf32>,
      %swap3A_453 = arith.constant 976 : index
      %swap3A_454 = tpu.vector_load %arg5[%swap3A_453] {strides = array<i32>} : memref<4096xf32, #tpu.memory_space<vmem>>, vector<16xf32>,
      tpu.vector_store %arg5[%swap3A_453], %gather3A_452 {strides = array<i32>} : memref<4096xf32, #tpu.memory_space<vmem>>, vector<16xf32>,
      %get3A_455 = arith.constant 880 : index
      %get3A_456 = tpu.vector_load %arg4[%get3A_455] {strides = array<i32>} : memref<4096xf32, #tpu.memory_space<vmem>>, vector<16xf32>,
      %swap3A_457 = arith.constant 0 : index
      %swap3A_458 = tpu.vector_load %arg6[%swap3A_457] {strides = array<i32>} : memref<32xf32, #tpu.memory_space<vmem>>, vector<16xf32>,
      tpu.vector_store %arg6[%swap3A_457], %get3A_456 {strides = array<i32>} : memref<32xf32, #tpu.memory_space<vmem>>, vector<16xf32>,
      %get3A_459 = arith.constant 1008 : index
      %get3A_460 = tpu.vector_load %arg4[%get3A_459] {strides = array<i32>} : memref<4096xf32, #tpu.memory_space<vmem>>, vector<16xf32>,
      %swap3A_461 = arith.constant 16 : index
      %swap3A_462 = tpu.vector_load %arg6[%swap3A_461] {strides = array<i32>} : memref<32xf32, #tpu.memory_space<vmem>>, vector<16xf32>,
      tpu.vector_store %arg6[%swap3A_461], %get3A_460 {strides = array<i32>} : memref<32xf32, #tpu.memory_space<vmem>>, vector<16xf32>,
      %gather3A_463 = tpu.vector_load_idx %arg6[%add3A_8] : memref<32xf32, #tpu.memory_space<vmem>>[vector<16xi32>], vector<16xf32>,
      %swap3A_464 = arith.constant 992 : index
      %swap3A_465 = tpu.vector_load %arg5[%swap3A_464] {strides = array<i32>} : memref<4096xf32, #tpu.memory_space<vmem>>, vector<16xf32>,
      tpu.vector_store %arg5[%swap3A_464], %gather3A_463 {strides = array<i32>} : memref<4096xf32, #tpu.memory_space<vmem>>, vector<16xf32>,
      %gather3A_466 = tpu.vector_load_idx %arg6[%add3A_11] : memref<32xf32, #tpu.memory_space<vmem>>[vector<16xi32>], vector<16xf32>,
      %swap3A_467 = arith.constant 1008 : index
      %swap3A_468 = tpu.vector_load %arg5[%swap3A_467] {strides = array<i32>} : memref<4096xf32, #tpu.memory_space<vmem>>, vector<16xf32>,
      tpu.vector_store %arg5[%swap3A_467], %gather3A_466 {strides = array<i32>} : memref<4096xf32, #tpu.memory_space<vmem>>, vector<16xf32>,
      %get3A_469 = arith.constant 1024 : index
      %get3A_470 = tpu.vector_load %arg4[%get3A_469] {strides = array<i32>} : memref<4096xf32, #tpu.memory_space<vmem>>, vector<16xf32>,
      %swap3A_471 = arith.constant 0 : index
      %swap3A_472 = tpu.vector_load %arg6[%swap3A_471] {strides = array<i32>} : memref<32xf32, #tpu.memory_space<vmem>>, vector<16xf32>,
      tpu.vector_store %arg6[%swap3A_471], %get3A_470 {strides = array<i32>} : memref<32xf32, #tpu.memory_space<vmem>>, vector<16xf32>,
      %get3A_473 = arith.constant 1152 : index
      %get3A_474 = tpu.vector_load %arg4[%get3A_473] {strides = array<i32>} : memref<4096xf32, #tpu.memory_space<vmem>>, vector<16xf32>,
      %swap3A_475 = arith.constant 16 : index
      %swap3A_476 = tpu.vector_load %arg6[%swap3A_475] {strides = array<i32>} : memref<32xf32, #tpu.memory_space<vmem>>, vector<16xf32>,
      tpu.vector_store %arg6[%swap3A_475], %get3A_474 {strides = array<i32>} : memref<32xf32, #tpu.memory_space<vmem>>, vector<16xf32>,
      %gather3A_477 = tpu.vector_load_idx %arg6[%add3A_8] : memref<32xf32, #tpu.memory_space<vmem>>[vector<16xi32>], vector<16xf32>,
      %swap3A_478 = arith.constant 1024 : index
      %swap3A_479 = tpu.vector_load %arg5[%swap3A_478] {strides = array<i32>} : memref<4096xf32, #tpu.memory_space<vmem>>, vector<16xf32>,
      tpu.vector_store %arg5[%swap3A_478], %gather3A_477 {strides = array<i32>} : memref<4096xf32, #tpu.memory_space<vmem>>, vector<16xf32>,
      %gather3A_480 = tpu.vector_load_idx %arg6[%add3A_11] : memref<32xf32, #tpu.memory_space<vmem>>[vector<16xi32>], vector<16xf32>,
      %swap3A_481 = arith.constant 1040 : index
      %swap3A_482 = tpu.vector_load %arg5[%swap3A_481] {strides = array<i32>} : memref<4096xf32, #tpu.memory_space<vmem>>, vector<16xf32>,
      tpu.vector_store %arg5[%swap3A_481], %gather3A_480 {strides = array<i32>} : memref<4096xf32, #tpu.memory_space<vmem>>, vector<16xf32>,
      %get3A_483 = arith.constant 1040 : index
      %get3A_484 = tpu.vector_load %arg4[%get3A_483] {strides = array<i32>} : memref<4096xf32, #tpu.memory_space<vmem>>, vector<16xf32>,
      %swap3A_485 = arith.constant 0 : index
      %swap3A_486 = tpu.vector_load %arg6[%swap3A_485] {strides = array<i32>} : memref<32xf32, #tpu.memory_space<vmem>>, vector<16xf32>,
      tpu.vector_store %arg6[%swap3A_485], %get3A_484 {strides = array<i32>} : memref<32xf32, #tpu.memory_space<vmem>>, vector<16xf32>,
      %get3A_487 = arith.constant 1168 : index
      %get3A_488 = tpu.vector_load %arg4[%get3A_487] {strides = array<i32>} : memref<4096xf32, #tpu.memory_space<vmem>>, vector<16xf32>,
      %swap3A_489 = arith.constant 16 : index
      %swap3A_490 = tpu.vector_load %arg6[%swap3A_489] {strides = array<i32>} : memref<32xf32, #tpu.memory_space<vmem>>, vector<16xf32>,
      tpu.vector_store %arg6[%swap3A_489], %get3A_488 {strides = array<i32>} : memref<32xf32, #tpu.memory_space<vmem>>, vector<16xf32>,
      %gather3A_491 = tpu.vector_load_idx %arg6[%add3A_8] : memref<32xf32, #tpu.memory_space<vmem>>[vector<16xi32>], vector<16xf32>,
      %swap3A_492 = arith.constant 1056 : index
      %swap3A_493 = tpu.vector_load %arg5[%swap3A_492] {strides = array<i32>} : memref<4096xf32, #tpu.memory_space<vmem>>, vector<16xf32>,
      tpu.vector_store %arg5[%swap3A_492], %gather3A_491 {strides = array<i32>} : memref<4096xf32, #tpu.memory_space<vmem>>, vector<16xf32>,
      %gather3A_494 = tpu.vector_load_idx %arg6[%add3A_11] : memref<32xf32, #tpu.memory_space<vmem>>[vector<16xi32>], vector<16xf32>,
      %swap3A_495 = arith.constant 1072 : index
      %swap3A_496 = tpu.vector_load %arg5[%swap3A_495] {strides = array<i32>} : memref<4096xf32, #tpu.memory_space<vmem>>, vector<16xf32>,
      tpu.vector_store %arg5[%swap3A_495], %gather3A_494 {strides = array<i32>} : memref<4096xf32, #tpu.memory_space<vmem>>, vector<16xf32>,
      %get3A_497 = arith.constant 1056 : index
      %get3A_498 = tpu.vector_load %arg4[%get3A_497] {strides = array<i32>} : memref<4096xf32, #tpu.memory_space<vmem>>, vector<16xf32>,
      %swap3A_499 = arith.constant 0 : index
      %swap3A_500 = tpu.vector_load %arg6[%swap3A_499] {strides = array<i32>} : memref<32xf32, #tpu.memory_space<vmem>>, vector<16xf32>,
      tpu.vector_store %arg6[%swap3A_499], %get3A_498 {strides = array<i32>} : memref<32xf32, #tpu.memory_space<vmem>>, vector<16xf32>,
      %get3A_501 = arith.constant 1184 : index
      %get3A_502 = tpu.vector_load %arg4[%get3A_501] {strides = array<i32>} : memref<4096xf32, #tpu.memory_space<vmem>>, vector<16xf32>,
      %swap3A_503 = arith.constant 16 : index
      %swap3A_504 = tpu.vector_load %arg6[%swap3A_503] {strides = array<i32>} : memref<32xf32, #tpu.memory_space<vmem>>, vector<16xf32>,
      tpu.vector_store %arg6[%swap3A_503], %get3A_502 {strides = array<i32>} : memref<32xf32, #tpu.memory_space<vmem>>, vector<16xf32>,
      %gather3A_505 = tpu.vector_load_idx %arg6[%add3A_8] : memref<32xf32, #tpu.memory_space<vmem>>[vector<16xi32>], vector<16xf32>,
      %swap3A_506 = arith.constant 1088 : index
      %swap3A_507 = tpu.vector_load %arg5[%swap3A_506] {strides = array<i32>} : memref<4096xf32, #tpu.memory_space<vmem>>, vector<16xf32>,
      tpu.vector_store %arg5[%swap3A_506], %gather3A_505 {strides = array<i32>} : memref<4096xf32, #tpu.memory_space<vmem>>, vector<16xf32>,
      %gather3A_508 = tpu.vector_load_idx %arg6[%add3A_11] : memref<32xf32, #tpu.memory_space<vmem>>[vector<16xi32>], vector<16xf32>,
      %swap3A_509 = arith.constant 1104 : index
      %swap3A_510 = tpu.vector_load %arg5[%swap3A_509] {strides = array<i32>} : memref<4096xf32, #tpu.memory_space<vmem>>, vector<16xf32>,
      tpu.vector_store %arg5[%swap3A_509], %gather3A_508 {strides = array<i32>} : memref<4096xf32, #tpu.memory_space<vmem>>, vector<16xf32>,
      %get3A_511 = arith.constant 1072 : index
      %get3A_512 = tpu.vector_load %arg4[%get3A_511] {strides = array<i32>} : memref<4096xf32, #tpu.memory_space<vmem>>, vector<16xf32>,
      %swap3A_513 = arith.constant 0 : index
      %swap3A_514 = tpu.vector_load %arg6[%swap3A_513] {strides = array<i32>} : memref<32xf32, #tpu.memory_space<vmem>>, vector<16xf32>,
      tpu.vector_store %arg6[%swap3A_513], %get3A_512 {strides = array<i32>} : memref<32xf32, #tpu.memory_space<vmem>>, vector<16xf32>,
      %get3A_515 = arith.constant 1200 : index
      %get3A_516 = tpu.vector_load %arg4[%get3A_515] {strides = array<i32>} : memref<4096xf32, #tpu.memory_space<vmem>>, vector<16xf32>,
      %swap3A_517 = arith.constant 16 : index
      %swap3A_518 = tpu.vector_load %arg6[%swap3A_517] {strides = array<i32>} : memref<32xf32, #tpu.memory_space<vmem>>, vector<16xf32>,
      tpu.vector_store %arg6[%swap3A_517], %get3A_516 {strides = array<i32>} : memref<32xf32, #tpu.memory_space<vmem>>, vector<16xf32>,
      %gather3A_519 = tpu.vector_load_idx %arg6[%add3A_8] : memref<32xf32, #tpu.memory_space<vmem>>[vector<16xi32>], vector<16xf32>,
      %swap3A_520 = arith.constant 1120 : index
      %swap3A_521 = tpu.vector_load %arg5[%swap3A_520] {strides = array<i32>} : memref<4096xf32, #tpu.memory_space<vmem>>, vector<16xf32>,
      tpu.vector_store %arg5[%swap3A_520], %gather3A_519 {strides = array<i32>} : memref<4096xf32, #tpu.memory_space<vmem>>, vector<16xf32>,
      %gather3A_522 = tpu.vector_load_idx %arg6[%add3A_11] : memref<32xf32, #tpu.memory_space<vmem>>[vector<16xi32>], vector<16xf32>,
      %swap3A_523 = arith.constant 1136 : index
      %swap3A_524 = tpu.vector_load %arg5[%swap3A_523] {strides = array<i32>} : memref<4096xf32, #tpu.memory_space<vmem>>, vector<16xf32>,
      tpu.vector_store %arg5[%swap3A_523], %gather3A_522 {strides = array<i32>} : memref<4096xf32, #tpu.memory_space<vmem>>, vector<16xf32>,
      %get3A_525 = arith.constant 1088 : index
      %get3A_526 = tpu.vector_load %arg4[%get3A_525] {strides = array<i32>} : memref<4096xf32, #tpu.memory_space<vmem>>, vector<16xf32>,
      %swap3A_527 = arith.constant 0 : index
      %swap3A_528 = tpu.vector_load %arg6[%swap3A_527] {strides = array<i32>} : memref<32xf32, #tpu.memory_space<vmem>>, vector<16xf32>,
      tpu.vector_store %arg6[%swap3A_527], %get3A_526 {strides = array<i32>} : memref<32xf32, #tpu.memory_space<vmem>>, vector<16xf32>,
      %get3A_529 = arith.constant 1216 : index
      %get3A_530 = tpu.vector_load %arg4[%get3A_529] {strides = array<i32>} : memref<4096xf32, #tpu.memory_space<vmem>>, vector<16xf32>,
      %swap3A_531 = arith.constant 16 : index
      %swap3A_532 = tpu.vector_load %arg6[%swap3A_531] {strides = array<i32>} : memref<32xf32, #tpu.memory_space<vmem>>, vector<16xf32>,
      tpu.vector_store %arg6[%swap3A_531], %get3A_530 {strides = array<i32>} : memref<32xf32, #tpu.memory_space<vmem>>, vector<16xf32>,
      %gather3A_533 = tpu.vector_load_idx %arg6[%add3A_8] : memref<32xf32, #tpu.memory_space<vmem>>[vector<16xi32>], vector<16xf32>,
      %swap3A_534 = arith.constant 1152 : index
      %swap3A_535 = tpu.vector_load %arg5[%swap3A_534] {strides = array<i32>} : memref<4096xf32, #tpu.memory_space<vmem>>, vector<16xf32>,
      tpu.vector_store %arg5[%swap3A_534], %gather3A_533 {strides = array<i32>} : memref<4096xf32, #tpu.memory_space<vmem>>, vector<16xf32>,
      %gather3A_536 = tpu.vector_load_idx %arg6[%add3A_11] : memref<32xf32, #tpu.memory_space<vmem>>[vector<16xi32>], vector<16xf32>,
      %swap3A_537 = arith.constant 1168 : index
      %swap3A_538 = tpu.vector_load %arg5[%swap3A_537] {strides = array<i32>} : memref<4096xf32, #tpu.memory_space<vmem>>, vector<16xf32>,
      tpu.vector_store %arg5[%swap3A_537], %gather3A_536 {strides = array<i32>} : memref<4096xf32, #tpu.memory_space<vmem>>, vector<16xf32>,
      %get3A_539 = arith.constant 1104 : index
      %get3A_540 = tpu.vector_load %arg4[%get3A_539] {strides = array<i32>} : memref<4096xf32, #tpu.memory_space<vmem>>, vector<16xf32>,
      %swap3A_541 = arith.constant 0 : index
      %swap3A_542 = tpu.vector_load %arg6[%swap3A_541] {strides = array<i32>} : memref<32xf32, #tpu.memory_space<vmem>>, vector<16xf32>,
      tpu.vector_store %arg6[%swap3A_541], %get3A_540 {strides = array<i32>} : memref<32xf32, #tpu.memory_space<vmem>>, vector<16xf32>,
      %get3A_543 = arith.constant 1232 : index
      %get3A_544 = tpu.vector_load %arg4[%get3A_543] {strides = array<i32>} : memref<4096xf32, #tpu.memory_space<vmem>>, vector<16xf32>,
      %swap3A_545 = arith.constant 16 : index
      %swap3A_546 = tpu.vector_load %arg6[%swap3A_545] {strides = array<i32>} : memref<32xf32, #tpu.memory_space<vmem>>, vector<16xf32>,
      tpu.vector_store %arg6[%swap3A_545], %get3A_544 {strides = array<i32>} : memref<32xf32, #tpu.memory_space<vmem>>, vector<16xf32>,
      %gather3A_547 = tpu.vector_load_idx %arg6[%add3A_8] : memref<32xf32, #tpu.memory_space<vmem>>[vector<16xi32>], vector<16xf32>,
      %swap3A_548 = arith.constant 1184 : index
      %swap3A_549 = tpu.vector_load %arg5[%swap3A_548] {strides = array<i32>} : memref<4096xf32, #tpu.memory_space<vmem>>, vector<16xf32>,
      tpu.vector_store %arg5[%swap3A_548], %gather3A_547 {strides = array<i32>} : memref<4096xf32, #tpu.memory_space<vmem>>, vector<16xf32>,
      %gather3A_550 = tpu.vector_load_idx %arg6[%add3A_11] : memref<32xf32, #tpu.memory_space<vmem>>[vector<16xi32>], vector<16xf32>,
      %swap3A_551 = arith.constant 1200 : index
      %swap3A_552 = tpu.vector_load %arg5[%swap3A_551] {strides = array<i32>} : memref<4096xf32, #tpu.memory_space<vmem>>, vector<16xf32>,
      tpu.vector_store %arg5[%swap3A_551], %gather3A_550 {strides = array<i32>} : memref<4096xf32, #tpu.memory_space<vmem>>, vector<16xf32>,
      %get3A_553 = arith.constant 1120 : index
      %get3A_554 = tpu.vector_load %arg4[%get3A_553] {strides = array<i32>} : memref<4096xf32, #tpu.memory_space<vmem>>, vector<16xf32>,
      %swap3A_555 = arith.constant 0 : index
      %swap3A_556 = tpu.vector_load %arg6[%swap3A_555] {strides = array<i32>} : memref<32xf32, #tpu.memory_space<vmem>>, vector<16xf32>,
      tpu.vector_store %arg6[%swap3A_555], %get3A_554 {strides = array<i32>} : memref<32xf32, #tpu.memory_space<vmem>>, vector<16xf32>,
      %get3A_557 = arith.constant 1248 : index
      %get3A_558 = tpu.vector_load %arg4[%get3A_557] {strides = array<i32>} : memref<4096xf32, #tpu.memory_space<vmem>>, vector<16xf32>,
      %swap3A_559 = arith.constant 16 : index
      %swap3A_560 = tpu.vector_load %arg6[%swap3A_559] {strides = array<i32>} : memref<32xf32, #tpu.memory_space<vmem>>, vector<16xf32>,
      tpu.vector_store %arg6[%swap3A_559], %get3A_558 {strides = array<i32>} : memref<32xf32, #tpu.memory_space<vmem>>, vector<16xf32>,
      %gather3A_561 = tpu.vector_load_idx %arg6[%add3A_8] : memref<32xf32, #tpu.memory_space<vmem>>[vector<16xi32>], vector<16xf32>,
      %swap3A_562 = arith.constant 1216 : index
      %swap3A_563 = tpu.vector_load %arg5[%swap3A_562] {strides = array<i32>} : memref<4096xf32, #tpu.memory_space<vmem>>, vector<16xf32>,
      tpu.vector_store %arg5[%swap3A_562], %gather3A_561 {strides = array<i32>} : memref<4096xf32, #tpu.memory_space<vmem>>, vector<16xf32>,
      %gather3A_564 = tpu.vector_load_idx %arg6[%add3A_11] : memref<32xf32, #tpu.memory_space<vmem>>[vector<16xi32>], vector<16xf32>,
      %swap3A_565 = arith.constant 1232 : index
      %swap3A_566 = tpu.vector_load %arg5[%swap3A_565] {strides = array<i32>} : memref<4096xf32, #tpu.memory_space<vmem>>, vector<16xf32>,
      tpu.vector_store %arg5[%swap3A_565], %gather3A_564 {strides = array<i32>} : memref<4096xf32, #tpu.memory_space<vmem>>, vector<16xf32>,
      %get3A_567 = arith.constant 1136 : index
      %get3A_568 = tpu.vector_load %arg4[%get3A_567] {strides = array<i32>} : memref<4096xf32, #tpu.memory_space<vmem>>, vector<16xf32>,
      %swap3A_569 = arith.constant 0 : index
      %swap3A_570 = tpu.vector_load %arg6[%swap3A_569] {strides = array<i32>} : memref<32xf32, #tpu.memory_space<vmem>>, vector<16xf32>,
      tpu.vector_store %arg6[%swap3A_569], %get3A_568 {strides = array<i32>} : memref<32xf32, #tpu.memory_space<vmem>>, vector<16xf32>,
      %get3A_571 = arith.constant 1264 : index
      %get3A_572 = tpu.vector_load %arg4[%get3A_571] {strides = array<i32>} : memref<4096xf32, #tpu.memory_space<vmem>>, vector<16xf32>,
      %swap3A_573 = arith.constant 16 : index
      %swap3A_574 = tpu.vector_load %arg6[%swap3A_573] {strides = array<i32>} : memref<32xf32, #tpu.memory_space<vmem>>, vector<16xf32>,
      tpu.vector_store %arg6[%swap3A_573], %get3A_572 {strides = array<i32>} : memref<32xf32, #tpu.memory_space<vmem>>, vector<16xf32>,
      %gather3A_575 = tpu.vector_load_idx %arg6[%add3A_8] : memref<32xf32, #tpu.memory_space<vmem>>[vector<16xi32>], vector<16xf32>,
      %swap3A_576 = arith.constant 1248 : index
      %swap3A_577 = tpu.vector_load %arg5[%swap3A_576] {strides = array<i32>} : memref<4096xf32, #tpu.memory_space<vmem>>, vector<16xf32>,
      tpu.vector_store %arg5[%swap3A_576], %gather3A_575 {strides = array<i32>} : memref<4096xf32, #tpu.memory_space<vmem>>, vector<16xf32>,
      %gather3A_578 = tpu.vector_load_idx %arg6[%add3A_11] : memref<32xf32, #tpu.memory_space<vmem>>[vector<16xi32>], vector<16xf32>,
      %swap3A_579 = arith.constant 1264 : index
      %swap3A_580 = tpu.vector_load %arg5[%swap3A_579] {strides = array<i32>} : memref<4096xf32, #tpu.memory_space<vmem>>, vector<16xf32>,
      tpu.vector_store %arg5[%swap3A_579], %gather3A_578 {strides = array<i32>} : memref<4096xf32, #tpu.memory_space<vmem>>, vector<16xf32>,
      %get3A_581 = arith.constant 1280 : index
      %get3A_582 = tpu.vector_load %arg4[%get3A_581] {strides = array<i32>} : memref<4096xf32, #tpu.memory_space<vmem>>, vector<16xf32>,
      %swap3A_583 = arith.constant 0 : index
      %swap3A_584 = tpu.vector_load %arg6[%swap3A_583] {strides = array<i32>} : memref<32xf32, #tpu.memory_space<vmem>>, vector<16xf32>,
      tpu.vector_store %arg6[%swap3A_583], %get3A_582 {strides = array<i32>} : memref<32xf32, #tpu.memory_space<vmem>>, vector<16xf32>,
      %get3A_585 = arith.constant 1408 : index
      %get3A_586 = tpu.vector_load %arg4[%get3A_585] {strides = array<i32>} : memref<4096xf32, #tpu.memory_space<vmem>>, vector<16xf32>,
      %swap3A_587 = arith.constant 16 : index
      %swap3A_588 = tpu.vector_load %arg6[%swap3A_587] {strides = array<i32>} : memref<32xf32, #tpu.memory_space<vmem>>, vector<16xf32>,
      tpu.vector_store %arg6[%swap3A_587], %get3A_586 {strides = array<i32>} : memref<32xf32, #tpu.memory_space<vmem>>, vector<16xf32>,
      %gather3A_589 = tpu.vector_load_idx %arg6[%add3A_8] : memref<32xf32, #tpu.memory_space<vmem>>[vector<16xi32>], vector<16xf32>,
      %swap3A_590 = arith.constant 1280 : index
      %swap3A_591 = tpu.vector_load %arg5[%swap3A_590] {strides = array<i32>} : memref<4096xf32, #tpu.memory_space<vmem>>, vector<16xf32>,
      tpu.vector_store %arg5[%swap3A_590], %gather3A_589 {strides = array<i32>} : memref<4096xf32, #tpu.memory_space<vmem>>, vector<16xf32>,
      %gather3A_592 = tpu.vector_load_idx %arg6[%add3A_11] : memref<32xf32, #tpu.memory_space<vmem>>[vector<16xi32>], vector<16xf32>,
      %swap3A_593 = arith.constant 1296 : index
      %swap3A_594 = tpu.vector_load %arg5[%swap3A_593] {strides = array<i32>} : memref<4096xf32, #tpu.memory_space<vmem>>, vector<16xf32>,
      tpu.vector_store %arg5[%swap3A_593], %gather3A_592 {strides = array<i32>} : memref<4096xf32, #tpu.memory_space<vmem>>, vector<16xf32>,
      %get3A_595 = arith.constant 1296 : index
      %get3A_596 = tpu.vector_load %arg4[%get3A_595] {strides = array<i32>} : memref<4096xf32, #tpu.memory_space<vmem>>, vector<16xf32>,
      %swap3A_597 = arith.constant 0 : index
      %swap3A_598 = tpu.vector_load %arg6[%swap3A_597] {strides = array<i32>} : memref<32xf32, #tpu.memory_space<vmem>>, vector<16xf32>,
      tpu.vector_store %arg6[%swap3A_597], %get3A_596 {strides = array<i32>} : memref<32xf32, #tpu.memory_space<vmem>>, vector<16xf32>,
      %get3A_599 = arith.constant 1424 : index
      %get3A_600 = tpu.vector_load %arg4[%get3A_599] {strides = array<i32>} : memref<4096xf32, #tpu.memory_space<vmem>>, vector<16xf32>,
      %swap3A_601 = arith.constant 16 : index
      %swap3A_602 = tpu.vector_load %arg6[%swap3A_601] {strides = array<i32>} : memref<32xf32, #tpu.memory_space<vmem>>, vector<16xf32>,
      tpu.vector_store %arg6[%swap3A_601], %get3A_600 {strides = array<i32>} : memref<32xf32, #tpu.memory_space<vmem>>, vector<16xf32>,
      %gather3A_603 = tpu.vector_load_idx %arg6[%add3A_8] : memref<32xf32, #tpu.memory_space<vmem>>[vector<16xi32>], vector<16xf32>,
      %swap3A_604 = arith.constant 1312 : index
      %swap3A_605 = tpu.vector_load %arg5[%swap3A_604] {strides = array<i32>} : memref<4096xf32, #tpu.memory_space<vmem>>, vector<16xf32>,
      tpu.vector_store %arg5[%swap3A_604], %gather3A_603 {strides = array<i32>} : memref<4096xf32, #tpu.memory_space<vmem>>, vector<16xf32>,
      %gather3A_606 = tpu.vector_load_idx %arg6[%add3A_11] : memref<32xf32, #tpu.memory_space<vmem>>[vector<16xi32>], vector<16xf32>,
      %swap3A_607 = arith.constant 1328 : index
      %swap3A_608 = tpu.vector_load %arg5[%swap3A_607] {strides = array<i32>} : memref<4096xf32, #tpu.memory_space<vmem>>, vector<16xf32>,
      tpu.vector_store %arg5[%swap3A_607], %gather3A_606 {strides = array<i32>} : memref<4096xf32, #tpu.memory_space<vmem>>, vector<16xf32>,
      %get3A_609 = arith.constant 1312 : index
      %get3A_610 = tpu.vector_load %arg4[%get3A_609] {strides = array<i32>} : memref<4096xf32, #tpu.memory_space<vmem>>, vector<16xf32>,
      %swap3A_611 = arith.constant 0 : index
      %swap3A_612 = tpu.vector_load %arg6[%swap3A_611] {strides = array<i32>} : memref<32xf32, #tpu.memory_space<vmem>>, vector<16xf32>,
      tpu.vector_store %arg6[%swap3A_611], %get3A_610 {strides = array<i32>} : memref<32xf32, #tpu.memory_space<vmem>>, vector<16xf32>,
      %get3A_613 = arith.constant 1440 : index
      %get3A_614 = tpu.vector_load %arg4[%get3A_613] {strides = array<i32>} : memref<4096xf32, #tpu.memory_space<vmem>>, vector<16xf32>,
      %swap3A_615 = arith.constant 16 : index
      %swap3A_616 = tpu.vector_load %arg6[%swap3A_615] {strides = array<i32>} : memref<32xf32, #tpu.memory_space<vmem>>, vector<16xf32>,
      tpu.vector_store %arg6[%swap3A_615], %get3A_614 {strides = array<i32>} : memref<32xf32, #tpu.memory_space<vmem>>, vector<16xf32>,
      %gather3A_617 = tpu.vector_load_idx %arg6[%add3A_8] : memref<32xf32, #tpu.memory_space<vmem>>[vector<16xi32>], vector<16xf32>,
      %swap3A_618 = arith.constant 1344 : index
      %swap3A_619 = tpu.vector_load %arg5[%swap3A_618] {strides = array<i32>} : memref<4096xf32, #tpu.memory_space<vmem>>, vector<16xf32>,
      tpu.vector_store %arg5[%swap3A_618], %gather3A_617 {strides = array<i32>} : memref<4096xf32, #tpu.memory_space<vmem>>, vector<16xf32>,
      %gather3A_620 = tpu.vector_load_idx %arg6[%add3A_11] : memref<32xf32, #tpu.memory_space<vmem>>[vector<16xi32>], vector<16xf32>,
      %swap3A_621 = arith.constant 1360 : index
      %swap3A_622 = tpu.vector_load %arg5[%swap3A_621] {strides = array<i32>} : memref<4096xf32, #tpu.memory_space<vmem>>, vector<16xf32>,
      tpu.vector_store %arg5[%swap3A_621], %gather3A_620 {strides = array<i32>} : memref<4096xf32, #tpu.memory_space<vmem>>, vector<16xf32>,
      %get3A_623 = arith.constant 1328 : index
      %get3A_624 = tpu.vector_load %arg4[%get3A_623] {strides = array<i32>} : memref<4096xf32, #tpu.memory_space<vmem>>, vector<16xf32>,
      %swap3A_625 = arith.constant 0 : index
      %swap3A_626 = tpu.vector_load %arg6[%swap3A_625] {strides = array<i32>} : memref<32xf32, #tpu.memory_space<vmem>>, vector<16xf32>,
      tpu.vector_store %arg6[%swap3A_625], %get3A_624 {strides = array<i32>} : memref<32xf32, #tpu.memory_space<vmem>>, vector<16xf32>,
      %get3A_627 = arith.constant 1456 : index
      %get3A_628 = tpu.vector_load %arg4[%get3A_627] {strides = array<i32>} : memref<4096xf32, #tpu.memory_space<vmem>>, vector<16xf32>,
      %swap3A_629 = arith.constant 16 : index
      %swap3A_630 = tpu.vector_load %arg6[%swap3A_629] {strides = array<i32>} : memref<32xf32, #tpu.memory_space<vmem>>, vector<16xf32>,
      tpu.vector_store %arg6[%swap3A_629], %get3A_628 {strides = array<i32>} : memref<32xf32, #tpu.memory_space<vmem>>, vector<16xf32>,
      %gather3A_631 = tpu.vector_load_idx %arg6[%add3A_8] : memref<32xf32, #tpu.memory_space<vmem>>[vector<16xi32>], vector<16xf32>,
      %swap3A_632 = arith.constant 1376 : index
      %swap3A_633 = tpu.vector_load %arg5[%swap3A_632] {strides = array<i32>} : memref<4096xf32, #tpu.memory_space<vmem>>, vector<16xf32>,
      tpu.vector_store %arg5[%swap3A_632], %gather3A_631 {strides = array<i32>} : memref<4096xf32, #tpu.memory_space<vmem>>, vector<16xf32>,
      %gather3A_634 = tpu.vector_load_idx %arg6[%add3A_11] : memref<32xf32, #tpu.memory_space<vmem>>[vector<16xi32>], vector<16xf32>,
      %swap3A_635 = arith.constant 1392 : index
      %swap3A_636 = tpu.vector_load %arg5[%swap3A_635] {strides = array<i32>} : memref<4096xf32, #tpu.memory_space<vmem>>, vector<16xf32>,
      tpu.vector_store %arg5[%swap3A_635], %gather3A_634 {strides = array<i32>} : memref<4096xf32, #tpu.memory_space<vmem>>, vector<16xf32>,
      %get3A_637 = arith.constant 1344 : index
      %get3A_638 = tpu.vector_load %arg4[%get3A_637] {strides = array<i32>} : memref<4096xf32, #tpu.memory_space<vmem>>, vector<16xf32>,
      %swap3A_639 = arith.constant 0 : index
      %swap3A_640 = tpu.vector_load %arg6[%swap3A_639] {strides = array<i32>} : memref<32xf32, #tpu.memory_space<vmem>>, vector<16xf32>,
      tpu.vector_store %arg6[%swap3A_639], %get3A_638 {strides = array<i32>} : memref<32xf32, #tpu.memory_space<vmem>>, vector<16xf32>,
      %get3A_641 = arith.constant 1472 : index
      %get3A_642 = tpu.vector_load %arg4[%get3A_641] {strides = array<i32>} : memref<4096xf32, #tpu.memory_space<vmem>>, vector<16xf32>,
      %swap3A_643 = arith.constant 16 : index
      %swap3A_644 = tpu.vector_load %arg6[%swap3A_643] {strides = array<i32>} : memref<32xf32, #tpu.memory_space<vmem>>, vector<16xf32>,
      tpu.vector_store %arg6[%swap3A_643], %get3A_642 {strides = array<i32>} : memref<32xf32, #tpu.memory_space<vmem>>, vector<16xf32>,
      %gather3A_645 = tpu.vector_load_idx %arg6[%add3A_8] : memref<32xf32, #tpu.memory_space<vmem>>[vector<16xi32>], vector<16xf32>,
      %swap3A_646 = arith.constant 1408 : index
      %swap3A_647 = tpu.vector_load %arg5[%swap3A_646] {strides = array<i32>} : memref<4096xf32, #tpu.memory_space<vmem>>, vector<16xf32>,
      tpu.vector_store %arg5[%swap3A_646], %gather3A_645 {strides = array<i32>} : memref<4096xf32, #tpu.memory_space<vmem>>, vector<16xf32>,
      %gather3A_648 = tpu.vector_load_idx %arg6[%add3A_11] : memref<32xf32, #tpu.memory_space<vmem>>[vector<16xi32>], vector<16xf32>,
      %swap3A_649 = arith.constant 1424 : index
      %swap3A_650 = tpu.vector_load %arg5[%swap3A_649] {strides = array<i32>} : memref<4096xf32, #tpu.memory_space<vmem>>, vector<16xf32>,
      tpu.vector_store %arg5[%swap3A_649], %gather3A_648 {strides = array<i32>} : memref<4096xf32, #tpu.memory_space<vmem>>, vector<16xf32>,
      %get3A_651 = arith.constant 1360 : index
      %get3A_652 = tpu.vector_load %arg4[%get3A_651] {strides = array<i32>} : memref<4096xf32, #tpu.memory_space<vmem>>, vector<16xf32>,
      %swap3A_653 = arith.constant 0 : index
      %swap3A_654 = tpu.vector_load %arg6[%swap3A_653] {strides = array<i32>} : memref<32xf32, #tpu.memory_space<vmem>>, vector<16xf32>,
      tpu.vector_store %arg6[%swap3A_653], %get3A_652 {strides = array<i32>} : memref<32xf32, #tpu.memory_space<vmem>>, vector<16xf32>,
      %get3A_655 = arith.constant 1488 : index
      %get3A_656 = tpu.vector_load %arg4[%get3A_655] {strides = array<i32>} : memref<4096xf32, #tpu.memory_space<vmem>>, vector<16xf32>,
      %swap3A_657 = arith.constant 16 : index
      %swap3A_658 = tpu.vector_load %arg6[%swap3A_657] {strides = array<i32>} : memref<32xf32, #tpu.memory_space<vmem>>, vector<16xf32>,
      tpu.vector_store %arg6[%swap3A_657], %get3A_656 {strides = array<i32>} : memref<32xf32, #tpu.memory_space<vmem>>, vector<16xf32>,
      %gather3A_659 = tpu.vector_load_idx %arg6[%add3A_8] : memref<32xf32, #tpu.memory_space<vmem>>[vector<16xi32>], vector<16xf32>,
      %swap3A_660 = arith.constant 1440 : index
      %swap3A_661 = tpu.vector_load %arg5[%swap3A_660] {strides = array<i32>} : memref<4096xf32, #tpu.memory_space<vmem>>, vector<16xf32>,
      tpu.vector_store %arg5[%swap3A_660], %gather3A_659 {strides = array<i32>} : memref<4096xf32, #tpu.memory_space<vmem>>, vector<16xf32>,
      %gather3A_662 = tpu.vector_load_idx %arg6[%add3A_11] : memref<32xf32, #tpu.memory_space<vmem>>[vector<16xi32>], vector<16xf32>,
      %swap3A_663 = arith.constant 1456 : index
      %swap3A_664 = tpu.vector_load %arg5[%swap3A_663] {strides = array<i32>} : memref<4096xf32, #tpu.memory_space<vmem>>, vector<16xf32>,
      tpu.vector_store %arg5[%swap3A_663], %gather3A_662 {strides = array<i32>} : memref<4096xf32, #tpu.memory_space<vmem>>, vector<16xf32>,
      %get3A_665 = arith.constant 1376 : index
      %get3A_666 = tpu.vector_load %arg4[%get3A_665] {strides = array<i32>} : memref<4096xf32, #tpu.memory_space<vmem>>, vector<16xf32>,
      %swap3A_667 = arith.constant 0 : index
      %swap3A_668 = tpu.vector_load %arg6[%swap3A_667] {strides = array<i32>} : memref<32xf32, #tpu.memory_space<vmem>>, vector<16xf32>,
      tpu.vector_store %arg6[%swap3A_667], %get3A_666 {strides = array<i32>} : memref<32xf32, #tpu.memory_space<vmem>>, vector<16xf32>,
      %get3A_669 = arith.constant 1504 : index
      %get3A_670 = tpu.vector_load %arg4[%get3A_669] {strides = array<i32>} : memref<4096xf32, #tpu.memory_space<vmem>>, vector<16xf32>,
      %swap3A_671 = arith.constant 16 : index
      %swap3A_672 = tpu.vector_load %arg6[%swap3A_671] {strides = array<i32>} : memref<32xf32, #tpu.memory_space<vmem>>, vector<16xf32>,
      tpu.vector_store %arg6[%swap3A_671], %get3A_670 {strides = array<i32>} : memref<32xf32, #tpu.memory_space<vmem>>, vector<16xf32>,
      %gather3A_673 = tpu.vector_load_idx %arg6[%add3A_8] : memref<32xf32, #tpu.memory_space<vmem>>[vector<16xi32>], vector<16xf32>,
      %swap3A_674 = arith.constant 1472 : index
      %swap3A_675 = tpu.vector_load %arg5[%swap3A_674] {strides = array<i32>} : memref<4096xf32, #tpu.memory_space<vmem>>, vector<16xf32>,
      tpu.vector_store %arg5[%swap3A_674], %gather3A_673 {strides = array<i32>} : memref<4096xf32, #tpu.memory_space<vmem>>, vector<16xf32>,
      %gather3A_676 = tpu.vector_load_idx %arg6[%add3A_11] : memref<32xf32, #tpu.memory_space<vmem>>[vector<16xi32>], vector<16xf32>,
      %swap3A_677 = arith.constant 1488 : index
      %swap3A_678 = tpu.vector_load %arg5[%swap3A_677] {strides = array<i32>} : memref<4096xf32, #tpu.memory_space<vmem>>, vector<16xf32>,
      tpu.vector_store %arg5[%swap3A_677], %gather3A_676 {strides = array<i32>} : memref<4096xf32, #tpu.memory_space<vmem>>, vector<16xf32>,
      %get3A_679 = arith.constant 1392 : index
      %get3A_680 = tpu.vector_load %arg4[%get3A_679] {strides = array<i32>} : memref<4096xf32, #tpu.memory_space<vmem>>, vector<16xf32>,
      %swap3A_681 = arith.constant 0 : index
      %swap3A_682 = tpu.vector_load %arg6[%swap3A_681] {strides = array<i32>} : memref<32xf32, #tpu.memory_space<vmem>>, vector<16xf32>,
      tpu.vector_store %arg6[%swap3A_681], %get3A_680 {strides = array<i32>} : memref<32xf32, #tpu.memory_space<vmem>>, vector<16xf32>,
      %get3A_683 = arith.constant 1520 : index
      %get3A_684 = tpu.vector_load %arg4[%get3A_683] {strides = array<i32>} : memref<4096xf32, #tpu.memory_space<vmem>>, vector<16xf32>,
      %swap3A_685 = arith.constant 16 : index
      %swap3A_686 = tpu.vector_load %arg6[%swap3A_685] {strides = array<i32>} : memref<32xf32, #tpu.memory_space<vmem>>, vector<16xf32>,
      tpu.vector_store %arg6[%swap3A_685], %get3A_684 {strides = array<i32>} : memref<32xf32, #tpu.memory_space<vmem>>, vector<16xf32>,
      %gather3A_687 = tpu.vector_load_idx %arg6[%add3A_8] : memref<32xf32, #tpu.memory_space<vmem>>[vector<16xi32>], vector<16xf32>,
      %swap3A_688 = arith.constant 1504 : index
      %swap3A_689 = tpu.vector_load %arg5[%swap3A_688] {strides = array<i32>} : memref<4096xf32, #tpu.memory_space<vmem>>, vector<16xf32>,
      tpu.vector_store %arg5[%swap3A_688], %gather3A_687 {strides = array<i32>} : memref<4096xf32, #tpu.memory_space<vmem>>, vector<16xf32>,
      %gather3A_690 = tpu.vector_load_idx %arg6[%add3A_11] : memref<32xf32, #tpu.memory_space<vmem>>[vector<16xi32>], vector<16xf32>,
      %swap3A_691 = arith.constant 1520 : index
      %swap3A_692 = tpu.vector_load %arg5[%swap3A_691] {strides = array<i32>} : memref<4096xf32, #tpu.memory_space<vmem>>, vector<16xf32>,
      tpu.vector_store %arg5[%swap3A_691], %gather3A_690 {strides = array<i32>} : memref<4096xf32, #tpu.memory_space<vmem>>, vector<16xf32>,
      %get3A_693 = arith.constant 1536 : index
      %get3A_694 = tpu.vector_load %arg4[%get3A_693] {strides = array<i32>} : memref<4096xf32, #tpu.memory_space<vmem>>, vector<16xf32>,
      %swap3A_695 = arith.constant 0 : index
      %swap3A_696 = tpu.vector_load %arg6[%swap3A_695] {strides = array<i32>} : memref<32xf32, #tpu.memory_space<vmem>>, vector<16xf32>,
      tpu.vector_store %arg6[%swap3A_695], %get3A_694 {strides = array<i32>} : memref<32xf32, #tpu.memory_space<vmem>>, vector<16xf32>,
      %get3A_697 = arith.constant 1664 : index
      %get3A_698 = tpu.vector_load %arg4[%get3A_697] {strides = array<i32>} : memref<4096xf32, #tpu.memory_space<vmem>>, vector<16xf32>,
      %swap3A_699 = arith.constant 16 : index
      %swap3A_700 = tpu.vector_load %arg6[%swap3A_699] {strides = array<i32>} : memref<32xf32, #tpu.memory_space<vmem>>, vector<16xf32>,
      tpu.vector_store %arg6[%swap3A_699], %get3A_698 {strides = array<i32>} : memref<32xf32, #tpu.memory_space<vmem>>, vector<16xf32>,
      %gather3A_701 = tpu.vector_load_idx %arg6[%add3A_8] : memref<32xf32, #tpu.memory_space<vmem>>[vector<16xi32>], vector<16xf32>,
      %swap3A_702 = arith.constant 1536 : index
      %swap3A_703 = tpu.vector_load %arg5[%swap3A_702] {strides = array<i32>} : memref<4096xf32, #tpu.memory_space<vmem>>, vector<16xf32>,
      tpu.vector_store %arg5[%swap3A_702], %gather3A_701 {strides = array<i32>} : memref<4096xf32, #tpu.memory_space<vmem>>, vector<16xf32>,
      %gather3A_704 = tpu.vector_load_idx %arg6[%add3A_11] : memref<32xf32, #tpu.memory_space<vmem>>[vector<16xi32>], vector<16xf32>,
      %swap3A_705 = arith.constant 1552 : index
      %swap3A_706 = tpu.vector_load %arg5[%swap3A_705] {strides = array<i32>} : memref<4096xf32, #tpu.memory_space<vmem>>, vector<16xf32>,
      tpu.vector_store %arg5[%swap3A_705], %gather3A_704 {strides = array<i32>} : memref<4096xf32, #tpu.memory_space<vmem>>, vector<16xf32>,
      %get3A_707 = arith.constant 1552 : index
      %get3A_708 = tpu.vector_load %arg4[%get3A_707] {strides = array<i32>} : memref<4096xf32, #tpu.memory_space<vmem>>, vector<16xf32>,
      %swap3A_709 = arith.constant 0 : index
      %swap3A_710 = tpu.vector_load %arg6[%swap3A_709] {strides = array<i32>} : memref<32xf32, #tpu.memory_space<vmem>>, vector<16xf32>,
      tpu.vector_store %arg6[%swap3A_709], %get3A_708 {strides = array<i32>} : memref<32xf32, #tpu.memory_space<vmem>>, vector<16xf32>,
      %get3A_711 = arith.constant 1680 : index
      %get3A_712 = tpu.vector_load %arg4[%get3A_711] {strides = array<i32>} : memref<4096xf32, #tpu.memory_space<vmem>>, vector<16xf32>,
      %swap3A_713 = arith.constant 16 : index
      %swap3A_714 = tpu.vector_load %arg6[%swap3A_713] {strides = array<i32>} : memref<32xf32, #tpu.memory_space<vmem>>, vector<16xf32>,
      tpu.vector_store %arg6[%swap3A_713], %get3A_712 {strides = array<i32>} : memref<32xf32, #tpu.memory_space<vmem>>, vector<16xf32>,
      %gather3A_715 = tpu.vector_load_idx %arg6[%add3A_8] : memref<32xf32, #tpu.memory_space<vmem>>[vector<16xi32>], vector<16xf32>,
      %swap3A_716 = arith.constant 1568 : index
      %swap3A_717 = tpu.vector_load %arg5[%swap3A_716] {strides = array<i32>} : memref<4096xf32, #tpu.memory_space<vmem>>, vector<16xf32>,
      tpu.vector_store %arg5[%swap3A_716], %gather3A_715 {strides = array<i32>} : memref<4096xf32, #tpu.memory_space<vmem>>, vector<16xf32>,
      %gather3A_718 = tpu.vector_load_idx %arg6[%add3A_11] : memref<32xf32, #tpu.memory_space<vmem>>[vector<16xi32>], vector<16xf32>,
      %swap3A_719 = arith.constant 1584 : index
      %swap3A_720 = tpu.vector_load %arg5[%swap3A_719] {strides = array<i32>} : memref<4096xf32, #tpu.memory_space<vmem>>, vector<16xf32>,
      tpu.vector_store %arg5[%swap3A_719], %gather3A_718 {strides = array<i32>} : memref<4096xf32, #tpu.memory_space<vmem>>, vector<16xf32>,
      %get3A_721 = arith.constant 1568 : index
      %get3A_722 = tpu.vector_load %arg4[%get3A_721] {strides = array<i32>} : memref<4096xf32, #tpu.memory_space<vmem>>, vector<16xf32>,
      %swap3A_723 = arith.constant 0 : index
      %swap3A_724 = tpu.vector_load %arg6[%swap3A_723] {strides = array<i32>} : memref<32xf32, #tpu.memory_space<vmem>>, vector<16xf32>,
      tpu.vector_store %arg6[%swap3A_723], %get3A_722 {strides = array<i32>} : memref<32xf32, #tpu.memory_space<vmem>>, vector<16xf32>,
      %get3A_725 = arith.constant 1696 : index
      %get3A_726 = tpu.vector_load %arg4[%get3A_725] {strides = array<i32>} : memref<4096xf32, #tpu.memory_space<vmem>>, vector<16xf32>,
      %swap3A_727 = arith.constant 16 : index
      %swap3A_728 = tpu.vector_load %arg6[%swap3A_727] {strides = array<i32>} : memref<32xf32, #tpu.memory_space<vmem>>, vector<16xf32>,
      tpu.vector_store %arg6[%swap3A_727], %get3A_726 {strides = array<i32>} : memref<32xf32, #tpu.memory_space<vmem>>, vector<16xf32>,
      %gather3A_729 = tpu.vector_load_idx %arg6[%add3A_8] : memref<32xf32, #tpu.memory_space<vmem>>[vector<16xi32>], vector<16xf32>,
      %swap3A_730 = arith.constant 1600 : index
      %swap3A_731 = tpu.vector_load %arg5[%swap3A_730] {strides = array<i32>} : memref<4096xf32, #tpu.memory_space<vmem>>, vector<16xf32>,
      tpu.vector_store %arg5[%swap3A_730], %gather3A_729 {strides = array<i32>} : memref<4096xf32, #tpu.memory_space<vmem>>, vector<16xf32>,
      %gather3A_732 = tpu.vector_load_idx %arg6[%add3A_11] : memref<32xf32, #tpu.memory_space<vmem>>[vector<16xi32>], vector<16xf32>,
      %swap3A_733 = arith.constant 1616 : index
      %swap3A_734 = tpu.vector_load %arg5[%swap3A_733] {strides = array<i32>} : memref<4096xf32, #tpu.memory_space<vmem>>, vector<16xf32>,
      tpu.vector_store %arg5[%swap3A_733], %gather3A_732 {strides = array<i32>} : memref<4096xf32, #tpu.memory_space<vmem>>, vector<16xf32>,
      %get3A_735 = arith.constant 1584 : index
      %get3A_736 = tpu.vector_load %arg4[%get3A_735] {strides = array<i32>} : memref<4096xf32, #tpu.memory_space<vmem>>, vector<16xf32>,
      %swap3A_737 = arith.constant 0 : index
      %swap3A_738 = tpu.vector_load %arg6[%swap3A_737] {strides = array<i32>} : memref<32xf32, #tpu.memory_space<vmem>>, vector<16xf32>,
      tpu.vector_store %arg6[%swap3A_737], %get3A_736 {strides = array<i32>} : memref<32xf32, #tpu.memory_space<vmem>>, vector<16xf32>,
      %get3A_739 = arith.constant 1712 : index
      %get3A_740 = tpu.vector_load %arg4[%get3A_739] {strides = array<i32>} : memref<4096xf32, #tpu.memory_space<vmem>>, vector<16xf32>,
      %swap3A_741 = arith.constant 16 : index
      %swap3A_742 = tpu.vector_load %arg6[%swap3A_741] {strides = array<i32>} : memref<32xf32, #tpu.memory_space<vmem>>, vector<16xf32>,
      tpu.vector_store %arg6[%swap3A_741], %get3A_740 {strides = array<i32>} : memref<32xf32, #tpu.memory_space<vmem>>, vector<16xf32>,
      %gather3A_743 = tpu.vector_load_idx %arg6[%add3A_8] : memref<32xf32, #tpu.memory_space<vmem>>[vector<16xi32>], vector<16xf32>,
      %swap3A_744 = arith.constant 1632 : index
      %swap3A_745 = tpu.vector_load %arg5[%swap3A_744] {strides = array<i32>} : memref<4096xf32, #tpu.memory_space<vmem>>, vector<16xf32>,
      tpu.vector_store %arg5[%swap3A_744], %gather3A_743 {strides = array<i32>} : memref<4096xf32, #tpu.memory_space<vmem>>, vector<16xf32>,
      %gather3A_746 = tpu.vector_load_idx %arg6[%add3A_11] : memref<32xf32, #tpu.memory_space<vmem>>[vector<16xi32>], vector<16xf32>,
      %swap3A_747 = arith.constant 1648 : index
      %swap3A_748 = tpu.vector_load %arg5[%swap3A_747] {strides = array<i32>} : memref<4096xf32, #tpu.memory_space<vmem>>, vector<16xf32>,
      tpu.vector_store %arg5[%swap3A_747], %gather3A_746 {strides = array<i32>} : memref<4096xf32, #tpu.memory_space<vmem>>, vector<16xf32>,
      %get3A_749 = arith.constant 1600 : index
      %get3A_750 = tpu.vector_load %arg4[%get3A_749] {strides = array<i32>} : memref<4096xf32, #tpu.memory_space<vmem>>, vector<16xf32>,
      %swap3A_751 = arith.constant 0 : index
      %swap3A_752 = tpu.vector_load %arg6[%swap3A_751] {strides = array<i32>} : memref<32xf32, #tpu.memory_space<vmem>>, vector<16xf32>,
      tpu.vector_store %arg6[%swap3A_751], %get3A_750 {strides = array<i32>} : memref<32xf32, #tpu.memory_space<vmem>>, vector<16xf32>,
      %get3A_753 = arith.constant 1728 : index
      %get3A_754 = tpu.vector_load %arg4[%get3A_753] {strides = array<i32>} : memref<4096xf32, #tpu.memory_space<vmem>>, vector<16xf32>,
      %swap3A_755 = arith.constant 16 : index
      %swap3A_756 = tpu.vector_load %arg6[%swap3A_755] {strides = array<i32>} : memref<32xf32, #tpu.memory_space<vmem>>, vector<16xf32>,
      tpu.vector_store %arg6[%swap3A_755], %get3A_754 {strides = array<i32>} : memref<32xf32, #tpu.memory_space<vmem>>, vector<16xf32>,
      %gather3A_757 = tpu.vector_load_idx %arg6[%add3A_8] : memref<32xf32, #tpu.memory_space<vmem>>[vector<16xi32>], vector<16xf32>,
      %swap3A_758 = arith.constant 1664 : index
      %swap3A_759 = tpu.vector_load %arg5[%swap3A_758] {strides = array<i32>} : memref<4096xf32, #tpu.memory_space<vmem>>, vector<16xf32>,
      tpu.vector_store %arg5[%swap3A_758], %gather3A_757 {strides = array<i32>} : memref<4096xf32, #tpu.memory_space<vmem>>, vector<16xf32>,
      %gather3A_760 = tpu.vector_load_idx %arg6[%add3A_11] : memref<32xf32, #tpu.memory_space<vmem>>[vector<16xi32>], vector<16xf32>,
      %swap3A_761 = arith.constant 1680 : index
      %swap3A_762 = tpu.vector_load %arg5[%swap3A_761] {strides = array<i32>} : memref<4096xf32, #tpu.memory_space<vmem>>, vector<16xf32>,
      tpu.vector_store %arg5[%swap3A_761], %gather3A_760 {strides = array<i32>} : memref<4096xf32, #tpu.memory_space<vmem>>, vector<16xf32>,
      %get3A_763 = arith.constant 1616 : index
      %get3A_764 = tpu.vector_load %arg4[%get3A_763] {strides = array<i32>} : memref<4096xf32, #tpu.memory_space<vmem>>, vector<16xf32>,
      %swap3A_765 = arith.constant 0 : index
      %swap3A_766 = tpu.vector_load %arg6[%swap3A_765] {strides = array<i32>} : memref<32xf32, #tpu.memory_space<vmem>>, vector<16xf32>,
      tpu.vector_store %arg6[%swap3A_765], %get3A_764 {strides = array<i32>} : memref<32xf32, #tpu.memory_space<vmem>>, vector<16xf32>,
      %get3A_767 = arith.constant 1744 : index
      %get3A_768 = tpu.vector_load %arg4[%get3A_767] {strides = array<i32>} : memref<4096xf32, #tpu.memory_space<vmem>>, vector<16xf32>,
      %swap3A_769 = arith.constant 16 : index
      %swap3A_770 = tpu.vector_load %arg6[%swap3A_769] {strides = array<i32>} : memref<32xf32, #tpu.memory_space<vmem>>, vector<16xf32>,
      tpu.vector_store %arg6[%swap3A_769], %get3A_768 {strides = array<i32>} : memref<32xf32, #tpu.memory_space<vmem>>, vector<16xf32>,
      %gather3A_771 = tpu.vector_load_idx %arg6[%add3A_8] : memref<32xf32, #tpu.memory_space<vmem>>[vector<16xi32>], vector<16xf32>,
      %swap3A_772 = arith.constant 1696 : index
      %swap3A_773 = tpu.vector_load %arg5[%swap3A_772] {strides = array<i32>} : memref<4096xf32, #tpu.memory_space<vmem>>, vector<16xf32>,
      tpu.vector_store %arg5[%swap3A_772], %gather3A_771 {strides = array<i32>} : memref<4096xf32, #tpu.memory_space<vmem>>, vector<16xf32>,
      %gather3A_774 = tpu.vector_load_idx %arg6[%add3A_11] : memref<32xf32, #tpu.memory_space<vmem>>[vector<16xi32>], vector<16xf32>,
      %swap3A_775 = arith.constant 1712 : index
      %swap3A_776 = tpu.vector_load %arg5[%swap3A_775] {strides = array<i32>} : memref<4096xf32, #tpu.memory_space<vmem>>, vector<16xf32>,
      tpu.vector_store %arg5[%swap3A_775], %gather3A_774 {strides = array<i32>} : memref<4096xf32, #tpu.memory_space<vmem>>, vector<16xf32>,
      %get3A_777 = arith.constant 1632 : index
      %get3A_778 = tpu.vector_load %arg4[%get3A_777] {strides = array<i32>} : memref<4096xf32, #tpu.memory_space<vmem>>, vector<16xf32>,
      %swap3A_779 = arith.constant 0 : index
      %swap3A_780 = tpu.vector_load %arg6[%swap3A_779] {strides = array<i32>} : memref<32xf32, #tpu.memory_space<vmem>>, vector<16xf32>,
      tpu.vector_store %arg6[%swap3A_779], %get3A_778 {strides = array<i32>} : memref<32xf32, #tpu.memory_space<vmem>>, vector<16xf32>,
      %get3A_781 = arith.constant 1760 : index
      %get3A_782 = tpu.vector_load %arg4[%get3A_781] {strides = array<i32>} : memref<4096xf32, #tpu.memory_space<vmem>>, vector<16xf32>,
      %swap3A_783 = arith.constant 16 : index
      %swap3A_784 = tpu.vector_load %arg6[%swap3A_783] {strides = array<i32>} : memref<32xf32, #tpu.memory_space<vmem>>, vector<16xf32>,
      tpu.vector_store %arg6[%swap3A_783], %get3A_782 {strides = array<i32>} : memref<32xf32, #tpu.memory_space<vmem>>, vector<16xf32>,
      %gather3A_785 = tpu.vector_load_idx %arg6[%add3A_8] : memref<32xf32, #tpu.memory_space<vmem>>[vector<16xi32>], vector<16xf32>,
      %swap3A_786 = arith.constant 1728 : index
      %swap3A_787 = tpu.vector_load %arg5[%swap3A_786] {strides = array<i32>} : memref<4096xf32, #tpu.memory_space<vmem>>, vector<16xf32>,
      tpu.vector_store %arg5[%swap3A_786], %gather3A_785 {strides = array<i32>} : memref<4096xf32, #tpu.memory_space<vmem>>, vector<16xf32>,
      %gather3A_788 = tpu.vector_load_idx %arg6[%add3A_11] : memref<32xf32, #tpu.memory_space<vmem>>[vector<16xi32>], vector<16xf32>,
      %swap3A_789 = arith.constant 1744 : index
      %swap3A_790 = tpu.vector_load %arg5[%swap3A_789] {strides = array<i32>} : memref<4096xf32, #tpu.memory_space<vmem>>, vector<16xf32>,
      tpu.vector_store %arg5[%swap3A_789], %gather3A_788 {strides = array<i32>} : memref<4096xf32, #tpu.memory_space<vmem>>, vector<16xf32>,
      %get3A_791 = arith.constant 1648 : index
      %get3A_792 = tpu.vector_load %arg4[%get3A_791] {strides = array<i32>} : memref<4096xf32, #tpu.memory_space<vmem>>, vector<16xf32>,
      %swap3A_793 = arith.constant 0 : index
      %swap3A_794 = tpu.vector_load %arg6[%swap3A_793] {strides = array<i32>} : memref<32xf32, #tpu.memory_space<vmem>>, vector<16xf32>,
      tpu.vector_store %arg6[%swap3A_793], %get3A_792 {strides = array<i32>} : memref<32xf32, #tpu.memory_space<vmem>>, vector<16xf32>,
      %get3A_795 = arith.constant 1776 : index
      %get3A_796 = tpu.vector_load %arg4[%get3A_795] {strides = array<i32>} : memref<4096xf32, #tpu.memory_space<vmem>>, vector<16xf32>,
      %swap3A_797 = arith.constant 16 : index
      %swap3A_798 = tpu.vector_load %arg6[%swap3A_797] {strides = array<i32>} : memref<32xf32, #tpu.memory_space<vmem>>, vector<16xf32>,
      tpu.vector_store %arg6[%swap3A_797], %get3A_796 {strides = array<i32>} : memref<32xf32, #tpu.memory_space<vmem>>, vector<16xf32>,
      %gather3A_799 = tpu.vector_load_idx %arg6[%add3A_8] : memref<32xf32, #tpu.memory_space<vmem>>[vector<16xi32>], vector<16xf32>,
      %swap3A_800 = arith.constant 1760 : index
      %swap3A_801 = tpu.vector_load %arg5[%swap3A_800] {strides = array<i32>} : memref<4096xf32, #tpu.memory_space<vmem>>, vector<16xf32>,
      tpu.vector_store %arg5[%swap3A_800], %gather3A_799 {strides = array<i32>} : memref<4096xf32, #tpu.memory_space<vmem>>, vector<16xf32>,
      %gather3A_802 = tpu.vector_load_idx %arg6[%add3A_11] : memref<32xf32, #tpu.memory_space<vmem>>[vector<16xi32>], vector<16xf32>,
      %swap3A_803 = arith.constant 1776 : index
      %swap3A_804 = tpu.vector_load %arg5[%swap3A_803] {strides = array<i32>} : memref<4096xf32, #tpu.memory_space<vmem>>, vector<16xf32>,
      tpu.vector_store %arg5[%swap3A_803], %gather3A_802 {strides = array<i32>} : memref<4096xf32, #tpu.memory_space<vmem>>, vector<16xf32>,
      %get3A_805 = arith.constant 1792 : index
      %get3A_806 = tpu.vector_load %arg4[%get3A_805] {strides = array<i32>} : memref<4096xf32, #tpu.memory_space<vmem>>, vector<16xf32>,
      %swap3A_807 = arith.constant 0 : index
      %swap3A_808 = tpu.vector_load %arg6[%swap3A_807] {strides = array<i32>} : memref<32xf32, #tpu.memory_space<vmem>>, vector<16xf32>,
      tpu.vector_store %arg6[%swap3A_807], %get3A_806 {strides = array<i32>} : memref<32xf32, #tpu.memory_space<vmem>>, vector<16xf32>,
      %get3A_809 = arith.constant 1920 : index
      %get3A_810 = tpu.vector_load %arg4[%get3A_809] {strides = array<i32>} : memref<4096xf32, #tpu.memory_space<vmem>>, vector<16xf32>,
      %swap3A_811 = arith.constant 16 : index
      %swap3A_812 = tpu.vector_load %arg6[%swap3A_811] {strides = array<i32>} : memref<32xf32, #tpu.memory_space<vmem>>, vector<16xf32>,
      tpu.vector_store %arg6[%swap3A_811], %get3A_810 {strides = array<i32>} : memref<32xf32, #tpu.memory_space<vmem>>, vector<16xf32>,
      %gather3A_813 = tpu.vector_load_idx %arg6[%add3A_8] : memref<32xf32, #tpu.memory_space<vmem>>[vector<16xi32>], vector<16xf32>,
      %swap3A_814 = arith.constant 1792 : index
      %swap3A_815 = tpu.vector_load %arg5[%swap3A_814] {strides = array<i32>} : memref<4096xf32, #tpu.memory_space<vmem>>, vector<16xf32>,
      tpu.vector_store %arg5[%swap3A_814], %gather3A_813 {strides = array<i32>} : memref<4096xf32, #tpu.memory_space<vmem>>, vector<16xf32>,
      %gather3A_816 = tpu.vector_load_idx %arg6[%add3A_11] : memref<32xf32, #tpu.memory_space<vmem>>[vector<16xi32>], vector<16xf32>,
      %swap3A_817 = arith.constant 1808 : index
      %swap3A_818 = tpu.vector_load %arg5[%swap3A_817] {strides = array<i32>} : memref<4096xf32, #tpu.memory_space<vmem>>, vector<16xf32>,
      tpu.vector_store %arg5[%swap3A_817], %gather3A_816 {strides = array<i32>} : memref<4096xf32, #tpu.memory_space<vmem>>, vector<16xf32>,
      %get3A_819 = arith.constant 1808 : index
      %get3A_820 = tpu.vector_load %arg4[%get3A_819] {strides = array<i32>} : memref<4096xf32, #tpu.memory_space<vmem>>, vector<16xf32>,
      %swap3A_821 = arith.constant 0 : index
      %swap3A_822 = tpu.vector_load %arg6[%swap3A_821] {strides = array<i32>} : memref<32xf32, #tpu.memory_space<vmem>>, vector<16xf32>,
      tpu.vector_store %arg6[%swap3A_821], %get3A_820 {strides = array<i32>} : memref<32xf32, #tpu.memory_space<vmem>>, vector<16xf32>,
      %get3A_823 = arith.constant 1936 : index
      %get3A_824 = tpu.vector_load %arg4[%get3A_823] {strides = array<i32>} : memref<4096xf32, #tpu.memory_space<vmem>>, vector<16xf32>,
      %swap3A_825 = arith.constant 16 : index
      %swap3A_826 = tpu.vector_load %arg6[%swap3A_825] {strides = array<i32>} : memref<32xf32, #tpu.memory_space<vmem>>, vector<16xf32>,
      tpu.vector_store %arg6[%swap3A_825], %get3A_824 {strides = array<i32>} : memref<32xf32, #tpu.memory_space<vmem>>, vector<16xf32>,
      %gather3A_827 = tpu.vector_load_idx %arg6[%add3A_8] : memref<32xf32, #tpu.memory_space<vmem>>[vector<16xi32>], vector<16xf32>,
      %swap3A_828 = arith.constant 1824 : index
      %swap3A_829 = tpu.vector_load %arg5[%swap3A_828] {strides = array<i32>} : memref<4096xf32, #tpu.memory_space<vmem>>, vector<16xf32>,
      tpu.vector_store %arg5[%swap3A_828], %gather3A_827 {strides = array<i32>} : memref<4096xf32, #tpu.memory_space<vmem>>, vector<16xf32>,
      %gather3A_830 = tpu.vector_load_idx %arg6[%add3A_11] : memref<32xf32, #tpu.memory_space<vmem>>[vector<16xi32>], vector<16xf32>,
      %swap3A_831 = arith.constant 1840 : index
      %swap3A_832 = tpu.vector_load %arg5[%swap3A_831] {strides = array<i32>} : memref<4096xf32, #tpu.memory_space<vmem>>, vector<16xf32>,
      tpu.vector_store %arg5[%swap3A_831], %gather3A_830 {strides = array<i32>} : memref<4096xf32, #tpu.memory_space<vmem>>, vector<16xf32>,
      %get3A_833 = arith.constant 1824 : index
      %get3A_834 = tpu.vector_load %arg4[%get3A_833] {strides = array<i32>} : memref<4096xf32, #tpu.memory_space<vmem>>, vector<16xf32>,
      %swap3A_835 = arith.constant 0 : index
      %swap3A_836 = tpu.vector_load %arg6[%swap3A_835] {strides = array<i32>} : memref<32xf32, #tpu.memory_space<vmem>>, vector<16xf32>,
      tpu.vector_store %arg6[%swap3A_835], %get3A_834 {strides = array<i32>} : memref<32xf32, #tpu.memory_space<vmem>>, vector<16xf32>,
      %get3A_837 = arith.constant 1952 : index
      %get3A_838 = tpu.vector_load %arg4[%get3A_837] {strides = array<i32>} : memref<4096xf32, #tpu.memory_space<vmem>>, vector<16xf32>,
      %swap3A_839 = arith.constant 16 : index
      %swap3A_840 = tpu.vector_load %arg6[%swap3A_839] {strides = array<i32>} : memref<32xf32, #tpu.memory_space<vmem>>, vector<16xf32>,
      tpu.vector_store %arg6[%swap3A_839], %get3A_838 {strides = array<i32>} : memref<32xf32, #tpu.memory_space<vmem>>, vector<16xf32>,
      %gather3A_841 = tpu.vector_load_idx %arg6[%add3A_8] : memref<32xf32, #tpu.memory_space<vmem>>[vector<16xi32>], vector<16xf32>,
      %swap3A_842 = arith.constant 1856 : index
      %swap3A_843 = tpu.vector_load %arg5[%swap3A_842] {strides = array<i32>} : memref<4096xf32, #tpu.memory_space<vmem>>, vector<16xf32>,
      tpu.vector_store %arg5[%swap3A_842], %gather3A_841 {strides = array<i32>} : memref<4096xf32, #tpu.memory_space<vmem>>, vector<16xf32>,
      %gather3A_844 = tpu.vector_load_idx %arg6[%add3A_11] : memref<32xf32, #tpu.memory_space<vmem>>[vector<16xi32>], vector<16xf32>,
      %swap3A_845 = arith.constant 1872 : index
      %swap3A_846 = tpu.vector_load %arg5[%swap3A_845] {strides = array<i32>} : memref<4096xf32, #tpu.memory_space<vmem>>, vector<16xf32>,
      tpu.vector_store %arg5[%swap3A_845], %gather3A_844 {strides = array<i32>} : memref<4096xf32, #tpu.memory_space<vmem>>, vector<16xf32>,
      %get3A_847 = arith.constant 1840 : index
      %get3A_848 = tpu.vector_load %arg4[%get3A_847] {strides = array<i32>} : memref<4096xf32, #tpu.memory_space<vmem>>, vector<16xf32>,
      %swap3A_849 = arith.constant 0 : index
      %swap3A_850 = tpu.vector_load %arg6[%swap3A_849] {strides = array<i32>} : memref<32xf32, #tpu.memory_space<vmem>>, vector<16xf32>,
      tpu.vector_store %arg6[%swap3A_849], %get3A_848 {strides = array<i32>} : memref<32xf32, #tpu.memory_space<vmem>>, vector<16xf32>,
      %get3A_851 = arith.constant 1968 : index
      %get3A_852 = tpu.vector_load %arg4[%get3A_851] {strides = array<i32>} : memref<4096xf32, #tpu.memory_space<vmem>>, vector<16xf32>,
      %swap3A_853 = arith.constant 16 : index
      %swap3A_854 = tpu.vector_load %arg6[%swap3A_853] {strides = array<i32>} : memref<32xf32, #tpu.memory_space<vmem>>, vector<16xf32>,
      tpu.vector_store %arg6[%swap3A_853], %get3A_852 {strides = array<i32>} : memref<32xf32, #tpu.memory_space<vmem>>, vector<16xf32>,
      %gather3A_855 = tpu.vector_load_idx %arg6[%add3A_8] : memref<32xf32, #tpu.memory_space<vmem>>[vector<16xi32>], vector<16xf32>,
      %swap3A_856 = arith.constant 1888 : index
      %swap3A_857 = tpu.vector_load %arg5[%swap3A_856] {strides = array<i32>} : memref<4096xf32, #tpu.memory_space<vmem>>, vector<16xf32>,
      tpu.vector_store %arg5[%swap3A_856], %gather3A_855 {strides = array<i32>} : memref<4096xf32, #tpu.memory_space<vmem>>, vector<16xf32>,
      %gather3A_858 = tpu.vector_load_idx %arg6[%add3A_11] : memref<32xf32, #tpu.memory_space<vmem>>[vector<16xi32>], vector<16xf32>,
      %swap3A_859 = arith.constant 1904 : index
      %swap3A_860 = tpu.vector_load %arg5[%swap3A_859] {strides = array<i32>} : memref<4096xf32, #tpu.memory_space<vmem>>, vector<16xf32>,
      tpu.vector_store %arg5[%swap3A_859], %gather3A_858 {strides = array<i32>} : memref<4096xf32, #tpu.memory_space<vmem>>, vector<16xf32>,
      %get3A_861 = arith.constant 1856 : index
      %get3A_862 = tpu.vector_load %arg4[%get3A_861] {strides = array<i32>} : memref<4096xf32, #tpu.memory_space<vmem>>, vector<16xf32>,
      %swap3A_863 = arith.constant 0 : index
      %swap3A_864 = tpu.vector_load %arg6[%swap3A_863] {strides = array<i32>} : memref<32xf32, #tpu.memory_space<vmem>>, vector<16xf32>,
      tpu.vector_store %arg6[%swap3A_863], %get3A_862 {strides = array<i32>} : memref<32xf32, #tpu.memory_space<vmem>>, vector<16xf32>,
      %get3A_865 = arith.constant 1984 : index
      %get3A_866 = tpu.vector_load %arg4[%get3A_865] {strides = array<i32>} : memref<4096xf32, #tpu.memory_space<vmem>>, vector<16xf32>,
      %swap3A_867 = arith.constant 16 : index
      %swap3A_868 = tpu.vector_load %arg6[%swap3A_867] {strides = array<i32>} : memref<32xf32, #tpu.memory_space<vmem>>, vector<16xf32>,
      tpu.vector_store %arg6[%swap3A_867], %get3A_866 {strides = array<i32>} : memref<32xf32, #tpu.memory_space<vmem>>, vector<16xf32>,
      %gather3A_869 = tpu.vector_load_idx %arg6[%add3A_8] : memref<32xf32, #tpu.memory_space<vmem>>[vector<16xi32>], vector<16xf32>,
      %swap3A_870 = arith.constant 1920 : index
      %swap3A_871 = tpu.vector_load %arg5[%swap3A_870] {strides = array<i32>} : memref<4096xf32, #tpu.memory_space<vmem>>, vector<16xf32>,
      tpu.vector_store %arg5[%swap3A_870], %gather3A_869 {strides = array<i32>} : memref<4096xf32, #tpu.memory_space<vmem>>, vector<16xf32>,
      %gather3A_872 = tpu.vector_load_idx %arg6[%add3A_11] : memref<32xf32, #tpu.memory_space<vmem>>[vector<16xi32>], vector<16xf32>,
      %swap3A_873 = arith.constant 1936 : index
      %swap3A_874 = tpu.vector_load %arg5[%swap3A_873] {strides = array<i32>} : memref<4096xf32, #tpu.memory_space<vmem>>, vector<16xf32>,
      tpu.vector_store %arg5[%swap3A_873], %gather3A_872 {strides = array<i32>} : memref<4096xf32, #tpu.memory_space<vmem>>, vector<16xf32>,
      %get3A_875 = arith.constant 1872 : index
      %get3A_876 = tpu.vector_load %arg4[%get3A_875] {strides = array<i32>} : memref<4096xf32, #tpu.memory_space<vmem>>, vector<16xf32>,
      %swap3A_877 = arith.constant 0 : index
      %swap3A_878 = tpu.vector_load %arg6[%swap3A_877] {strides = array<i32>} : memref<32xf32, #tpu.memory_space<vmem>>, vector<16xf32>,
      tpu.vector_store %arg6[%swap3A_877], %get3A_876 {strides = array<i32>} : memref<32xf32, #tpu.memory_space<vmem>>, vector<16xf32>,
      %get3A_879 = arith.constant 2000 : index
      %get3A_880 = tpu.vector_load %arg4[%get3A_879] {strides = array<i32>} : memref<4096xf32, #tpu.memory_space<vmem>>, vector<16xf32>,
      %swap3A_881 = arith.constant 16 : index
      %swap3A_882 = tpu.vector_load %arg6[%swap3A_881] {strides = array<i32>} : memref<32xf32, #tpu.memory_space<vmem>>, vector<16xf32>,
      tpu.vector_store %arg6[%swap3A_881], %get3A_880 {strides = array<i32>} : memref<32xf32, #tpu.memory_space<vmem>>, vector<16xf32>,
      %gather3A_883 = tpu.vector_load_idx %arg6[%add3A_8] : memref<32xf32, #tpu.memory_space<vmem>>[vector<16xi32>], vector<16xf32>,
      %swap3A_884 = arith.constant 1952 : index
      %swap3A_885 = tpu.vector_load %arg5[%swap3A_884] {strides = array<i32>} : memref<4096xf32, #tpu.memory_space<vmem>>, vector<16xf32>,
      tpu.vector_store %arg5[%swap3A_884], %gather3A_883 {strides = array<i32>} : memref<4096xf32, #tpu.memory_space<vmem>>, vector<16xf32>,
      %gather3A_886 = tpu.vector_load_idx %arg6[%add3A_11] : memref<32xf32, #tpu.memory_space<vmem>>[vector<16xi32>], vector<16xf32>,
      %swap3A_887 = arith.constant 1968 : index
      %swap3A_888 = tpu.vector_load %arg5[%swap3A_887] {strides = array<i32>} : memref<4096xf32, #tpu.memory_space<vmem>>, vector<16xf32>,
      tpu.vector_store %arg5[%swap3A_887], %gather3A_886 {strides = array<i32>} : memref<4096xf32, #tpu.memory_space<vmem>>, vector<16xf32>,
      %get3A_889 = arith.constant 1888 : index
      %get3A_890 = tpu.vector_load %arg4[%get3A_889] {strides = array<i32>} : memref<4096xf32, #tpu.memory_space<vmem>>, vector<16xf32>,
      %swap3A_891 = arith.constant 0 : index
      %swap3A_892 = tpu.vector_load %arg6[%swap3A_891] {strides = array<i32>} : memref<32xf32, #tpu.memory_space<vmem>>, vector<16xf32>,
      tpu.vector_store %arg6[%swap3A_891], %get3A_890 {strides = array<i32>} : memref<32xf32, #tpu.memory_space<vmem>>, vector<16xf32>,
      %get3A_893 = arith.constant 2016 : index
      %get3A_894 = tpu.vector_load %arg4[%get3A_893] {strides = array<i32>} : memref<4096xf32, #tpu.memory_space<vmem>>, vector<16xf32>,
      %swap3A_895 = arith.constant 16 : index
      %swap3A_896 = tpu.vector_load %arg6[%swap3A_895] {strides = array<i32>} : memref<32xf32, #tpu.memory_space<vmem>>, vector<16xf32>,
      tpu.vector_store %arg6[%swap3A_895], %get3A_894 {strides = array<i32>} : memref<32xf32, #tpu.memory_space<vmem>>, vector<16xf32>,
      %gather3A_897 = tpu.vector_load_idx %arg6[%add3A_8] : memref<32xf32, #tpu.memory_space<vmem>>[vector<16xi32>], vector<16xf32>,
      %swap3A_898 = arith.constant 1984 : index
      %swap3A_899 = tpu.vector_load %arg5[%swap3A_898] {strides = array<i32>} : memref<4096xf32, #tpu.memory_space<vmem>>, vector<16xf32>,
      tpu.vector_store %arg5[%swap3A_898], %gather3A_897 {strides = array<i32>} : memref<4096xf32, #tpu.memory_space<vmem>>, vector<16xf32>,
      %gather3A_900 = tpu.vector_load_idx %arg6[%add3A_11] : memref<32xf32, #tpu.memory_space<vmem>>[vector<16xi32>], vector<16xf32>,
      %swap3A_901 = arith.constant 2000 : index
      %swap3A_902 = tpu.vector_load %arg5[%swap3A_901] {strides = array<i32>} : memref<4096xf32, #tpu.memory_space<vmem>>, vector<16xf32>,
      tpu.vector_store %arg5[%swap3A_901], %gather3A_900 {strides = array<i32>} : memref<4096xf32, #tpu.memory_space<vmem>>, vector<16xf32>,
      %get3A_903 = arith.constant 1904 : index
      %get3A_904 = tpu.vector_load %arg4[%get3A_903] {strides = array<i32>} : memref<4096xf32, #tpu.memory_space<vmem>>, vector<16xf32>,
      %swap3A_905 = arith.constant 0 : index
      %swap3A_906 = tpu.vector_load %arg6[%swap3A_905] {strides = array<i32>} : memref<32xf32, #tpu.memory_space<vmem>>, vector<16xf32>,
      tpu.vector_store %arg6[%swap3A_905], %get3A_904 {strides = array<i32>} : memref<32xf32, #tpu.memory_space<vmem>>, vector<16xf32>,
      %get3A_907 = arith.constant 2032 : index
      %get3A_908 = tpu.vector_load %arg4[%get3A_907] {strides = array<i32>} : memref<4096xf32, #tpu.memory_space<vmem>>, vector<16xf32>,
      %swap3A_909 = arith.constant 16 : index
      %swap3A_910 = tpu.vector_load %arg6[%swap3A_909] {strides = array<i32>} : memref<32xf32, #tpu.memory_space<vmem>>, vector<16xf32>,
      tpu.vector_store %arg6[%swap3A_909], %get3A_908 {strides = array<i32>} : memref<32xf32, #tpu.memory_space<vmem>>, vector<16xf32>,
      %gather3A_911 = tpu.vector_load_idx %arg6[%add3A_8] : memref<32xf32, #tpu.memory_space<vmem>>[vector<16xi32>], vector<16xf32>,
      %swap3A_912 = arith.constant 2016 : index
      %swap3A_913 = tpu.vector_load %arg5[%swap3A_912] {strides = array<i32>} : memref<4096xf32, #tpu.memory_space<vmem>>, vector<16xf32>,
      tpu.vector_store %arg5[%swap3A_912], %gather3A_911 {strides = array<i32>} : memref<4096xf32, #tpu.memory_space<vmem>>, vector<16xf32>,
      %gather3A_914 = tpu.vector_load_idx %arg6[%add3A_11] : memref<32xf32, #tpu.memory_space<vmem>>[vector<16xi32>], vector<16xf32>,
      %swap3A_915 = arith.constant 2032 : index
      %swap3A_916 = tpu.vector_load %arg5[%swap3A_915] {strides = array<i32>} : memref<4096xf32, #tpu.memory_space<vmem>>, vector<16xf32>,
      tpu.vector_store %arg5[%swap3A_915], %gather3A_914 {strides = array<i32>} : memref<4096xf32, #tpu.memory_space<vmem>>, vector<16xf32>,
      %get3A_917 = arith.constant 2048 : index
      %get3A_918 = tpu.vector_load %arg4[%get3A_917] {strides = array<i32>} : memref<4096xf32, #tpu.memory_space<vmem>>, vector<16xf32>,
      %swap3A_919 = arith.constant 0 : index
      %swap3A_920 = tpu.vector_load %arg6[%swap3A_919] {strides = array<i32>} : memref<32xf32, #tpu.memory_space<vmem>>, vector<16xf32>,
      tpu.vector_store %arg6[%swap3A_919], %get3A_918 {strides = array<i32>} : memref<32xf32, #tpu.memory_space<vmem>>, vector<16xf32>,
      %get3A_921 = arith.constant 2176 : index
      %get3A_922 = tpu.vector_load %arg4[%get3A_921] {strides = array<i32>} : memref<4096xf32, #tpu.memory_space<vmem>>, vector<16xf32>,
      %swap3A_923 = arith.constant 16 : index
      %swap3A_924 = tpu.vector_load %arg6[%swap3A_923] {strides = array<i32>} : memref<32xf32, #tpu.memory_space<vmem>>, vector<16xf32>,
      tpu.vector_store %arg6[%swap3A_923], %get3A_922 {strides = array<i32>} : memref<32xf32, #tpu.memory_space<vmem>>, vector<16xf32>,
      %gather3A_925 = tpu.vector_load_idx %arg6[%add3A_8] : memref<32xf32, #tpu.memory_space<vmem>>[vector<16xi32>], vector<16xf32>,
      %swap3A_926 = arith.constant 2048 : index
      %swap3A_927 = tpu.vector_load %arg5[%swap3A_926] {strides = array<i32>} : memref<4096xf32, #tpu.memory_space<vmem>>, vector<16xf32>,
      tpu.vector_store %arg5[%swap3A_926], %gather3A_925 {strides = array<i32>} : memref<4096xf32, #tpu.memory_space<vmem>>, vector<16xf32>,
      %gather3A_928 = tpu.vector_load_idx %arg6[%add3A_11] : memref<32xf32, #tpu.memory_space<vmem>>[vector<16xi32>], vector<16xf32>,
      %swap3A_929 = arith.constant 2064 : index
      %swap3A_930 = tpu.vector_load %arg5[%swap3A_929] {strides = array<i32>} : memref<4096xf32, #tpu.memory_space<vmem>>, vector<16xf32>,
      tpu.vector_store %arg5[%swap3A_929], %gather3A_928 {strides = array<i32>} : memref<4096xf32, #tpu.memory_space<vmem>>, vector<16xf32>,
      %get3A_931 = arith.constant 2064 : index
      %get3A_932 = tpu.vector_load %arg4[%get3A_931] {strides = array<i32>} : memref<4096xf32, #tpu.memory_space<vmem>>, vector<16xf32>,
      %swap3A_933 = arith.constant 0 : index
      %swap3A_934 = tpu.vector_load %arg6[%swap3A_933] {strides = array<i32>} : memref<32xf32, #tpu.memory_space<vmem>>, vector<16xf32>,
      tpu.vector_store %arg6[%swap3A_933], %get3A_932 {strides = array<i32>} : memref<32xf32, #tpu.memory_space<vmem>>, vector<16xf32>,
      %get3A_935 = arith.constant 2192 : index
      %get3A_936 = tpu.vector_load %arg4[%get3A_935] {strides = array<i32>} : memref<4096xf32, #tpu.memory_space<vmem>>, vector<16xf32>,
      %swap3A_937 = arith.constant 16 : index
      %swap3A_938 = tpu.vector_load %arg6[%swap3A_937] {strides = array<i32>} : memref<32xf32, #tpu.memory_space<vmem>>, vector<16xf32>,
      tpu.vector_store %arg6[%swap3A_937], %get3A_936 {strides = array<i32>} : memref<32xf32, #tpu.memory_space<vmem>>, vector<16xf32>,
      %gather3A_939 = tpu.vector_load_idx %arg6[%add3A_8] : memref<32xf32, #tpu.memory_space<vmem>>[vector<16xi32>], vector<16xf32>,
      %swap3A_940 = arith.constant 2080 : index
      %swap3A_941 = tpu.vector_load %arg5[%swap3A_940] {strides = array<i32>} : memref<4096xf32, #tpu.memory_space<vmem>>, vector<16xf32>,
      tpu.vector_store %arg5[%swap3A_940], %gather3A_939 {strides = array<i32>} : memref<4096xf32, #tpu.memory_space<vmem>>, vector<16xf32>,
      %gather3A_942 = tpu.vector_load_idx %arg6[%add3A_11] : memref<32xf32, #tpu.memory_space<vmem>>[vector<16xi32>], vector<16xf32>,
      %swap3A_943 = arith.constant 2096 : index
      %swap3A_944 = tpu.vector_load %arg5[%swap3A_943] {strides = array<i32>} : memref<4096xf32, #tpu.memory_space<vmem>>, vector<16xf32>,
      tpu.vector_store %arg5[%swap3A_943], %gather3A_942 {strides = array<i32>} : memref<4096xf32, #tpu.memory_space<vmem>>, vector<16xf32>,
      %get3A_945 = arith.constant 2080 : index
      %get3A_946 = tpu.vector_load %arg4[%get3A_945] {strides = array<i32>} : memref<4096xf32, #tpu.memory_space<vmem>>, vector<16xf32>,
      %swap3A_947 = arith.constant 0 : index
      %swap3A_948 = tpu.vector_load %arg6[%swap3A_947] {strides = array<i32>} : memref<32xf32, #tpu.memory_space<vmem>>, vector<16xf32>,
      tpu.vector_store %arg6[%swap3A_947], %get3A_946 {strides = array<i32>} : memref<32xf32, #tpu.memory_space<vmem>>, vector<16xf32>,
      %get3A_949 = arith.constant 2208 : index
      %get3A_950 = tpu.vector_load %arg4[%get3A_949] {strides = array<i32>} : memref<4096xf32, #tpu.memory_space<vmem>>, vector<16xf32>,
      %swap3A_951 = arith.constant 16 : index
      %swap3A_952 = tpu.vector_load %arg6[%swap3A_951] {strides = array<i32>} : memref<32xf32, #tpu.memory_space<vmem>>, vector<16xf32>,
      tpu.vector_store %arg6[%swap3A_951], %get3A_950 {strides = array<i32>} : memref<32xf32, #tpu.memory_space<vmem>>, vector<16xf32>,
      %gather3A_953 = tpu.vector_load_idx %arg6[%add3A_8] : memref<32xf32, #tpu.memory_space<vmem>>[vector<16xi32>], vector<16xf32>,
      %swap3A_954 = arith.constant 2112 : index
      %swap3A_955 = tpu.vector_load %arg5[%swap3A_954] {strides = array<i32>} : memref<4096xf32, #tpu.memory_space<vmem>>, vector<16xf32>,
      tpu.vector_store %arg5[%swap3A_954], %gather3A_953 {strides = array<i32>} : memref<4096xf32, #tpu.memory_space<vmem>>, vector<16xf32>,
      %gather3A_956 = tpu.vector_load_idx %arg6[%add3A_11] : memref<32xf32, #tpu.memory_space<vmem>>[vector<16xi32>], vector<16xf32>,
      %swap3A_957 = arith.constant 2128 : index
      %swap3A_958 = tpu.vector_load %arg5[%swap3A_957] {strides = array<i32>} : memref<4096xf32, #tpu.memory_space<vmem>>, vector<16xf32>,
      tpu.vector_store %arg5[%swap3A_957], %gather3A_956 {strides = array<i32>} : memref<4096xf32, #tpu.memory_space<vmem>>, vector<16xf32>,
      %get3A_959 = arith.constant 2096 : index
      %get3A_960 = tpu.vector_load %arg4[%get3A_959] {strides = array<i32>} : memref<4096xf32, #tpu.memory_space<vmem>>, vector<16xf32>,
      %swap3A_961 = arith.constant 0 : index
      %swap3A_962 = tpu.vector_load %arg6[%swap3A_961] {strides = array<i32>} : memref<32xf32, #tpu.memory_space<vmem>>, vector<16xf32>,
      tpu.vector_store %arg6[%swap3A_961], %get3A_960 {strides = array<i32>} : memref<32xf32, #tpu.memory_space<vmem>>, vector<16xf32>,
      %get3A_963 = arith.constant 2224 : index
      %get3A_964 = tpu.vector_load %arg4[%get3A_963] {strides = array<i32>} : memref<4096xf32, #tpu.memory_space<vmem>>, vector<16xf32>,
      %swap3A_965 = arith.constant 16 : index
      %swap3A_966 = tpu.vector_load %arg6[%swap3A_965] {strides = array<i32>} : memref<32xf32, #tpu.memory_space<vmem>>, vector<16xf32>,
      tpu.vector_store %arg6[%swap3A_965], %get3A_964 {strides = array<i32>} : memref<32xf32, #tpu.memory_space<vmem>>, vector<16xf32>,
      %gather3A_967 = tpu.vector_load_idx %arg6[%add3A_8] : memref<32xf32, #tpu.memory_space<vmem>>[vector<16xi32>], vector<16xf32>,
      %swap3A_968 = arith.constant 2144 : index
      %swap3A_969 = tpu.vector_load %arg5[%swap3A_968] {strides = array<i32>} : memref<4096xf32, #tpu.memory_space<vmem>>, vector<16xf32>,
      tpu.vector_store %arg5[%swap3A_968], %gather3A_967 {strides = array<i32>} : memref<4096xf32, #tpu.memory_space<vmem>>, vector<16xf32>,
      %gather3A_970 = tpu.vector_load_idx %arg6[%add3A_11] : memref<32xf32, #tpu.memory_space<vmem>>[vector<16xi32>], vector<16xf32>,
      %swap3A_971 = arith.constant 2160 : index
      %swap3A_972 = tpu.vector_load %arg5[%swap3A_971] {strides = array<i32>} : memref<4096xf32, #tpu.memory_space<vmem>>, vector<16xf32>,
      tpu.vector_store %arg5[%swap3A_971], %gather3A_970 {strides = array<i32>} : memref<4096xf32, #tpu.memory_space<vmem>>, vector<16xf32>,
      %get3A_973 = arith.constant 2112 : index
      %get3A_974 = tpu.vector_load %arg4[%get3A_973] {strides = array<i32>} : memref<4096xf32, #tpu.memory_space<vmem>>, vector<16xf32>,
      %swap3A_975 = arith.constant 0 : index
      %swap3A_976 = tpu.vector_load %arg6[%swap3A_975] {strides = array<i32>} : memref<32xf32, #tpu.memory_space<vmem>>, vector<16xf32>,
      tpu.vector_store %arg6[%swap3A_975], %get3A_974 {strides = array<i32>} : memref<32xf32, #tpu.memory_space<vmem>>, vector<16xf32>,
      %get3A_977 = arith.constant 2240 : index
      %get3A_978 = tpu.vector_load %arg4[%get3A_977] {strides = array<i32>} : memref<4096xf32, #tpu.memory_space<vmem>>, vector<16xf32>,
      %swap3A_979 = arith.constant 16 : index
      %swap3A_980 = tpu.vector_load %arg6[%swap3A_979] {strides = array<i32>} : memref<32xf32, #tpu.memory_space<vmem>>, vector<16xf32>,
      tpu.vector_store %arg6[%swap3A_979], %get3A_978 {strides = array<i32>} : memref<32xf32, #tpu.memory_space<vmem>>, vector<16xf32>,
      %gather3A_981 = tpu.vector_load_idx %arg6[%add3A_8] : memref<32xf32, #tpu.memory_space<vmem>>[vector<16xi32>], vector<16xf32>,
      %swap3A_982 = arith.constant 2176 : index
      %swap3A_983 = tpu.vector_load %arg5[%swap3A_982] {strides = array<i32>} : memref<4096xf32, #tpu.memory_space<vmem>>, vector<16xf32>,
      tpu.vector_store %arg5[%swap3A_982], %gather3A_981 {strides = array<i32>} : memref<4096xf32, #tpu.memory_space<vmem>>, vector<16xf32>,
      %gather3A_984 = tpu.vector_load_idx %arg6[%add3A_11] : memref<32xf32, #tpu.memory_space<vmem>>[vector<16xi32>], vector<16xf32>,
      %swap3A_985 = arith.constant 2192 : index
      %swap3A_986 = tpu.vector_load %arg5[%swap3A_985] {strides = array<i32>} : memref<4096xf32, #tpu.memory_space<vmem>>, vector<16xf32>,
      tpu.vector_store %arg5[%swap3A_985], %gather3A_984 {strides = array<i32>} : memref<4096xf32, #tpu.memory_space<vmem>>, vector<16xf32>,
      %get3A_987 = arith.constant 2128 : index
      %get3A_988 = tpu.vector_load %arg4[%get3A_987] {strides = array<i32>} : memref<4096xf32, #tpu.memory_space<vmem>>, vector<16xf32>,
      %swap3A_989 = arith.constant 0 : index
      %swap3A_990 = tpu.vector_load %arg6[%swap3A_989] {strides = array<i32>} : memref<32xf32, #tpu.memory_space<vmem>>, vector<16xf32>,
      tpu.vector_store %arg6[%swap3A_989], %get3A_988 {strides = array<i32>} : memref<32xf32, #tpu.memory_space<vmem>>, vector<16xf32>,
      %get3A_991 = arith.constant 2256 : index
      %get3A_992 = tpu.vector_load %arg4[%get3A_991] {strides = array<i32>} : memref<4096xf32, #tpu.memory_space<vmem>>, vector<16xf32>,
      %swap3A_993 = arith.constant 16 : index
      %swap3A_994 = tpu.vector_load %arg6[%swap3A_993] {strides = array<i32>} : memref<32xf32, #tpu.memory_space<vmem>>, vector<16xf32>,
      tpu.vector_store %arg6[%swap3A_993], %get3A_992 {strides = array<i32>} : memref<32xf32, #tpu.memory_space<vmem>>, vector<16xf32>,
      %gather3A_995 = tpu.vector_load_idx %arg6[%add3A_8] : memref<32xf32, #tpu.memory_space<vmem>>[vector<16xi32>], vector<16xf32>,
      %swap3A_996 = arith.constant 2208 : index
      %swap3A_997 = tpu.vector_load %arg5[%swap3A_996] {strides = array<i32>} : memref<4096xf32, #tpu.memory_space<vmem>>, vector<16xf32>,
      tpu.vector_store %arg5[%swap3A_996], %gather3A_995 {strides = array<i32>} : memref<4096xf32, #tpu.memory_space<vmem>>, vector<16xf32>,
      %gather3A_998 = tpu.vector_load_idx %arg6[%add3A_11] : memref<32xf32, #tpu.memory_space<vmem>>[vector<16xi32>], vector<16xf32>,
      %swap3A_999 = arith.constant 2224 : index
      %swap3A_1000 = tpu.vector_load %arg5[%swap3A_999] {strides = array<i32>} : memref<4096xf32, #tpu.memory_space<vmem>>, vector<16xf32>,
      tpu.vector_store %arg5[%swap3A_999], %gather3A_998 {strides = array<i32>} : memref<4096xf32, #tpu.memory_space<vmem>>, vector<16xf32>,
      %get3A_1001 = arith.constant 2144 : index
      %get3A_1002 = tpu.vector_load %arg4[%get3A_1001] {strides = array<i32>} : memref<4096xf32, #tpu.memory_space<vmem>>, vector<16xf32>,
      %swap3A_1003 = arith.constant 0 : index
      %swap3A_1004 = tpu.vector_load %arg6[%swap3A_1003] {strides = array<i32>} : memref<32xf32, #tpu.memory_space<vmem>>, vector<16xf32>,
      tpu.vector_store %arg6[%swap3A_1003], %get3A_1002 {strides = array<i32>} : memref<32xf32, #tpu.memory_space<vmem>>, vector<16xf32>,
      %get3A_1005 = arith.constant 2272 : index
      %get3A_1006 = tpu.vector_load %arg4[%get3A_1005] {strides = array<i32>} : memref<4096xf32, #tpu.memory_space<vmem>>, vector<16xf32>,
      %swap3A_1007 = arith.constant 16 : index
      %swap3A_1008 = tpu.vector_load %arg6[%swap3A_1007] {strides = array<i32>} : memref<32xf32, #tpu.memory_space<vmem>>, vector<16xf32>,
      tpu.vector_store %arg6[%swap3A_1007], %get3A_1006 {strides = array<i32>} : memref<32xf32, #tpu.memory_space<vmem>>, vector<16xf32>,
      %gather3A_1009 = tpu.vector_load_idx %arg6[%add3A_8] : memref<32xf32, #tpu.memory_space<vmem>>[vector<16xi32>], vector<16xf32>,
      %swap3A_1010 = arith.constant 2240 : index
      %swap3A_1011 = tpu.vector_load %arg5[%swap3A_1010] {strides = array<i32>} : memref<4096xf32, #tpu.memory_space<vmem>>, vector<16xf32>,
      tpu.vector_store %arg5[%swap3A_1010], %gather3A_1009 {strides = array<i32>} : memref<4096xf32, #tpu.memory_space<vmem>>, vector<16xf32>,
      %gather3A_1012 = tpu.vector_load_idx %arg6[%add3A_11] : memref<32xf32, #tpu.memory_space<vmem>>[vector<16xi32>], vector<16xf32>,
      %swap3A_1013 = arith.constant 2256 : index
      %swap3A_1014 = tpu.vector_load %arg5[%swap3A_1013] {strides = array<i32>} : memref<4096xf32, #tpu.memory_space<vmem>>, vector<16xf32>,
      tpu.vector_store %arg5[%swap3A_1013], %gather3A_1012 {strides = array<i32>} : memref<4096xf32, #tpu.memory_space<vmem>>, vector<16xf32>,
      %get3A_1015 = arith.constant 2160 : index
      %get3A_1016 = tpu.vector_load %arg4[%get3A_1015] {strides = array<i32>} : memref<4096xf32, #tpu.memory_space<vmem>>, vector<16xf32>,
      %swap3A_1017 = arith.constant 0 : index
      %swap3A_1018 = tpu.vector_load %arg6[%swap3A_1017] {strides = array<i32>} : memref<32xf32, #tpu.memory_space<vmem>>, vector<16xf32>,
      tpu.vector_store %arg6[%swap3A_1017], %get3A_1016 {strides = array<i32>} : memref<32xf32, #tpu.memory_space<vmem>>, vector<16xf32>,
      %get3A_1019 = arith.constant 2288 : index
      %get3A_1020 = tpu.vector_load %arg4[%get3A_1019] {strides = array<i32>} : memref<4096xf32, #tpu.memory_space<vmem>>, vector<16xf32>,
      %swap3A_1021 = arith.constant 16 : index
      %swap3A_1022 = tpu.vector_load %arg6[%swap3A_1021] {strides = array<i32>} : memref<32xf32, #tpu.memory_space<vmem>>, vector<16xf32>,
      tpu.vector_store %arg6[%swap3A_1021], %get3A_1020 {strides = array<i32>} : memref<32xf32, #tpu.memory_space<vmem>>, vector<16xf32>,
      %gather3A_1023 = tpu.vector_load_idx %arg6[%add3A_8] : memref<32xf32, #tpu.memory_space<vmem>>[vector<16xi32>], vector<16xf32>,
      %swap3A_1024 = arith.constant 2272 : index
      %swap3A_1025 = tpu.vector_load %arg5[%swap3A_1024] {strides = array<i32>} : memref<4096xf32, #tpu.memory_space<vmem>>, vector<16xf32>,
      tpu.vector_store %arg5[%swap3A_1024], %gather3A_1023 {strides = array<i32>} : memref<4096xf32, #tpu.memory_space<vmem>>, vector<16xf32>,
      %gather3A_1026 = tpu.vector_load_idx %arg6[%add3A_11] : memref<32xf32, #tpu.memory_space<vmem>>[vector<16xi32>], vector<16xf32>,
      %swap3A_1027 = arith.constant 2288 : index
      %swap3A_1028 = tpu.vector_load %arg5[%swap3A_1027] {strides = array<i32>} : memref<4096xf32, #tpu.memory_space<vmem>>, vector<16xf32>,
      tpu.vector_store %arg5[%swap3A_1027], %gather3A_1026 {strides = array<i32>} : memref<4096xf32, #tpu.memory_space<vmem>>, vector<16xf32>,
      %get3A_1029 = arith.constant 2304 : index
      %get3A_1030 = tpu.vector_load %arg4[%get3A_1029] {strides = array<i32>} : memref<4096xf32, #tpu.memory_space<vmem>>, vector<16xf32>,
      %swap3A_1031 = arith.constant 0 : index
      %swap3A_1032 = tpu.vector_load %arg6[%swap3A_1031] {strides = array<i32>} : memref<32xf32, #tpu.memory_space<vmem>>, vector<16xf32>,
      tpu.vector_store %arg6[%swap3A_1031], %get3A_1030 {strides = array<i32>} : memref<32xf32, #tpu.memory_space<vmem>>, vector<16xf32>,
      %get3A_1033 = arith.constant 2432 : index
      %get3A_1034 = tpu.vector_load %arg4[%get3A_1033] {strides = array<i32>} : memref<4096xf32, #tpu.memory_space<vmem>>, vector<16xf32>,
      %swap3A_1035 = arith.constant 16 : index
      %swap3A_1036 = tpu.vector_load %arg6[%swap3A_1035] {strides = array<i32>} : memref<32xf32, #tpu.memory_space<vmem>>, vector<16xf32>,
      tpu.vector_store %arg6[%swap3A_1035], %get3A_1034 {strides = array<i32>} : memref<32xf32, #tpu.memory_space<vmem>>, vector<16xf32>,
      %gather3A_1037 = tpu.vector_load_idx %arg6[%add3A_8] : memref<32xf32, #tpu.memory_space<vmem>>[vector<16xi32>], vector<16xf32>,
      %swap3A_1038 = arith.constant 2304 : index
      %swap3A_1039 = tpu.vector_load %arg5[%swap3A_1038] {strides = array<i32>} : memref<4096xf32, #tpu.memory_space<vmem>>, vector<16xf32>,
      tpu.vector_store %arg5[%swap3A_1038], %gather3A_1037 {strides = array<i32>} : memref<4096xf32, #tpu.memory_space<vmem>>, vector<16xf32>,
      %gather3A_1040 = tpu.vector_load_idx %arg6[%add3A_11] : memref<32xf32, #tpu.memory_space<vmem>>[vector<16xi32>], vector<16xf32>,
      %swap3A_1041 = arith.constant 2320 : index
      %swap3A_1042 = tpu.vector_load %arg5[%swap3A_1041] {strides = array<i32>} : memref<4096xf32, #tpu.memory_space<vmem>>, vector<16xf32>,
      tpu.vector_store %arg5[%swap3A_1041], %gather3A_1040 {strides = array<i32>} : memref<4096xf32, #tpu.memory_space<vmem>>, vector<16xf32>,
      %get3A_1043 = arith.constant 2320 : index
      %get3A_1044 = tpu.vector_load %arg4[%get3A_1043] {strides = array<i32>} : memref<4096xf32, #tpu.memory_space<vmem>>, vector<16xf32>,
      %swap3A_1045 = arith.constant 0 : index
      %swap3A_1046 = tpu.vector_load %arg6[%swap3A_1045] {strides = array<i32>} : memref<32xf32, #tpu.memory_space<vmem>>, vector<16xf32>,
      tpu.vector_store %arg6[%swap3A_1045], %get3A_1044 {strides = array<i32>} : memref<32xf32, #tpu.memory_space<vmem>>, vector<16xf32>,
      %get3A_1047 = arith.constant 2448 : index
      %get3A_1048 = tpu.vector_load %arg4[%get3A_1047] {strides = array<i32>} : memref<4096xf32, #tpu.memory_space<vmem>>, vector<16xf32>,
      %swap3A_1049 = arith.constant 16 : index
      %swap3A_1050 = tpu.vector_load %arg6[%swap3A_1049] {strides = array<i32>} : memref<32xf32, #tpu.memory_space<vmem>>, vector<16xf32>,
      tpu.vector_store %arg6[%swap3A_1049], %get3A_1048 {strides = array<i32>} : memref<32xf32, #tpu.memory_space<vmem>>, vector<16xf32>,
      %gather3A_1051 = tpu.vector_load_idx %arg6[%add3A_8] : memref<32xf32, #tpu.memory_space<vmem>>[vector<16xi32>], vector<16xf32>,
      %swap3A_1052 = arith.constant 2336 : index
      %swap3A_1053 = tpu.vector_load %arg5[%swap3A_1052] {strides = array<i32>} : memref<4096xf32, #tpu.memory_space<vmem>>, vector<16xf32>,
      tpu.vector_store %arg5[%swap3A_1052], %gather3A_1051 {strides = array<i32>} : memref<4096xf32, #tpu.memory_space<vmem>>, vector<16xf32>,
      %gather3A_1054 = tpu.vector_load_idx %arg6[%add3A_11] : memref<32xf32, #tpu.memory_space<vmem>>[vector<16xi32>], vector<16xf32>,
      %swap3A_1055 = arith.constant 2352 : index
      %swap3A_1056 = tpu.vector_load %arg5[%swap3A_1055] {strides = array<i32>} : memref<4096xf32, #tpu.memory_space<vmem>>, vector<16xf32>,
      tpu.vector_store %arg5[%swap3A_1055], %gather3A_1054 {strides = array<i32>} : memref<4096xf32, #tpu.memory_space<vmem>>, vector<16xf32>,
      %get3A_1057 = arith.constant 2336 : index
      %get3A_1058 = tpu.vector_load %arg4[%get3A_1057] {strides = array<i32>} : memref<4096xf32, #tpu.memory_space<vmem>>, vector<16xf32>,
      %swap3A_1059 = arith.constant 0 : index
      %swap3A_1060 = tpu.vector_load %arg6[%swap3A_1059] {strides = array<i32>} : memref<32xf32, #tpu.memory_space<vmem>>, vector<16xf32>,
      tpu.vector_store %arg6[%swap3A_1059], %get3A_1058 {strides = array<i32>} : memref<32xf32, #tpu.memory_space<vmem>>, vector<16xf32>,
      %get3A_1061 = arith.constant 2464 : index
      %get3A_1062 = tpu.vector_load %arg4[%get3A_1061] {strides = array<i32>} : memref<4096xf32, #tpu.memory_space<vmem>>, vector<16xf32>,
      %swap3A_1063 = arith.constant 16 : index
      %swap3A_1064 = tpu.vector_load %arg6[%swap3A_1063] {strides = array<i32>} : memref<32xf32, #tpu.memory_space<vmem>>, vector<16xf32>,
      tpu.vector_store %arg6[%swap3A_1063], %get3A_1062 {strides = array<i32>} : memref<32xf32, #tpu.memory_space<vmem>>, vector<16xf32>,
      %gather3A_1065 = tpu.vector_load_idx %arg6[%add3A_8] : memref<32xf32, #tpu.memory_space<vmem>>[vector<16xi32>], vector<16xf32>,
      %swap3A_1066 = arith.constant 2368 : index
      %swap3A_1067 = tpu.vector_load %arg5[%swap3A_1066] {strides = array<i32>} : memref<4096xf32, #tpu.memory_space<vmem>>, vector<16xf32>,
      tpu.vector_store %arg5[%swap3A_1066], %gather3A_1065 {strides = array<i32>} : memref<4096xf32, #tpu.memory_space<vmem>>, vector<16xf32>,
      %gather3A_1068 = tpu.vector_load_idx %arg6[%add3A_11] : memref<32xf32, #tpu.memory_space<vmem>>[vector<16xi32>], vector<16xf32>,
      %swap3A_1069 = arith.constant 2384 : index
      %swap3A_1070 = tpu.vector_load %arg5[%swap3A_1069] {strides = array<i32>} : memref<4096xf32, #tpu.memory_space<vmem>>, vector<16xf32>,
      tpu.vector_store %arg5[%swap3A_1069], %gather3A_1068 {strides = array<i32>} : memref<4096xf32, #tpu.memory_space<vmem>>, vector<16xf32>,
      %get3A_1071 = arith.constant 2352 : index
      %get3A_1072 = tpu.vector_load %arg4[%get3A_1071] {strides = array<i32>} : memref<4096xf32, #tpu.memory_space<vmem>>, vector<16xf32>,
      %swap3A_1073 = arith.constant 0 : index
      %swap3A_1074 = tpu.vector_load %arg6[%swap3A_1073] {strides = array<i32>} : memref<32xf32, #tpu.memory_space<vmem>>, vector<16xf32>,
      tpu.vector_store %arg6[%swap3A_1073], %get3A_1072 {strides = array<i32>} : memref<32xf32, #tpu.memory_space<vmem>>, vector<16xf32>,
      %get3A_1075 = arith.constant 2480 : index
      %get3A_1076 = tpu.vector_load %arg4[%get3A_1075] {strides = array<i32>} : memref<4096xf32, #tpu.memory_space<vmem>>, vector<16xf32>,
      %swap3A_1077 = arith.constant 16 : index
      %swap3A_1078 = tpu.vector_load %arg6[%swap3A_1077] {strides = array<i32>} : memref<32xf32, #tpu.memory_space<vmem>>, vector<16xf32>,
      tpu.vector_store %arg6[%swap3A_1077], %get3A_1076 {strides = array<i32>} : memref<32xf32, #tpu.memory_space<vmem>>, vector<16xf32>,
      %gather3A_1079 = tpu.vector_load_idx %arg6[%add3A_8] : memref<32xf32, #tpu.memory_space<vmem>>[vector<16xi32>], vector<16xf32>,
      %swap3A_1080 = arith.constant 2400 : index
      %swap3A_1081 = tpu.vector_load %arg5[%swap3A_1080] {strides = array<i32>} : memref<4096xf32, #tpu.memory_space<vmem>>, vector<16xf32>,
      tpu.vector_store %arg5[%swap3A_1080], %gather3A_1079 {strides = array<i32>} : memref<4096xf32, #tpu.memory_space<vmem>>, vector<16xf32>,
      %gather3A_1082 = tpu.vector_load_idx %arg6[%add3A_11] : memref<32xf32, #tpu.memory_space<vmem>>[vector<16xi32>], vector<16xf32>,
      %swap3A_1083 = arith.constant 2416 : index
      %swap3A_1084 = tpu.vector_load %arg5[%swap3A_1083] {strides = array<i32>} : memref<4096xf32, #tpu.memory_space<vmem>>, vector<16xf32>,
      tpu.vector_store %arg5[%swap3A_1083], %gather3A_1082 {strides = array<i32>} : memref<4096xf32, #tpu.memory_space<vmem>>, vector<16xf32>,
      %get3A_1085 = arith.constant 2368 : index
      %get3A_1086 = tpu.vector_load %arg4[%get3A_1085] {strides = array<i32>} : memref<4096xf32, #tpu.memory_space<vmem>>, vector<16xf32>,
      %swap3A_1087 = arith.constant 0 : index
      %swap3A_1088 = tpu.vector_load %arg6[%swap3A_1087] {strides = array<i32>} : memref<32xf32, #tpu.memory_space<vmem>>, vector<16xf32>,
      tpu.vector_store %arg6[%swap3A_1087], %get3A_1086 {strides = array<i32>} : memref<32xf32, #tpu.memory_space<vmem>>, vector<16xf32>,
      %get3A_1089 = arith.constant 2496 : index
      %get3A_1090 = tpu.vector_load %arg4[%get3A_1089] {strides = array<i32>} : memref<4096xf32, #tpu.memory_space<vmem>>, vector<16xf32>,
      %swap3A_1091 = arith.constant 16 : index
      %swap3A_1092 = tpu.vector_load %arg6[%swap3A_1091] {strides = array<i32>} : memref<32xf32, #tpu.memory_space<vmem>>, vector<16xf32>,
      tpu.vector_store %arg6[%swap3A_1091], %get3A_1090 {strides = array<i32>} : memref<32xf32, #tpu.memory_space<vmem>>, vector<16xf32>,
      %gather3A_1093 = tpu.vector_load_idx %arg6[%add3A_8] : memref<32xf32, #tpu.memory_space<vmem>>[vector<16xi32>], vector<16xf32>,
      %swap3A_1094 = arith.constant 2432 : index
      %swap3A_1095 = tpu.vector_load %arg5[%swap3A_1094] {strides = array<i32>} : memref<4096xf32, #tpu.memory_space<vmem>>, vector<16xf32>,
      tpu.vector_store %arg5[%swap3A_1094], %gather3A_1093 {strides = array<i32>} : memref<4096xf32, #tpu.memory_space<vmem>>, vector<16xf32>,
      %gather3A_1096 = tpu.vector_load_idx %arg6[%add3A_11] : memref<32xf32, #tpu.memory_space<vmem>>[vector<16xi32>], vector<16xf32>,
      %swap3A_1097 = arith.constant 2448 : index
      %swap3A_1098 = tpu.vector_load %arg5[%swap3A_1097] {strides = array<i32>} : memref<4096xf32, #tpu.memory_space<vmem>>, vector<16xf32>,
      tpu.vector_store %arg5[%swap3A_1097], %gather3A_1096 {strides = array<i32>} : memref<4096xf32, #tpu.memory_space<vmem>>, vector<16xf32>,
      %get3A_1099 = arith.constant 2384 : index
      %get3A_1100 = tpu.vector_load %arg4[%get3A_1099] {strides = array<i32>} : memref<4096xf32, #tpu.memory_space<vmem>>, vector<16xf32>,
      %swap3A_1101 = arith.constant 0 : index
      %swap3A_1102 = tpu.vector_load %arg6[%swap3A_1101] {strides = array<i32>} : memref<32xf32, #tpu.memory_space<vmem>>, vector<16xf32>,
      tpu.vector_store %arg6[%swap3A_1101], %get3A_1100 {strides = array<i32>} : memref<32xf32, #tpu.memory_space<vmem>>, vector<16xf32>,
      %get3A_1103 = arith.constant 2512 : index
      %get3A_1104 = tpu.vector_load %arg4[%get3A_1103] {strides = array<i32>} : memref<4096xf32, #tpu.memory_space<vmem>>, vector<16xf32>,
      %swap3A_1105 = arith.constant 16 : index
      %swap3A_1106 = tpu.vector_load %arg6[%swap3A_1105] {strides = array<i32>} : memref<32xf32, #tpu.memory_space<vmem>>, vector<16xf32>,
      tpu.vector_store %arg6[%swap3A_1105], %get3A_1104 {strides = array<i32>} : memref<32xf32, #tpu.memory_space<vmem>>, vector<16xf32>,
      %gather3A_1107 = tpu.vector_load_idx %arg6[%add3A_8] : memref<32xf32, #tpu.memory_space<vmem>>[vector<16xi32>], vector<16xf32>,
      %swap3A_1108 = arith.constant 2464 : index
      %swap3A_1109 = tpu.vector_load %arg5[%swap3A_1108] {strides = array<i32>} : memref<4096xf32, #tpu.memory_space<vmem>>, vector<16xf32>,
      tpu.vector_store %arg5[%swap3A_1108], %gather3A_1107 {strides = array<i32>} : memref<4096xf32, #tpu.memory_space<vmem>>, vector<16xf32>,
      %gather3A_1110 = tpu.vector_load_idx %arg6[%add3A_11] : memref<32xf32, #tpu.memory_space<vmem>>[vector<16xi32>], vector<16xf32>,
      %swap3A_1111 = arith.constant 2480 : index
      %swap3A_1112 = tpu.vector_load %arg5[%swap3A_1111] {strides = array<i32>} : memref<4096xf32, #tpu.memory_space<vmem>>, vector<16xf32>,
      tpu.vector_store %arg5[%swap3A_1111], %gather3A_1110 {strides = array<i32>} : memref<4096xf32, #tpu.memory_space<vmem>>, vector<16xf32>,
      %get3A_1113 = arith.constant 2400 : index
      %get3A_1114 = tpu.vector_load %arg4[%get3A_1113] {strides = array<i32>} : memref<4096xf32, #tpu.memory_space<vmem>>, vector<16xf32>,
      %swap3A_1115 = arith.constant 0 : index
      %swap3A_1116 = tpu.vector_load %arg6[%swap3A_1115] {strides = array<i32>} : memref<32xf32, #tpu.memory_space<vmem>>, vector<16xf32>,
      tpu.vector_store %arg6[%swap3A_1115], %get3A_1114 {strides = array<i32>} : memref<32xf32, #tpu.memory_space<vmem>>, vector<16xf32>,
      %get3A_1117 = arith.constant 2528 : index
      %get3A_1118 = tpu.vector_load %arg4[%get3A_1117] {strides = array<i32>} : memref<4096xf32, #tpu.memory_space<vmem>>, vector<16xf32>,
      %swap3A_1119 = arith.constant 16 : index
      %swap3A_1120 = tpu.vector_load %arg6[%swap3A_1119] {strides = array<i32>} : memref<32xf32, #tpu.memory_space<vmem>>, vector<16xf32>,
      tpu.vector_store %arg6[%swap3A_1119], %get3A_1118 {strides = array<i32>} : memref<32xf32, #tpu.memory_space<vmem>>, vector<16xf32>,
      %gather3A_1121 = tpu.vector_load_idx %arg6[%add3A_8] : memref<32xf32, #tpu.memory_space<vmem>>[vector<16xi32>], vector<16xf32>,
      %swap3A_1122 = arith.constant 2496 : index
      %swap3A_1123 = tpu.vector_load %arg5[%swap3A_1122] {strides = array<i32>} : memref<4096xf32, #tpu.memory_space<vmem>>, vector<16xf32>,
      tpu.vector_store %arg5[%swap3A_1122], %gather3A_1121 {strides = array<i32>} : memref<4096xf32, #tpu.memory_space<vmem>>, vector<16xf32>,
      %gather3A_1124 = tpu.vector_load_idx %arg6[%add3A_11] : memref<32xf32, #tpu.memory_space<vmem>>[vector<16xi32>], vector<16xf32>,
      %swap3A_1125 = arith.constant 2512 : index
      %swap3A_1126 = tpu.vector_load %arg5[%swap3A_1125] {strides = array<i32>} : memref<4096xf32, #tpu.memory_space<vmem>>, vector<16xf32>,
      tpu.vector_store %arg5[%swap3A_1125], %gather3A_1124 {strides = array<i32>} : memref<4096xf32, #tpu.memory_space<vmem>>, vector<16xf32>,
      %get3A_1127 = arith.constant 2416 : index
      %get3A_1128 = tpu.vector_load %arg4[%get3A_1127] {strides = array<i32>} : memref<4096xf32, #tpu.memory_space<vmem>>, vector<16xf32>,
      %swap3A_1129 = arith.constant 0 : index
      %swap3A_1130 = tpu.vector_load %arg6[%swap3A_1129] {strides = array<i32>} : memref<32xf32, #tpu.memory_space<vmem>>, vector<16xf32>,
      tpu.vector_store %arg6[%swap3A_1129], %get3A_1128 {strides = array<i32>} : memref<32xf32, #tpu.memory_space<vmem>>, vector<16xf32>,
      %get3A_1131 = arith.constant 2544 : index
      %get3A_1132 = tpu.vector_load %arg4[%get3A_1131] {strides = array<i32>} : memref<4096xf32, #tpu.memory_space<vmem>>, vector<16xf32>,
      %swap3A_1133 = arith.constant 16 : index
      %swap3A_1134 = tpu.vector_load %arg6[%swap3A_1133] {strides = array<i32>} : memref<32xf32, #tpu.memory_space<vmem>>, vector<16xf32>,
      tpu.vector_store %arg6[%swap3A_1133], %get3A_1132 {strides = array<i32>} : memref<32xf32, #tpu.memory_space<vmem>>, vector<16xf32>,
      %gather3A_1135 = tpu.vector_load_idx %arg6[%add3A_8] : memref<32xf32, #tpu.memory_space<vmem>>[vector<16xi32>], vector<16xf32>,
      %swap3A_1136 = arith.constant 2528 : index
      %swap3A_1137 = tpu.vector_load %arg5[%swap3A_1136] {strides = array<i32>} : memref<4096xf32, #tpu.memory_space<vmem>>, vector<16xf32>,
      tpu.vector_store %arg5[%swap3A_1136], %gather3A_1135 {strides = array<i32>} : memref<4096xf32, #tpu.memory_space<vmem>>, vector<16xf32>,
      %gather3A_1138 = tpu.vector_load_idx %arg6[%add3A_11] : memref<32xf32, #tpu.memory_space<vmem>>[vector<16xi32>], vector<16xf32>,
      %swap3A_1139 = arith.constant 2544 : index
      %swap3A_1140 = tpu.vector_load %arg5[%swap3A_1139] {strides = array<i32>} : memref<4096xf32, #tpu.memory_space<vmem>>, vector<16xf32>,
      tpu.vector_store %arg5[%swap3A_1139], %gather3A_1138 {strides = array<i32>} : memref<4096xf32, #tpu.memory_space<vmem>>, vector<16xf32>,
      %get3A_1141 = arith.constant 2560 : index
      %get3A_1142 = tpu.vector_load %arg4[%get3A_1141] {strides = array<i32>} : memref<4096xf32, #tpu.memory_space<vmem>>, vector<16xf32>,
      %swap3A_1143 = arith.constant 0 : index
      %swap3A_1144 = tpu.vector_load %arg6[%swap3A_1143] {strides = array<i32>} : memref<32xf32, #tpu.memory_space<vmem>>, vector<16xf32>,
      tpu.vector_store %arg6[%swap3A_1143], %get3A_1142 {strides = array<i32>} : memref<32xf32, #tpu.memory_space<vmem>>, vector<16xf32>,
      %get3A_1145 = arith.constant 2688 : index
      %get3A_1146 = tpu.vector_load %arg4[%get3A_1145] {strides = array<i32>} : memref<4096xf32, #tpu.memory_space<vmem>>, vector<16xf32>,
      %swap3A_1147 = arith.constant 16 : index
      %swap3A_1148 = tpu.vector_load %arg6[%swap3A_1147] {strides = array<i32>} : memref<32xf32, #tpu.memory_space<vmem>>, vector<16xf32>,
      tpu.vector_store %arg6[%swap3A_1147], %get3A_1146 {strides = array<i32>} : memref<32xf32, #tpu.memory_space<vmem>>, vector<16xf32>,
      %gather3A_1149 = tpu.vector_load_idx %arg6[%add3A_8] : memref<32xf32, #tpu.memory_space<vmem>>[vector<16xi32>], vector<16xf32>,
      %swap3A_1150 = arith.constant 2560 : index
      %swap3A_1151 = tpu.vector_load %arg5[%swap3A_1150] {strides = array<i32>} : memref<4096xf32, #tpu.memory_space<vmem>>, vector<16xf32>,
      tpu.vector_store %arg5[%swap3A_1150], %gather3A_1149 {strides = array<i32>} : memref<4096xf32, #tpu.memory_space<vmem>>, vector<16xf32>,
      %gather3A_1152 = tpu.vector_load_idx %arg6[%add3A_11] : memref<32xf32, #tpu.memory_space<vmem>>[vector<16xi32>], vector<16xf32>,
      %swap3A_1153 = arith.constant 2576 : index
      %swap3A_1154 = tpu.vector_load %arg5[%swap3A_1153] {strides = array<i32>} : memref<4096xf32, #tpu.memory_space<vmem>>, vector<16xf32>,
      tpu.vector_store %arg5[%swap3A_1153], %gather3A_1152 {strides = array<i32>} : memref<4096xf32, #tpu.memory_space<vmem>>, vector<16xf32>,
      %get3A_1155 = arith.constant 2576 : index
      %get3A_1156 = tpu.vector_load %arg4[%get3A_1155] {strides = array<i32>} : memref<4096xf32, #tpu.memory_space<vmem>>, vector<16xf32>,
      %swap3A_1157 = arith.constant 0 : index
      %swap3A_1158 = tpu.vector_load %arg6[%swap3A_1157] {strides = array<i32>} : memref<32xf32, #tpu.memory_space<vmem>>, vector<16xf32>,
      tpu.vector_store %arg6[%swap3A_1157], %get3A_1156 {strides = array<i32>} : memref<32xf32, #tpu.memory_space<vmem>>, vector<16xf32>,
      %get3A_1159 = arith.constant 2704 : index
      %get3A_1160 = tpu.vector_load %arg4[%get3A_1159] {strides = array<i32>} : memref<4096xf32, #tpu.memory_space<vmem>>, vector<16xf32>,
      %swap3A_1161 = arith.constant 16 : index
      %swap3A_1162 = tpu.vector_load %arg6[%swap3A_1161] {strides = array<i32>} : memref<32xf32, #tpu.memory_space<vmem>>, vector<16xf32>,
      tpu.vector_store %arg6[%swap3A_1161], %get3A_1160 {strides = array<i32>} : memref<32xf32, #tpu.memory_space<vmem>>, vector<16xf32>,
      %gather3A_1163 = tpu.vector_load_idx %arg6[%add3A_8] : memref<32xf32, #tpu.memory_space<vmem>>[vector<16xi32>], vector<16xf32>,
      %swap3A_1164 = arith.constant 2592 : index
      %swap3A_1165 = tpu.vector_load %arg5[%swap3A_1164] {strides = array<i32>} : memref<4096xf32, #tpu.memory_space<vmem>>, vector<16xf32>,
      tpu.vector_store %arg5[%swap3A_1164], %gather3A_1163 {strides = array<i32>} : memref<4096xf32, #tpu.memory_space<vmem>>, vector<16xf32>,
      %gather3A_1166 = tpu.vector_load_idx %arg6[%add3A_11] : memref<32xf32, #tpu.memory_space<vmem>>[vector<16xi32>], vector<16xf32>,
      %swap3A_1167 = arith.constant 2608 : index
      %swap3A_1168 = tpu.vector_load %arg5[%swap3A_1167] {strides = array<i32>} : memref<4096xf32, #tpu.memory_space<vmem>>, vector<16xf32>,
      tpu.vector_store %arg5[%swap3A_1167], %gather3A_1166 {strides = array<i32>} : memref<4096xf32, #tpu.memory_space<vmem>>, vector<16xf32>,
      %get3A_1169 = arith.constant 2592 : index
      %get3A_1170 = tpu.vector_load %arg4[%get3A_1169] {strides = array<i32>} : memref<4096xf32, #tpu.memory_space<vmem>>, vector<16xf32>,
      %swap3A_1171 = arith.constant 0 : index
      %swap3A_1172 = tpu.vector_load %arg6[%swap3A_1171] {strides = array<i32>} : memref<32xf32, #tpu.memory_space<vmem>>, vector<16xf32>,
      tpu.vector_store %arg6[%swap3A_1171], %get3A_1170 {strides = array<i32>} : memref<32xf32, #tpu.memory_space<vmem>>, vector<16xf32>,
      %get3A_1173 = arith.constant 2720 : index
      %get3A_1174 = tpu.vector_load %arg4[%get3A_1173] {strides = array<i32>} : memref<4096xf32, #tpu.memory_space<vmem>>, vector<16xf32>,
      %swap3A_1175 = arith.constant 16 : index
      %swap3A_1176 = tpu.vector_load %arg6[%swap3A_1175] {strides = array<i32>} : memref<32xf32, #tpu.memory_space<vmem>>, vector<16xf32>,
      tpu.vector_store %arg6[%swap3A_1175], %get3A_1174 {strides = array<i32>} : memref<32xf32, #tpu.memory_space<vmem>>, vector<16xf32>,
      %gather3A_1177 = tpu.vector_load_idx %arg6[%add3A_8] : memref<32xf32, #tpu.memory_space<vmem>>[vector<16xi32>], vector<16xf32>,
      %swap3A_1178 = arith.constant 2624 : index
      %swap3A_1179 = tpu.vector_load %arg5[%swap3A_1178] {strides = array<i32>} : memref<4096xf32, #tpu.memory_space<vmem>>, vector<16xf32>,
      tpu.vector_store %arg5[%swap3A_1178], %gather3A_1177 {strides = array<i32>} : memref<4096xf32, #tpu.memory_space<vmem>>, vector<16xf32>,
      %gather3A_1180 = tpu.vector_load_idx %arg6[%add3A_11] : memref<32xf32, #tpu.memory_space<vmem>>[vector<16xi32>], vector<16xf32>,
      %swap3A_1181 = arith.constant 2640 : index
      %swap3A_1182 = tpu.vector_load %arg5[%swap3A_1181] {strides = array<i32>} : memref<4096xf32, #tpu.memory_space<vmem>>, vector<16xf32>,
      tpu.vector_store %arg5[%swap3A_1181], %gather3A_1180 {strides = array<i32>} : memref<4096xf32, #tpu.memory_space<vmem>>, vector<16xf32>,
      %get3A_1183 = arith.constant 2608 : index
      %get3A_1184 = tpu.vector_load %arg4[%get3A_1183] {strides = array<i32>} : memref<4096xf32, #tpu.memory_space<vmem>>, vector<16xf32>,
      %swap3A_1185 = arith.constant 0 : index
      %swap3A_1186 = tpu.vector_load %arg6[%swap3A_1185] {strides = array<i32>} : memref<32xf32, #tpu.memory_space<vmem>>, vector<16xf32>,
      tpu.vector_store %arg6[%swap3A_1185], %get3A_1184 {strides = array<i32>} : memref<32xf32, #tpu.memory_space<vmem>>, vector<16xf32>,
      %get3A_1187 = arith.constant 2736 : index
      %get3A_1188 = tpu.vector_load %arg4[%get3A_1187] {strides = array<i32>} : memref<4096xf32, #tpu.memory_space<vmem>>, vector<16xf32>,
      %swap3A_1189 = arith.constant 16 : index
      %swap3A_1190 = tpu.vector_load %arg6[%swap3A_1189] {strides = array<i32>} : memref<32xf32, #tpu.memory_space<vmem>>, vector<16xf32>,
      tpu.vector_store %arg6[%swap3A_1189], %get3A_1188 {strides = array<i32>} : memref<32xf32, #tpu.memory_space<vmem>>, vector<16xf32>,
      %gather3A_1191 = tpu.vector_load_idx %arg6[%add3A_8] : memref<32xf32, #tpu.memory_space<vmem>>[vector<16xi32>], vector<16xf32>,
      %swap3A_1192 = arith.constant 2656 : index
      %swap3A_1193 = tpu.vector_load %arg5[%swap3A_1192] {strides = array<i32>} : memref<4096xf32, #tpu.memory_space<vmem>>, vector<16xf32>,
      tpu.vector_store %arg5[%swap3A_1192], %gather3A_1191 {strides = array<i32>} : memref<4096xf32, #tpu.memory_space<vmem>>, vector<16xf32>,
      %gather3A_1194 = tpu.vector_load_idx %arg6[%add3A_11] : memref<32xf32, #tpu.memory_space<vmem>>[vector<16xi32>], vector<16xf32>,
      %swap3A_1195 = arith.constant 2672 : index
      %swap3A_1196 = tpu.vector_load %arg5[%swap3A_1195] {strides = array<i32>} : memref<4096xf32, #tpu.memory_space<vmem>>, vector<16xf32>,
      tpu.vector_store %arg5[%swap3A_1195], %gather3A_1194 {strides = array<i32>} : memref<4096xf32, #tpu.memory_space<vmem>>, vector<16xf32>,
      %get3A_1197 = arith.constant 2624 : index
      %get3A_1198 = tpu.vector_load %arg4[%get3A_1197] {strides = array<i32>} : memref<4096xf32, #tpu.memory_space<vmem>>, vector<16xf32>,
      %swap3A_1199 = arith.constant 0 : index
      %swap3A_1200 = tpu.vector_load %arg6[%swap3A_1199] {strides = array<i32>} : memref<32xf32, #tpu.memory_space<vmem>>, vector<16xf32>,
      tpu.vector_store %arg6[%swap3A_1199], %get3A_1198 {strides = array<i32>} : memref<32xf32, #tpu.memory_space<vmem>>, vector<16xf32>,
      %get3A_1201 = arith.constant 2752 : index
      %get3A_1202 = tpu.vector_load %arg4[%get3A_1201] {strides = array<i32>} : memref<4096xf32, #tpu.memory_space<vmem>>, vector<16xf32>,
      %swap3A_1203 = arith.constant 16 : index
      %swap3A_1204 = tpu.vector_load %arg6[%swap3A_1203] {strides = array<i32>} : memref<32xf32, #tpu.memory_space<vmem>>, vector<16xf32>,
      tpu.vector_store %arg6[%swap3A_1203], %get3A_1202 {strides = array<i32>} : memref<32xf32, #tpu.memory_space<vmem>>, vector<16xf32>,
      %gather3A_1205 = tpu.vector_load_idx %arg6[%add3A_8] : memref<32xf32, #tpu.memory_space<vmem>>[vector<16xi32>], vector<16xf32>,
      %swap3A_1206 = arith.constant 2688 : index
      %swap3A_1207 = tpu.vector_load %arg5[%swap3A_1206] {strides = array<i32>} : memref<4096xf32, #tpu.memory_space<vmem>>, vector<16xf32>,
      tpu.vector_store %arg5[%swap3A_1206], %gather3A_1205 {strides = array<i32>} : memref<4096xf32, #tpu.memory_space<vmem>>, vector<16xf32>,
      %gather3A_1208 = tpu.vector_load_idx %arg6[%add3A_11] : memref<32xf32, #tpu.memory_space<vmem>>[vector<16xi32>], vector<16xf32>,
      %swap3A_1209 = arith.constant 2704 : index
      %swap3A_1210 = tpu.vector_load %arg5[%swap3A_1209] {strides = array<i32>} : memref<4096xf32, #tpu.memory_space<vmem>>, vector<16xf32>,
      tpu.vector_store %arg5[%swap3A_1209], %gather3A_1208 {strides = array<i32>} : memref<4096xf32, #tpu.memory_space<vmem>>, vector<16xf32>,
      %get3A_1211 = arith.constant 2640 : index
      %get3A_1212 = tpu.vector_load %arg4[%get3A_1211] {strides = array<i32>} : memref<4096xf32, #tpu.memory_space<vmem>>, vector<16xf32>,
      %swap3A_1213 = arith.constant 0 : index
      %swap3A_1214 = tpu.vector_load %arg6[%swap3A_1213] {strides = array<i32>} : memref<32xf32, #tpu.memory_space<vmem>>, vector<16xf32>,
      tpu.vector_store %arg6[%swap3A_1213], %get3A_1212 {strides = array<i32>} : memref<32xf32, #tpu.memory_space<vmem>>, vector<16xf32>,
      %get3A_1215 = arith.constant 2768 : index
      %get3A_1216 = tpu.vector_load %arg4[%get3A_1215] {strides = array<i32>} : memref<4096xf32, #tpu.memory_space<vmem>>, vector<16xf32>,
      %swap3A_1217 = arith.constant 16 : index
      %swap3A_1218 = tpu.vector_load %arg6[%swap3A_1217] {strides = array<i32>} : memref<32xf32, #tpu.memory_space<vmem>>, vector<16xf32>,
      tpu.vector_store %arg6[%swap3A_1217], %get3A_1216 {strides = array<i32>} : memref<32xf32, #tpu.memory_space<vmem>>, vector<16xf32>,
      %gather3A_1219 = tpu.vector_load_idx %arg6[%add3A_8] : memref<32xf32, #tpu.memory_space<vmem>>[vector<16xi32>], vector<16xf32>,
      %swap3A_1220 = arith.constant 2720 : index
      %swap3A_1221 = tpu.vector_load %arg5[%swap3A_1220] {strides = array<i32>} : memref<4096xf32, #tpu.memory_space<vmem>>, vector<16xf32>,
      tpu.vector_store %arg5[%swap3A_1220], %gather3A_1219 {strides = array<i32>} : memref<4096xf32, #tpu.memory_space<vmem>>, vector<16xf32>,
      %gather3A_1222 = tpu.vector_load_idx %arg6[%add3A_11] : memref<32xf32, #tpu.memory_space<vmem>>[vector<16xi32>], vector<16xf32>,
      %swap3A_1223 = arith.constant 2736 : index
      %swap3A_1224 = tpu.vector_load %arg5[%swap3A_1223] {strides = array<i32>} : memref<4096xf32, #tpu.memory_space<vmem>>, vector<16xf32>,
      tpu.vector_store %arg5[%swap3A_1223], %gather3A_1222 {strides = array<i32>} : memref<4096xf32, #tpu.memory_space<vmem>>, vector<16xf32>,
      %get3A_1225 = arith.constant 2656 : index
      %get3A_1226 = tpu.vector_load %arg4[%get3A_1225] {strides = array<i32>} : memref<4096xf32, #tpu.memory_space<vmem>>, vector<16xf32>,
      %swap3A_1227 = arith.constant 0 : index
      %swap3A_1228 = tpu.vector_load %arg6[%swap3A_1227] {strides = array<i32>} : memref<32xf32, #tpu.memory_space<vmem>>, vector<16xf32>,
      tpu.vector_store %arg6[%swap3A_1227], %get3A_1226 {strides = array<i32>} : memref<32xf32, #tpu.memory_space<vmem>>, vector<16xf32>,
      %get3A_1229 = arith.constant 2784 : index
      %get3A_1230 = tpu.vector_load %arg4[%get3A_1229] {strides = array<i32>} : memref<4096xf32, #tpu.memory_space<vmem>>, vector<16xf32>,
      %swap3A_1231 = arith.constant 16 : index
      %swap3A_1232 = tpu.vector_load %arg6[%swap3A_1231] {strides = array<i32>} : memref<32xf32, #tpu.memory_space<vmem>>, vector<16xf32>,
      tpu.vector_store %arg6[%swap3A_1231], %get3A_1230 {strides = array<i32>} : memref<32xf32, #tpu.memory_space<vmem>>, vector<16xf32>,
      %gather3A_1233 = tpu.vector_load_idx %arg6[%add3A_8] : memref<32xf32, #tpu.memory_space<vmem>>[vector<16xi32>], vector<16xf32>,
      %swap3A_1234 = arith.constant 2752 : index
      %swap3A_1235 = tpu.vector_load %arg5[%swap3A_1234] {strides = array<i32>} : memref<4096xf32, #tpu.memory_space<vmem>>, vector<16xf32>,
      tpu.vector_store %arg5[%swap3A_1234], %gather3A_1233 {strides = array<i32>} : memref<4096xf32, #tpu.memory_space<vmem>>, vector<16xf32>,
      %gather3A_1236 = tpu.vector_load_idx %arg6[%add3A_11] : memref<32xf32, #tpu.memory_space<vmem>>[vector<16xi32>], vector<16xf32>,
      %swap3A_1237 = arith.constant 2768 : index
      %swap3A_1238 = tpu.vector_load %arg5[%swap3A_1237] {strides = array<i32>} : memref<4096xf32, #tpu.memory_space<vmem>>, vector<16xf32>,
      tpu.vector_store %arg5[%swap3A_1237], %gather3A_1236 {strides = array<i32>} : memref<4096xf32, #tpu.memory_space<vmem>>, vector<16xf32>,
      %get3A_1239 = arith.constant 2672 : index
      %get3A_1240 = tpu.vector_load %arg4[%get3A_1239] {strides = array<i32>} : memref<4096xf32, #tpu.memory_space<vmem>>, vector<16xf32>,
      %swap3A_1241 = arith.constant 0 : index
      %swap3A_1242 = tpu.vector_load %arg6[%swap3A_1241] {strides = array<i32>} : memref<32xf32, #tpu.memory_space<vmem>>, vector<16xf32>,
      tpu.vector_store %arg6[%swap3A_1241], %get3A_1240 {strides = array<i32>} : memref<32xf32, #tpu.memory_space<vmem>>, vector<16xf32>,
      %get3A_1243 = arith.constant 2800 : index
      %get3A_1244 = tpu.vector_load %arg4[%get3A_1243] {strides = array<i32>} : memref<4096xf32, #tpu.memory_space<vmem>>, vector<16xf32>,
      %swap3A_1245 = arith.constant 16 : index
      %swap3A_1246 = tpu.vector_load %arg6[%swap3A_1245] {strides = array<i32>} : memref<32xf32, #tpu.memory_space<vmem>>, vector<16xf32>,
      tpu.vector_store %arg6[%swap3A_1245], %get3A_1244 {strides = array<i32>} : memref<32xf32, #tpu.memory_space<vmem>>, vector<16xf32>,
      %gather3A_1247 = tpu.vector_load_idx %arg6[%add3A_8] : memref<32xf32, #tpu.memory_space<vmem>>[vector<16xi32>], vector<16xf32>,
      %swap3A_1248 = arith.constant 2784 : index
      %swap3A_1249 = tpu.vector_load %arg5[%swap3A_1248] {strides = array<i32>} : memref<4096xf32, #tpu.memory_space<vmem>>, vector<16xf32>,
      tpu.vector_store %arg5[%swap3A_1248], %gather3A_1247 {strides = array<i32>} : memref<4096xf32, #tpu.memory_space<vmem>>, vector<16xf32>,
      %gather3A_1250 = tpu.vector_load_idx %arg6[%add3A_11] : memref<32xf32, #tpu.memory_space<vmem>>[vector<16xi32>], vector<16xf32>,
      %swap3A_1251 = arith.constant 2800 : index
      %swap3A_1252 = tpu.vector_load %arg5[%swap3A_1251] {strides = array<i32>} : memref<4096xf32, #tpu.memory_space<vmem>>, vector<16xf32>,
      tpu.vector_store %arg5[%swap3A_1251], %gather3A_1250 {strides = array<i32>} : memref<4096xf32, #tpu.memory_space<vmem>>, vector<16xf32>,
      %get3A_1253 = arith.constant 2816 : index
      %get3A_1254 = tpu.vector_load %arg4[%get3A_1253] {strides = array<i32>} : memref<4096xf32, #tpu.memory_space<vmem>>, vector<16xf32>,
      %swap3A_1255 = arith.constant 0 : index
      %swap3A_1256 = tpu.vector_load %arg6[%swap3A_1255] {strides = array<i32>} : memref<32xf32, #tpu.memory_space<vmem>>, vector<16xf32>,
      tpu.vector_store %arg6[%swap3A_1255], %get3A_1254 {strides = array<i32>} : memref<32xf32, #tpu.memory_space<vmem>>, vector<16xf32>,
      %get3A_1257 = arith.constant 2944 : index
      %get3A_1258 = tpu.vector_load %arg4[%get3A_1257] {strides = array<i32>} : memref<4096xf32, #tpu.memory_space<vmem>>, vector<16xf32>,
      %swap3A_1259 = arith.constant 16 : index
      %swap3A_1260 = tpu.vector_load %arg6[%swap3A_1259] {strides = array<i32>} : memref<32xf32, #tpu.memory_space<vmem>>, vector<16xf32>,
      tpu.vector_store %arg6[%swap3A_1259], %get3A_1258 {strides = array<i32>} : memref<32xf32, #tpu.memory_space<vmem>>, vector<16xf32>,
      %gather3A_1261 = tpu.vector_load_idx %arg6[%add3A_8] : memref<32xf32, #tpu.memory_space<vmem>>[vector<16xi32>], vector<16xf32>,
      %swap3A_1262 = arith.constant 2816 : index
      %swap3A_1263 = tpu.vector_load %arg5[%swap3A_1262] {strides = array<i32>} : memref<4096xf32, #tpu.memory_space<vmem>>, vector<16xf32>,
      tpu.vector_store %arg5[%swap3A_1262], %gather3A_1261 {strides = array<i32>} : memref<4096xf32, #tpu.memory_space<vmem>>, vector<16xf32>,
      %gather3A_1264 = tpu.vector_load_idx %arg6[%add3A_11] : memref<32xf32, #tpu.memory_space<vmem>>[vector<16xi32>], vector<16xf32>,
      %swap3A_1265 = arith.constant 2832 : index
      %swap3A_1266 = tpu.vector_load %arg5[%swap3A_1265] {strides = array<i32>} : memref<4096xf32, #tpu.memory_space<vmem>>, vector<16xf32>,
      tpu.vector_store %arg5[%swap3A_1265], %gather3A_1264 {strides = array<i32>} : memref<4096xf32, #tpu.memory_space<vmem>>, vector<16xf32>,
      %get3A_1267 = arith.constant 2832 : index
      %get3A_1268 = tpu.vector_load %arg4[%get3A_1267] {strides = array<i32>} : memref<4096xf32, #tpu.memory_space<vmem>>, vector<16xf32>,
      %swap3A_1269 = arith.constant 0 : index
      %swap3A_1270 = tpu.vector_load %arg6[%swap3A_1269] {strides = array<i32>} : memref<32xf32, #tpu.memory_space<vmem>>, vector<16xf32>,
      tpu.vector_store %arg6[%swap3A_1269], %get3A_1268 {strides = array<i32>} : memref<32xf32, #tpu.memory_space<vmem>>, vector<16xf32>,
      %get3A_1271 = arith.constant 2960 : index
      %get3A_1272 = tpu.vector_load %arg4[%get3A_1271] {strides = array<i32>} : memref<4096xf32, #tpu.memory_space<vmem>>, vector<16xf32>,
      %swap3A_1273 = arith.constant 16 : index
      %swap3A_1274 = tpu.vector_load %arg6[%swap3A_1273] {strides = array<i32>} : memref<32xf32, #tpu.memory_space<vmem>>, vector<16xf32>,
      tpu.vector_store %arg6[%swap3A_1273], %get3A_1272 {strides = array<i32>} : memref<32xf32, #tpu.memory_space<vmem>>, vector<16xf32>,
      %gather3A_1275 = tpu.vector_load_idx %arg6[%add3A_8] : memref<32xf32, #tpu.memory_space<vmem>>[vector<16xi32>], vector<16xf32>,
      %swap3A_1276 = arith.constant 2848 : index
      %swap3A_1277 = tpu.vector_load %arg5[%swap3A_1276] {strides = array<i32>} : memref<4096xf32, #tpu.memory_space<vmem>>, vector<16xf32>,
      tpu.vector_store %arg5[%swap3A_1276], %gather3A_1275 {strides = array<i32>} : memref<4096xf32, #tpu.memory_space<vmem>>, vector<16xf32>,
      %gather3A_1278 = tpu.vector_load_idx %arg6[%add3A_11] : memref<32xf32, #tpu.memory_space<vmem>>[vector<16xi32>], vector<16xf32>,
      %swap3A_1279 = arith.constant 2864 : index
      %swap3A_1280 = tpu.vector_load %arg5[%swap3A_1279] {strides = array<i32>} : memref<4096xf32, #tpu.memory_space<vmem>>, vector<16xf32>,
      tpu.vector_store %arg5[%swap3A_1279], %gather3A_1278 {strides = array<i32>} : memref<4096xf32, #tpu.memory_space<vmem>>, vector<16xf32>,
      %get3A_1281 = arith.constant 2848 : index
      %get3A_1282 = tpu.vector_load %arg4[%get3A_1281] {strides = array<i32>} : memref<4096xf32, #tpu.memory_space<vmem>>, vector<16xf32>,
      %swap3A_1283 = arith.constant 0 : index
      %swap3A_1284 = tpu.vector_load %arg6[%swap3A_1283] {strides = array<i32>} : memref<32xf32, #tpu.memory_space<vmem>>, vector<16xf32>,
      tpu.vector_store %arg6[%swap3A_1283], %get3A_1282 {strides = array<i32>} : memref<32xf32, #tpu.memory_space<vmem>>, vector<16xf32>,
      %get3A_1285 = arith.constant 2976 : index
      %get3A_1286 = tpu.vector_load %arg4[%get3A_1285] {strides = array<i32>} : memref<4096xf32, #tpu.memory_space<vmem>>, vector<16xf32>,
      %swap3A_1287 = arith.constant 16 : index
      %swap3A_1288 = tpu.vector_load %arg6[%swap3A_1287] {strides = array<i32>} : memref<32xf32, #tpu.memory_space<vmem>>, vector<16xf32>,
      tpu.vector_store %arg6[%swap3A_1287], %get3A_1286 {strides = array<i32>} : memref<32xf32, #tpu.memory_space<vmem>>, vector<16xf32>,
      %gather3A_1289 = tpu.vector_load_idx %arg6[%add3A_8] : memref<32xf32, #tpu.memory_space<vmem>>[vector<16xi32>], vector<16xf32>,
      %swap3A_1290 = arith.constant 2880 : index
      %swap3A_1291 = tpu.vector_load %arg5[%swap3A_1290] {strides = array<i32>} : memref<4096xf32, #tpu.memory_space<vmem>>, vector<16xf32>,
      tpu.vector_store %arg5[%swap3A_1290], %gather3A_1289 {strides = array<i32>} : memref<4096xf32, #tpu.memory_space<vmem>>, vector<16xf32>,
      %gather3A_1292 = tpu.vector_load_idx %arg6[%add3A_11] : memref<32xf32, #tpu.memory_space<vmem>>[vector<16xi32>], vector<16xf32>,
      %swap3A_1293 = arith.constant 2896 : index
      %swap3A_1294 = tpu.vector_load %arg5[%swap3A_1293] {strides = array<i32>} : memref<4096xf32, #tpu.memory_space<vmem>>, vector<16xf32>,
      tpu.vector_store %arg5[%swap3A_1293], %gather3A_1292 {strides = array<i32>} : memref<4096xf32, #tpu.memory_space<vmem>>, vector<16xf32>,
      %get3A_1295 = arith.constant 2864 : index
      %get3A_1296 = tpu.vector_load %arg4[%get3A_1295] {strides = array<i32>} : memref<4096xf32, #tpu.memory_space<vmem>>, vector<16xf32>,
      %swap3A_1297 = arith.constant 0 : index
      %swap3A_1298 = tpu.vector_load %arg6[%swap3A_1297] {strides = array<i32>} : memref<32xf32, #tpu.memory_space<vmem>>, vector<16xf32>,
      tpu.vector_store %arg6[%swap3A_1297], %get3A_1296 {strides = array<i32>} : memref<32xf32, #tpu.memory_space<vmem>>, vector<16xf32>,
      %get3A_1299 = arith.constant 2992 : index
      %get3A_1300 = tpu.vector_load %arg4[%get3A_1299] {strides = array<i32>} : memref<4096xf32, #tpu.memory_space<vmem>>, vector<16xf32>,
      %swap3A_1301 = arith.constant 16 : index
      %swap3A_1302 = tpu.vector_load %arg6[%swap3A_1301] {strides = array<i32>} : memref<32xf32, #tpu.memory_space<vmem>>, vector<16xf32>,
      tpu.vector_store %arg6[%swap3A_1301], %get3A_1300 {strides = array<i32>} : memref<32xf32, #tpu.memory_space<vmem>>, vector<16xf32>,
      %gather3A_1303 = tpu.vector_load_idx %arg6[%add3A_8] : memref<32xf32, #tpu.memory_space<vmem>>[vector<16xi32>], vector<16xf32>,
      %swap3A_1304 = arith.constant 2912 : index
      %swap3A_1305 = tpu.vector_load %arg5[%swap3A_1304] {strides = array<i32>} : memref<4096xf32, #tpu.memory_space<vmem>>, vector<16xf32>,
      tpu.vector_store %arg5[%swap3A_1304], %gather3A_1303 {strides = array<i32>} : memref<4096xf32, #tpu.memory_space<vmem>>, vector<16xf32>,
      %gather3A_1306 = tpu.vector_load_idx %arg6[%add3A_11] : memref<32xf32, #tpu.memory_space<vmem>>[vector<16xi32>], vector<16xf32>,
      %swap3A_1307 = arith.constant 2928 : index
      %swap3A_1308 = tpu.vector_load %arg5[%swap3A_1307] {strides = array<i32>} : memref<4096xf32, #tpu.memory_space<vmem>>, vector<16xf32>,
      tpu.vector_store %arg5[%swap3A_1307], %gather3A_1306 {strides = array<i32>} : memref<4096xf32, #tpu.memory_space<vmem>>, vector<16xf32>,
      %get3A_1309 = arith.constant 2880 : index
      %get3A_1310 = tpu.vector_load %arg4[%get3A_1309] {strides = array<i32>} : memref<4096xf32, #tpu.memory_space<vmem>>, vector<16xf32>,
      %swap3A_1311 = arith.constant 0 : index
      %swap3A_1312 = tpu.vector_load %arg6[%swap3A_1311] {strides = array<i32>} : memref<32xf32, #tpu.memory_space<vmem>>, vector<16xf32>,
      tpu.vector_store %arg6[%swap3A_1311], %get3A_1310 {strides = array<i32>} : memref<32xf32, #tpu.memory_space<vmem>>, vector<16xf32>,
      %get3A_1313 = arith.constant 3008 : index
      %get3A_1314 = tpu.vector_load %arg4[%get3A_1313] {strides = array<i32>} : memref<4096xf32, #tpu.memory_space<vmem>>, vector<16xf32>,
      %swap3A_1315 = arith.constant 16 : index
      %swap3A_1316 = tpu.vector_load %arg6[%swap3A_1315] {strides = array<i32>} : memref<32xf32, #tpu.memory_space<vmem>>, vector<16xf32>,
      tpu.vector_store %arg6[%swap3A_1315], %get3A_1314 {strides = array<i32>} : memref<32xf32, #tpu.memory_space<vmem>>, vector<16xf32>,
      %gather3A_1317 = tpu.vector_load_idx %arg6[%add3A_8] : memref<32xf32, #tpu.memory_space<vmem>>[vector<16xi32>], vector<16xf32>,
      %swap3A_1318 = arith.constant 2944 : index
      %swap3A_1319 = tpu.vector_load %arg5[%swap3A_1318] {strides = array<i32>} : memref<4096xf32, #tpu.memory_space<vmem>>, vector<16xf32>,
      tpu.vector_store %arg5[%swap3A_1318], %gather3A_1317 {strides = array<i32>} : memref<4096xf32, #tpu.memory_space<vmem>>, vector<16xf32>,
      %gather3A_1320 = tpu.vector_load_idx %arg6[%add3A_11] : memref<32xf32, #tpu.memory_space<vmem>>[vector<16xi32>], vector<16xf32>,
      %swap3A_1321 = arith.constant 2960 : index
      %swap3A_1322 = tpu.vector_load %arg5[%swap3A_1321] {strides = array<i32>} : memref<4096xf32, #tpu.memory_space<vmem>>, vector<16xf32>,
      tpu.vector_store %arg5[%swap3A_1321], %gather3A_1320 {strides = array<i32>} : memref<4096xf32, #tpu.memory_space<vmem>>, vector<16xf32>,
      %get3A_1323 = arith.constant 2896 : index
      %get3A_1324 = tpu.vector_load %arg4[%get3A_1323] {strides = array<i32>} : memref<4096xf32, #tpu.memory_space<vmem>>, vector<16xf32>,
      %swap3A_1325 = arith.constant 0 : index
      %swap3A_1326 = tpu.vector_load %arg6[%swap3A_1325] {strides = array<i32>} : memref<32xf32, #tpu.memory_space<vmem>>, vector<16xf32>,
      tpu.vector_store %arg6[%swap3A_1325], %get3A_1324 {strides = array<i32>} : memref<32xf32, #tpu.memory_space<vmem>>, vector<16xf32>,
      %get3A_1327 = arith.constant 3024 : index
      %get3A_1328 = tpu.vector_load %arg4[%get3A_1327] {strides = array<i32>} : memref<4096xf32, #tpu.memory_space<vmem>>, vector<16xf32>,
      %swap3A_1329 = arith.constant 16 : index
      %swap3A_1330 = tpu.vector_load %arg6[%swap3A_1329] {strides = array<i32>} : memref<32xf32, #tpu.memory_space<vmem>>, vector<16xf32>,
      tpu.vector_store %arg6[%swap3A_1329], %get3A_1328 {strides = array<i32>} : memref<32xf32, #tpu.memory_space<vmem>>, vector<16xf32>,
      %gather3A_1331 = tpu.vector_load_idx %arg6[%add3A_8] : memref<32xf32, #tpu.memory_space<vmem>>[vector<16xi32>], vector<16xf32>,
      %swap3A_1332 = arith.constant 2976 : index
      %swap3A_1333 = tpu.vector_load %arg5[%swap3A_1332] {strides = array<i32>} : memref<4096xf32, #tpu.memory_space<vmem>>, vector<16xf32>,
      tpu.vector_store %arg5[%swap3A_1332], %gather3A_1331 {strides = array<i32>} : memref<4096xf32, #tpu.memory_space<vmem>>, vector<16xf32>,
      %gather3A_1334 = tpu.vector_load_idx %arg6[%add3A_11] : memref<32xf32, #tpu.memory_space<vmem>>[vector<16xi32>], vector<16xf32>,
      %swap3A_1335 = arith.constant 2992 : index
      %swap3A_1336 = tpu.vector_load %arg5[%swap3A_1335] {strides = array<i32>} : memref<4096xf32, #tpu.memory_space<vmem>>, vector<16xf32>,
      tpu.vector_store %arg5[%swap3A_1335], %gather3A_1334 {strides = array<i32>} : memref<4096xf32, #tpu.memory_space<vmem>>, vector<16xf32>,
      %get3A_1337 = arith.constant 2912 : index
      %get3A_1338 = tpu.vector_load %arg4[%get3A_1337] {strides = array<i32>} : memref<4096xf32, #tpu.memory_space<vmem>>, vector<16xf32>,
      %swap3A_1339 = arith.constant 0 : index
      %swap3A_1340 = tpu.vector_load %arg6[%swap3A_1339] {strides = array<i32>} : memref<32xf32, #tpu.memory_space<vmem>>, vector<16xf32>,
      tpu.vector_store %arg6[%swap3A_1339], %get3A_1338 {strides = array<i32>} : memref<32xf32, #tpu.memory_space<vmem>>, vector<16xf32>,
      %get3A_1341 = arith.constant 3040 : index
      %get3A_1342 = tpu.vector_load %arg4[%get3A_1341] {strides = array<i32>} : memref<4096xf32, #tpu.memory_space<vmem>>, vector<16xf32>,
      %swap3A_1343 = arith.constant 16 : index
      %swap3A_1344 = tpu.vector_load %arg6[%swap3A_1343] {strides = array<i32>} : memref<32xf32, #tpu.memory_space<vmem>>, vector<16xf32>,
      tpu.vector_store %arg6[%swap3A_1343], %get3A_1342 {strides = array<i32>} : memref<32xf32, #tpu.memory_space<vmem>>, vector<16xf32>,
      %gather3A_1345 = tpu.vector_load_idx %arg6[%add3A_8] : memref<32xf32, #tpu.memory_space<vmem>>[vector<16xi32>], vector<16xf32>,
      %swap3A_1346 = arith.constant 3008 : index
      %swap3A_1347 = tpu.vector_load %arg5[%swap3A_1346] {strides = array<i32>} : memref<4096xf32, #tpu.memory_space<vmem>>, vector<16xf32>,
      tpu.vector_store %arg5[%swap3A_1346], %gather3A_1345 {strides = array<i32>} : memref<4096xf32, #tpu.memory_space<vmem>>, vector<16xf32>,
      %gather3A_1348 = tpu.vector_load_idx %arg6[%add3A_11] : memref<32xf32, #tpu.memory_space<vmem>>[vector<16xi32>], vector<16xf32>,
      %swap3A_1349 = arith.constant 3024 : index
      %swap3A_1350 = tpu.vector_load %arg5[%swap3A_1349] {strides = array<i32>} : memref<4096xf32, #tpu.memory_space<vmem>>, vector<16xf32>,
      tpu.vector_store %arg5[%swap3A_1349], %gather3A_1348 {strides = array<i32>} : memref<4096xf32, #tpu.memory_space<vmem>>, vector<16xf32>,
      %get3A_1351 = arith.constant 2928 : index
      %get3A_1352 = tpu.vector_load %arg4[%get3A_1351] {strides = array<i32>} : memref<4096xf32, #tpu.memory_space<vmem>>, vector<16xf32>,
      %swap3A_1353 = arith.constant 0 : index
      %swap3A_1354 = tpu.vector_load %arg6[%swap3A_1353] {strides = array<i32>} : memref<32xf32, #tpu.memory_space<vmem>>, vector<16xf32>,
      tpu.vector_store %arg6[%swap3A_1353], %get3A_1352 {strides = array<i32>} : memref<32xf32, #tpu.memory_space<vmem>>, vector<16xf32>,
      %get3A_1355 = arith.constant 3056 : index
      %get3A_1356 = tpu.vector_load %arg4[%get3A_1355] {strides = array<i32>} : memref<4096xf32, #tpu.memory_space<vmem>>, vector<16xf32>,
      %swap3A_1357 = arith.constant 16 : index
      %swap3A_1358 = tpu.vector_load %arg6[%swap3A_1357] {strides = array<i32>} : memref<32xf32, #tpu.memory_space<vmem>>, vector<16xf32>,
      tpu.vector_store %arg6[%swap3A_1357], %get3A_1356 {strides = array<i32>} : memref<32xf32, #tpu.memory_space<vmem>>, vector<16xf32>,
      %gather3A_1359 = tpu.vector_load_idx %arg6[%add3A_8] : memref<32xf32, #tpu.memory_space<vmem>>[vector<16xi32>], vector<16xf32>,
      %swap3A_1360 = arith.constant 3040 : index
      %swap3A_1361 = tpu.vector_load %arg5[%swap3A_1360] {strides = array<i32>} : memref<4096xf32, #tpu.memory_space<vmem>>, vector<16xf32>,
      tpu.vector_store %arg5[%swap3A_1360], %gather3A_1359 {strides = array<i32>} : memref<4096xf32, #tpu.memory_space<vmem>>, vector<16xf32>,
      %gather3A_1362 = tpu.vector_load_idx %arg6[%add3A_11] : memref<32xf32, #tpu.memory_space<vmem>>[vector<16xi32>], vector<16xf32>,
      %swap3A_1363 = arith.constant 3056 : index
      %swap3A_1364 = tpu.vector_load %arg5[%swap3A_1363] {strides = array<i32>} : memref<4096xf32, #tpu.memory_space<vmem>>, vector<16xf32>,
      tpu.vector_store %arg5[%swap3A_1363], %gather3A_1362 {strides = array<i32>} : memref<4096xf32, #tpu.memory_space<vmem>>, vector<16xf32>,
      %get3A_1365 = arith.constant 3072 : index
      %get3A_1366 = tpu.vector_load %arg4[%get3A_1365] {strides = array<i32>} : memref<4096xf32, #tpu.memory_space<vmem>>, vector<16xf32>,
      %swap3A_1367 = arith.constant 0 : index
      %swap3A_1368 = tpu.vector_load %arg6[%swap3A_1367] {strides = array<i32>} : memref<32xf32, #tpu.memory_space<vmem>>, vector<16xf32>,
      tpu.vector_store %arg6[%swap3A_1367], %get3A_1366 {strides = array<i32>} : memref<32xf32, #tpu.memory_space<vmem>>, vector<16xf32>,
      %get3A_1369 = arith.constant 3200 : index
      %get3A_1370 = tpu.vector_load %arg4[%get3A_1369] {strides = array<i32>} : memref<4096xf32, #tpu.memory_space<vmem>>, vector<16xf32>,
      %swap3A_1371 = arith.constant 16 : index
      %swap3A_1372 = tpu.vector_load %arg6[%swap3A_1371] {strides = array<i32>} : memref<32xf32, #tpu.memory_space<vmem>>, vector<16xf32>,
      tpu.vector_store %arg6[%swap3A_1371], %get3A_1370 {strides = array<i32>} : memref<32xf32, #tpu.memory_space<vmem>>, vector<16xf32>,
      %gather3A_1373 = tpu.vector_load_idx %arg6[%add3A_8] : memref<32xf32, #tpu.memory_space<vmem>>[vector<16xi32>], vector<16xf32>,
      %swap3A_1374 = arith.constant 3072 : index
      %swap3A_1375 = tpu.vector_load %arg5[%swap3A_1374] {strides = array<i32>} : memref<4096xf32, #tpu.memory_space<vmem>>, vector<16xf32>,
      tpu.vector_store %arg5[%swap3A_1374], %gather3A_1373 {strides = array<i32>} : memref<4096xf32, #tpu.memory_space<vmem>>, vector<16xf32>,
      %gather3A_1376 = tpu.vector_load_idx %arg6[%add3A_11] : memref<32xf32, #tpu.memory_space<vmem>>[vector<16xi32>], vector<16xf32>,
      %swap3A_1377 = arith.constant 3088 : index
      %swap3A_1378 = tpu.vector_load %arg5[%swap3A_1377] {strides = array<i32>} : memref<4096xf32, #tpu.memory_space<vmem>>, vector<16xf32>,
      tpu.vector_store %arg5[%swap3A_1377], %gather3A_1376 {strides = array<i32>} : memref<4096xf32, #tpu.memory_space<vmem>>, vector<16xf32>,
      %get3A_1379 = arith.constant 3088 : index
      %get3A_1380 = tpu.vector_load %arg4[%get3A_1379] {strides = array<i32>} : memref<4096xf32, #tpu.memory_space<vmem>>, vector<16xf32>,
      %swap3A_1381 = arith.constant 0 : index
      %swap3A_1382 = tpu.vector_load %arg6[%swap3A_1381] {strides = array<i32>} : memref<32xf32, #tpu.memory_space<vmem>>, vector<16xf32>,
      tpu.vector_store %arg6[%swap3A_1381], %get3A_1380 {strides = array<i32>} : memref<32xf32, #tpu.memory_space<vmem>>, vector<16xf32>,
      %get3A_1383 = arith.constant 3216 : index
      %get3A_1384 = tpu.vector_load %arg4[%get3A_1383] {strides = array<i32>} : memref<4096xf32, #tpu.memory_space<vmem>>, vector<16xf32>,
      %swap3A_1385 = arith.constant 16 : index
      %swap3A_1386 = tpu.vector_load %arg6[%swap3A_1385] {strides = array<i32>} : memref<32xf32, #tpu.memory_space<vmem>>, vector<16xf32>,
      tpu.vector_store %arg6[%swap3A_1385], %get3A_1384 {strides = array<i32>} : memref<32xf32, #tpu.memory_space<vmem>>, vector<16xf32>,
      %gather3A_1387 = tpu.vector_load_idx %arg6[%add3A_8] : memref<32xf32, #tpu.memory_space<vmem>>[vector<16xi32>], vector<16xf32>,
      %swap3A_1388 = arith.constant 3104 : index
      %swap3A_1389 = tpu.vector_load %arg5[%swap3A_1388] {strides = array<i32>} : memref<4096xf32, #tpu.memory_space<vmem>>, vector<16xf32>,
      tpu.vector_store %arg5[%swap3A_1388], %gather3A_1387 {strides = array<i32>} : memref<4096xf32, #tpu.memory_space<vmem>>, vector<16xf32>,
      %gather3A_1390 = tpu.vector_load_idx %arg6[%add3A_11] : memref<32xf32, #tpu.memory_space<vmem>>[vector<16xi32>], vector<16xf32>,
      %swap3A_1391 = arith.constant 3120 : index
      %swap3A_1392 = tpu.vector_load %arg5[%swap3A_1391] {strides = array<i32>} : memref<4096xf32, #tpu.memory_space<vmem>>, vector<16xf32>,
      tpu.vector_store %arg5[%swap3A_1391], %gather3A_1390 {strides = array<i32>} : memref<4096xf32, #tpu.memory_space<vmem>>, vector<16xf32>,
      %get3A_1393 = arith.constant 3104 : index
      %get3A_1394 = tpu.vector_load %arg4[%get3A_1393] {strides = array<i32>} : memref<4096xf32, #tpu.memory_space<vmem>>, vector<16xf32>,
      %swap3A_1395 = arith.constant 0 : index
      %swap3A_1396 = tpu.vector_load %arg6[%swap3A_1395] {strides = array<i32>} : memref<32xf32, #tpu.memory_space<vmem>>, vector<16xf32>,
      tpu.vector_store %arg6[%swap3A_1395], %get3A_1394 {strides = array<i32>} : memref<32xf32, #tpu.memory_space<vmem>>, vector<16xf32>,
      %get3A_1397 = arith.constant 3232 : index
      %get3A_1398 = tpu.vector_load %arg4[%get3A_1397] {strides = array<i32>} : memref<4096xf32, #tpu.memory_space<vmem>>, vector<16xf32>,
      %swap3A_1399 = arith.constant 16 : index
      %swap3A_1400 = tpu.vector_load %arg6[%swap3A_1399] {strides = array<i32>} : memref<32xf32, #tpu.memory_space<vmem>>, vector<16xf32>,
      tpu.vector_store %arg6[%swap3A_1399], %get3A_1398 {strides = array<i32>} : memref<32xf32, #tpu.memory_space<vmem>>, vector<16xf32>,
      %gather3A_1401 = tpu.vector_load_idx %arg6[%add3A_8] : memref<32xf32, #tpu.memory_space<vmem>>[vector<16xi32>], vector<16xf32>,
      %swap3A_1402 = arith.constant 3136 : index
      %swap3A_1403 = tpu.vector_load %arg5[%swap3A_1402] {strides = array<i32>} : memref<4096xf32, #tpu.memory_space<vmem>>, vector<16xf32>,
      tpu.vector_store %arg5[%swap3A_1402], %gather3A_1401 {strides = array<i32>} : memref<4096xf32, #tpu.memory_space<vmem>>, vector<16xf32>,
      %gather3A_1404 = tpu.vector_load_idx %arg6[%add3A_11] : memref<32xf32, #tpu.memory_space<vmem>>[vector<16xi32>], vector<16xf32>,
      %swap3A_1405 = arith.constant 3152 : index
      %swap3A_1406 = tpu.vector_load %arg5[%swap3A_1405] {strides = array<i32>} : memref<4096xf32, #tpu.memory_space<vmem>>, vector<16xf32>,
      tpu.vector_store %arg5[%swap3A_1405], %gather3A_1404 {strides = array<i32>} : memref<4096xf32, #tpu.memory_space<vmem>>, vector<16xf32>,
      %get3A_1407 = arith.constant 3120 : index
      %get3A_1408 = tpu.vector_load %arg4[%get3A_1407] {strides = array<i32>} : memref<4096xf32, #tpu.memory_space<vmem>>, vector<16xf32>,
      %swap3A_1409 = arith.constant 0 : index
      %swap3A_1410 = tpu.vector_load %arg6[%swap3A_1409] {strides = array<i32>} : memref<32xf32, #tpu.memory_space<vmem>>, vector<16xf32>,
      tpu.vector_store %arg6[%swap3A_1409], %get3A_1408 {strides = array<i32>} : memref<32xf32, #tpu.memory_space<vmem>>, vector<16xf32>,
      %get3A_1411 = arith.constant 3248 : index
      %get3A_1412 = tpu.vector_load %arg4[%get3A_1411] {strides = array<i32>} : memref<4096xf32, #tpu.memory_space<vmem>>, vector<16xf32>,
      %swap3A_1413 = arith.constant 16 : index
      %swap3A_1414 = tpu.vector_load %arg6[%swap3A_1413] {strides = array<i32>} : memref<32xf32, #tpu.memory_space<vmem>>, vector<16xf32>,
      tpu.vector_store %arg6[%swap3A_1413], %get3A_1412 {strides = array<i32>} : memref<32xf32, #tpu.memory_space<vmem>>, vector<16xf32>,
      %gather3A_1415 = tpu.vector_load_idx %arg6[%add3A_8] : memref<32xf32, #tpu.memory_space<vmem>>[vector<16xi32>], vector<16xf32>,
      %swap3A_1416 = arith.constant 3168 : index
      %swap3A_1417 = tpu.vector_load %arg5[%swap3A_1416] {strides = array<i32>} : memref<4096xf32, #tpu.memory_space<vmem>>, vector<16xf32>,
      tpu.vector_store %arg5[%swap3A_1416], %gather3A_1415 {strides = array<i32>} : memref<4096xf32, #tpu.memory_space<vmem>>, vector<16xf32>,
      %gather3A_1418 = tpu.vector_load_idx %arg6[%add3A_11] : memref<32xf32, #tpu.memory_space<vmem>>[vector<16xi32>], vector<16xf32>,
      %swap3A_1419 = arith.constant 3184 : index
      %swap3A_1420 = tpu.vector_load %arg5[%swap3A_1419] {strides = array<i32>} : memref<4096xf32, #tpu.memory_space<vmem>>, vector<16xf32>,
      tpu.vector_store %arg5[%swap3A_1419], %gather3A_1418 {strides = array<i32>} : memref<4096xf32, #tpu.memory_space<vmem>>, vector<16xf32>,
      %get3A_1421 = arith.constant 3136 : index
      %get3A_1422 = tpu.vector_load %arg4[%get3A_1421] {strides = array<i32>} : memref<4096xf32, #tpu.memory_space<vmem>>, vector<16xf32>,
      %swap3A_1423 = arith.constant 0 : index
      %swap3A_1424 = tpu.vector_load %arg6[%swap3A_1423] {strides = array<i32>} : memref<32xf32, #tpu.memory_space<vmem>>, vector<16xf32>,
      tpu.vector_store %arg6[%swap3A_1423], %get3A_1422 {strides = array<i32>} : memref<32xf32, #tpu.memory_space<vmem>>, vector<16xf32>,
      %get3A_1425 = arith.constant 3264 : index
      %get3A_1426 = tpu.vector_load %arg4[%get3A_1425] {strides = array<i32>} : memref<4096xf32, #tpu.memory_space<vmem>>, vector<16xf32>,
      %swap3A_1427 = arith.constant 16 : index
      %swap3A_1428 = tpu.vector_load %arg6[%swap3A_1427] {strides = array<i32>} : memref<32xf32, #tpu.memory_space<vmem>>, vector<16xf32>,
      tpu.vector_store %arg6[%swap3A_1427], %get3A_1426 {strides = array<i32>} : memref<32xf32, #tpu.memory_space<vmem>>, vector<16xf32>,
      %gather3A_1429 = tpu.vector_load_idx %arg6[%add3A_8] : memref<32xf32, #tpu.memory_space<vmem>>[vector<16xi32>], vector<16xf32>,
      %swap3A_1430 = arith.constant 3200 : index
      %swap3A_1431 = tpu.vector_load %arg5[%swap3A_1430] {strides = array<i32>} : memref<4096xf32, #tpu.memory_space<vmem>>, vector<16xf32>,
      tpu.vector_store %arg5[%swap3A_1430], %gather3A_1429 {strides = array<i32>} : memref<4096xf32, #tpu.memory_space<vmem>>, vector<16xf32>,
      %gather3A_1432 = tpu.vector_load_idx %arg6[%add3A_11] : memref<32xf32, #tpu.memory_space<vmem>>[vector<16xi32>], vector<16xf32>,
      %swap3A_1433 = arith.constant 3216 : index
      %swap3A_1434 = tpu.vector_load %arg5[%swap3A_1433] {strides = array<i32>} : memref<4096xf32, #tpu.memory_space<vmem>>, vector<16xf32>,
      tpu.vector_store %arg5[%swap3A_1433], %gather3A_1432 {strides = array<i32>} : memref<4096xf32, #tpu.memory_space<vmem>>, vector<16xf32>,
      %get3A_1435 = arith.constant 3152 : index
      %get3A_1436 = tpu.vector_load %arg4[%get3A_1435] {strides = array<i32>} : memref<4096xf32, #tpu.memory_space<vmem>>, vector<16xf32>,
      %swap3A_1437 = arith.constant 0 : index
      %swap3A_1438 = tpu.vector_load %arg6[%swap3A_1437] {strides = array<i32>} : memref<32xf32, #tpu.memory_space<vmem>>, vector<16xf32>,
      tpu.vector_store %arg6[%swap3A_1437], %get3A_1436 {strides = array<i32>} : memref<32xf32, #tpu.memory_space<vmem>>, vector<16xf32>,
      %get3A_1439 = arith.constant 3280 : index
      %get3A_1440 = tpu.vector_load %arg4[%get3A_1439] {strides = array<i32>} : memref<4096xf32, #tpu.memory_space<vmem>>, vector<16xf32>,
      %swap3A_1441 = arith.constant 16 : index
      %swap3A_1442 = tpu.vector_load %arg6[%swap3A_1441] {strides = array<i32>} : memref<32xf32, #tpu.memory_space<vmem>>, vector<16xf32>,
      tpu.vector_store %arg6[%swap3A_1441], %get3A_1440 {strides = array<i32>} : memref<32xf32, #tpu.memory_space<vmem>>, vector<16xf32>,
      %gather3A_1443 = tpu.vector_load_idx %arg6[%add3A_8] : memref<32xf32, #tpu.memory_space<vmem>>[vector<16xi32>], vector<16xf32>,
      %swap3A_1444 = arith.constant 3232 : index
      %swap3A_1445 = tpu.vector_load %arg5[%swap3A_1444] {strides = array<i32>} : memref<4096xf32, #tpu.memory_space<vmem>>, vector<16xf32>,
      tpu.vector_store %arg5[%swap3A_1444], %gather3A_1443 {strides = array<i32>} : memref<4096xf32, #tpu.memory_space<vmem>>, vector<16xf32>,
      %gather3A_1446 = tpu.vector_load_idx %arg6[%add3A_11] : memref<32xf32, #tpu.memory_space<vmem>>[vector<16xi32>], vector<16xf32>,
      %swap3A_1447 = arith.constant 3248 : index
      %swap3A_1448 = tpu.vector_load %arg5[%swap3A_1447] {strides = array<i32>} : memref<4096xf32, #tpu.memory_space<vmem>>, vector<16xf32>,
      tpu.vector_store %arg5[%swap3A_1447], %gather3A_1446 {strides = array<i32>} : memref<4096xf32, #tpu.memory_space<vmem>>, vector<16xf32>,
      %get3A_1449 = arith.constant 3168 : index
      %get3A_1450 = tpu.vector_load %arg4[%get3A_1449] {strides = array<i32>} : memref<4096xf32, #tpu.memory_space<vmem>>, vector<16xf32>,
      %swap3A_1451 = arith.constant 0 : index
      %swap3A_1452 = tpu.vector_load %arg6[%swap3A_1451] {strides = array<i32>} : memref<32xf32, #tpu.memory_space<vmem>>, vector<16xf32>,
      tpu.vector_store %arg6[%swap3A_1451], %get3A_1450 {strides = array<i32>} : memref<32xf32, #tpu.memory_space<vmem>>, vector<16xf32>,
      %get3A_1453 = arith.constant 3296 : index
      %get3A_1454 = tpu.vector_load %arg4[%get3A_1453] {strides = array<i32>} : memref<4096xf32, #tpu.memory_space<vmem>>, vector<16xf32>,
      %swap3A_1455 = arith.constant 16 : index
      %swap3A_1456 = tpu.vector_load %arg6[%swap3A_1455] {strides = array<i32>} : memref<32xf32, #tpu.memory_space<vmem>>, vector<16xf32>,
      tpu.vector_store %arg6[%swap3A_1455], %get3A_1454 {strides = array<i32>} : memref<32xf32, #tpu.memory_space<vmem>>, vector<16xf32>,
      %gather3A_1457 = tpu.vector_load_idx %arg6[%add3A_8] : memref<32xf32, #tpu.memory_space<vmem>>[vector<16xi32>], vector<16xf32>,
      %swap3A_1458 = arith.constant 3264 : index
      %swap3A_1459 = tpu.vector_load %arg5[%swap3A_1458] {strides = array<i32>} : memref<4096xf32, #tpu.memory_space<vmem>>, vector<16xf32>,
      tpu.vector_store %arg5[%swap3A_1458], %gather3A_1457 {strides = array<i32>} : memref<4096xf32, #tpu.memory_space<vmem>>, vector<16xf32>,
      %gather3A_1460 = tpu.vector_load_idx %arg6[%add3A_11] : memref<32xf32, #tpu.memory_space<vmem>>[vector<16xi32>], vector<16xf32>,
      %swap3A_1461 = arith.constant 3280 : index
      %swap3A_1462 = tpu.vector_load %arg5[%swap3A_1461] {strides = array<i32>} : memref<4096xf32, #tpu.memory_space<vmem>>, vector<16xf32>,
      tpu.vector_store %arg5[%swap3A_1461], %gather3A_1460 {strides = array<i32>} : memref<4096xf32, #tpu.memory_space<vmem>>, vector<16xf32>,
      %get3A_1463 = arith.constant 3184 : index
      %get3A_1464 = tpu.vector_load %arg4[%get3A_1463] {strides = array<i32>} : memref<4096xf32, #tpu.memory_space<vmem>>, vector<16xf32>,
      %swap3A_1465 = arith.constant 0 : index
      %swap3A_1466 = tpu.vector_load %arg6[%swap3A_1465] {strides = array<i32>} : memref<32xf32, #tpu.memory_space<vmem>>, vector<16xf32>,
      tpu.vector_store %arg6[%swap3A_1465], %get3A_1464 {strides = array<i32>} : memref<32xf32, #tpu.memory_space<vmem>>, vector<16xf32>,
      %get3A_1467 = arith.constant 3312 : index
      %get3A_1468 = tpu.vector_load %arg4[%get3A_1467] {strides = array<i32>} : memref<4096xf32, #tpu.memory_space<vmem>>, vector<16xf32>,
      %swap3A_1469 = arith.constant 16 : index
      %swap3A_1470 = tpu.vector_load %arg6[%swap3A_1469] {strides = array<i32>} : memref<32xf32, #tpu.memory_space<vmem>>, vector<16xf32>,
      tpu.vector_store %arg6[%swap3A_1469], %get3A_1468 {strides = array<i32>} : memref<32xf32, #tpu.memory_space<vmem>>, vector<16xf32>,
      %gather3A_1471 = tpu.vector_load_idx %arg6[%add3A_8] : memref<32xf32, #tpu.memory_space<vmem>>[vector<16xi32>], vector<16xf32>,
      %swap3A_1472 = arith.constant 3296 : index
      %swap3A_1473 = tpu.vector_load %arg5[%swap3A_1472] {strides = array<i32>} : memref<4096xf32, #tpu.memory_space<vmem>>, vector<16xf32>,
      tpu.vector_store %arg5[%swap3A_1472], %gather3A_1471 {strides = array<i32>} : memref<4096xf32, #tpu.memory_space<vmem>>, vector<16xf32>,
      %gather3A_1474 = tpu.vector_load_idx %arg6[%add3A_11] : memref<32xf32, #tpu.memory_space<vmem>>[vector<16xi32>], vector<16xf32>,
      %swap3A_1475 = arith.constant 3312 : index
      %swap3A_1476 = tpu.vector_load %arg5[%swap3A_1475] {strides = array<i32>} : memref<4096xf32, #tpu.memory_space<vmem>>, vector<16xf32>,
      tpu.vector_store %arg5[%swap3A_1475], %gather3A_1474 {strides = array<i32>} : memref<4096xf32, #tpu.memory_space<vmem>>, vector<16xf32>,
      %get3A_1477 = arith.constant 3328 : index
      %get3A_1478 = tpu.vector_load %arg4[%get3A_1477] {strides = array<i32>} : memref<4096xf32, #tpu.memory_space<vmem>>, vector<16xf32>,
      %swap3A_1479 = arith.constant 0 : index
      %swap3A_1480 = tpu.vector_load %arg6[%swap3A_1479] {strides = array<i32>} : memref<32xf32, #tpu.memory_space<vmem>>, vector<16xf32>,
      tpu.vector_store %arg6[%swap3A_1479], %get3A_1478 {strides = array<i32>} : memref<32xf32, #tpu.memory_space<vmem>>, vector<16xf32>,
      %get3A_1481 = arith.constant 3456 : index
      %get3A_1482 = tpu.vector_load %arg4[%get3A_1481] {strides = array<i32>} : memref<4096xf32, #tpu.memory_space<vmem>>, vector<16xf32>,
      %swap3A_1483 = arith.constant 16 : index
      %swap3A_1484 = tpu.vector_load %arg6[%swap3A_1483] {strides = array<i32>} : memref<32xf32, #tpu.memory_space<vmem>>, vector<16xf32>,
      tpu.vector_store %arg6[%swap3A_1483], %get3A_1482 {strides = array<i32>} : memref<32xf32, #tpu.memory_space<vmem>>, vector<16xf32>,
      %gather3A_1485 = tpu.vector_load_idx %arg6[%add3A_8] : memref<32xf32, #tpu.memory_space<vmem>>[vector<16xi32>], vector<16xf32>,
      %swap3A_1486 = arith.constant 3328 : index
      %swap3A_1487 = tpu.vector_load %arg5[%swap3A_1486] {strides = array<i32>} : memref<4096xf32, #tpu.memory_space<vmem>>, vector<16xf32>,
      tpu.vector_store %arg5[%swap3A_1486], %gather3A_1485 {strides = array<i32>} : memref<4096xf32, #tpu.memory_space<vmem>>, vector<16xf32>,
      %gather3A_1488 = tpu.vector_load_idx %arg6[%add3A_11] : memref<32xf32, #tpu.memory_space<vmem>>[vector<16xi32>], vector<16xf32>,
      %swap3A_1489 = arith.constant 3344 : index
      %swap3A_1490 = tpu.vector_load %arg5[%swap3A_1489] {strides = array<i32>} : memref<4096xf32, #tpu.memory_space<vmem>>, vector<16xf32>,
      tpu.vector_store %arg5[%swap3A_1489], %gather3A_1488 {strides = array<i32>} : memref<4096xf32, #tpu.memory_space<vmem>>, vector<16xf32>,
      %get3A_1491 = arith.constant 3344 : index
      %get3A_1492 = tpu.vector_load %arg4[%get3A_1491] {strides = array<i32>} : memref<4096xf32, #tpu.memory_space<vmem>>, vector<16xf32>,
      %swap3A_1493 = arith.constant 0 : index
      %swap3A_1494 = tpu.vector_load %arg6[%swap3A_1493] {strides = array<i32>} : memref<32xf32, #tpu.memory_space<vmem>>, vector<16xf32>,
      tpu.vector_store %arg6[%swap3A_1493], %get3A_1492 {strides = array<i32>} : memref<32xf32, #tpu.memory_space<vmem>>, vector<16xf32>,
      %get3A_1495 = arith.constant 3472 : index
      %get3A_1496 = tpu.vector_load %arg4[%get3A_1495] {strides = array<i32>} : memref<4096xf32, #tpu.memory_space<vmem>>, vector<16xf32>,
      %swap3A_1497 = arith.constant 16 : index
      %swap3A_1498 = tpu.vector_load %arg6[%swap3A_1497] {strides = array<i32>} : memref<32xf32, #tpu.memory_space<vmem>>, vector<16xf32>,
      tpu.vector_store %arg6[%swap3A_1497], %get3A_1496 {strides = array<i32>} : memref<32xf32, #tpu.memory_space<vmem>>, vector<16xf32>,
      %gather3A_1499 = tpu.vector_load_idx %arg6[%add3A_8] : memref<32xf32, #tpu.memory_space<vmem>>[vector<16xi32>], vector<16xf32>,
      %swap3A_1500 = arith.constant 3360 : index
      %swap3A_1501 = tpu.vector_load %arg5[%swap3A_1500] {strides = array<i32>} : memref<4096xf32, #tpu.memory_space<vmem>>, vector<16xf32>,
      tpu.vector_store %arg5[%swap3A_1500], %gather3A_1499 {strides = array<i32>} : memref<4096xf32, #tpu.memory_space<vmem>>, vector<16xf32>,
      %gather3A_1502 = tpu.vector_load_idx %arg6[%add3A_11] : memref<32xf32, #tpu.memory_space<vmem>>[vector<16xi32>], vector<16xf32>,
      %swap3A_1503 = arith.constant 3376 : index
      %swap3A_1504 = tpu.vector_load %arg5[%swap3A_1503] {strides = array<i32>} : memref<4096xf32, #tpu.memory_space<vmem>>, vector<16xf32>,
      tpu.vector_store %arg5[%swap3A_1503], %gather3A_1502 {strides = array<i32>} : memref<4096xf32, #tpu.memory_space<vmem>>, vector<16xf32>,
      %get3A_1505 = arith.constant 3360 : index
      %get3A_1506 = tpu.vector_load %arg4[%get3A_1505] {strides = array<i32>} : memref<4096xf32, #tpu.memory_space<vmem>>, vector<16xf32>,
      %swap3A_1507 = arith.constant 0 : index
      %swap3A_1508 = tpu.vector_load %arg6[%swap3A_1507] {strides = array<i32>} : memref<32xf32, #tpu.memory_space<vmem>>, vector<16xf32>,
      tpu.vector_store %arg6[%swap3A_1507], %get3A_1506 {strides = array<i32>} : memref<32xf32, #tpu.memory_space<vmem>>, vector<16xf32>,
      %get3A_1509 = arith.constant 3488 : index
      %get3A_1510 = tpu.vector_load %arg4[%get3A_1509] {strides = array<i32>} : memref<4096xf32, #tpu.memory_space<vmem>>, vector<16xf32>,
      %swap3A_1511 = arith.constant 16 : index
      %swap3A_1512 = tpu.vector_load %arg6[%swap3A_1511] {strides = array<i32>} : memref<32xf32, #tpu.memory_space<vmem>>, vector<16xf32>,
      tpu.vector_store %arg6[%swap3A_1511], %get3A_1510 {strides = array<i32>} : memref<32xf32, #tpu.memory_space<vmem>>, vector<16xf32>,
      %gather3A_1513 = tpu.vector_load_idx %arg6[%add3A_8] : memref<32xf32, #tpu.memory_space<vmem>>[vector<16xi32>], vector<16xf32>,
      %swap3A_1514 = arith.constant 3392 : index
      %swap3A_1515 = tpu.vector_load %arg5[%swap3A_1514] {strides = array<i32>} : memref<4096xf32, #tpu.memory_space<vmem>>, vector<16xf32>,
      tpu.vector_store %arg5[%swap3A_1514], %gather3A_1513 {strides = array<i32>} : memref<4096xf32, #tpu.memory_space<vmem>>, vector<16xf32>,
      %gather3A_1516 = tpu.vector_load_idx %arg6[%add3A_11] : memref<32xf32, #tpu.memory_space<vmem>>[vector<16xi32>], vector<16xf32>,
      %swap3A_1517 = arith.constant 3408 : index
      %swap3A_1518 = tpu.vector_load %arg5[%swap3A_1517] {strides = array<i32>} : memref<4096xf32, #tpu.memory_space<vmem>>, vector<16xf32>,
      tpu.vector_store %arg5[%swap3A_1517], %gather3A_1516 {strides = array<i32>} : memref<4096xf32, #tpu.memory_space<vmem>>, vector<16xf32>,
      %get3A_1519 = arith.constant 3376 : index
      %get3A_1520 = tpu.vector_load %arg4[%get3A_1519] {strides = array<i32>} : memref<4096xf32, #tpu.memory_space<vmem>>, vector<16xf32>,
      %swap3A_1521 = arith.constant 0 : index
      %swap3A_1522 = tpu.vector_load %arg6[%swap3A_1521] {strides = array<i32>} : memref<32xf32, #tpu.memory_space<vmem>>, vector<16xf32>,
      tpu.vector_store %arg6[%swap3A_1521], %get3A_1520 {strides = array<i32>} : memref<32xf32, #tpu.memory_space<vmem>>, vector<16xf32>,
      %get3A_1523 = arith.constant 3504 : index
      %get3A_1524 = tpu.vector_load %arg4[%get3A_1523] {strides = array<i32>} : memref<4096xf32, #tpu.memory_space<vmem>>, vector<16xf32>,
      %swap3A_1525 = arith.constant 16 : index
      %swap3A_1526 = tpu.vector_load %arg6[%swap3A_1525] {strides = array<i32>} : memref<32xf32, #tpu.memory_space<vmem>>, vector<16xf32>,
      tpu.vector_store %arg6[%swap3A_1525], %get3A_1524 {strides = array<i32>} : memref<32xf32, #tpu.memory_space<vmem>>, vector<16xf32>,
      %gather3A_1527 = tpu.vector_load_idx %arg6[%add3A_8] : memref<32xf32, #tpu.memory_space<vmem>>[vector<16xi32>], vector<16xf32>,
      %swap3A_1528 = arith.constant 3424 : index
      %swap3A_1529 = tpu.vector_load %arg5[%swap3A_1528] {strides = array<i32>} : memref<4096xf32, #tpu.memory_space<vmem>>, vector<16xf32>,
      tpu.vector_store %arg5[%swap3A_1528], %gather3A_1527 {strides = array<i32>} : memref<4096xf32, #tpu.memory_space<vmem>>, vector<16xf32>,
      %gather3A_1530 = tpu.vector_load_idx %arg6[%add3A_11] : memref<32xf32, #tpu.memory_space<vmem>>[vector<16xi32>], vector<16xf32>,
      %swap3A_1531 = arith.constant 3440 : index
      %swap3A_1532 = tpu.vector_load %arg5[%swap3A_1531] {strides = array<i32>} : memref<4096xf32, #tpu.memory_space<vmem>>, vector<16xf32>,
      tpu.vector_store %arg5[%swap3A_1531], %gather3A_1530 {strides = array<i32>} : memref<4096xf32, #tpu.memory_space<vmem>>, vector<16xf32>,
      %get3A_1533 = arith.constant 3392 : index
      %get3A_1534 = tpu.vector_load %arg4[%get3A_1533] {strides = array<i32>} : memref<4096xf32, #tpu.memory_space<vmem>>, vector<16xf32>,
      %swap3A_1535 = arith.constant 0 : index
      %swap3A_1536 = tpu.vector_load %arg6[%swap3A_1535] {strides = array<i32>} : memref<32xf32, #tpu.memory_space<vmem>>, vector<16xf32>,
      tpu.vector_store %arg6[%swap3A_1535], %get3A_1534 {strides = array<i32>} : memref<32xf32, #tpu.memory_space<vmem>>, vector<16xf32>,
      %get3A_1537 = arith.constant 3520 : index
      %get3A_1538 = tpu.vector_load %arg4[%get3A_1537] {strides = array<i32>} : memref<4096xf32, #tpu.memory_space<vmem>>, vector<16xf32>,
      %swap3A_1539 = arith.constant 16 : index
      %swap3A_1540 = tpu.vector_load %arg6[%swap3A_1539] {strides = array<i32>} : memref<32xf32, #tpu.memory_space<vmem>>, vector<16xf32>,
      tpu.vector_store %arg6[%swap3A_1539], %get3A_1538 {strides = array<i32>} : memref<32xf32, #tpu.memory_space<vmem>>, vector<16xf32>,
      %gather3A_1541 = tpu.vector_load_idx %arg6[%add3A_8] : memref<32xf32, #tpu.memory_space<vmem>>[vector<16xi32>], vector<16xf32>,
      %swap3A_1542 = arith.constant 3456 : index
      %swap3A_1543 = tpu.vector_load %arg5[%swap3A_1542] {strides = array<i32>} : memref<4096xf32, #tpu.memory_space<vmem>>, vector<16xf32>,
      tpu.vector_store %arg5[%swap3A_1542], %gather3A_1541 {strides = array<i32>} : memref<4096xf32, #tpu.memory_space<vmem>>, vector<16xf32>,
      %gather3A_1544 = tpu.vector_load_idx %arg6[%add3A_11] : memref<32xf32, #tpu.memory_space<vmem>>[vector<16xi32>], vector<16xf32>,
      %swap3A_1545 = arith.constant 3472 : index
      %swap3A_1546 = tpu.vector_load %arg5[%swap3A_1545] {strides = array<i32>} : memref<4096xf32, #tpu.memory_space<vmem>>, vector<16xf32>,
      tpu.vector_store %arg5[%swap3A_1545], %gather3A_1544 {strides = array<i32>} : memref<4096xf32, #tpu.memory_space<vmem>>, vector<16xf32>,
      %get3A_1547 = arith.constant 3408 : index
      %get3A_1548 = tpu.vector_load %arg4[%get3A_1547] {strides = array<i32>} : memref<4096xf32, #tpu.memory_space<vmem>>, vector<16xf32>,
      %swap3A_1549 = arith.constant 0 : index
      %swap3A_1550 = tpu.vector_load %arg6[%swap3A_1549] {strides = array<i32>} : memref<32xf32, #tpu.memory_space<vmem>>, vector<16xf32>,
      tpu.vector_store %arg6[%swap3A_1549], %get3A_1548 {strides = array<i32>} : memref<32xf32, #tpu.memory_space<vmem>>, vector<16xf32>,
      %get3A_1551 = arith.constant 3536 : index
      %get3A_1552 = tpu.vector_load %arg4[%get3A_1551] {strides = array<i32>} : memref<4096xf32, #tpu.memory_space<vmem>>, vector<16xf32>,
      %swap3A_1553 = arith.constant 16 : index
      %swap3A_1554 = tpu.vector_load %arg6[%swap3A_1553] {strides = array<i32>} : memref<32xf32, #tpu.memory_space<vmem>>, vector<16xf32>,
      tpu.vector_store %arg6[%swap3A_1553], %get3A_1552 {strides = array<i32>} : memref<32xf32, #tpu.memory_space<vmem>>, vector<16xf32>,
      %gather3A_1555 = tpu.vector_load_idx %arg6[%add3A_8] : memref<32xf32, #tpu.memory_space<vmem>>[vector<16xi32>], vector<16xf32>,
      %swap3A_1556 = arith.constant 3488 : index
      %swap3A_1557 = tpu.vector_load %arg5[%swap3A_1556] {strides = array<i32>} : memref<4096xf32, #tpu.memory_space<vmem>>, vector<16xf32>,
      tpu.vector_store %arg5[%swap3A_1556], %gather3A_1555 {strides = array<i32>} : memref<4096xf32, #tpu.memory_space<vmem>>, vector<16xf32>,
      %gather3A_1558 = tpu.vector_load_idx %arg6[%add3A_11] : memref<32xf32, #tpu.memory_space<vmem>>[vector<16xi32>], vector<16xf32>,
      %swap3A_1559 = arith.constant 3504 : index
      %swap3A_1560 = tpu.vector_load %arg5[%swap3A_1559] {strides = array<i32>} : memref<4096xf32, #tpu.memory_space<vmem>>, vector<16xf32>,
      tpu.vector_store %arg5[%swap3A_1559], %gather3A_1558 {strides = array<i32>} : memref<4096xf32, #tpu.memory_space<vmem>>, vector<16xf32>,
      %get3A_1561 = arith.constant 3424 : index
      %get3A_1562 = tpu.vector_load %arg4[%get3A_1561] {strides = array<i32>} : memref<4096xf32, #tpu.memory_space<vmem>>, vector<16xf32>,
      %swap3A_1563 = arith.constant 0 : index
      %swap3A_1564 = tpu.vector_load %arg6[%swap3A_1563] {strides = array<i32>} : memref<32xf32, #tpu.memory_space<vmem>>, vector<16xf32>,
      tpu.vector_store %arg6[%swap3A_1563], %get3A_1562 {strides = array<i32>} : memref<32xf32, #tpu.memory_space<vmem>>, vector<16xf32>,
      %get3A_1565 = arith.constant 3552 : index
      %get3A_1566 = tpu.vector_load %arg4[%get3A_1565] {strides = array<i32>} : memref<4096xf32, #tpu.memory_space<vmem>>, vector<16xf32>,
      %swap3A_1567 = arith.constant 16 : index
      %swap3A_1568 = tpu.vector_load %arg6[%swap3A_1567] {strides = array<i32>} : memref<32xf32, #tpu.memory_space<vmem>>, vector<16xf32>,
      tpu.vector_store %arg6[%swap3A_1567], %get3A_1566 {strides = array<i32>} : memref<32xf32, #tpu.memory_space<vmem>>, vector<16xf32>,
      %gather3A_1569 = tpu.vector_load_idx %arg6[%add3A_8] : memref<32xf32, #tpu.memory_space<vmem>>[vector<16xi32>], vector<16xf32>,
      %swap3A_1570 = arith.constant 3520 : index
      %swap3A_1571 = tpu.vector_load %arg5[%swap3A_1570] {strides = array<i32>} : memref<4096xf32, #tpu.memory_space<vmem>>, vector<16xf32>,
      tpu.vector_store %arg5[%swap3A_1570], %gather3A_1569 {strides = array<i32>} : memref<4096xf32, #tpu.memory_space<vmem>>, vector<16xf32>,
      %gather3A_1572 = tpu.vector_load_idx %arg6[%add3A_11] : memref<32xf32, #tpu.memory_space<vmem>>[vector<16xi32>], vector<16xf32>,
      %swap3A_1573 = arith.constant 3536 : index
      %swap3A_1574 = tpu.vector_load %arg5[%swap3A_1573] {strides = array<i32>} : memref<4096xf32, #tpu.memory_space<vmem>>, vector<16xf32>,
      tpu.vector_store %arg5[%swap3A_1573], %gather3A_1572 {strides = array<i32>} : memref<4096xf32, #tpu.memory_space<vmem>>, vector<16xf32>,
      %get3A_1575 = arith.constant 3440 : index
      %get3A_1576 = tpu.vector_load %arg4[%get3A_1575] {strides = array<i32>} : memref<4096xf32, #tpu.memory_space<vmem>>, vector<16xf32>,
      %swap3A_1577 = arith.constant 0 : index
      %swap3A_1578 = tpu.vector_load %arg6[%swap3A_1577] {strides = array<i32>} : memref<32xf32, #tpu.memory_space<vmem>>, vector<16xf32>,
      tpu.vector_store %arg6[%swap3A_1577], %get3A_1576 {strides = array<i32>} : memref<32xf32, #tpu.memory_space<vmem>>, vector<16xf32>,
      %get3A_1579 = arith.constant 3568 : index
      %get3A_1580 = tpu.vector_load %arg4[%get3A_1579] {strides = array<i32>} : memref<4096xf32, #tpu.memory_space<vmem>>, vector<16xf32>,
      %swap3A_1581 = arith.constant 16 : index
      %swap3A_1582 = tpu.vector_load %arg6[%swap3A_1581] {strides = array<i32>} : memref<32xf32, #tpu.memory_space<vmem>>, vector<16xf32>,
      tpu.vector_store %arg6[%swap3A_1581], %get3A_1580 {strides = array<i32>} : memref<32xf32, #tpu.memory_space<vmem>>, vector<16xf32>,
      %gather3A_1583 = tpu.vector_load_idx %arg6[%add3A_8] : memref<32xf32, #tpu.memory_space<vmem>>[vector<16xi32>], vector<16xf32>,
      %swap3A_1584 = arith.constant 3552 : index
      %swap3A_1585 = tpu.vector_load %arg5[%swap3A_1584] {strides = array<i32>} : memref<4096xf32, #tpu.memory_space<vmem>>, vector<16xf32>,
      tpu.vector_store %arg5[%swap3A_1584], %gather3A_1583 {strides = array<i32>} : memref<4096xf32, #tpu.memory_space<vmem>>, vector<16xf32>,
      %gather3A_1586 = tpu.vector_load_idx %arg6[%add3A_11] : memref<32xf32, #tpu.memory_space<vmem>>[vector<16xi32>], vector<16xf32>,
      %swap3A_1587 = arith.constant 3568 : index
      %swap3A_1588 = tpu.vector_load %arg5[%swap3A_1587] {strides = array<i32>} : memref<4096xf32, #tpu.memory_space<vmem>>, vector<16xf32>,
      tpu.vector_store %arg5[%swap3A_1587], %gather3A_1586 {strides = array<i32>} : memref<4096xf32, #tpu.memory_space<vmem>>, vector<16xf32>,
      %get3A_1589 = arith.constant 3584 : index
      %get3A_1590 = tpu.vector_load %arg4[%get3A_1589] {strides = array<i32>} : memref<4096xf32, #tpu.memory_space<vmem>>, vector<16xf32>,
      %swap3A_1591 = arith.constant 0 : index
      %swap3A_1592 = tpu.vector_load %arg6[%swap3A_1591] {strides = array<i32>} : memref<32xf32, #tpu.memory_space<vmem>>, vector<16xf32>,
      tpu.vector_store %arg6[%swap3A_1591], %get3A_1590 {strides = array<i32>} : memref<32xf32, #tpu.memory_space<vmem>>, vector<16xf32>,
      %get3A_1593 = arith.constant 3712 : index
      %get3A_1594 = tpu.vector_load %arg4[%get3A_1593] {strides = array<i32>} : memref<4096xf32, #tpu.memory_space<vmem>>, vector<16xf32>,
      %swap3A_1595 = arith.constant 16 : index
      %swap3A_1596 = tpu.vector_load %arg6[%swap3A_1595] {strides = array<i32>} : memref<32xf32, #tpu.memory_space<vmem>>, vector<16xf32>,
      tpu.vector_store %arg6[%swap3A_1595], %get3A_1594 {strides = array<i32>} : memref<32xf32, #tpu.memory_space<vmem>>, vector<16xf32>,
      %gather3A_1597 = tpu.vector_load_idx %arg6[%add3A_8] : memref<32xf32, #tpu.memory_space<vmem>>[vector<16xi32>], vector<16xf32>,
      %swap3A_1598 = arith.constant 3584 : index
      %swap3A_1599 = tpu.vector_load %arg5[%swap3A_1598] {strides = array<i32>} : memref<4096xf32, #tpu.memory_space<vmem>>, vector<16xf32>,
      tpu.vector_store %arg5[%swap3A_1598], %gather3A_1597 {strides = array<i32>} : memref<4096xf32, #tpu.memory_space<vmem>>, vector<16xf32>,
      %gather3A_1600 = tpu.vector_load_idx %arg6[%add3A_11] : memref<32xf32, #tpu.memory_space<vmem>>[vector<16xi32>], vector<16xf32>,
      %swap3A_1601 = arith.constant 3600 : index
      %swap3A_1602 = tpu.vector_load %arg5[%swap3A_1601] {strides = array<i32>} : memref<4096xf32, #tpu.memory_space<vmem>>, vector<16xf32>,
      tpu.vector_store %arg5[%swap3A_1601], %gather3A_1600 {strides = array<i32>} : memref<4096xf32, #tpu.memory_space<vmem>>, vector<16xf32>,
      %get3A_1603 = arith.constant 3600 : index
      %get3A_1604 = tpu.vector_load %arg4[%get3A_1603] {strides = array<i32>} : memref<4096xf32, #tpu.memory_space<vmem>>, vector<16xf32>,
      %swap3A_1605 = arith.constant 0 : index
      %swap3A_1606 = tpu.vector_load %arg6[%swap3A_1605] {strides = array<i32>} : memref<32xf32, #tpu.memory_space<vmem>>, vector<16xf32>,
      tpu.vector_store %arg6[%swap3A_1605], %get3A_1604 {strides = array<i32>} : memref<32xf32, #tpu.memory_space<vmem>>, vector<16xf32>,
      %get3A_1607 = arith.constant 3728 : index
      %get3A_1608 = tpu.vector_load %arg4[%get3A_1607] {strides = array<i32>} : memref<4096xf32, #tpu.memory_space<vmem>>, vector<16xf32>,
      %swap3A_1609 = arith.constant 16 : index
      %swap3A_1610 = tpu.vector_load %arg6[%swap3A_1609] {strides = array<i32>} : memref<32xf32, #tpu.memory_space<vmem>>, vector<16xf32>,
      tpu.vector_store %arg6[%swap3A_1609], %get3A_1608 {strides = array<i32>} : memref<32xf32, #tpu.memory_space<vmem>>, vector<16xf32>,
      %gather3A_1611 = tpu.vector_load_idx %arg6[%add3A_8] : memref<32xf32, #tpu.memory_space<vmem>>[vector<16xi32>], vector<16xf32>,
      %swap3A_1612 = arith.constant 3616 : index
      %swap3A_1613 = tpu.vector_load %arg5[%swap3A_1612] {strides = array<i32>} : memref<4096xf32, #tpu.memory_space<vmem>>, vector<16xf32>,
      tpu.vector_store %arg5[%swap3A_1612], %gather3A_1611 {strides = array<i32>} : memref<4096xf32, #tpu.memory_space<vmem>>, vector<16xf32>,
      %gather3A_1614 = tpu.vector_load_idx %arg6[%add3A_11] : memref<32xf32, #tpu.memory_space<vmem>>[vector<16xi32>], vector<16xf32>,
      %swap3A_1615 = arith.constant 3632 : index
      %swap3A_1616 = tpu.vector_load %arg5[%swap3A_1615] {strides = array<i32>} : memref<4096xf32, #tpu.memory_space<vmem>>, vector<16xf32>,
      tpu.vector_store %arg5[%swap3A_1615], %gather3A_1614 {strides = array<i32>} : memref<4096xf32, #tpu.memory_space<vmem>>, vector<16xf32>,
      %get3A_1617 = arith.constant 3616 : index
      %get3A_1618 = tpu.vector_load %arg4[%get3A_1617] {strides = array<i32>} : memref<4096xf32, #tpu.memory_space<vmem>>, vector<16xf32>,
      %swap3A_1619 = arith.constant 0 : index
      %swap3A_1620 = tpu.vector_load %arg6[%swap3A_1619] {strides = array<i32>} : memref<32xf32, #tpu.memory_space<vmem>>, vector<16xf32>,
      tpu.vector_store %arg6[%swap3A_1619], %get3A_1618 {strides = array<i32>} : memref<32xf32, #tpu.memory_space<vmem>>, vector<16xf32>,
      %get3A_1621 = arith.constant 3744 : index
      %get3A_1622 = tpu.vector_load %arg4[%get3A_1621] {strides = array<i32>} : memref<4096xf32, #tpu.memory_space<vmem>>, vector<16xf32>,
      %swap3A_1623 = arith.constant 16 : index
      %swap3A_1624 = tpu.vector_load %arg6[%swap3A_1623] {strides = array<i32>} : memref<32xf32, #tpu.memory_space<vmem>>, vector<16xf32>,
      tpu.vector_store %arg6[%swap3A_1623], %get3A_1622 {strides = array<i32>} : memref<32xf32, #tpu.memory_space<vmem>>, vector<16xf32>,
      %gather3A_1625 = tpu.vector_load_idx %arg6[%add3A_8] : memref<32xf32, #tpu.memory_space<vmem>>[vector<16xi32>], vector<16xf32>,
      %swap3A_1626 = arith.constant 3648 : index
      %swap3A_1627 = tpu.vector_load %arg5[%swap3A_1626] {strides = array<i32>} : memref<4096xf32, #tpu.memory_space<vmem>>, vector<16xf32>,
      tpu.vector_store %arg5[%swap3A_1626], %gather3A_1625 {strides = array<i32>} : memref<4096xf32, #tpu.memory_space<vmem>>, vector<16xf32>,
      %gather3A_1628 = tpu.vector_load_idx %arg6[%add3A_11] : memref<32xf32, #tpu.memory_space<vmem>>[vector<16xi32>], vector<16xf32>,
      %swap3A_1629 = arith.constant 3664 : index
      %swap3A_1630 = tpu.vector_load %arg5[%swap3A_1629] {strides = array<i32>} : memref<4096xf32, #tpu.memory_space<vmem>>, vector<16xf32>,
      tpu.vector_store %arg5[%swap3A_1629], %gather3A_1628 {strides = array<i32>} : memref<4096xf32, #tpu.memory_space<vmem>>, vector<16xf32>,
      %get3A_1631 = arith.constant 3632 : index
      %get3A_1632 = tpu.vector_load %arg4[%get3A_1631] {strides = array<i32>} : memref<4096xf32, #tpu.memory_space<vmem>>, vector<16xf32>,
      %swap3A_1633 = arith.constant 0 : index
      %swap3A_1634 = tpu.vector_load %arg6[%swap3A_1633] {strides = array<i32>} : memref<32xf32, #tpu.memory_space<vmem>>, vector<16xf32>,
      tpu.vector_store %arg6[%swap3A_1633], %get3A_1632 {strides = array<i32>} : memref<32xf32, #tpu.memory_space<vmem>>, vector<16xf32>,
      %get3A_1635 = arith.constant 3760 : index
      %get3A_1636 = tpu.vector_load %arg4[%get3A_1635] {strides = array<i32>} : memref<4096xf32, #tpu.memory_space<vmem>>, vector<16xf32>,
      %swap3A_1637 = arith.constant 16 : index
      %swap3A_1638 = tpu.vector_load %arg6[%swap3A_1637] {strides = array<i32>} : memref<32xf32, #tpu.memory_space<vmem>>, vector<16xf32>,
      tpu.vector_store %arg6[%swap3A_1637], %get3A_1636 {strides = array<i32>} : memref<32xf32, #tpu.memory_space<vmem>>, vector<16xf32>,
      %gather3A_1639 = tpu.vector_load_idx %arg6[%add3A_8] : memref<32xf32, #tpu.memory_space<vmem>>[vector<16xi32>], vector<16xf32>,
      %swap3A_1640 = arith.constant 3680 : index
      %swap3A_1641 = tpu.vector_load %arg5[%swap3A_1640] {strides = array<i32>} : memref<4096xf32, #tpu.memory_space<vmem>>, vector<16xf32>,
      tpu.vector_store %arg5[%swap3A_1640], %gather3A_1639 {strides = array<i32>} : memref<4096xf32, #tpu.memory_space<vmem>>, vector<16xf32>,
      %gather3A_1642 = tpu.vector_load_idx %arg6[%add3A_11] : memref<32xf32, #tpu.memory_space<vmem>>[vector<16xi32>], vector<16xf32>,
      %swap3A_1643 = arith.constant 3696 : index
      %swap3A_1644 = tpu.vector_load %arg5[%swap3A_1643] {strides = array<i32>} : memref<4096xf32, #tpu.memory_space<vmem>>, vector<16xf32>,
      tpu.vector_store %arg5[%swap3A_1643], %gather3A_1642 {strides = array<i32>} : memref<4096xf32, #tpu.memory_space<vmem>>, vector<16xf32>,
      %get3A_1645 = arith.constant 3648 : index
      %get3A_1646 = tpu.vector_load %arg4[%get3A_1645] {strides = array<i32>} : memref<4096xf32, #tpu.memory_space<vmem>>, vector<16xf32>,
      %swap3A_1647 = arith.constant 0 : index
      %swap3A_1648 = tpu.vector_load %arg6[%swap3A_1647] {strides = array<i32>} : memref<32xf32, #tpu.memory_space<vmem>>, vector<16xf32>,
      tpu.vector_store %arg6[%swap3A_1647], %get3A_1646 {strides = array<i32>} : memref<32xf32, #tpu.memory_space<vmem>>, vector<16xf32>,
      %get3A_1649 = arith.constant 3776 : index
      %get3A_1650 = tpu.vector_load %arg4[%get3A_1649] {strides = array<i32>} : memref<4096xf32, #tpu.memory_space<vmem>>, vector<16xf32>,
      %swap3A_1651 = arith.constant 16 : index
      %swap3A_1652 = tpu.vector_load %arg6[%swap3A_1651] {strides = array<i32>} : memref<32xf32, #tpu.memory_space<vmem>>, vector<16xf32>,
      tpu.vector_store %arg6[%swap3A_1651], %get3A_1650 {strides = array<i32>} : memref<32xf32, #tpu.memory_space<vmem>>, vector<16xf32>,
      %gather3A_1653 = tpu.vector_load_idx %arg6[%add3A_8] : memref<32xf32, #tpu.memory_space<vmem>>[vector<16xi32>], vector<16xf32>,
      %swap3A_1654 = arith.constant 3712 : index
      %swap3A_1655 = tpu.vector_load %arg5[%swap3A_1654] {strides = array<i32>} : memref<4096xf32, #tpu.memory_space<vmem>>, vector<16xf32>,
      tpu.vector_store %arg5[%swap3A_1654], %gather3A_1653 {strides = array<i32>} : memref<4096xf32, #tpu.memory_space<vmem>>, vector<16xf32>,
      %gather3A_1656 = tpu.vector_load_idx %arg6[%add3A_11] : memref<32xf32, #tpu.memory_space<vmem>>[vector<16xi32>], vector<16xf32>,
      %swap3A_1657 = arith.constant 3728 : index
      %swap3A_1658 = tpu.vector_load %arg5[%swap3A_1657] {strides = array<i32>} : memref<4096xf32, #tpu.memory_space<vmem>>, vector<16xf32>,
      tpu.vector_store %arg5[%swap3A_1657], %gather3A_1656 {strides = array<i32>} : memref<4096xf32, #tpu.memory_space<vmem>>, vector<16xf32>,
      %get3A_1659 = arith.constant 3664 : index
      %get3A_1660 = tpu.vector_load %arg4[%get3A_1659] {strides = array<i32>} : memref<4096xf32, #tpu.memory_space<vmem>>, vector<16xf32>,
      %swap3A_1661 = arith.constant 0 : index
      %swap3A_1662 = tpu.vector_load %arg6[%swap3A_1661] {strides = array<i32>} : memref<32xf32, #tpu.memory_space<vmem>>, vector<16xf32>,
      tpu.vector_store %arg6[%swap3A_1661], %get3A_1660 {strides = array<i32>} : memref<32xf32, #tpu.memory_space<vmem>>, vector<16xf32>,
      %get3A_1663 = arith.constant 3792 : index
      %get3A_1664 = tpu.vector_load %arg4[%get3A_1663] {strides = array<i32>} : memref<4096xf32, #tpu.memory_space<vmem>>, vector<16xf32>,
      %swap3A_1665 = arith.constant 16 : index
      %swap3A_1666 = tpu.vector_load %arg6[%swap3A_1665] {strides = array<i32>} : memref<32xf32, #tpu.memory_space<vmem>>, vector<16xf32>,
      tpu.vector_store %arg6[%swap3A_1665], %get3A_1664 {strides = array<i32>} : memref<32xf32, #tpu.memory_space<vmem>>, vector<16xf32>,
      %gather3A_1667 = tpu.vector_load_idx %arg6[%add3A_8] : memref<32xf32, #tpu.memory_space<vmem>>[vector<16xi32>], vector<16xf32>,
      %swap3A_1668 = arith.constant 3744 : index
      %swap3A_1669 = tpu.vector_load %arg5[%swap3A_1668] {strides = array<i32>} : memref<4096xf32, #tpu.memory_space<vmem>>, vector<16xf32>,
      tpu.vector_store %arg5[%swap3A_1668], %gather3A_1667 {strides = array<i32>} : memref<4096xf32, #tpu.memory_space<vmem>>, vector<16xf32>,
      %gather3A_1670 = tpu.vector_load_idx %arg6[%add3A_11] : memref<32xf32, #tpu.memory_space<vmem>>[vector<16xi32>], vector<16xf32>,
      %swap3A_1671 = arith.constant 3760 : index
      %swap3A_1672 = tpu.vector_load %arg5[%swap3A_1671] {strides = array<i32>} : memref<4096xf32, #tpu.memory_space<vmem>>, vector<16xf32>,
      tpu.vector_store %arg5[%swap3A_1671], %gather3A_1670 {strides = array<i32>} : memref<4096xf32, #tpu.memory_space<vmem>>, vector<16xf32>,
      %get3A_1673 = arith.constant 3680 : index
      %get3A_1674 = tpu.vector_load %arg4[%get3A_1673] {strides = array<i32>} : memref<4096xf32, #tpu.memory_space<vmem>>, vector<16xf32>,
      %swap3A_1675 = arith.constant 0 : index
      %swap3A_1676 = tpu.vector_load %arg6[%swap3A_1675] {strides = array<i32>} : memref<32xf32, #tpu.memory_space<vmem>>, vector<16xf32>,
      tpu.vector_store %arg6[%swap3A_1675], %get3A_1674 {strides = array<i32>} : memref<32xf32, #tpu.memory_space<vmem>>, vector<16xf32>,
      %get3A_1677 = arith.constant 3808 : index
      %get3A_1678 = tpu.vector_load %arg4[%get3A_1677] {strides = array<i32>} : memref<4096xf32, #tpu.memory_space<vmem>>, vector<16xf32>,
      %swap3A_1679 = arith.constant 16 : index
      %swap3A_1680 = tpu.vector_load %arg6[%swap3A_1679] {strides = array<i32>} : memref<32xf32, #tpu.memory_space<vmem>>, vector<16xf32>,
      tpu.vector_store %arg6[%swap3A_1679], %get3A_1678 {strides = array<i32>} : memref<32xf32, #tpu.memory_space<vmem>>, vector<16xf32>,
      %gather3A_1681 = tpu.vector_load_idx %arg6[%add3A_8] : memref<32xf32, #tpu.memory_space<vmem>>[vector<16xi32>], vector<16xf32>,
      %swap3A_1682 = arith.constant 3776 : index
      %swap3A_1683 = tpu.vector_load %arg5[%swap3A_1682] {strides = array<i32>} : memref<4096xf32, #tpu.memory_space<vmem>>, vector<16xf32>,
      tpu.vector_store %arg5[%swap3A_1682], %gather3A_1681 {strides = array<i32>} : memref<4096xf32, #tpu.memory_space<vmem>>, vector<16xf32>,
      %gather3A_1684 = tpu.vector_load_idx %arg6[%add3A_11] : memref<32xf32, #tpu.memory_space<vmem>>[vector<16xi32>], vector<16xf32>,
      %swap3A_1685 = arith.constant 3792 : index
      %swap3A_1686 = tpu.vector_load %arg5[%swap3A_1685] {strides = array<i32>} : memref<4096xf32, #tpu.memory_space<vmem>>, vector<16xf32>,
      tpu.vector_store %arg5[%swap3A_1685], %gather3A_1684 {strides = array<i32>} : memref<4096xf32, #tpu.memory_space<vmem>>, vector<16xf32>,
      %get3A_1687 = arith.constant 3696 : index
      %get3A_1688 = tpu.vector_load %arg4[%get3A_1687] {strides = array<i32>} : memref<4096xf32, #tpu.memory_space<vmem>>, vector<16xf32>,
      %swap3A_1689 = arith.constant 0 : index
      %swap3A_1690 = tpu.vector_load %arg6[%swap3A_1689] {strides = array<i32>} : memref<32xf32, #tpu.memory_space<vmem>>, vector<16xf32>,
      tpu.vector_store %arg6[%swap3A_1689], %get3A_1688 {strides = array<i32>} : memref<32xf32, #tpu.memory_space<vmem>>, vector<16xf32>,
      %get3A_1691 = arith.constant 3824 : index
      %get3A_1692 = tpu.vector_load %arg4[%get3A_1691] {strides = array<i32>} : memref<4096xf32, #tpu.memory_space<vmem>>, vector<16xf32>,
      %swap3A_1693 = arith.constant 16 : index
      %swap3A_1694 = tpu.vector_load %arg6[%swap3A_1693] {strides = array<i32>} : memref<32xf32, #tpu.memory_space<vmem>>, vector<16xf32>,
      tpu.vector_store %arg6[%swap3A_1693], %get3A_1692 {strides = array<i32>} : memref<32xf32, #tpu.memory_space<vmem>>, vector<16xf32>,
      %gather3A_1695 = tpu.vector_load_idx %arg6[%add3A_8] : memref<32xf32, #tpu.memory_space<vmem>>[vector<16xi32>], vector<16xf32>,
      %swap3A_1696 = arith.constant 3808 : index
      %swap3A_1697 = tpu.vector_load %arg5[%swap3A_1696] {strides = array<i32>} : memref<4096xf32, #tpu.memory_space<vmem>>, vector<16xf32>,
      tpu.vector_store %arg5[%swap3A_1696], %gather3A_1695 {strides = array<i32>} : memref<4096xf32, #tpu.memory_space<vmem>>, vector<16xf32>,
      %gather3A_1698 = tpu.vector_load_idx %arg6[%add3A_11] : memref<32xf32, #tpu.memory_space<vmem>>[vector<16xi32>], vector<16xf32>,
      %swap3A_1699 = arith.constant 3824 : index
      %swap3A_1700 = tpu.vector_load %arg5[%swap3A_1699] {strides = array<i32>} : memref<4096xf32, #tpu.memory_space<vmem>>, vector<16xf32>,
      tpu.vector_store %arg5[%swap3A_1699], %gather3A_1698 {strides = array<i32>} : memref<4096xf32, #tpu.memory_space<vmem>>, vector<16xf32>,
      %get3A_1701 = arith.constant 3840 : index
      %get3A_1702 = tpu.vector_load %arg4[%get3A_1701] {strides = array<i32>} : memref<4096xf32, #tpu.memory_space<vmem>>, vector<16xf32>,
      %swap3A_1703 = arith.constant 0 : index
      %swap3A_1704 = tpu.vector_load %arg6[%swap3A_1703] {strides = array<i32>} : memref<32xf32, #tpu.memory_space<vmem>>, vector<16xf32>,
      tpu.vector_store %arg6[%swap3A_1703], %get3A_1702 {strides = array<i32>} : memref<32xf32, #tpu.memory_space<vmem>>, vector<16xf32>,
      %get3A_1705 = arith.constant 3968 : index
      %get3A_1706 = tpu.vector_load %arg4[%get3A_1705] {strides = array<i32>} : memref<4096xf32, #tpu.memory_space<vmem>>, vector<16xf32>,
      %swap3A_1707 = arith.constant 16 : index
      %swap3A_1708 = tpu.vector_load %arg6[%swap3A_1707] {strides = array<i32>} : memref<32xf32, #tpu.memory_space<vmem>>, vector<16xf32>,
      tpu.vector_store %arg6[%swap3A_1707], %get3A_1706 {strides = array<i32>} : memref<32xf32, #tpu.memory_space<vmem>>, vector<16xf32>,
      %gather3A_1709 = tpu.vector_load_idx %arg6[%add3A_8] : memref<32xf32, #tpu.memory_space<vmem>>[vector<16xi32>], vector<16xf32>,
      %swap3A_1710 = arith.constant 3840 : index
      %swap3A_1711 = tpu.vector_load %arg5[%swap3A_1710] {strides = array<i32>} : memref<4096xf32, #tpu.memory_space<vmem>>, vector<16xf32>,
      tpu.vector_store %arg5[%swap3A_1710], %gather3A_1709 {strides = array<i32>} : memref<4096xf32, #tpu.memory_space<vmem>>, vector<16xf32>,
      %gather3A_1712 = tpu.vector_load_idx %arg6[%add3A_11] : memref<32xf32, #tpu.memory_space<vmem>>[vector<16xi32>], vector<16xf32>,
      %swap3A_1713 = arith.constant 3856 : index
      %swap3A_1714 = tpu.vector_load %arg5[%swap3A_1713] {strides = array<i32>} : memref<4096xf32, #tpu.memory_space<vmem>>, vector<16xf32>,
      tpu.vector_store %arg5[%swap3A_1713], %gather3A_1712 {strides = array<i32>} : memref<4096xf32, #tpu.memory_space<vmem>>, vector<16xf32>,
      %get3A_1715 = arith.constant 3856 : index
      %get3A_1716 = tpu.vector_load %arg4[%get3A_1715] {strides = array<i32>} : memref<4096xf32, #tpu.memory_space<vmem>>, vector<16xf32>,
      %swap3A_1717 = arith.constant 0 : index
      %swap3A_1718 = tpu.vector_load %arg6[%swap3A_1717] {strides = array<i32>} : memref<32xf32, #tpu.memory_space<vmem>>, vector<16xf32>,
      tpu.vector_store %arg6[%swap3A_1717], %get3A_1716 {strides = array<i32>} : memref<32xf32, #tpu.memory_space<vmem>>, vector<16xf32>,
      %get3A_1719 = arith.constant 3984 : index
      %get3A_1720 = tpu.vector_load %arg4[%get3A_1719] {strides = array<i32>} : memref<4096xf32, #tpu.memory_space<vmem>>, vector<16xf32>,
      %swap3A_1721 = arith.constant 16 : index
      %swap3A_1722 = tpu.vector_load %arg6[%swap3A_1721] {strides = array<i32>} : memref<32xf32, #tpu.memory_space<vmem>>, vector<16xf32>,
      tpu.vector_store %arg6[%swap3A_1721], %get3A_1720 {strides = array<i32>} : memref<32xf32, #tpu.memory_space<vmem>>, vector<16xf32>,
      %gather3A_1723 = tpu.vector_load_idx %arg6[%add3A_8] : memref<32xf32, #tpu.memory_space<vmem>>[vector<16xi32>], vector<16xf32>,
      %swap3A_1724 = arith.constant 3872 : index
      %swap3A_1725 = tpu.vector_load %arg5[%swap3A_1724] {strides = array<i32>} : memref<4096xf32, #tpu.memory_space<vmem>>, vector<16xf32>,
      tpu.vector_store %arg5[%swap3A_1724], %gather3A_1723 {strides = array<i32>} : memref<4096xf32, #tpu.memory_space<vmem>>, vector<16xf32>,
      %gather3A_1726 = tpu.vector_load_idx %arg6[%add3A_11] : memref<32xf32, #tpu.memory_space<vmem>>[vector<16xi32>], vector<16xf32>,
      %swap3A_1727 = arith.constant 3888 : index
      %swap3A_1728 = tpu.vector_load %arg5[%swap3A_1727] {strides = array<i32>} : memref<4096xf32, #tpu.memory_space<vmem>>, vector<16xf32>,
      tpu.vector_store %arg5[%swap3A_1727], %gather3A_1726 {strides = array<i32>} : memref<4096xf32, #tpu.memory_space<vmem>>, vector<16xf32>,
      %get3A_1729 = arith.constant 3872 : index
      %get3A_1730 = tpu.vector_load %arg4[%get3A_1729] {strides = array<i32>} : memref<4096xf32, #tpu.memory_space<vmem>>, vector<16xf32>,
      %swap3A_1731 = arith.constant 0 : index
      %swap3A_1732 = tpu.vector_load %arg6[%swap3A_1731] {strides = array<i32>} : memref<32xf32, #tpu.memory_space<vmem>>, vector<16xf32>,
      tpu.vector_store %arg6[%swap3A_1731], %get3A_1730 {strides = array<i32>} : memref<32xf32, #tpu.memory_space<vmem>>, vector<16xf32>,
      %get3A_1733 = arith.constant 4000 : index
      %get3A_1734 = tpu.vector_load %arg4[%get3A_1733] {strides = array<i32>} : memref<4096xf32, #tpu.memory_space<vmem>>, vector<16xf32>,
      %swap3A_1735 = arith.constant 16 : index
      %swap3A_1736 = tpu.vector_load %arg6[%swap3A_1735] {strides = array<i32>} : memref<32xf32, #tpu.memory_space<vmem>>, vector<16xf32>,
      tpu.vector_store %arg6[%swap3A_1735], %get3A_1734 {strides = array<i32>} : memref<32xf32, #tpu.memory_space<vmem>>, vector<16xf32>,
      %gather3A_1737 = tpu.vector_load_idx %arg6[%add3A_8] : memref<32xf32, #tpu.memory_space<vmem>>[vector<16xi32>], vector<16xf32>,
      %swap3A_1738 = arith.constant 3904 : index
      %swap3A_1739 = tpu.vector_load %arg5[%swap3A_1738] {strides = array<i32>} : memref<4096xf32, #tpu.memory_space<vmem>>, vector<16xf32>,
      tpu.vector_store %arg5[%swap3A_1738], %gather3A_1737 {strides = array<i32>} : memref<4096xf32, #tpu.memory_space<vmem>>, vector<16xf32>,
      %gather3A_1740 = tpu.vector_load_idx %arg6[%add3A_11] : memref<32xf32, #tpu.memory_space<vmem>>[vector<16xi32>], vector<16xf32>,
      %swap3A_1741 = arith.constant 3920 : index
      %swap3A_1742 = tpu.vector_load %arg5[%swap3A_1741] {strides = array<i32>} : memref<4096xf32, #tpu.memory_space<vmem>>, vector<16xf32>,
      tpu.vector_store %arg5[%swap3A_1741], %gather3A_1740 {strides = array<i32>} : memref<4096xf32, #tpu.memory_space<vmem>>, vector<16xf32>,
      %get3A_1743 = arith.constant 3888 : index
      %get3A_1744 = tpu.vector_load %arg4[%get3A_1743] {strides = array<i32>} : memref<4096xf32, #tpu.memory_space<vmem>>, vector<16xf32>,
      %swap3A_1745 = arith.constant 0 : index
      %swap3A_1746 = tpu.vector_load %arg6[%swap3A_1745] {strides = array<i32>} : memref<32xf32, #tpu.memory_space<vmem>>, vector<16xf32>,
      tpu.vector_store %arg6[%swap3A_1745], %get3A_1744 {strides = array<i32>} : memref<32xf32, #tpu.memory_space<vmem>>, vector<16xf32>,
      %get3A_1747 = arith.constant 4016 : index
      %get3A_1748 = tpu.vector_load %arg4[%get3A_1747] {strides = array<i32>} : memref<4096xf32, #tpu.memory_space<vmem>>, vector<16xf32>,
      %swap3A_1749 = arith.constant 16 : index
      %swap3A_1750 = tpu.vector_load %arg6[%swap3A_1749] {strides = array<i32>} : memref<32xf32, #tpu.memory_space<vmem>>, vector<16xf32>,
      tpu.vector_store %arg6[%swap3A_1749], %get3A_1748 {strides = array<i32>} : memref<32xf32, #tpu.memory_space<vmem>>, vector<16xf32>,
      %gather3A_1751 = tpu.vector_load_idx %arg6[%add3A_8] : memref<32xf32, #tpu.memory_space<vmem>>[vector<16xi32>], vector<16xf32>,
      %swap3A_1752 = arith.constant 3936 : index
      %swap3A_1753 = tpu.vector_load %arg5[%swap3A_1752] {strides = array<i32>} : memref<4096xf32, #tpu.memory_space<vmem>>, vector<16xf32>,
      tpu.vector_store %arg5[%swap3A_1752], %gather3A_1751 {strides = array<i32>} : memref<4096xf32, #tpu.memory_space<vmem>>, vector<16xf32>,
      %gather3A_1754 = tpu.vector_load_idx %arg6[%add3A_11] : memref<32xf32, #tpu.memory_space<vmem>>[vector<16xi32>], vector<16xf32>,
      %swap3A_1755 = arith.constant 3952 : index
      %swap3A_1756 = tpu.vector_load %arg5[%swap3A_1755] {strides = array<i32>} : memref<4096xf32, #tpu.memory_space<vmem>>, vector<16xf32>,
      tpu.vector_store %arg5[%swap3A_1755], %gather3A_1754 {strides = array<i32>} : memref<4096xf32, #tpu.memory_space<vmem>>, vector<16xf32>,
      %get3A_1757 = arith.constant 3904 : index
      %get3A_1758 = tpu.vector_load %arg4[%get3A_1757] {strides = array<i32>} : memref<4096xf32, #tpu.memory_space<vmem>>, vector<16xf32>,
      %swap3A_1759 = arith.constant 0 : index
      %swap3A_1760 = tpu.vector_load %arg6[%swap3A_1759] {strides = array<i32>} : memref<32xf32, #tpu.memory_space<vmem>>, vector<16xf32>,
      tpu.vector_store %arg6[%swap3A_1759], %get3A_1758 {strides = array<i32>} : memref<32xf32, #tpu.memory_space<vmem>>, vector<16xf32>,
      %get3A_1761 = arith.constant 4032 : index
      %get3A_1762 = tpu.vector_load %arg4[%get3A_1761] {strides = array<i32>} : memref<4096xf32, #tpu.memory_space<vmem>>, vector<16xf32>,
      %swap3A_1763 = arith.constant 16 : index
      %swap3A_1764 = tpu.vector_load %arg6[%swap3A_1763] {strides = array<i32>} : memref<32xf32, #tpu.memory_space<vmem>>, vector<16xf32>,
      tpu.vector_store %arg6[%swap3A_1763], %get3A_1762 {strides = array<i32>} : memref<32xf32, #tpu.memory_space<vmem>>, vector<16xf32>,
      %gather3A_1765 = tpu.vector_load_idx %arg6[%add3A_8] : memref<32xf32, #tpu.memory_space<vmem>>[vector<16xi32>], vector<16xf32>,
      %swap3A_1766 = arith.constant 3968 : index
      %swap3A_1767 = tpu.vector_load %arg5[%swap3A_1766] {strides = array<i32>} : memref<4096xf32, #tpu.memory_space<vmem>>, vector<16xf32>,
      tpu.vector_store %arg5[%swap3A_1766], %gather3A_1765 {strides = array<i32>} : memref<4096xf32, #tpu.memory_space<vmem>>, vector<16xf32>,
      %gather3A_1768 = tpu.vector_load_idx %arg6[%add3A_11] : memref<32xf32, #tpu.memory_space<vmem>>[vector<16xi32>], vector<16xf32>,
      %swap3A_1769 = arith.constant 3984 : index
      %swap3A_1770 = tpu.vector_load %arg5[%swap3A_1769] {strides = array<i32>} : memref<4096xf32, #tpu.memory_space<vmem>>, vector<16xf32>,
      tpu.vector_store %arg5[%swap3A_1769], %gather3A_1768 {strides = array<i32>} : memref<4096xf32, #tpu.memory_space<vmem>>, vector<16xf32>,
      %get3A_1771 = arith.constant 3920 : index
      %get3A_1772 = tpu.vector_load %arg4[%get3A_1771] {strides = array<i32>} : memref<4096xf32, #tpu.memory_space<vmem>>, vector<16xf32>,
      %swap3A_1773 = arith.constant 0 : index
      %swap3A_1774 = tpu.vector_load %arg6[%swap3A_1773] {strides = array<i32>} : memref<32xf32, #tpu.memory_space<vmem>>, vector<16xf32>,
      tpu.vector_store %arg6[%swap3A_1773], %get3A_1772 {strides = array<i32>} : memref<32xf32, #tpu.memory_space<vmem>>, vector<16xf32>,
      %get3A_1775 = arith.constant 4048 : index
      %get3A_1776 = tpu.vector_load %arg4[%get3A_1775] {strides = array<i32>} : memref<4096xf32, #tpu.memory_space<vmem>>, vector<16xf32>,
      %swap3A_1777 = arith.constant 16 : index
      %swap3A_1778 = tpu.vector_load %arg6[%swap3A_1777] {strides = array<i32>} : memref<32xf32, #tpu.memory_space<vmem>>, vector<16xf32>,
      tpu.vector_store %arg6[%swap3A_1777], %get3A_1776 {strides = array<i32>} : memref<32xf32, #tpu.memory_space<vmem>>, vector<16xf32>,
      %gather3A_1779 = tpu.vector_load_idx %arg6[%add3A_8] : memref<32xf32, #tpu.memory_space<vmem>>[vector<16xi32>], vector<16xf32>,
      %swap3A_1780 = arith.constant 4000 : index
      %swap3A_1781 = tpu.vector_load %arg5[%swap3A_1780] {strides = array<i32>} : memref<4096xf32, #tpu.memory_space<vmem>>, vector<16xf32>,
      tpu.vector_store %arg5[%swap3A_1780], %gather3A_1779 {strides = array<i32>} : memref<4096xf32, #tpu.memory_space<vmem>>, vector<16xf32>,
      %gather3A_1782 = tpu.vector_load_idx %arg6[%add3A_11] : memref<32xf32, #tpu.memory_space<vmem>>[vector<16xi32>], vector<16xf32>,
      %swap3A_1783 = arith.constant 4016 : index
      %swap3A_1784 = tpu.vector_load %arg5[%swap3A_1783] {strides = array<i32>} : memref<4096xf32, #tpu.memory_space<vmem>>, vector<16xf32>,
      tpu.vector_store %arg5[%swap3A_1783], %gather3A_1782 {strides = array<i32>} : memref<4096xf32, #tpu.memory_space<vmem>>, vector<16xf32>,
      %get3A_1785 = arith.constant 3936 : index
      %get3A_1786 = tpu.vector_load %arg4[%get3A_1785] {strides = array<i32>} : memref<4096xf32, #tpu.memory_space<vmem>>, vector<16xf32>,
      %swap3A_1787 = arith.constant 0 : index
      %swap3A_1788 = tpu.vector_load %arg6[%swap3A_1787] {strides = array<i32>} : memref<32xf32, #tpu.memory_space<vmem>>, vector<16xf32>,
      tpu.vector_store %arg6[%swap3A_1787], %get3A_1786 {strides = array<i32>} : memref<32xf32, #tpu.memory_space<vmem>>, vector<16xf32>,
      %get3A_1789 = arith.constant 4064 : index
      %get3A_1790 = tpu.vector_load %arg4[%get3A_1789] {strides = array<i32>} : memref<4096xf32, #tpu.memory_space<vmem>>, vector<16xf32>,
      %swap3A_1791 = arith.constant 16 : index
      %swap3A_1792 = tpu.vector_load %arg6[%swap3A_1791] {strides = array<i32>} : memref<32xf32, #tpu.memory_space<vmem>>, vector<16xf32>,
      tpu.vector_store %arg6[%swap3A_1791], %get3A_1790 {strides = array<i32>} : memref<32xf32, #tpu.memory_space<vmem>>, vector<16xf32>,
      %gather3A_1793 = tpu.vector_load_idx %arg6[%add3A_8] : memref<32xf32, #tpu.memory_space<vmem>>[vector<16xi32>], vector<16xf32>,
      %swap3A_1794 = arith.constant 4032 : index
      %swap3A_1795 = tpu.vector_load %arg5[%swap3A_1794] {strides = array<i32>} : memref<4096xf32, #tpu.memory_space<vmem>>, vector<16xf32>,
      tpu.vector_store %arg5[%swap3A_1794], %gather3A_1793 {strides = array<i32>} : memref<4096xf32, #tpu.memory_space<vmem>>, vector<16xf32>,
      %gather3A_1796 = tpu.vector_load_idx %arg6[%add3A_11] : memref<32xf32, #tpu.memory_space<vmem>>[vector<16xi32>], vector<16xf32>,
      %swap3A_1797 = arith.constant 4048 : index
      %swap3A_1798 = tpu.vector_load %arg5[%swap3A_1797] {strides = array<i32>} : memref<4096xf32, #tpu.memory_space<vmem>>, vector<16xf32>,
      tpu.vector_store %arg5[%swap3A_1797], %gather3A_1796 {strides = array<i32>} : memref<4096xf32, #tpu.memory_space<vmem>>, vector<16xf32>,
      %get3A_1799 = arith.constant 3952 : index
      %get3A_1800 = tpu.vector_load %arg4[%get3A_1799] {strides = array<i32>} : memref<4096xf32, #tpu.memory_space<vmem>>, vector<16xf32>,
      %swap3A_1801 = arith.constant 0 : index
      %swap3A_1802 = tpu.vector_load %arg6[%swap3A_1801] {strides = array<i32>} : memref<32xf32, #tpu.memory_space<vmem>>, vector<16xf32>,
      tpu.vector_store %arg6[%swap3A_1801], %get3A_1800 {strides = array<i32>} : memref<32xf32, #tpu.memory_space<vmem>>, vector<16xf32>,
      %get3A_1803 = arith.constant 4080 : index
      %get3A_1804 = tpu.vector_load %arg4[%get3A_1803] {strides = array<i32>} : memref<4096xf32, #tpu.memory_space<vmem>>, vector<16xf32>,
      %swap3A_1805 = arith.constant 16 : index
      %swap3A_1806 = tpu.vector_load %arg6[%swap3A_1805] {strides = array<i32>} : memref<32xf32, #tpu.memory_space<vmem>>, vector<16xf32>,
      tpu.vector_store %arg6[%swap3A_1805], %get3A_1804 {strides = array<i32>} : memref<32xf32, #tpu.memory_space<vmem>>, vector<16xf32>,
      %gather3A_1807 = tpu.vector_load_idx %arg6[%add3A_8] : memref<32xf32, #tpu.memory_space<vmem>>[vector<16xi32>], vector<16xf32>,
      %swap3A_1808 = arith.constant 4064 : index
      %swap3A_1809 = tpu.vector_load %arg5[%swap3A_1808] {strides = array<i32>} : memref<4096xf32, #tpu.memory_space<vmem>>, vector<16xf32>,
      tpu.vector_store %arg5[%swap3A_1808], %gather3A_1807 {strides = array<i32>} : memref<4096xf32, #tpu.memory_space<vmem>>, vector<16xf32>,
      %gather3A_1810 = tpu.vector_load_idx %arg6[%add3A_11] : memref<32xf32, #tpu.memory_space<vmem>>[vector<16xi32>], vector<16xf32>,
      %swap3A_1811 = arith.constant 4080 : index
      %swap3A_1812 = tpu.vector_load %arg5[%swap3A_1811] {strides = array<i32>} : memref<4096xf32, #tpu.memory_space<vmem>>, vector<16xf32>,
      tpu.vector_store %arg5[%swap3A_1811], %gather3A_1810 {strides = array<i32>} : memref<4096xf32, #tpu.memory_space<vmem>>, vector<16xf32>,
      "tpu.region"() ({
        %run_scoped3A = tpu.sem_alloc : memref<!tpu.dma_semaphore, #tpu.memory_space<semaphore_mem>>
        %dma_start3A = tpu.memref_slice %arg3[%mul3A_23] : memref<16777216xf32, #tpu.memory_space<hbm>> -> memref<4096xf32, #tpu.memory_space<hbm>>
        %dma_start3A_1813 = tpu.memref_slice %arg3[%mul3A_23] : memref<16777216xf32, #tpu.memory_space<hbm>> -> memref<4096xf32, #tpu.memory_space<hbm>>
        tpu.enqueue_dma source(%arg5 : memref<4096xf32, #tpu.memory_space<vmem>>) target(%dma_start3A_1813 : memref<4096xf32, #tpu.memory_space<hbm>>) target_semaphore(%run_scoped3A : memref<!tpu.dma_semaphore, #tpu.memory_space<semaphore_mem>>)
        %dma_wait3A = tpu.memref_slice %arg3[%mul3A_23] : memref<16777216xf32, #tpu.memory_space<hbm>> -> memref<4096xf32, #tpu.memory_space<hbm>>
        %dma_wait3A_1814 = tpu.memref_slice %arg3[%mul3A_23] : memref<16777216xf32, #tpu.memory_space<hbm>> -> memref<4096xf32, #tpu.memory_space<hbm>>
        tpu.wait_dma2 semaphore(%run_scoped3A : memref<!tpu.dma_semaphore, #tpu.memory_space<semaphore_mem>>) src(%arg5 : memref<4096xf32, #tpu.memory_space<vmem>>) dst(%dma_wait3A_1814 : memref<4096xf32, #tpu.memory_space<hbm>>)
        tpu.yield
      }) : () -> ()
    }
    %scan3A_15 = arith.constant 128 : i32
    return
  }
}

#map = affine_map<(d0, d1) -> (0, 0)>
module attributes {stable_mosaic.version = 14 : i64} {
  func.func @encode(%arg0: i32, %arg1: i32, %arg2: memref<3x262144xf32, #tpu.memory_space<hbm>>, %arg3: memref<2097152x8xf32, #tpu.memory_space<hbm>>, %arg4: memref<32x262144xf32, #tpu.memory_space<hbm>>, %arg5: memref<3x512xf32, #tpu.memory_space<vmem>>, %arg6: memref<3x512xf32, #tpu.memory_space<vmem>>, %arg7: memref<3x512xf32, #tpu.memory_space<vmem>>, %arg8: memref<4096xi32, #tpu.memory_space<vmem>>, %arg9: memref<4096xi32, #tpu.memory_space<vmem>>, %arg10: memref<8x512xi32, #tpu.memory_space<vmem>>, %arg11: memref<8x512xi32, #tpu.memory_space<vmem>>, %arg12: memref<4096x8xf32, #tpu.memory_space<vmem>>, %arg13: memref<4096x8xf32, #tpu.memory_space<vmem>>, %arg14: memref<32x512xf32, #tpu.memory_space<vmem>>, %arg15: memref<!tpu.dma_semaphore, #tpu.memory_space<semaphore_mem>>) attributes {dimension_semantics = [#tpu.dimension_semantics<core_parallel>, #tpu.dimension_semantics<subcore_parallel>], iteration_bounds = array<i64: 2, 16>, scalar_prefetch = 0 : i64, scratch_operands = 11 : i64, tpu.core_type = #tpu.core_type<sc_vector_subcore>, window_params = [{transform_indices = #map}, {transform_indices = #map}, {transform_indices = #map}]} {
    %mul3A = arith.constant 2 : i32
    %mul3A_0 = arith.muli %arg1, %mul3A : i32
    %add3A = arith.addi %mul3A_0, %arg0 : i32
    %iota3A = tpu.iota {dimensions = array<i32: 0>} : vector<16xi32>
    %scan3A = arith.constant 0 : i32
    %scan3A_1 = arith.constant 16 : i32
    %scan3A_2 = arith.addi %scan3A, %scan3A_1 : i32
    %scan3A_3 = arith.constant 1 : i32
    scf.for %scan3A_5 = %scan3A to %scan3A_2 step %scan3A_3  : i32 {
      %mul3A_6 = arith.constant 8192 : i32
      %mul3A_7 = arith.muli %add3A, %mul3A_6 : i32
      %mul3A_8 = arith.constant 512 : i32
      %mul3A_9 = arith.muli %scan3A_5, %mul3A_8 : i32
      %add3A_10 = arith.addi %mul3A_7, %mul3A_9 : i32
      "tpu.region"() ({
        %run_scoped3A = tpu.sem_alloc : memref<!tpu.dma_semaphore, #tpu.memory_space<semaphore_mem>>
        %dma_start3A_118 = arith.constant 0 : i32
        %dma_start3A_119 = tpu.memref_slice %arg2[%dma_start3A_118, %add3A_10] : memref<3x262144xf32, #tpu.memory_space<hbm>> -> memref<3x512xf32, #tpu.memory_space<hbm>>
        %dma_start3A_120 = arith.constant 0 : i32
        %dma_start3A_121 = tpu.memref_slice %arg2[%dma_start3A_120, %add3A_10] : memref<3x262144xf32, #tpu.memory_space<hbm>> -> memref<3x512xf32, #tpu.memory_space<hbm>>
        tpu.enqueue_dma source(%dma_start3A_121 : memref<3x512xf32, #tpu.memory_space<hbm>>) target(%arg5 : memref<3x512xf32, #tpu.memory_space<vmem>>) target_semaphore(%run_scoped3A : memref<!tpu.dma_semaphore, #tpu.memory_space<semaphore_mem>>)
        %dma_wait3A_122 = arith.constant 0 : i32
        %dma_wait3A_123 = tpu.memref_slice %arg2[%dma_wait3A_122, %add3A_10] : memref<3x262144xf32, #tpu.memory_space<hbm>> -> memref<3x512xf32, #tpu.memory_space<hbm>>
        %dma_wait3A_124 = arith.constant 0 : i32
        %dma_wait3A_125 = tpu.memref_slice %arg2[%dma_wait3A_124, %add3A_10] : memref<3x262144xf32, #tpu.memory_space<hbm>> -> memref<3x512xf32, #tpu.memory_space<hbm>>
        tpu.wait_dma2 semaphore(%run_scoped3A : memref<!tpu.dma_semaphore, #tpu.memory_space<semaphore_mem>>) src(%dma_wait3A_125 : memref<3x512xf32, #tpu.memory_space<hbm>>) dst(%arg5 : memref<3x512xf32, #tpu.memory_space<vmem>>)
        tpu.yield
      }) : () -> ()
      %broadcast_in_dim3A = arith.constant 0 : i32
      %broadcast_in_dim3A_11 = vector.broadcast %broadcast_in_dim3A : i32 to vector<16xi32>
      %broadcast_in_dim3A_12 = arith.constant 1.600000e+01 : f32
      %broadcast_in_dim3A_13 = vector.broadcast %broadcast_in_dim3A_12 : f32 to vector<16xf32>
      %eq3A = arith.constant 1 : i32
      %eq3A_14 = vector.broadcast %eq3A : i32 to vector<16xi32>
      %eq3A_15 = arith.cmpi eq, %broadcast_in_dim3A_11, %eq3A_14 : vector<16xi32>
      %jit3A = arith.constant 2.100000e+01 : f32
      %broadcast_in_dim3A_16 = vector.broadcast %jit3A : f32 to vector<16xf32>
      %select_n3A = arith.select %eq3A_15, %broadcast_in_dim3A_16, %broadcast_in_dim3A_13 : vector<16xi1>, vector<16xf32>
      %eq3A_17 = arith.constant 2 : i32
      %eq3A_18 = vector.broadcast %eq3A_17 : i32 to vector<16xi32>
      %eq3A_19 = arith.cmpi eq, %broadcast_in_dim3A_11, %eq3A_18 : vector<16xi32>
      %jit3A_20 = arith.constant 2.700000e+01 : f32
      %broadcast_in_dim3A_21 = vector.broadcast %jit3A_20 : f32 to vector<16xf32>
      %select_n3A_22 = arith.select %eq3A_19, %broadcast_in_dim3A_21, %select_n3A : vector<16xi1>, vector<16xf32>
      %eq3A_23 = arith.constant 3 : i32
      %eq3A_24 = vector.broadcast %eq3A_23 : i32 to vector<16xi32>
      %eq3A_25 = arith.cmpi eq, %broadcast_in_dim3A_11, %eq3A_24 : vector<16xi32>
      %jit3A_26 = arith.constant 3.600000e+01 : f32
      %broadcast_in_dim3A_27 = vector.broadcast %jit3A_26 : f32 to vector<16xf32>
      %select_n3A_28 = arith.select %eq3A_25, %broadcast_in_dim3A_27, %select_n3A_22 : vector<16xi1>, vector<16xf32>
      %eq3A_29 = arith.constant 4 : i32
      %eq3A_30 = vector.broadcast %eq3A_29 : i32 to vector<16xi32>
      %eq3A_31 = arith.cmpi eq, %broadcast_in_dim3A_11, %eq3A_30 : vector<16xi32>
      %jit3A_32 = arith.constant 4.800000e+01 : f32
      %broadcast_in_dim3A_33 = vector.broadcast %jit3A_32 : f32 to vector<16xf32>
      %select_n3A_34 = arith.select %eq3A_31, %broadcast_in_dim3A_33, %select_n3A_28 : vector<16xi1>, vector<16xf32>
      %eq3A_35 = arith.constant 5 : i32
      %eq3A_36 = vector.broadcast %eq3A_35 : i32 to vector<16xi32>
      %eq3A_37 = arith.cmpi eq, %broadcast_in_dim3A_11, %eq3A_36 : vector<16xi32>
      %jit3A_38 = arith.constant 6.300000e+01 : f32
      %broadcast_in_dim3A_39 = vector.broadcast %jit3A_38 : f32 to vector<16xf32>
      %select_n3A_40 = arith.select %eq3A_37, %broadcast_in_dim3A_39, %select_n3A_34 : vector<16xi1>, vector<16xf32>
      %eq3A_41 = arith.constant 6 : i32
      %eq3A_42 = vector.broadcast %eq3A_41 : i32 to vector<16xi32>
      %eq3A_43 = arith.cmpi eq, %broadcast_in_dim3A_11, %eq3A_42 : vector<16xi32>
      %jit3A_44 = arith.constant 8.400000e+01 : f32
      %broadcast_in_dim3A_45 = vector.broadcast %jit3A_44 : f32 to vector<16xf32>
      %select_n3A_46 = arith.select %eq3A_43, %broadcast_in_dim3A_45, %select_n3A_40 : vector<16xi1>, vector<16xf32>
      %eq3A_47 = arith.constant 7 : i32
      %eq3A_48 = vector.broadcast %eq3A_47 : i32 to vector<16xi32>
      %eq3A_49 = arith.cmpi eq, %broadcast_in_dim3A_11, %eq3A_48 : vector<16xi32>
      %jit3A_50 = arith.constant 1.110000e+02 : f32
      %broadcast_in_dim3A_51 = vector.broadcast %jit3A_50 : f32 to vector<16xf32>
      %select_n3A_52 = arith.select %eq3A_49, %broadcast_in_dim3A_51, %select_n3A_46 : vector<16xi1>, vector<16xf32>
      %eq3A_53 = arith.constant 8 : i32
      %eq3A_54 = vector.broadcast %eq3A_53 : i32 to vector<16xi32>
      %eq3A_55 = arith.cmpi eq, %broadcast_in_dim3A_11, %eq3A_54 : vector<16xi32>
      %jit3A_56 = arith.constant 1.470000e+02 : f32
      %broadcast_in_dim3A_57 = vector.broadcast %jit3A_56 : f32 to vector<16xf32>
      %select_n3A_58 = arith.select %eq3A_55, %broadcast_in_dim3A_57, %select_n3A_52 : vector<16xi1>, vector<16xf32>
      %eq3A_59 = arith.constant 9 : i32
      %eq3A_60 = vector.broadcast %eq3A_59 : i32 to vector<16xi32>
      %eq3A_61 = arith.cmpi eq, %broadcast_in_dim3A_11, %eq3A_60 : vector<16xi32>
      %jit3A_62 = arith.constant 1.940000e+02 : f32
      %broadcast_in_dim3A_63 = vector.broadcast %jit3A_62 : f32 to vector<16xf32>
      %select_n3A_64 = arith.select %eq3A_61, %broadcast_in_dim3A_63, %select_n3A_58 : vector<16xi1>, vector<16xf32>
      %eq3A_65 = arith.constant 10 : i32
      %eq3A_66 = vector.broadcast %eq3A_65 : i32 to vector<16xi32>
      %eq3A_67 = arith.cmpi eq, %broadcast_in_dim3A_11, %eq3A_66 : vector<16xi32>
      %jit3A_68 = arith.constant 2.550000e+02 : f32
      %broadcast_in_dim3A_69 = vector.broadcast %jit3A_68 : f32 to vector<16xf32>
      %select_n3A_70 = arith.select %eq3A_67, %broadcast_in_dim3A_69, %select_n3A_64 : vector<16xi1>, vector<16xf32>
      %eq3A_71 = arith.constant 11 : i32
      %eq3A_72 = vector.broadcast %eq3A_71 : i32 to vector<16xi32>
      %eq3A_73 = arith.cmpi eq, %broadcast_in_dim3A_11, %eq3A_72 : vector<16xi32>
      %jit3A_74 = arith.constant 3.370000e+02 : f32
      %broadcast_in_dim3A_75 = vector.broadcast %jit3A_74 : f32 to vector<16xf32>
      %select_n3A_76 = arith.select %eq3A_73, %broadcast_in_dim3A_75, %select_n3A_70 : vector<16xi1>, vector<16xf32>
      %eq3A_77 = arith.constant 12 : i32
      %eq3A_78 = vector.broadcast %eq3A_77 : i32 to vector<16xi32>
      %eq3A_79 = arith.cmpi eq, %broadcast_in_dim3A_11, %eq3A_78 : vector<16xi32>
      %jit3A_80 = arith.constant 4.450000e+02 : f32
      %broadcast_in_dim3A_81 = vector.broadcast %jit3A_80 : f32 to vector<16xf32>
      %select_n3A_82 = arith.select %eq3A_79, %broadcast_in_dim3A_81, %select_n3A_76 : vector<16xi1>, vector<16xf32>
      %eq3A_83 = arith.constant 13 : i32
      %eq3A_84 = vector.broadcast %eq3A_83 : i32 to vector<16xi32>
      %eq3A_85 = arith.cmpi eq, %broadcast_in_dim3A_11, %eq3A_84 : vector<16xi32>
      %jit3A_86 = arith.constant 5.880000e+02 : f32
      %broadcast_in_dim3A_87 = vector.broadcast %jit3A_86 : f32 to vector<16xf32>
      %select_n3A_88 = arith.select %eq3A_85, %broadcast_in_dim3A_87, %select_n3A_82 : vector<16xi1>, vector<16xf32>
      %eq3A_89 = arith.constant 14 : i32
      %eq3A_90 = vector.broadcast %eq3A_89 : i32 to vector<16xi32>
      %eq3A_91 = arith.cmpi eq, %broadcast_in_dim3A_11, %eq3A_90 : vector<16xi32>
      %jit3A_92 = arith.constant 7.760000e+02 : f32
      %broadcast_in_dim3A_93 = vector.broadcast %jit3A_92 : f32 to vector<16xf32>
      %select_n3A_94 = arith.select %eq3A_91, %broadcast_in_dim3A_93, %select_n3A_88 : vector<16xi1>, vector<16xf32>
      %eq3A_95 = arith.constant 15 : i32
      %eq3A_96 = vector.broadcast %eq3A_95 : i32 to vector<16xi32>
      %eq3A_97 = arith.cmpi eq, %broadcast_in_dim3A_11, %eq3A_96 : vector<16xi32>
      %jit3A_98 = arith.constant 1.023000e+03 : f32
      %broadcast_in_dim3A_99 = vector.broadcast %jit3A_98 : f32 to vector<16xf32>
      %select_n3A_100 = arith.select %eq3A_97, %broadcast_in_dim3A_99, %select_n3A_94 : vector<16xi1>, vector<16xf32>
      %mul3A_101 = arith.constant 131072 : i32
      %mul3A_102 = vector.broadcast %mul3A_101 : i32 to vector<16xi32>
      %mul3A_103 = arith.muli %broadcast_in_dim3A_11, %mul3A_102 : vector<16xi32>
      %scan3A_104 = arith.constant 0 : i32
      %scan3A_105 = arith.constant 32 : i32
      %scan3A_106 = arith.addi %scan3A_104, %scan3A_105 : i32
      %scan3A_107 = arith.constant 1 : i32
      scf.for %scan3A_118 = %scan3A_104 to %scan3A_106 step %scan3A_107  : i32 {
        %mul3A_119 = arith.constant 16 : i32
        %mul3A_120 = arith.muli %scan3A_118, %mul3A_119 : i32
        %get3A = arith.constant 0 : i32
        %get3A_121 = arith.index_cast %get3A : i32 to index
        %get3A_122 = arith.index_cast %mul3A_120 : i32 to index
        %get3A_123 = tpu.vector_load %arg5[%get3A_121, %get3A_122] {strides = array<i32>} : memref<3x512xf32, #tpu.memory_space<vmem>>, vector<16xf32>,
        %add3A_124 = arith.constant 1.000000e+00 : f32
        %add3A_125 = vector.broadcast %add3A_124 : f32 to vector<16xf32>
        %add3A_126 = arith.addf %get3A_123, %add3A_125 : vector<16xf32>
        %mul3A_127 = arith.constant 5.000000e-01 : f32
        %mul3A_128 = vector.broadcast %mul3A_127 : f32 to vector<16xf32>
        %mul3A_129 = arith.mulf %add3A_126, %mul3A_128 : vector<16xf32>
        %mul3A_130 = arith.mulf %mul3A_129, %select_n3A_100 : vector<16xf32>
        %convert_element_type3A = arith.fptosi %mul3A_130 : vector<16xf32> to vector<16xi32>
        %convert_element_type3A_131 = arith.sitofp %convert_element_type3A : vector<16xi32> to vector<16xf32>
        %sub3A = arith.subf %mul3A_130, %convert_element_type3A_131 : vector<16xf32>
        %gt3A = arith.cmpf ogt, %mul3A_130, %convert_element_type3A_131 : vector<16xf32>
        %add3A_132 = arith.constant 1 : i32
        %add3A_133 = vector.broadcast %add3A_132 : i32 to vector<16xi32>
        %add3A_134 = arith.addi %convert_element_type3A, %add3A_133 : vector<16xi32>
        %select_n3A_135 = arith.select %gt3A, %add3A_134, %convert_element_type3A : vector<16xi1>, vector<16xi32>
        %get3A_136 = arith.constant 1 : i32
        %get3A_137 = arith.index_cast %get3A_136 : i32 to index
        %get3A_138 = arith.index_cast %mul3A_120 : i32 to index
        %get3A_139 = tpu.vector_load %arg5[%get3A_137, %get3A_138] {strides = array<i32>} : memref<3x512xf32, #tpu.memory_space<vmem>>, vector<16xf32>,
        %add3A_140 = arith.constant 1.000000e+00 : f32
        %add3A_141 = vector.broadcast %add3A_140 : f32 to vector<16xf32>
        %add3A_142 = arith.addf %get3A_139, %add3A_141 : vector<16xf32>
        %mul3A_143 = arith.constant 5.000000e-01 : f32
        %mul3A_144 = vector.broadcast %mul3A_143 : f32 to vector<16xf32>
        %mul3A_145 = arith.mulf %add3A_142, %mul3A_144 : vector<16xf32>
        %mul3A_146 = arith.mulf %mul3A_145, %select_n3A_100 : vector<16xf32>
        %convert_element_type3A_147 = arith.fptosi %mul3A_146 : vector<16xf32> to vector<16xi32>
        %convert_element_type3A_148 = arith.sitofp %convert_element_type3A_147 : vector<16xi32> to vector<16xf32>
        %sub3A_149 = arith.subf %mul3A_146, %convert_element_type3A_148 : vector<16xf32>
        %gt3A_150 = arith.cmpf ogt, %mul3A_146, %convert_element_type3A_148 : vector<16xf32>
        %add3A_151 = arith.constant 1 : i32
        %add3A_152 = vector.broadcast %add3A_151 : i32 to vector<16xi32>
        %add3A_153 = arith.addi %convert_element_type3A_147, %add3A_152 : vector<16xi32>
        %select_n3A_154 = arith.select %gt3A_150, %add3A_153, %convert_element_type3A_147 : vector<16xi1>, vector<16xi32>
        %get3A_155 = arith.constant 2 : i32
        %get3A_156 = arith.index_cast %get3A_155 : i32 to index
        %get3A_157 = arith.index_cast %mul3A_120 : i32 to index
        %get3A_158 = tpu.vector_load %arg5[%get3A_156, %get3A_157] {strides = array<i32>} : memref<3x512xf32, #tpu.memory_space<vmem>>, vector<16xf32>,
        %add3A_159 = arith.constant 1.000000e+00 : f32
        %add3A_160 = vector.broadcast %add3A_159 : f32 to vector<16xf32>
        %add3A_161 = arith.addf %get3A_158, %add3A_160 : vector<16xf32>
        %mul3A_162 = arith.constant 5.000000e-01 : f32
        %mul3A_163 = vector.broadcast %mul3A_162 : f32 to vector<16xf32>
        %mul3A_164 = arith.mulf %add3A_161, %mul3A_163 : vector<16xf32>
        %mul3A_165 = arith.mulf %mul3A_164, %select_n3A_100 : vector<16xf32>
        %convert_element_type3A_166 = arith.fptosi %mul3A_165 : vector<16xf32> to vector<16xi32>
        %convert_element_type3A_167 = arith.sitofp %convert_element_type3A_166 : vector<16xi32> to vector<16xf32>
        %sub3A_168 = arith.subf %mul3A_165, %convert_element_type3A_167 : vector<16xf32>
        %gt3A_169 = arith.cmpf ogt, %mul3A_165, %convert_element_type3A_167 : vector<16xf32>
        %add3A_170 = arith.constant 1 : i32
        %add3A_171 = vector.broadcast %add3A_170 : i32 to vector<16xi32>
        %add3A_172 = arith.addi %convert_element_type3A_166, %add3A_171 : vector<16xi32>
        %select_n3A_173 = arith.select %gt3A_169, %add3A_172, %convert_element_type3A_166 : vector<16xi1>, vector<16xi32>
        %swap3A = arith.constant 0 : i32
        %swap3A_174 = arith.index_cast %swap3A : i32 to index
        %swap3A_175 = arith.index_cast %mul3A_120 : i32 to index
        %swap3A_176 = tpu.vector_load %arg6[%swap3A_174, %swap3A_175] {strides = array<i32>} : memref<3x512xf32, #tpu.memory_space<vmem>>, vector<16xf32>,
        tpu.vector_store %arg6[%swap3A_174, %swap3A_175], %sub3A {strides = array<i32>} : memref<3x512xf32, #tpu.memory_space<vmem>>, vector<16xf32>,
        %swap3A_177 = arith.constant 1 : i32
        %swap3A_178 = arith.index_cast %swap3A_177 : i32 to index
        %swap3A_179 = arith.index_cast %mul3A_120 : i32 to index
        %swap3A_180 = tpu.vector_load %arg6[%swap3A_178, %swap3A_179] {strides = array<i32>} : memref<3x512xf32, #tpu.memory_space<vmem>>, vector<16xf32>,
        tpu.vector_store %arg6[%swap3A_178, %swap3A_179], %sub3A_149 {strides = array<i32>} : memref<3x512xf32, #tpu.memory_space<vmem>>, vector<16xf32>,
        %swap3A_181 = arith.constant 2 : i32
        %swap3A_182 = arith.index_cast %swap3A_181 : i32 to index
        %swap3A_183 = arith.index_cast %mul3A_120 : i32 to index
        %swap3A_184 = tpu.vector_load %arg6[%swap3A_182, %swap3A_183] {strides = array<i32>} : memref<3x512xf32, #tpu.memory_space<vmem>>, vector<16xf32>,
        tpu.vector_store %arg6[%swap3A_182, %swap3A_183], %sub3A_168 {strides = array<i32>} : memref<3x512xf32, #tpu.memory_space<vmem>>, vector<16xf32>,
        %mul3A_185 = arith.constant -1640531535 : i32
        %mul3A_186 = vector.broadcast %mul3A_185 : i32 to vector<16xi32>
        %mul3A_187 = arith.muli %convert_element_type3A_147, %mul3A_186 : vector<16xi32>
        %mul3A_188 = arith.constant -1640531535 : i32
        %mul3A_189 = vector.broadcast %mul3A_188 : i32 to vector<16xi32>
        %mul3A_190 = arith.muli %select_n3A_154, %mul3A_189 : vector<16xi32>
        %mul3A_191 = arith.constant 805459861 : i32
        %mul3A_192 = vector.broadcast %mul3A_191 : i32 to vector<16xi32>
        %mul3A_193 = arith.muli %convert_element_type3A_166, %mul3A_192 : vector<16xi32>
        %mul3A_194 = arith.constant 805459861 : i32
        %mul3A_195 = vector.broadcast %mul3A_194 : i32 to vector<16xi32>
        %mul3A_196 = arith.muli %select_n3A_173, %mul3A_195 : vector<16xi32>
        %xor3A = arith.xori %convert_element_type3A, %mul3A_187 : vector<16xi32>
        %xor3A_197 = arith.xori %xor3A, %mul3A_193 : vector<16xi32>
        %xor3A_198 = arith.xori %select_n3A_135, %mul3A_187 : vector<16xi32>
        %xor3A_199 = arith.xori %xor3A_198, %mul3A_193 : vector<16xi32>
        %xor3A_200 = arith.xori %convert_element_type3A, %mul3A_190 : vector<16xi32>
        %xor3A_201 = arith.xori %xor3A_200, %mul3A_193 : vector<16xi32>
        %xor3A_202 = arith.xori %select_n3A_135, %mul3A_190 : vector<16xi32>
        %xor3A_203 = arith.xori %xor3A_202, %mul3A_193 : vector<16xi32>
        %xor3A_204 = arith.xori %convert_element_type3A, %mul3A_187 : vector<16xi32>
        %xor3A_205 = arith.xori %xor3A_204, %mul3A_196 : vector<16xi32>
        %xor3A_206 = arith.xori %select_n3A_135, %mul3A_187 : vector<16xi32>
        %xor3A_207 = arith.xori %xor3A_206, %mul3A_196 : vector<16xi32>
        %xor3A_208 = arith.xori %select_n3A_135, %mul3A_190 : vector<16xi32>
        %xor3A_209 = arith.xori %xor3A_208, %mul3A_196 : vector<16xi32>
        %xor3A_210 = arith.xori %convert_element_type3A, %mul3A_190 : vector<16xi32>
        %xor3A_211 = arith.xori %xor3A_210, %mul3A_196 : vector<16xi32>
        %and3A = arith.constant 524287 : i32
        %and3A_212 = vector.broadcast %and3A : i32 to vector<16xi32>
        %and3A_213 = arith.andi %xor3A_197, %and3A_212 : vector<16xi32>
        %shift_right_arithmetic3A = arith.constant 2 : i32
        %shift_right_arithmetic3A_214 = vector.broadcast %shift_right_arithmetic3A : i32 to vector<16xi32>
        %shift_right_arithmetic3A_215 = arith.shrsi %and3A_213, %shift_right_arithmetic3A_214 : vector<16xi32>
        %add3A_216 = arith.addi %shift_right_arithmetic3A_215, %mul3A_103 : vector<16xi32>
        %add3A_217 = arith.constant 0 : i32
        %add3A_218 = arith.addi %add3A_217, %mul3A_120 : i32
        %swap3A_219 = arith.index_cast %add3A_218 : i32 to index
        %swap3A_220 = tpu.vector_load %arg8[%swap3A_219] {strides = array<i32>} : memref<4096xi32, #tpu.memory_space<vmem>>, vector<16xi32>,
        tpu.vector_store %arg8[%swap3A_219], %add3A_216 {strides = array<i32>} : memref<4096xi32, #tpu.memory_space<vmem>>, vector<16xi32>,
        %and3A_221 = arith.constant 3 : i32
        %and3A_222 = vector.broadcast %and3A_221 : i32 to vector<16xi32>
        %and3A_223 = arith.andi %and3A_213, %and3A_222 : vector<16xi32>
        %mul3A_224 = arith.constant 2 : i32
        %mul3A_225 = vector.broadcast %mul3A_224 : i32 to vector<16xi32>
        %mul3A_226 = arith.muli %and3A_223, %mul3A_225 : vector<16xi32>
        %swap3A_227 = arith.constant 0 : i32
        %swap3A_228 = arith.index_cast %swap3A_227 : i32 to index
        %swap3A_229 = arith.index_cast %mul3A_120 : i32 to index
        %swap3A_230 = tpu.vector_load %arg10[%swap3A_228, %swap3A_229] {strides = array<i32>} : memref<8x512xi32, #tpu.memory_space<vmem>>, vector<16xi32>,
        tpu.vector_store %arg10[%swap3A_228, %swap3A_229], %mul3A_226 {strides = array<i32>} : memref<8x512xi32, #tpu.memory_space<vmem>>, vector<16xi32>,
        %and3A_231 = arith.constant 524287 : i32
        %and3A_232 = vector.broadcast %and3A_231 : i32 to vector<16xi32>
        %and3A_233 = arith.andi %xor3A_199, %and3A_232 : vector<16xi32>
        %shift_right_arithmetic3A_234 = arith.constant 2 : i32
        %shift_right_arithmetic3A_235 = vector.broadcast %shift_right_arithmetic3A_234 : i32 to vector<16xi32>
        %shift_right_arithmetic3A_236 = arith.shrsi %and3A_233, %shift_right_arithmetic3A_235 : vector<16xi32>
        %add3A_237 = arith.addi %shift_right_arithmetic3A_236, %mul3A_103 : vector<16xi32>
        %add3A_238 = arith.constant 512 : i32
        %add3A_239 = arith.addi %add3A_238, %mul3A_120 : i32
        %swap3A_240 = arith.index_cast %add3A_239 : i32 to index
        %swap3A_241 = tpu.vector_load %arg8[%swap3A_240] {strides = array<i32>} : memref<4096xi32, #tpu.memory_space<vmem>>, vector<16xi32>,
        tpu.vector_store %arg8[%swap3A_240], %add3A_237 {strides = array<i32>} : memref<4096xi32, #tpu.memory_space<vmem>>, vector<16xi32>,
        %and3A_242 = arith.constant 3 : i32
        %and3A_243 = vector.broadcast %and3A_242 : i32 to vector<16xi32>
        %and3A_244 = arith.andi %and3A_233, %and3A_243 : vector<16xi32>
        %mul3A_245 = arith.constant 2 : i32
        %mul3A_246 = vector.broadcast %mul3A_245 : i32 to vector<16xi32>
        %mul3A_247 = arith.muli %and3A_244, %mul3A_246 : vector<16xi32>
        %swap3A_248 = arith.constant 1 : i32
        %swap3A_249 = arith.index_cast %swap3A_248 : i32 to index
        %swap3A_250 = arith.index_cast %mul3A_120 : i32 to index
        %swap3A_251 = tpu.vector_load %arg10[%swap3A_249, %swap3A_250] {strides = array<i32>} : memref<8x512xi32, #tpu.memory_space<vmem>>, vector<16xi32>,
        tpu.vector_store %arg10[%swap3A_249, %swap3A_250], %mul3A_247 {strides = array<i32>} : memref<8x512xi32, #tpu.memory_space<vmem>>, vector<16xi32>,
        %and3A_252 = arith.constant 524287 : i32
        %and3A_253 = vector.broadcast %and3A_252 : i32 to vector<16xi32>
        %and3A_254 = arith.andi %xor3A_201, %and3A_253 : vector<16xi32>
        %shift_right_arithmetic3A_255 = arith.constant 2 : i32
        %shift_right_arithmetic3A_256 = vector.broadcast %shift_right_arithmetic3A_255 : i32 to vector<16xi32>
        %shift_right_arithmetic3A_257 = arith.shrsi %and3A_254, %shift_right_arithmetic3A_256 : vector<16xi32>
        %add3A_258 = arith.addi %shift_right_arithmetic3A_257, %mul3A_103 : vector<16xi32>
        %add3A_259 = arith.constant 1024 : i32
        %add3A_260 = arith.addi %add3A_259, %mul3A_120 : i32
        %swap3A_261 = arith.index_cast %add3A_260 : i32 to index
        %swap3A_262 = tpu.vector_load %arg8[%swap3A_261] {strides = array<i32>} : memref<4096xi32, #tpu.memory_space<vmem>>, vector<16xi32>,
        tpu.vector_store %arg8[%swap3A_261], %add3A_258 {strides = array<i32>} : memref<4096xi32, #tpu.memory_space<vmem>>, vector<16xi32>,
        %and3A_263 = arith.constant 3 : i32
        %and3A_264 = vector.broadcast %and3A_263 : i32 to vector<16xi32>
        %and3A_265 = arith.andi %and3A_254, %and3A_264 : vector<16xi32>
        %mul3A_266 = arith.constant 2 : i32
        %mul3A_267 = vector.broadcast %mul3A_266 : i32 to vector<16xi32>
        %mul3A_268 = arith.muli %and3A_265, %mul3A_267 : vector<16xi32>
        %swap3A_269 = arith.constant 2 : i32
        %swap3A_270 = arith.index_cast %swap3A_269 : i32 to index
        %swap3A_271 = arith.index_cast %mul3A_120 : i32 to index
        %swap3A_272 = tpu.vector_load %arg10[%swap3A_270, %swap3A_271] {strides = array<i32>} : memref<8x512xi32, #tpu.memory_space<vmem>>, vector<16xi32>,
        tpu.vector_store %arg10[%swap3A_270, %swap3A_271], %mul3A_268 {strides = array<i32>} : memref<8x512xi32, #tpu.memory_space<vmem>>, vector<16xi32>,
        %and3A_273 = arith.constant 524287 : i32
        %and3A_274 = vector.broadcast %and3A_273 : i32 to vector<16xi32>
        %and3A_275 = arith.andi %xor3A_203, %and3A_274 : vector<16xi32>
        %shift_right_arithmetic3A_276 = arith.constant 2 : i32
        %shift_right_arithmetic3A_277 = vector.broadcast %shift_right_arithmetic3A_276 : i32 to vector<16xi32>
        %shift_right_arithmetic3A_278 = arith.shrsi %and3A_275, %shift_right_arithmetic3A_277 : vector<16xi32>
        %add3A_279 = arith.addi %shift_right_arithmetic3A_278, %mul3A_103 : vector<16xi32>
        %add3A_280 = arith.constant 1536 : i32
        %add3A_281 = arith.addi %add3A_280, %mul3A_120 : i32
        %swap3A_282 = arith.index_cast %add3A_281 : i32 to index
        %swap3A_283 = tpu.vector_load %arg8[%swap3A_282] {strides = array<i32>} : memref<4096xi32, #tpu.memory_space<vmem>>, vector<16xi32>,
        tpu.vector_store %arg8[%swap3A_282], %add3A_279 {strides = array<i32>} : memref<4096xi32, #tpu.memory_space<vmem>>, vector<16xi32>,
        %and3A_284 = arith.constant 3 : i32
        %and3A_285 = vector.broadcast %and3A_284 : i32 to vector<16xi32>
        %and3A_286 = arith.andi %and3A_275, %and3A_285 : vector<16xi32>
        %mul3A_287 = arith.constant 2 : i32
        %mul3A_288 = vector.broadcast %mul3A_287 : i32 to vector<16xi32>
        %mul3A_289 = arith.muli %and3A_286, %mul3A_288 : vector<16xi32>
        %swap3A_290 = arith.constant 3 : i32
        %swap3A_291 = arith.index_cast %swap3A_290 : i32 to index
        %swap3A_292 = arith.index_cast %mul3A_120 : i32 to index
        %swap3A_293 = tpu.vector_load %arg10[%swap3A_291, %swap3A_292] {strides = array<i32>} : memref<8x512xi32, #tpu.memory_space<vmem>>, vector<16xi32>,
        tpu.vector_store %arg10[%swap3A_291, %swap3A_292], %mul3A_289 {strides = array<i32>} : memref<8x512xi32, #tpu.memory_space<vmem>>, vector<16xi32>,
        %and3A_294 = arith.constant 524287 : i32
        %and3A_295 = vector.broadcast %and3A_294 : i32 to vector<16xi32>
        %and3A_296 = arith.andi %xor3A_205, %and3A_295 : vector<16xi32>
        %shift_right_arithmetic3A_297 = arith.constant 2 : i32
        %shift_right_arithmetic3A_298 = vector.broadcast %shift_right_arithmetic3A_297 : i32 to vector<16xi32>
        %shift_right_arithmetic3A_299 = arith.shrsi %and3A_296, %shift_right_arithmetic3A_298 : vector<16xi32>
        %add3A_300 = arith.addi %shift_right_arithmetic3A_299, %mul3A_103 : vector<16xi32>
        %add3A_301 = arith.constant 2048 : i32
        %add3A_302 = arith.addi %add3A_301, %mul3A_120 : i32
        %swap3A_303 = arith.index_cast %add3A_302 : i32 to index
        %swap3A_304 = tpu.vector_load %arg8[%swap3A_303] {strides = array<i32>} : memref<4096xi32, #tpu.memory_space<vmem>>, vector<16xi32>,
        tpu.vector_store %arg8[%swap3A_303], %add3A_300 {strides = array<i32>} : memref<4096xi32, #tpu.memory_space<vmem>>, vector<16xi32>,
        %and3A_305 = arith.constant 3 : i32
        %and3A_306 = vector.broadcast %and3A_305 : i32 to vector<16xi32>
        %and3A_307 = arith.andi %and3A_296, %and3A_306 : vector<16xi32>
        %mul3A_308 = arith.constant 2 : i32
        %mul3A_309 = vector.broadcast %mul3A_308 : i32 to vector<16xi32>
        %mul3A_310 = arith.muli %and3A_307, %mul3A_309 : vector<16xi32>
        %swap3A_311 = arith.constant 4 : i32
        %swap3A_312 = arith.index_cast %swap3A_311 : i32 to index
        %swap3A_313 = arith.index_cast %mul3A_120 : i32 to index
        %swap3A_314 = tpu.vector_load %arg10[%swap3A_312, %swap3A_313] {strides = array<i32>} : memref<8x512xi32, #tpu.memory_space<vmem>>, vector<16xi32>,
        tpu.vector_store %arg10[%swap3A_312, %swap3A_313], %mul3A_310 {strides = array<i32>} : memref<8x512xi32, #tpu.memory_space<vmem>>, vector<16xi32>,
        %and3A_315 = arith.constant 524287 : i32
        %and3A_316 = vector.broadcast %and3A_315 : i32 to vector<16xi32>
        %and3A_317 = arith.andi %xor3A_207, %and3A_316 : vector<16xi32>
        %shift_right_arithmetic3A_318 = arith.constant 2 : i32
        %shift_right_arithmetic3A_319 = vector.broadcast %shift_right_arithmetic3A_318 : i32 to vector<16xi32>
        %shift_right_arithmetic3A_320 = arith.shrsi %and3A_317, %shift_right_arithmetic3A_319 : vector<16xi32>
        %add3A_321 = arith.addi %shift_right_arithmetic3A_320, %mul3A_103 : vector<16xi32>
        %add3A_322 = arith.constant 2560 : i32
        %add3A_323 = arith.addi %add3A_322, %mul3A_120 : i32
        %swap3A_324 = arith.index_cast %add3A_323 : i32 to index
        %swap3A_325 = tpu.vector_load %arg8[%swap3A_324] {strides = array<i32>} : memref<4096xi32, #tpu.memory_space<vmem>>, vector<16xi32>,
        tpu.vector_store %arg8[%swap3A_324], %add3A_321 {strides = array<i32>} : memref<4096xi32, #tpu.memory_space<vmem>>, vector<16xi32>,
        %and3A_326 = arith.constant 3 : i32
        %and3A_327 = vector.broadcast %and3A_326 : i32 to vector<16xi32>
        %and3A_328 = arith.andi %and3A_317, %and3A_327 : vector<16xi32>
        %mul3A_329 = arith.constant 2 : i32
        %mul3A_330 = vector.broadcast %mul3A_329 : i32 to vector<16xi32>
        %mul3A_331 = arith.muli %and3A_328, %mul3A_330 : vector<16xi32>
        %swap3A_332 = arith.constant 5 : i32
        %swap3A_333 = arith.index_cast %swap3A_332 : i32 to index
        %swap3A_334 = arith.index_cast %mul3A_120 : i32 to index
        %swap3A_335 = tpu.vector_load %arg10[%swap3A_333, %swap3A_334] {strides = array<i32>} : memref<8x512xi32, #tpu.memory_space<vmem>>, vector<16xi32>,
        tpu.vector_store %arg10[%swap3A_333, %swap3A_334], %mul3A_331 {strides = array<i32>} : memref<8x512xi32, #tpu.memory_space<vmem>>, vector<16xi32>,
        %and3A_336 = arith.constant 524287 : i32
        %and3A_337 = vector.broadcast %and3A_336 : i32 to vector<16xi32>
        %and3A_338 = arith.andi %xor3A_209, %and3A_337 : vector<16xi32>
        %shift_right_arithmetic3A_339 = arith.constant 2 : i32
        %shift_right_arithmetic3A_340 = vector.broadcast %shift_right_arithmetic3A_339 : i32 to vector<16xi32>
        %shift_right_arithmetic3A_341 = arith.shrsi %and3A_338, %shift_right_arithmetic3A_340 : vector<16xi32>
        %add3A_342 = arith.addi %shift_right_arithmetic3A_341, %mul3A_103 : vector<16xi32>
        %add3A_343 = arith.constant 3072 : i32
        %add3A_344 = arith.addi %add3A_343, %mul3A_120 : i32
        %swap3A_345 = arith.index_cast %add3A_344 : i32 to index
        %swap3A_346 = tpu.vector_load %arg8[%swap3A_345] {strides = array<i32>} : memref<4096xi32, #tpu.memory_space<vmem>>, vector<16xi32>,
        tpu.vector_store %arg8[%swap3A_345], %add3A_342 {strides = array<i32>} : memref<4096xi32, #tpu.memory_space<vmem>>, vector<16xi32>,
        %and3A_347 = arith.constant 3 : i32
        %and3A_348 = vector.broadcast %and3A_347 : i32 to vector<16xi32>
        %and3A_349 = arith.andi %and3A_338, %and3A_348 : vector<16xi32>
        %mul3A_350 = arith.constant 2 : i32
        %mul3A_351 = vector.broadcast %mul3A_350 : i32 to vector<16xi32>
        %mul3A_352 = arith.muli %and3A_349, %mul3A_351 : vector<16xi32>
        %swap3A_353 = arith.constant 6 : i32
        %swap3A_354 = arith.index_cast %swap3A_353 : i32 to index
        %swap3A_355 = arith.index_cast %mul3A_120 : i32 to index
        %swap3A_356 = tpu.vector_load %arg10[%swap3A_354, %swap3A_355] {strides = array<i32>} : memref<8x512xi32, #tpu.memory_space<vmem>>, vector<16xi32>,
        tpu.vector_store %arg10[%swap3A_354, %swap3A_355], %mul3A_352 {strides = array<i32>} : memref<8x512xi32, #tpu.memory_space<vmem>>, vector<16xi32>,
        %and3A_357 = arith.constant 524287 : i32
        %and3A_358 = vector.broadcast %and3A_357 : i32 to vector<16xi32>
        %and3A_359 = arith.andi %xor3A_211, %and3A_358 : vector<16xi32>
        %shift_right_arithmetic3A_360 = arith.constant 2 : i32
        %shift_right_arithmetic3A_361 = vector.broadcast %shift_right_arithmetic3A_360 : i32 to vector<16xi32>
        %shift_right_arithmetic3A_362 = arith.shrsi %and3A_359, %shift_right_arithmetic3A_361 : vector<16xi32>
        %add3A_363 = arith.addi %shift_right_arithmetic3A_362, %mul3A_103 : vector<16xi32>
        %add3A_364 = arith.constant 3584 : i32
        %add3A_365 = arith.addi %add3A_364, %mul3A_120 : i32
        %swap3A_366 = arith.index_cast %add3A_365 : i32 to index
        %swap3A_367 = tpu.vector_load %arg8[%swap3A_366] {strides = array<i32>} : memref<4096xi32, #tpu.memory_space<vmem>>, vector<16xi32>,
        tpu.vector_store %arg8[%swap3A_366], %add3A_363 {strides = array<i32>} : memref<4096xi32, #tpu.memory_space<vmem>>, vector<16xi32>,
        %and3A_368 = arith.constant 3 : i32
        %and3A_369 = vector.broadcast %and3A_368 : i32 to vector<16xi32>
        %and3A_370 = arith.andi %and3A_359, %and3A_369 : vector<16xi32>
        %mul3A_371 = arith.constant 2 : i32
        %mul3A_372 = vector.broadcast %mul3A_371 : i32 to vector<16xi32>
        %mul3A_373 = arith.muli %and3A_370, %mul3A_372 : vector<16xi32>
        %swap3A_374 = arith.constant 7 : i32
        %swap3A_375 = arith.index_cast %swap3A_374 : i32 to index
        %swap3A_376 = arith.index_cast %mul3A_120 : i32 to index
        %swap3A_377 = tpu.vector_load %arg10[%swap3A_375, %swap3A_376] {strides = array<i32>} : memref<8x512xi32, #tpu.memory_space<vmem>>, vector<16xi32>,
        tpu.vector_store %arg10[%swap3A_375, %swap3A_376], %mul3A_373 {strides = array<i32>} : memref<8x512xi32, #tpu.memory_space<vmem>>, vector<16xi32>,
      }
      %scan3A_108 = arith.constant 32 : i32
      %dma_start3A = arith.constant 0 : i32
      %dma_start3A_109 = arith.constant 0 : i32
      %dma_start3A_110 = tpu.memref_slice %arg3[%dma_start3A, %dma_start3A_109] : memref<2097152x8xf32, #tpu.memory_space<hbm>> -> memref<2097152x8xf32, #tpu.memory_space<hbm>>
      tpu.enqueue_indirect_dma source(%dma_start3A_110 : memref<2097152x8xf32, #tpu.memory_space<hbm>>) target(%arg12 : memref<4096x8xf32, #tpu.memory_space<vmem>>) offsets(%arg8 : memref<4096xi32, #tpu.memory_space<vmem>>) semaphore(%arg15 : memref<!tpu.dma_semaphore, #tpu.memory_space<semaphore_mem>>)
      %scan3A_111 = arith.constant 0 : i32
      %scan3A_112 = arith.constant 8 : i32
      %scan3A_113 = arith.addi %scan3A_111, %scan3A_112 : i32
      %scan3A_114 = arith.constant 1 : i32
      scf.for %scan3A_118 = %scan3A_111 to %scan3A_113 step %scan3A_114  : i32 {
        %mul3A_119 = arith.constant 2 : i32
        %mul3A_120 = arith.muli %mul3A_119, %scan3A_118 : i32
        %add3A_121 = arith.constant 1 : i32
        %add3A_122 = arith.addi %mul3A_120, %add3A_121 : i32
        %broadcast_in_dim3A_123 = vector.broadcast %add3A_122 : i32 to vector<16xi32>
        %broadcast_in_dim3A_124 = arith.constant 1.600000e+01 : f32
        %broadcast_in_dim3A_125 = vector.broadcast %broadcast_in_dim3A_124 : f32 to vector<16xf32>
        %eq3A_126 = arith.constant 1 : i32
        %eq3A_127 = vector.broadcast %eq3A_126 : i32 to vector<16xi32>
        %eq3A_128 = arith.cmpi eq, %broadcast_in_dim3A_123, %eq3A_127 : vector<16xi32>
        %jit3A_129 = arith.constant 2.100000e+01 : f32
        %broadcast_in_dim3A_130 = vector.broadcast %jit3A_129 : f32 to vector<16xf32>
        %select_n3A_131 = arith.select %eq3A_128, %broadcast_in_dim3A_130, %broadcast_in_dim3A_125 : vector<16xi1>, vector<16xf32>
        %eq3A_132 = arith.constant 2 : i32
        %eq3A_133 = vector.broadcast %eq3A_132 : i32 to vector<16xi32>
        %eq3A_134 = arith.cmpi eq, %broadcast_in_dim3A_123, %eq3A_133 : vector<16xi32>
        %jit3A_135 = arith.constant 2.700000e+01 : f32
        %broadcast_in_dim3A_136 = vector.broadcast %jit3A_135 : f32 to vector<16xf32>
        %select_n3A_137 = arith.select %eq3A_134, %broadcast_in_dim3A_136, %select_n3A_131 : vector<16xi1>, vector<16xf32>
        %eq3A_138 = arith.constant 3 : i32
        %eq3A_139 = vector.broadcast %eq3A_138 : i32 to vector<16xi32>
        %eq3A_140 = arith.cmpi eq, %broadcast_in_dim3A_123, %eq3A_139 : vector<16xi32>
        %jit3A_141 = arith.constant 3.600000e+01 : f32
        %broadcast_in_dim3A_142 = vector.broadcast %jit3A_141 : f32 to vector<16xf32>
        %select_n3A_143 = arith.select %eq3A_140, %broadcast_in_dim3A_142, %select_n3A_137 : vector<16xi1>, vector<16xf32>
        %eq3A_144 = arith.constant 4 : i32
        %eq3A_145 = vector.broadcast %eq3A_144 : i32 to vector<16xi32>
        %eq3A_146 = arith.cmpi eq, %broadcast_in_dim3A_123, %eq3A_145 : vector<16xi32>
        %jit3A_147 = arith.constant 4.800000e+01 : f32
        %broadcast_in_dim3A_148 = vector.broadcast %jit3A_147 : f32 to vector<16xf32>
        %select_n3A_149 = arith.select %eq3A_146, %broadcast_in_dim3A_148, %select_n3A_143 : vector<16xi1>, vector<16xf32>
        %eq3A_150 = arith.constant 5 : i32
        %eq3A_151 = vector.broadcast %eq3A_150 : i32 to vector<16xi32>
        %eq3A_152 = arith.cmpi eq, %broadcast_in_dim3A_123, %eq3A_151 : vector<16xi32>
        %jit3A_153 = arith.constant 6.300000e+01 : f32
        %broadcast_in_dim3A_154 = vector.broadcast %jit3A_153 : f32 to vector<16xf32>
        %select_n3A_155 = arith.select %eq3A_152, %broadcast_in_dim3A_154, %select_n3A_149 : vector<16xi1>, vector<16xf32>
        %eq3A_156 = arith.constant 6 : i32
        %eq3A_157 = vector.broadcast %eq3A_156 : i32 to vector<16xi32>
        %eq3A_158 = arith.cmpi eq, %broadcast_in_dim3A_123, %eq3A_157 : vector<16xi32>
        %jit3A_159 = arith.constant 8.400000e+01 : f32
        %broadcast_in_dim3A_160 = vector.broadcast %jit3A_159 : f32 to vector<16xf32>
        %select_n3A_161 = arith.select %eq3A_158, %broadcast_in_dim3A_160, %select_n3A_155 : vector<16xi1>, vector<16xf32>
        %eq3A_162 = arith.constant 7 : i32
        %eq3A_163 = vector.broadcast %eq3A_162 : i32 to vector<16xi32>
        %eq3A_164 = arith.cmpi eq, %broadcast_in_dim3A_123, %eq3A_163 : vector<16xi32>
        %jit3A_165 = arith.constant 1.110000e+02 : f32
        %broadcast_in_dim3A_166 = vector.broadcast %jit3A_165 : f32 to vector<16xf32>
        %select_n3A_167 = arith.select %eq3A_164, %broadcast_in_dim3A_166, %select_n3A_161 : vector<16xi1>, vector<16xf32>
        %eq3A_168 = arith.constant 8 : i32
        %eq3A_169 = vector.broadcast %eq3A_168 : i32 to vector<16xi32>
        %eq3A_170 = arith.cmpi eq, %broadcast_in_dim3A_123, %eq3A_169 : vector<16xi32>
        %jit3A_171 = arith.constant 1.470000e+02 : f32
        %broadcast_in_dim3A_172 = vector.broadcast %jit3A_171 : f32 to vector<16xf32>
        %select_n3A_173 = arith.select %eq3A_170, %broadcast_in_dim3A_172, %select_n3A_167 : vector<16xi1>, vector<16xf32>
        %eq3A_174 = arith.constant 9 : i32
        %eq3A_175 = vector.broadcast %eq3A_174 : i32 to vector<16xi32>
        %eq3A_176 = arith.cmpi eq, %broadcast_in_dim3A_123, %eq3A_175 : vector<16xi32>
        %jit3A_177 = arith.constant 1.940000e+02 : f32
        %broadcast_in_dim3A_178 = vector.broadcast %jit3A_177 : f32 to vector<16xf32>
        %select_n3A_179 = arith.select %eq3A_176, %broadcast_in_dim3A_178, %select_n3A_173 : vector<16xi1>, vector<16xf32>
        %eq3A_180 = arith.constant 10 : i32
        %eq3A_181 = vector.broadcast %eq3A_180 : i32 to vector<16xi32>
        %eq3A_182 = arith.cmpi eq, %broadcast_in_dim3A_123, %eq3A_181 : vector<16xi32>
        %jit3A_183 = arith.constant 2.550000e+02 : f32
        %broadcast_in_dim3A_184 = vector.broadcast %jit3A_183 : f32 to vector<16xf32>
        %select_n3A_185 = arith.select %eq3A_182, %broadcast_in_dim3A_184, %select_n3A_179 : vector<16xi1>, vector<16xf32>
        %eq3A_186 = arith.constant 11 : i32
        %eq3A_187 = vector.broadcast %eq3A_186 : i32 to vector<16xi32>
        %eq3A_188 = arith.cmpi eq, %broadcast_in_dim3A_123, %eq3A_187 : vector<16xi32>
        %jit3A_189 = arith.constant 3.370000e+02 : f32
        %broadcast_in_dim3A_190 = vector.broadcast %jit3A_189 : f32 to vector<16xf32>
        %select_n3A_191 = arith.select %eq3A_188, %broadcast_in_dim3A_190, %select_n3A_185 : vector<16xi1>, vector<16xf32>
        %eq3A_192 = arith.constant 12 : i32
        %eq3A_193 = vector.broadcast %eq3A_192 : i32 to vector<16xi32>
        %eq3A_194 = arith.cmpi eq, %broadcast_in_dim3A_123, %eq3A_193 : vector<16xi32>
        %jit3A_195 = arith.constant 4.450000e+02 : f32
        %broadcast_in_dim3A_196 = vector.broadcast %jit3A_195 : f32 to vector<16xf32>
        %select_n3A_197 = arith.select %eq3A_194, %broadcast_in_dim3A_196, %select_n3A_191 : vector<16xi1>, vector<16xf32>
        %eq3A_198 = arith.constant 13 : i32
        %eq3A_199 = vector.broadcast %eq3A_198 : i32 to vector<16xi32>
        %eq3A_200 = arith.cmpi eq, %broadcast_in_dim3A_123, %eq3A_199 : vector<16xi32>
        %jit3A_201 = arith.constant 5.880000e+02 : f32
        %broadcast_in_dim3A_202 = vector.broadcast %jit3A_201 : f32 to vector<16xf32>
        %select_n3A_203 = arith.select %eq3A_200, %broadcast_in_dim3A_202, %select_n3A_197 : vector<16xi1>, vector<16xf32>
        %eq3A_204 = arith.constant 14 : i32
        %eq3A_205 = vector.broadcast %eq3A_204 : i32 to vector<16xi32>
        %eq3A_206 = arith.cmpi eq, %broadcast_in_dim3A_123, %eq3A_205 : vector<16xi32>
        %jit3A_207 = arith.constant 7.760000e+02 : f32
        %broadcast_in_dim3A_208 = vector.broadcast %jit3A_207 : f32 to vector<16xf32>
        %select_n3A_209 = arith.select %eq3A_206, %broadcast_in_dim3A_208, %select_n3A_203 : vector<16xi1>, vector<16xf32>
        %eq3A_210 = arith.constant 15 : i32
        %eq3A_211 = vector.broadcast %eq3A_210 : i32 to vector<16xi32>
        %eq3A_212 = arith.cmpi eq, %broadcast_in_dim3A_123, %eq3A_211 : vector<16xi32>
        %jit3A_213 = arith.constant 1.023000e+03 : f32
        %broadcast_in_dim3A_214 = vector.broadcast %jit3A_213 : f32 to vector<16xf32>
        %select_n3A_215 = arith.select %eq3A_212, %broadcast_in_dim3A_214, %select_n3A_209 : vector<16xi1>, vector<16xf32>
        %mul3A_216 = arith.constant 131072 : i32
        %mul3A_217 = vector.broadcast %mul3A_216 : i32 to vector<16xi32>
        %mul3A_218 = arith.muli %broadcast_in_dim3A_123, %mul3A_217 : vector<16xi32>
        %scan3A_219 = arith.constant 0 : i32
        %scan3A_220 = arith.constant 32 : i32
        %scan3A_221 = arith.addi %scan3A_219, %scan3A_220 : i32
        %scan3A_222 = arith.constant 1 : i32
        scf.for %scan3A_352 = %scan3A_219 to %scan3A_221 step %scan3A_222  : i32 {
          %mul3A_353 = arith.constant 16 : i32
          %mul3A_354 = arith.muli %scan3A_352, %mul3A_353 : i32
          %get3A = arith.constant 0 : i32
          %get3A_355 = arith.index_cast %get3A : i32 to index
          %get3A_356 = arith.index_cast %mul3A_354 : i32 to index
          %get3A_357 = tpu.vector_load %arg5[%get3A_355, %get3A_356] {strides = array<i32>} : memref<3x512xf32, #tpu.memory_space<vmem>>, vector<16xf32>,
          %add3A_358 = arith.constant 1.000000e+00 : f32
          %add3A_359 = vector.broadcast %add3A_358 : f32 to vector<16xf32>
          %add3A_360 = arith.addf %get3A_357, %add3A_359 : vector<16xf32>
          %mul3A_361 = arith.constant 5.000000e-01 : f32
          %mul3A_362 = vector.broadcast %mul3A_361 : f32 to vector<16xf32>
          %mul3A_363 = arith.mulf %add3A_360, %mul3A_362 : vector<16xf32>
          %mul3A_364 = arith.mulf %mul3A_363, %select_n3A_215 : vector<16xf32>
          %convert_element_type3A = arith.fptosi %mul3A_364 : vector<16xf32> to vector<16xi32>
          %convert_element_type3A_365 = arith.sitofp %convert_element_type3A : vector<16xi32> to vector<16xf32>
          %sub3A = arith.subf %mul3A_364, %convert_element_type3A_365 : vector<16xf32>
          %gt3A = arith.cmpf ogt, %mul3A_364, %convert_element_type3A_365 : vector<16xf32>
          %add3A_366 = arith.constant 1 : i32
          %add3A_367 = vector.broadcast %add3A_366 : i32 to vector<16xi32>
          %add3A_368 = arith.addi %convert_element_type3A, %add3A_367 : vector<16xi32>
          %select_n3A_369 = arith.select %gt3A, %add3A_368, %convert_element_type3A : vector<16xi1>, vector<16xi32>
          %get3A_370 = arith.constant 1 : i32
          %get3A_371 = arith.index_cast %get3A_370 : i32 to index
          %get3A_372 = arith.index_cast %mul3A_354 : i32 to index
          %get3A_373 = tpu.vector_load %arg5[%get3A_371, %get3A_372] {strides = array<i32>} : memref<3x512xf32, #tpu.memory_space<vmem>>, vector<16xf32>,
          %add3A_374 = arith.constant 1.000000e+00 : f32
          %add3A_375 = vector.broadcast %add3A_374 : f32 to vector<16xf32>
          %add3A_376 = arith.addf %get3A_373, %add3A_375 : vector<16xf32>
          %mul3A_377 = arith.constant 5.000000e-01 : f32
          %mul3A_378 = vector.broadcast %mul3A_377 : f32 to vector<16xf32>
          %mul3A_379 = arith.mulf %add3A_376, %mul3A_378 : vector<16xf32>
          %mul3A_380 = arith.mulf %mul3A_379, %select_n3A_215 : vector<16xf32>
          %convert_element_type3A_381 = arith.fptosi %mul3A_380 : vector<16xf32> to vector<16xi32>
          %convert_element_type3A_382 = arith.sitofp %convert_element_type3A_381 : vector<16xi32> to vector<16xf32>
          %sub3A_383 = arith.subf %mul3A_380, %convert_element_type3A_382 : vector<16xf32>
          %gt3A_384 = arith.cmpf ogt, %mul3A_380, %convert_element_type3A_382 : vector<16xf32>
          %add3A_385 = arith.constant 1 : i32
          %add3A_386 = vector.broadcast %add3A_385 : i32 to vector<16xi32>
          %add3A_387 = arith.addi %convert_element_type3A_381, %add3A_386 : vector<16xi32>
          %select_n3A_388 = arith.select %gt3A_384, %add3A_387, %convert_element_type3A_381 : vector<16xi1>, vector<16xi32>
          %get3A_389 = arith.constant 2 : i32
          %get3A_390 = arith.index_cast %get3A_389 : i32 to index
          %get3A_391 = arith.index_cast %mul3A_354 : i32 to index
          %get3A_392 = tpu.vector_load %arg5[%get3A_390, %get3A_391] {strides = array<i32>} : memref<3x512xf32, #tpu.memory_space<vmem>>, vector<16xf32>,
          %add3A_393 = arith.constant 1.000000e+00 : f32
          %add3A_394 = vector.broadcast %add3A_393 : f32 to vector<16xf32>
          %add3A_395 = arith.addf %get3A_392, %add3A_394 : vector<16xf32>
          %mul3A_396 = arith.constant 5.000000e-01 : f32
          %mul3A_397 = vector.broadcast %mul3A_396 : f32 to vector<16xf32>
          %mul3A_398 = arith.mulf %add3A_395, %mul3A_397 : vector<16xf32>
          %mul3A_399 = arith.mulf %mul3A_398, %select_n3A_215 : vector<16xf32>
          %convert_element_type3A_400 = arith.fptosi %mul3A_399 : vector<16xf32> to vector<16xi32>
          %convert_element_type3A_401 = arith.sitofp %convert_element_type3A_400 : vector<16xi32> to vector<16xf32>
          %sub3A_402 = arith.subf %mul3A_399, %convert_element_type3A_401 : vector<16xf32>
          %gt3A_403 = arith.cmpf ogt, %mul3A_399, %convert_element_type3A_401 : vector<16xf32>
          %add3A_404 = arith.constant 1 : i32
          %add3A_405 = vector.broadcast %add3A_404 : i32 to vector<16xi32>
          %add3A_406 = arith.addi %convert_element_type3A_400, %add3A_405 : vector<16xi32>
          %select_n3A_407 = arith.select %gt3A_403, %add3A_406, %convert_element_type3A_400 : vector<16xi1>, vector<16xi32>
          %swap3A = arith.constant 0 : i32
          %swap3A_408 = arith.index_cast %swap3A : i32 to index
          %swap3A_409 = arith.index_cast %mul3A_354 : i32 to index
          %swap3A_410 = tpu.vector_load %arg7[%swap3A_408, %swap3A_409] {strides = array<i32>} : memref<3x512xf32, #tpu.memory_space<vmem>>, vector<16xf32>,
          tpu.vector_store %arg7[%swap3A_408, %swap3A_409], %sub3A {strides = array<i32>} : memref<3x512xf32, #tpu.memory_space<vmem>>, vector<16xf32>,
          %swap3A_411 = arith.constant 1 : i32
          %swap3A_412 = arith.index_cast %swap3A_411 : i32 to index
          %swap3A_413 = arith.index_cast %mul3A_354 : i32 to index
          %swap3A_414 = tpu.vector_load %arg7[%swap3A_412, %swap3A_413] {strides = array<i32>} : memref<3x512xf32, #tpu.memory_space<vmem>>, vector<16xf32>,
          tpu.vector_store %arg7[%swap3A_412, %swap3A_413], %sub3A_383 {strides = array<i32>} : memref<3x512xf32, #tpu.memory_space<vmem>>, vector<16xf32>,
          %swap3A_415 = arith.constant 2 : i32
          %swap3A_416 = arith.index_cast %swap3A_415 : i32 to index
          %swap3A_417 = arith.index_cast %mul3A_354 : i32 to index
          %swap3A_418 = tpu.vector_load %arg7[%swap3A_416, %swap3A_417] {strides = array<i32>} : memref<3x512xf32, #tpu.memory_space<vmem>>, vector<16xf32>,
          tpu.vector_store %arg7[%swap3A_416, %swap3A_417], %sub3A_402 {strides = array<i32>} : memref<3x512xf32, #tpu.memory_space<vmem>>, vector<16xf32>,
          %mul3A_419 = arith.constant -1640531535 : i32
          %mul3A_420 = vector.broadcast %mul3A_419 : i32 to vector<16xi32>
          %mul3A_421 = arith.muli %convert_element_type3A_381, %mul3A_420 : vector<16xi32>
          %mul3A_422 = arith.constant -1640531535 : i32
          %mul3A_423 = vector.broadcast %mul3A_422 : i32 to vector<16xi32>
          %mul3A_424 = arith.muli %select_n3A_388, %mul3A_423 : vector<16xi32>
          %mul3A_425 = arith.constant 805459861 : i32
          %mul3A_426 = vector.broadcast %mul3A_425 : i32 to vector<16xi32>
          %mul3A_427 = arith.muli %convert_element_type3A_400, %mul3A_426 : vector<16xi32>
          %mul3A_428 = arith.constant 805459861 : i32
          %mul3A_429 = vector.broadcast %mul3A_428 : i32 to vector<16xi32>
          %mul3A_430 = arith.muli %select_n3A_407, %mul3A_429 : vector<16xi32>
          %xor3A = arith.xori %convert_element_type3A, %mul3A_421 : vector<16xi32>
          %xor3A_431 = arith.xori %xor3A, %mul3A_427 : vector<16xi32>
          %xor3A_432 = arith.xori %select_n3A_369, %mul3A_421 : vector<16xi32>
          %xor3A_433 = arith.xori %xor3A_432, %mul3A_427 : vector<16xi32>
          %xor3A_434 = arith.xori %convert_element_type3A, %mul3A_424 : vector<16xi32>
          %xor3A_435 = arith.xori %xor3A_434, %mul3A_427 : vector<16xi32>
          %xor3A_436 = arith.xori %select_n3A_369, %mul3A_424 : vector<16xi32>
          %xor3A_437 = arith.xori %xor3A_436, %mul3A_427 : vector<16xi32>
          %xor3A_438 = arith.xori %convert_element_type3A, %mul3A_421 : vector<16xi32>
          %xor3A_439 = arith.xori %xor3A_438, %mul3A_430 : vector<16xi32>
          %xor3A_440 = arith.xori %select_n3A_369, %mul3A_421 : vector<16xi32>
          %xor3A_441 = arith.xori %xor3A_440, %mul3A_430 : vector<16xi32>
          %xor3A_442 = arith.xori %select_n3A_369, %mul3A_424 : vector<16xi32>
          %xor3A_443 = arith.xori %xor3A_442, %mul3A_430 : vector<16xi32>
          %xor3A_444 = arith.xori %convert_element_type3A, %mul3A_424 : vector<16xi32>
          %xor3A_445 = arith.xori %xor3A_444, %mul3A_430 : vector<16xi32>
          %and3A_446 = arith.constant 524287 : i32
          %and3A_447 = vector.broadcast %and3A_446 : i32 to vector<16xi32>
          %and3A_448 = arith.andi %xor3A_431, %and3A_447 : vector<16xi32>
          %shift_right_arithmetic3A = arith.constant 2 : i32
          %shift_right_arithmetic3A_449 = vector.broadcast %shift_right_arithmetic3A : i32 to vector<16xi32>
          %shift_right_arithmetic3A_450 = arith.shrsi %and3A_448, %shift_right_arithmetic3A_449 : vector<16xi32>
          %add3A_451 = arith.addi %shift_right_arithmetic3A_450, %mul3A_218 : vector<16xi32>
          %add3A_452 = arith.constant 0 : i32
          %add3A_453 = arith.addi %add3A_452, %mul3A_354 : i32
          %swap3A_454 = arith.index_cast %add3A_453 : i32 to index
          %swap3A_455 = tpu.vector_load %arg9[%swap3A_454] {strides = array<i32>} : memref<4096xi32, #tpu.memory_space<vmem>>, vector<16xi32>,
          tpu.vector_store %arg9[%swap3A_454], %add3A_451 {strides = array<i32>} : memref<4096xi32, #tpu.memory_space<vmem>>, vector<16xi32>,
          %and3A_456 = arith.constant 3 : i32
          %and3A_457 = vector.broadcast %and3A_456 : i32 to vector<16xi32>
          %and3A_458 = arith.andi %and3A_448, %and3A_457 : vector<16xi32>
          %mul3A_459 = arith.constant 2 : i32
          %mul3A_460 = vector.broadcast %mul3A_459 : i32 to vector<16xi32>
          %mul3A_461 = arith.muli %and3A_458, %mul3A_460 : vector<16xi32>
          %swap3A_462 = arith.constant 0 : i32
          %swap3A_463 = arith.index_cast %swap3A_462 : i32 to index
          %swap3A_464 = arith.index_cast %mul3A_354 : i32 to index
          %swap3A_465 = tpu.vector_load %arg11[%swap3A_463, %swap3A_464] {strides = array<i32>} : memref<8x512xi32, #tpu.memory_space<vmem>>, vector<16xi32>,
          tpu.vector_store %arg11[%swap3A_463, %swap3A_464], %mul3A_461 {strides = array<i32>} : memref<8x512xi32, #tpu.memory_space<vmem>>, vector<16xi32>,
          %and3A_466 = arith.constant 524287 : i32
          %and3A_467 = vector.broadcast %and3A_466 : i32 to vector<16xi32>
          %and3A_468 = arith.andi %xor3A_433, %and3A_467 : vector<16xi32>
          %shift_right_arithmetic3A_469 = arith.constant 2 : i32
          %shift_right_arithmetic3A_470 = vector.broadcast %shift_right_arithmetic3A_469 : i32 to vector<16xi32>
          %shift_right_arithmetic3A_471 = arith.shrsi %and3A_468, %shift_right_arithmetic3A_470 : vector<16xi32>
          %add3A_472 = arith.addi %shift_right_arithmetic3A_471, %mul3A_218 : vector<16xi32>
          %add3A_473 = arith.constant 512 : i32
          %add3A_474 = arith.addi %add3A_473, %mul3A_354 : i32
          %swap3A_475 = arith.index_cast %add3A_474 : i32 to index
          %swap3A_476 = tpu.vector_load %arg9[%swap3A_475] {strides = array<i32>} : memref<4096xi32, #tpu.memory_space<vmem>>, vector<16xi32>,
          tpu.vector_store %arg9[%swap3A_475], %add3A_472 {strides = array<i32>} : memref<4096xi32, #tpu.memory_space<vmem>>, vector<16xi32>,
          %and3A_477 = arith.constant 3 : i32
          %and3A_478 = vector.broadcast %and3A_477 : i32 to vector<16xi32>
          %and3A_479 = arith.andi %and3A_468, %and3A_478 : vector<16xi32>
          %mul3A_480 = arith.constant 2 : i32
          %mul3A_481 = vector.broadcast %mul3A_480 : i32 to vector<16xi32>
          %mul3A_482 = arith.muli %and3A_479, %mul3A_481 : vector<16xi32>
          %swap3A_483 = arith.constant 1 : i32
          %swap3A_484 = arith.index_cast %swap3A_483 : i32 to index
          %swap3A_485 = arith.index_cast %mul3A_354 : i32 to index
          %swap3A_486 = tpu.vector_load %arg11[%swap3A_484, %swap3A_485] {strides = array<i32>} : memref<8x512xi32, #tpu.memory_space<vmem>>, vector<16xi32>,
          tpu.vector_store %arg11[%swap3A_484, %swap3A_485], %mul3A_482 {strides = array<i32>} : memref<8x512xi32, #tpu.memory_space<vmem>>, vector<16xi32>,
          %and3A_487 = arith.constant 524287 : i32
          %and3A_488 = vector.broadcast %and3A_487 : i32 to vector<16xi32>
          %and3A_489 = arith.andi %xor3A_435, %and3A_488 : vector<16xi32>
          %shift_right_arithmetic3A_490 = arith.constant 2 : i32
          %shift_right_arithmetic3A_491 = vector.broadcast %shift_right_arithmetic3A_490 : i32 to vector<16xi32>
          %shift_right_arithmetic3A_492 = arith.shrsi %and3A_489, %shift_right_arithmetic3A_491 : vector<16xi32>
          %add3A_493 = arith.addi %shift_right_arithmetic3A_492, %mul3A_218 : vector<16xi32>
          %add3A_494 = arith.constant 1024 : i32
          %add3A_495 = arith.addi %add3A_494, %mul3A_354 : i32
          %swap3A_496 = arith.index_cast %add3A_495 : i32 to index
          %swap3A_497 = tpu.vector_load %arg9[%swap3A_496] {strides = array<i32>} : memref<4096xi32, #tpu.memory_space<vmem>>, vector<16xi32>,
          tpu.vector_store %arg9[%swap3A_496], %add3A_493 {strides = array<i32>} : memref<4096xi32, #tpu.memory_space<vmem>>, vector<16xi32>,
          %and3A_498 = arith.constant 3 : i32
          %and3A_499 = vector.broadcast %and3A_498 : i32 to vector<16xi32>
          %and3A_500 = arith.andi %and3A_489, %and3A_499 : vector<16xi32>
          %mul3A_501 = arith.constant 2 : i32
          %mul3A_502 = vector.broadcast %mul3A_501 : i32 to vector<16xi32>
          %mul3A_503 = arith.muli %and3A_500, %mul3A_502 : vector<16xi32>
          %swap3A_504 = arith.constant 2 : i32
          %swap3A_505 = arith.index_cast %swap3A_504 : i32 to index
          %swap3A_506 = arith.index_cast %mul3A_354 : i32 to index
          %swap3A_507 = tpu.vector_load %arg11[%swap3A_505, %swap3A_506] {strides = array<i32>} : memref<8x512xi32, #tpu.memory_space<vmem>>, vector<16xi32>,
          tpu.vector_store %arg11[%swap3A_505, %swap3A_506], %mul3A_503 {strides = array<i32>} : memref<8x512xi32, #tpu.memory_space<vmem>>, vector<16xi32>,
          %and3A_508 = arith.constant 524287 : i32
          %and3A_509 = vector.broadcast %and3A_508 : i32 to vector<16xi32>
          %and3A_510 = arith.andi %xor3A_437, %and3A_509 : vector<16xi32>
          %shift_right_arithmetic3A_511 = arith.constant 2 : i32
          %shift_right_arithmetic3A_512 = vector.broadcast %shift_right_arithmetic3A_511 : i32 to vector<16xi32>
          %shift_right_arithmetic3A_513 = arith.shrsi %and3A_510, %shift_right_arithmetic3A_512 : vector<16xi32>
          %add3A_514 = arith.addi %shift_right_arithmetic3A_513, %mul3A_218 : vector<16xi32>
          %add3A_515 = arith.constant 1536 : i32
          %add3A_516 = arith.addi %add3A_515, %mul3A_354 : i32
          %swap3A_517 = arith.index_cast %add3A_516 : i32 to index
          %swap3A_518 = tpu.vector_load %arg9[%swap3A_517] {strides = array<i32>} : memref<4096xi32, #tpu.memory_space<vmem>>, vector<16xi32>,
          tpu.vector_store %arg9[%swap3A_517], %add3A_514 {strides = array<i32>} : memref<4096xi32, #tpu.memory_space<vmem>>, vector<16xi32>,
          %and3A_519 = arith.constant 3 : i32
          %and3A_520 = vector.broadcast %and3A_519 : i32 to vector<16xi32>
          %and3A_521 = arith.andi %and3A_510, %and3A_520 : vector<16xi32>
          %mul3A_522 = arith.constant 2 : i32
          %mul3A_523 = vector.broadcast %mul3A_522 : i32 to vector<16xi32>
          %mul3A_524 = arith.muli %and3A_521, %mul3A_523 : vector<16xi32>
          %swap3A_525 = arith.constant 3 : i32
          %swap3A_526 = arith.index_cast %swap3A_525 : i32 to index
          %swap3A_527 = arith.index_cast %mul3A_354 : i32 to index
          %swap3A_528 = tpu.vector_load %arg11[%swap3A_526, %swap3A_527] {strides = array<i32>} : memref<8x512xi32, #tpu.memory_space<vmem>>, vector<16xi32>,
          tpu.vector_store %arg11[%swap3A_526, %swap3A_527], %mul3A_524 {strides = array<i32>} : memref<8x512xi32, #tpu.memory_space<vmem>>, vector<16xi32>,
          %and3A_529 = arith.constant 524287 : i32
          %and3A_530 = vector.broadcast %and3A_529 : i32 to vector<16xi32>
          %and3A_531 = arith.andi %xor3A_439, %and3A_530 : vector<16xi32>
          %shift_right_arithmetic3A_532 = arith.constant 2 : i32
          %shift_right_arithmetic3A_533 = vector.broadcast %shift_right_arithmetic3A_532 : i32 to vector<16xi32>
          %shift_right_arithmetic3A_534 = arith.shrsi %and3A_531, %shift_right_arithmetic3A_533 : vector<16xi32>
          %add3A_535 = arith.addi %shift_right_arithmetic3A_534, %mul3A_218 : vector<16xi32>
          %add3A_536 = arith.constant 2048 : i32
          %add3A_537 = arith.addi %add3A_536, %mul3A_354 : i32
          %swap3A_538 = arith.index_cast %add3A_537 : i32 to index
          %swap3A_539 = tpu.vector_load %arg9[%swap3A_538] {strides = array<i32>} : memref<4096xi32, #tpu.memory_space<vmem>>, vector<16xi32>,
          tpu.vector_store %arg9[%swap3A_538], %add3A_535 {strides = array<i32>} : memref<4096xi32, #tpu.memory_space<vmem>>, vector<16xi32>,
          %and3A_540 = arith.constant 3 : i32
          %and3A_541 = vector.broadcast %and3A_540 : i32 to vector<16xi32>
          %and3A_542 = arith.andi %and3A_531, %and3A_541 : vector<16xi32>
          %mul3A_543 = arith.constant 2 : i32
          %mul3A_544 = vector.broadcast %mul3A_543 : i32 to vector<16xi32>
          %mul3A_545 = arith.muli %and3A_542, %mul3A_544 : vector<16xi32>
          %swap3A_546 = arith.constant 4 : i32
          %swap3A_547 = arith.index_cast %swap3A_546 : i32 to index
          %swap3A_548 = arith.index_cast %mul3A_354 : i32 to index
          %swap3A_549 = tpu.vector_load %arg11[%swap3A_547, %swap3A_548] {strides = array<i32>} : memref<8x512xi32, #tpu.memory_space<vmem>>, vector<16xi32>,
          tpu.vector_store %arg11[%swap3A_547, %swap3A_548], %mul3A_545 {strides = array<i32>} : memref<8x512xi32, #tpu.memory_space<vmem>>, vector<16xi32>,
          %and3A_550 = arith.constant 524287 : i32
          %and3A_551 = vector.broadcast %and3A_550 : i32 to vector<16xi32>
          %and3A_552 = arith.andi %xor3A_441, %and3A_551 : vector<16xi32>
          %shift_right_arithmetic3A_553 = arith.constant 2 : i32
          %shift_right_arithmetic3A_554 = vector.broadcast %shift_right_arithmetic3A_553 : i32 to vector<16xi32>
          %shift_right_arithmetic3A_555 = arith.shrsi %and3A_552, %shift_right_arithmetic3A_554 : vector<16xi32>
          %add3A_556 = arith.addi %shift_right_arithmetic3A_555, %mul3A_218 : vector<16xi32>
          %add3A_557 = arith.constant 2560 : i32
          %add3A_558 = arith.addi %add3A_557, %mul3A_354 : i32
          %swap3A_559 = arith.index_cast %add3A_558 : i32 to index
          %swap3A_560 = tpu.vector_load %arg9[%swap3A_559] {strides = array<i32>} : memref<4096xi32, #tpu.memory_space<vmem>>, vector<16xi32>,
          tpu.vector_store %arg9[%swap3A_559], %add3A_556 {strides = array<i32>} : memref<4096xi32, #tpu.memory_space<vmem>>, vector<16xi32>,
          %and3A_561 = arith.constant 3 : i32
          %and3A_562 = vector.broadcast %and3A_561 : i32 to vector<16xi32>
          %and3A_563 = arith.andi %and3A_552, %and3A_562 : vector<16xi32>
          %mul3A_564 = arith.constant 2 : i32
          %mul3A_565 = vector.broadcast %mul3A_564 : i32 to vector<16xi32>
          %mul3A_566 = arith.muli %and3A_563, %mul3A_565 : vector<16xi32>
          %swap3A_567 = arith.constant 5 : i32
          %swap3A_568 = arith.index_cast %swap3A_567 : i32 to index
          %swap3A_569 = arith.index_cast %mul3A_354 : i32 to index
          %swap3A_570 = tpu.vector_load %arg11[%swap3A_568, %swap3A_569] {strides = array<i32>} : memref<8x512xi32, #tpu.memory_space<vmem>>, vector<16xi32>,
          tpu.vector_store %arg11[%swap3A_568, %swap3A_569], %mul3A_566 {strides = array<i32>} : memref<8x512xi32, #tpu.memory_space<vmem>>, vector<16xi32>,
          %and3A_571 = arith.constant 524287 : i32
          %and3A_572 = vector.broadcast %and3A_571 : i32 to vector<16xi32>
          %and3A_573 = arith.andi %xor3A_443, %and3A_572 : vector<16xi32>
          %shift_right_arithmetic3A_574 = arith.constant 2 : i32
          %shift_right_arithmetic3A_575 = vector.broadcast %shift_right_arithmetic3A_574 : i32 to vector<16xi32>
          %shift_right_arithmetic3A_576 = arith.shrsi %and3A_573, %shift_right_arithmetic3A_575 : vector<16xi32>
          %add3A_577 = arith.addi %shift_right_arithmetic3A_576, %mul3A_218 : vector<16xi32>
          %add3A_578 = arith.constant 3072 : i32
          %add3A_579 = arith.addi %add3A_578, %mul3A_354 : i32
          %swap3A_580 = arith.index_cast %add3A_579 : i32 to index
          %swap3A_581 = tpu.vector_load %arg9[%swap3A_580] {strides = array<i32>} : memref<4096xi32, #tpu.memory_space<vmem>>, vector<16xi32>,
          tpu.vector_store %arg9[%swap3A_580], %add3A_577 {strides = array<i32>} : memref<4096xi32, #tpu.memory_space<vmem>>, vector<16xi32>,
          %and3A_582 = arith.constant 3 : i32
          %and3A_583 = vector.broadcast %and3A_582 : i32 to vector<16xi32>
          %and3A_584 = arith.andi %and3A_573, %and3A_583 : vector<16xi32>
          %mul3A_585 = arith.constant 2 : i32
          %mul3A_586 = vector.broadcast %mul3A_585 : i32 to vector<16xi32>
          %mul3A_587 = arith.muli %and3A_584, %mul3A_586 : vector<16xi32>
          %swap3A_588 = arith.constant 6 : i32
          %swap3A_589 = arith.index_cast %swap3A_588 : i32 to index
          %swap3A_590 = arith.index_cast %mul3A_354 : i32 to index
          %swap3A_591 = tpu.vector_load %arg11[%swap3A_589, %swap3A_590] {strides = array<i32>} : memref<8x512xi32, #tpu.memory_space<vmem>>, vector<16xi32>,
          tpu.vector_store %arg11[%swap3A_589, %swap3A_590], %mul3A_587 {strides = array<i32>} : memref<8x512xi32, #tpu.memory_space<vmem>>, vector<16xi32>,
          %and3A_592 = arith.constant 524287 : i32
          %and3A_593 = vector.broadcast %and3A_592 : i32 to vector<16xi32>
          %and3A_594 = arith.andi %xor3A_445, %and3A_593 : vector<16xi32>
          %shift_right_arithmetic3A_595 = arith.constant 2 : i32
          %shift_right_arithmetic3A_596 = vector.broadcast %shift_right_arithmetic3A_595 : i32 to vector<16xi32>
          %shift_right_arithmetic3A_597 = arith.shrsi %and3A_594, %shift_right_arithmetic3A_596 : vector<16xi32>
          %add3A_598 = arith.addi %shift_right_arithmetic3A_597, %mul3A_218 : vector<16xi32>
          %add3A_599 = arith.constant 3584 : i32
          %add3A_600 = arith.addi %add3A_599, %mul3A_354 : i32
          %swap3A_601 = arith.index_cast %add3A_600 : i32 to index
          %swap3A_602 = tpu.vector_load %arg9[%swap3A_601] {strides = array<i32>} : memref<4096xi32, #tpu.memory_space<vmem>>, vector<16xi32>,
          tpu.vector_store %arg9[%swap3A_601], %add3A_598 {strides = array<i32>} : memref<4096xi32, #tpu.memory_space<vmem>>, vector<16xi32>,
          %and3A_603 = arith.constant 3 : i32
          %and3A_604 = vector.broadcast %and3A_603 : i32 to vector<16xi32>
          %and3A_605 = arith.andi %and3A_594, %and3A_604 : vector<16xi32>
          %mul3A_606 = arith.constant 2 : i32
          %mul3A_607 = vector.broadcast %mul3A_606 : i32 to vector<16xi32>
          %mul3A_608 = arith.muli %and3A_605, %mul3A_607 : vector<16xi32>
          %swap3A_609 = arith.constant 7 : i32
          %swap3A_610 = arith.index_cast %swap3A_609 : i32 to index
          %swap3A_611 = arith.index_cast %mul3A_354 : i32 to index
          %swap3A_612 = tpu.vector_load %arg11[%swap3A_610, %swap3A_611] {strides = array<i32>} : memref<8x512xi32, #tpu.memory_space<vmem>>, vector<16xi32>,
          tpu.vector_store %arg11[%swap3A_610, %swap3A_611], %mul3A_608 {strides = array<i32>} : memref<8x512xi32, #tpu.memory_space<vmem>>, vector<16xi32>,
        }
        %scan3A_223 = arith.constant 32 : i32
        %dma_wait3A_224 = arith.constant 0 : i32
        %dma_wait3A_225 = arith.constant 0 : i32
        %dma_wait3A_226 = tpu.memref_slice %arg3[%dma_wait3A_224, %dma_wait3A_225] : memref<2097152x8xf32, #tpu.memory_space<hbm>> -> memref<2097152x8xf32, #tpu.memory_space<hbm>>
        tpu.wait_indirect_dma semaphore(%arg15 : memref<!tpu.dma_semaphore, #tpu.memory_space<semaphore_mem>>) src(%dma_wait3A_226 : memref<2097152x8xf32, #tpu.memory_space<hbm>>) dst(%arg12 : memref<4096x8xf32, #tpu.memory_space<vmem>>)
        %dma_start3A_227 = arith.constant 0 : i32
        %dma_start3A_228 = arith.constant 0 : i32
        %dma_start3A_229 = tpu.memref_slice %arg3[%dma_start3A_227, %dma_start3A_228] : memref<2097152x8xf32, #tpu.memory_space<hbm>> -> memref<2097152x8xf32, #tpu.memory_space<hbm>>
        tpu.enqueue_indirect_dma source(%dma_start3A_229 : memref<2097152x8xf32, #tpu.memory_space<hbm>>) target(%arg13 : memref<4096x8xf32, #tpu.memory_space<vmem>>) offsets(%arg9 : memref<4096xi32, #tpu.memory_space<vmem>>) semaphore(%arg15 : memref<!tpu.dma_semaphore, #tpu.memory_space<semaphore_mem>>)
        %scan3A_230 = arith.constant 0 : i32
        %scan3A_231 = arith.constant 32 : i32
        %scan3A_232 = arith.addi %scan3A_230, %scan3A_231 : i32
        %scan3A_233 = arith.constant 1 : i32
        scf.for %scan3A_352 = %scan3A_230 to %scan3A_232 step %scan3A_233  : i32 {
          %mul3A_353 = arith.constant 16 : i32
          %mul3A_354 = arith.muli %scan3A_352, %mul3A_353 : i32
          %get3A = arith.constant 0 : i32
          %get3A_355 = arith.index_cast %get3A : i32 to index
          %get3A_356 = arith.index_cast %mul3A_354 : i32 to index
          %get3A_357 = tpu.vector_load %arg6[%get3A_355, %get3A_356] {strides = array<i32>} : memref<3x512xf32, #tpu.memory_space<vmem>>, vector<16xf32>,
          %get3A_358 = arith.constant 1 : i32
          %get3A_359 = arith.index_cast %get3A_358 : i32 to index
          %get3A_360 = arith.index_cast %mul3A_354 : i32 to index
          %get3A_361 = tpu.vector_load %arg6[%get3A_359, %get3A_360] {strides = array<i32>} : memref<3x512xf32, #tpu.memory_space<vmem>>, vector<16xf32>,
          %get3A_362 = arith.constant 2 : i32
          %get3A_363 = arith.index_cast %get3A_362 : i32 to index
          %get3A_364 = arith.index_cast %mul3A_354 : i32 to index
          %get3A_365 = tpu.vector_load %arg6[%get3A_363, %get3A_364] {strides = array<i32>} : memref<3x512xf32, #tpu.memory_space<vmem>>, vector<16xf32>,
          %sub3A = arith.constant 1.000000e+00 : f32
          %sub3A_366 = vector.broadcast %sub3A : f32 to vector<16xf32>
          %sub3A_367 = arith.subf %sub3A_366, %get3A_357 : vector<16xf32>
          %sub3A_368 = arith.constant 1.000000e+00 : f32
          %sub3A_369 = vector.broadcast %sub3A_368 : f32 to vector<16xf32>
          %sub3A_370 = arith.subf %sub3A_369, %get3A_361 : vector<16xf32>
          %sub3A_371 = arith.constant 1.000000e+00 : f32
          %sub3A_372 = vector.broadcast %sub3A_371 : f32 to vector<16xf32>
          %sub3A_373 = arith.subf %sub3A_372, %get3A_365 : vector<16xf32>
          %add3A_374 = arith.constant 0 : i32
          %add3A_375 = arith.addi %mul3A_354, %add3A_374 : i32
          %add3A_376 = vector.broadcast %add3A_375 : i32 to vector<16xi32>
          %add3A_377 = arith.addi %iota3A, %add3A_376 : vector<16xi32>
          %get3A_378 = arith.constant 0 : i32
          %get3A_379 = arith.index_cast %get3A_378 : i32 to index
          %get3A_380 = arith.index_cast %mul3A_354 : i32 to index
          %get3A_381 = tpu.vector_load %arg10[%get3A_379, %get3A_380] {strides = array<i32>} : memref<8x512xi32, #tpu.memory_space<vmem>>, vector<16xi32>,
          %gather3A = tpu.vector_load_idx %arg12[%add3A_377, %get3A_381] : memref<4096x8xf32, #tpu.memory_space<vmem>>[vector<16xi32>, vector<16xi32>], vector<16xf32>,
          %add3A_382 = arith.constant 1 : i32
          %add3A_383 = vector.broadcast %add3A_382 : i32 to vector<16xi32>
          %add3A_384 = arith.addi %get3A_381, %add3A_383 : vector<16xi32>
          %gather3A_385 = tpu.vector_load_idx %arg12[%add3A_377, %add3A_384] : memref<4096x8xf32, #tpu.memory_space<vmem>>[vector<16xi32>, vector<16xi32>], vector<16xf32>,
          %add3A_386 = arith.constant 512 : i32
          %add3A_387 = arith.addi %mul3A_354, %add3A_386 : i32
          %add3A_388 = vector.broadcast %add3A_387 : i32 to vector<16xi32>
          %add3A_389 = arith.addi %iota3A, %add3A_388 : vector<16xi32>
          %get3A_390 = arith.constant 1 : i32
          %get3A_391 = arith.index_cast %get3A_390 : i32 to index
          %get3A_392 = arith.index_cast %mul3A_354 : i32 to index
          %get3A_393 = tpu.vector_load %arg10[%get3A_391, %get3A_392] {strides = array<i32>} : memref<8x512xi32, #tpu.memory_space<vmem>>, vector<16xi32>,
          %gather3A_394 = tpu.vector_load_idx %arg12[%add3A_389, %get3A_393] : memref<4096x8xf32, #tpu.memory_space<vmem>>[vector<16xi32>, vector<16xi32>], vector<16xf32>,
          %add3A_395 = arith.constant 1 : i32
          %add3A_396 = vector.broadcast %add3A_395 : i32 to vector<16xi32>
          %add3A_397 = arith.addi %get3A_393, %add3A_396 : vector<16xi32>
          %gather3A_398 = tpu.vector_load_idx %arg12[%add3A_389, %add3A_397] : memref<4096x8xf32, #tpu.memory_space<vmem>>[vector<16xi32>, vector<16xi32>], vector<16xf32>,
          %add3A_399 = arith.constant 1024 : i32
          %add3A_400 = arith.addi %mul3A_354, %add3A_399 : i32
          %add3A_401 = vector.broadcast %add3A_400 : i32 to vector<16xi32>
          %add3A_402 = arith.addi %iota3A, %add3A_401 : vector<16xi32>
          %get3A_403 = arith.constant 2 : i32
          %get3A_404 = arith.index_cast %get3A_403 : i32 to index
          %get3A_405 = arith.index_cast %mul3A_354 : i32 to index
          %get3A_406 = tpu.vector_load %arg10[%get3A_404, %get3A_405] {strides = array<i32>} : memref<8x512xi32, #tpu.memory_space<vmem>>, vector<16xi32>,
          %gather3A_407 = tpu.vector_load_idx %arg12[%add3A_402, %get3A_406] : memref<4096x8xf32, #tpu.memory_space<vmem>>[vector<16xi32>, vector<16xi32>], vector<16xf32>,
          %add3A_408 = arith.constant 1 : i32
          %add3A_409 = vector.broadcast %add3A_408 : i32 to vector<16xi32>
          %add3A_410 = arith.addi %get3A_406, %add3A_409 : vector<16xi32>
          %gather3A_411 = tpu.vector_load_idx %arg12[%add3A_402, %add3A_410] : memref<4096x8xf32, #tpu.memory_space<vmem>>[vector<16xi32>, vector<16xi32>], vector<16xf32>,
          %add3A_412 = arith.constant 1536 : i32
          %add3A_413 = arith.addi %mul3A_354, %add3A_412 : i32
          %add3A_414 = vector.broadcast %add3A_413 : i32 to vector<16xi32>
          %add3A_415 = arith.addi %iota3A, %add3A_414 : vector<16xi32>
          %get3A_416 = arith.constant 3 : i32
          %get3A_417 = arith.index_cast %get3A_416 : i32 to index
          %get3A_418 = arith.index_cast %mul3A_354 : i32 to index
          %get3A_419 = tpu.vector_load %arg10[%get3A_417, %get3A_418] {strides = array<i32>} : memref<8x512xi32, #tpu.memory_space<vmem>>, vector<16xi32>,
          %gather3A_420 = tpu.vector_load_idx %arg12[%add3A_415, %get3A_419] : memref<4096x8xf32, #tpu.memory_space<vmem>>[vector<16xi32>, vector<16xi32>], vector<16xf32>,
          %add3A_421 = arith.constant 1 : i32
          %add3A_422 = vector.broadcast %add3A_421 : i32 to vector<16xi32>
          %add3A_423 = arith.addi %get3A_419, %add3A_422 : vector<16xi32>
          %gather3A_424 = tpu.vector_load_idx %arg12[%add3A_415, %add3A_423] : memref<4096x8xf32, #tpu.memory_space<vmem>>[vector<16xi32>, vector<16xi32>], vector<16xf32>,
          %add3A_425 = arith.constant 2048 : i32
          %add3A_426 = arith.addi %mul3A_354, %add3A_425 : i32
          %add3A_427 = vector.broadcast %add3A_426 : i32 to vector<16xi32>
          %add3A_428 = arith.addi %iota3A, %add3A_427 : vector<16xi32>
          %get3A_429 = arith.constant 4 : i32
          %get3A_430 = arith.index_cast %get3A_429 : i32 to index
          %get3A_431 = arith.index_cast %mul3A_354 : i32 to index
          %get3A_432 = tpu.vector_load %arg10[%get3A_430, %get3A_431] {strides = array<i32>} : memref<8x512xi32, #tpu.memory_space<vmem>>, vector<16xi32>,
          %gather3A_433 = tpu.vector_load_idx %arg12[%add3A_428, %get3A_432] : memref<4096x8xf32, #tpu.memory_space<vmem>>[vector<16xi32>, vector<16xi32>], vector<16xf32>,
          %add3A_434 = arith.constant 1 : i32
          %add3A_435 = vector.broadcast %add3A_434 : i32 to vector<16xi32>
          %add3A_436 = arith.addi %get3A_432, %add3A_435 : vector<16xi32>
          %gather3A_437 = tpu.vector_load_idx %arg12[%add3A_428, %add3A_436] : memref<4096x8xf32, #tpu.memory_space<vmem>>[vector<16xi32>, vector<16xi32>], vector<16xf32>,
          %add3A_438 = arith.constant 2560 : i32
          %add3A_439 = arith.addi %mul3A_354, %add3A_438 : i32
          %add3A_440 = vector.broadcast %add3A_439 : i32 to vector<16xi32>
          %add3A_441 = arith.addi %iota3A, %add3A_440 : vector<16xi32>
          %get3A_442 = arith.constant 5 : i32
          %get3A_443 = arith.index_cast %get3A_442 : i32 to index
          %get3A_444 = arith.index_cast %mul3A_354 : i32 to index
          %get3A_445 = tpu.vector_load %arg10[%get3A_443, %get3A_444] {strides = array<i32>} : memref<8x512xi32, #tpu.memory_space<vmem>>, vector<16xi32>,
          %gather3A_446 = tpu.vector_load_idx %arg12[%add3A_441, %get3A_445] : memref<4096x8xf32, #tpu.memory_space<vmem>>[vector<16xi32>, vector<16xi32>], vector<16xf32>,
          %add3A_447 = arith.constant 1 : i32
          %add3A_448 = vector.broadcast %add3A_447 : i32 to vector<16xi32>
          %add3A_449 = arith.addi %get3A_445, %add3A_448 : vector<16xi32>
          %gather3A_450 = tpu.vector_load_idx %arg12[%add3A_441, %add3A_449] : memref<4096x8xf32, #tpu.memory_space<vmem>>[vector<16xi32>, vector<16xi32>], vector<16xf32>,
          %add3A_451 = arith.constant 3072 : i32
          %add3A_452 = arith.addi %mul3A_354, %add3A_451 : i32
          %add3A_453 = vector.broadcast %add3A_452 : i32 to vector<16xi32>
          %add3A_454 = arith.addi %iota3A, %add3A_453 : vector<16xi32>
          %get3A_455 = arith.constant 6 : i32
          %get3A_456 = arith.index_cast %get3A_455 : i32 to index
          %get3A_457 = arith.index_cast %mul3A_354 : i32 to index
          %get3A_458 = tpu.vector_load %arg10[%get3A_456, %get3A_457] {strides = array<i32>} : memref<8x512xi32, #tpu.memory_space<vmem>>, vector<16xi32>,
          %gather3A_459 = tpu.vector_load_idx %arg12[%add3A_454, %get3A_458] : memref<4096x8xf32, #tpu.memory_space<vmem>>[vector<16xi32>, vector<16xi32>], vector<16xf32>,
          %add3A_460 = arith.constant 1 : i32
          %add3A_461 = vector.broadcast %add3A_460 : i32 to vector<16xi32>
          %add3A_462 = arith.addi %get3A_458, %add3A_461 : vector<16xi32>
          %gather3A_463 = tpu.vector_load_idx %arg12[%add3A_454, %add3A_462] : memref<4096x8xf32, #tpu.memory_space<vmem>>[vector<16xi32>, vector<16xi32>], vector<16xf32>,
          %add3A_464 = arith.constant 3584 : i32
          %add3A_465 = arith.addi %mul3A_354, %add3A_464 : i32
          %add3A_466 = vector.broadcast %add3A_465 : i32 to vector<16xi32>
          %add3A_467 = arith.addi %iota3A, %add3A_466 : vector<16xi32>
          %get3A_468 = arith.constant 7 : i32
          %get3A_469 = arith.index_cast %get3A_468 : i32 to index
          %get3A_470 = arith.index_cast %mul3A_354 : i32 to index
          %get3A_471 = tpu.vector_load %arg10[%get3A_469, %get3A_470] {strides = array<i32>} : memref<8x512xi32, #tpu.memory_space<vmem>>, vector<16xi32>,
          %gather3A_472 = tpu.vector_load_idx %arg12[%add3A_467, %get3A_471] : memref<4096x8xf32, #tpu.memory_space<vmem>>[vector<16xi32>, vector<16xi32>], vector<16xf32>,
          %add3A_473 = arith.constant 1 : i32
          %add3A_474 = vector.broadcast %add3A_473 : i32 to vector<16xi32>
          %add3A_475 = arith.addi %get3A_471, %add3A_474 : vector<16xi32>
          %gather3A_476 = tpu.vector_load_idx %arg12[%add3A_467, %add3A_475] : memref<4096x8xf32, #tpu.memory_space<vmem>>[vector<16xi32>, vector<16xi32>], vector<16xf32>,
          %mul3A_477 = arith.mulf %gather3A, %get3A_357 : vector<16xf32>
          %mul3A_478 = arith.mulf %gather3A_420, %sub3A_367 : vector<16xf32>
          %add3A_479 = arith.addf %mul3A_477, %mul3A_478 : vector<16xf32>
          %mul3A_480 = arith.mulf %gather3A_394, %get3A_357 : vector<16xf32>
          %mul3A_481 = arith.mulf %gather3A_407, %sub3A_367 : vector<16xf32>
          %add3A_482 = arith.addf %mul3A_480, %mul3A_481 : vector<16xf32>
          %mul3A_483 = arith.mulf %gather3A_446, %get3A_357 : vector<16xf32>
          %mul3A_484 = arith.mulf %gather3A_459, %sub3A_367 : vector<16xf32>
          %add3A_485 = arith.addf %mul3A_483, %mul3A_484 : vector<16xf32>
          %mul3A_486 = arith.mulf %gather3A_433, %get3A_357 : vector<16xf32>
          %mul3A_487 = arith.mulf %gather3A_472, %sub3A_367 : vector<16xf32>
          %add3A_488 = arith.addf %mul3A_486, %mul3A_487 : vector<16xf32>
          %mul3A_489 = arith.mulf %add3A_479, %get3A_361 : vector<16xf32>
          %mul3A_490 = arith.mulf %add3A_482, %sub3A_370 : vector<16xf32>
          %add3A_491 = arith.addf %mul3A_489, %mul3A_490 : vector<16xf32>
          %mul3A_492 = arith.mulf %add3A_488, %get3A_361 : vector<16xf32>
          %mul3A_493 = arith.mulf %add3A_485, %sub3A_370 : vector<16xf32>
          %add3A_494 = arith.addf %mul3A_492, %mul3A_493 : vector<16xf32>
          %mul3A_495 = arith.mulf %add3A_491, %get3A_365 : vector<16xf32>
          %mul3A_496 = arith.mulf %add3A_494, %sub3A_373 : vector<16xf32>
          %add3A_497 = arith.addf %mul3A_495, %mul3A_496 : vector<16xf32>
          %mul3A_498 = arith.constant 2 : i32
          %mul3A_499 = arith.muli %mul3A_498, %mul3A_120 : i32
          %add3A_500 = arith.constant 0 : i32
          %add3A_501 = arith.addi %mul3A_499, %add3A_500 : i32
          %swap3A = arith.index_cast %add3A_501 : i32 to index
          %swap3A_502 = arith.index_cast %mul3A_354 : i32 to index
          %swap3A_503 = tpu.vector_load %arg14[%swap3A, %swap3A_502] {strides = array<i32>} : memref<32x512xf32, #tpu.memory_space<vmem>>, vector<16xf32>,
          tpu.vector_store %arg14[%swap3A, %swap3A_502], %add3A_497 {strides = array<i32>} : memref<32x512xf32, #tpu.memory_space<vmem>>, vector<16xf32>,
          %mul3A_504 = arith.mulf %gather3A_385, %get3A_357 : vector<16xf32>
          %mul3A_505 = arith.mulf %gather3A_424, %sub3A_367 : vector<16xf32>
          %add3A_506 = arith.addf %mul3A_504, %mul3A_505 : vector<16xf32>
          %mul3A_507 = arith.mulf %gather3A_398, %get3A_357 : vector<16xf32>
          %mul3A_508 = arith.mulf %gather3A_411, %sub3A_367 : vector<16xf32>
          %add3A_509 = arith.addf %mul3A_507, %mul3A_508 : vector<16xf32>
          %mul3A_510 = arith.mulf %gather3A_450, %get3A_357 : vector<16xf32>
          %mul3A_511 = arith.mulf %gather3A_463, %sub3A_367 : vector<16xf32>
          %add3A_512 = arith.addf %mul3A_510, %mul3A_511 : vector<16xf32>
          %mul3A_513 = arith.mulf %gather3A_437, %get3A_357 : vector<16xf32>
          %mul3A_514 = arith.mulf %gather3A_476, %sub3A_367 : vector<16xf32>
          %add3A_515 = arith.addf %mul3A_513, %mul3A_514 : vector<16xf32>
          %mul3A_516 = arith.mulf %add3A_506, %get3A_361 : vector<16xf32>
          %mul3A_517 = arith.mulf %add3A_509, %sub3A_370 : vector<16xf32>
          %add3A_518 = arith.addf %mul3A_516, %mul3A_517 : vector<16xf32>
          %mul3A_519 = arith.mulf %add3A_515, %get3A_361 : vector<16xf32>
          %mul3A_520 = arith.mulf %add3A_512, %sub3A_370 : vector<16xf32>
          %add3A_521 = arith.addf %mul3A_519, %mul3A_520 : vector<16xf32>
          %mul3A_522 = arith.mulf %add3A_518, %get3A_365 : vector<16xf32>
          %mul3A_523 = arith.mulf %add3A_521, %sub3A_373 : vector<16xf32>
          %add3A_524 = arith.addf %mul3A_522, %mul3A_523 : vector<16xf32>
          %mul3A_525 = arith.constant 2 : i32
          %mul3A_526 = arith.muli %mul3A_525, %mul3A_120 : i32
          %add3A_527 = arith.constant 1 : i32
          %add3A_528 = arith.addi %mul3A_526, %add3A_527 : i32
          %swap3A_529 = arith.index_cast %add3A_528 : i32 to index
          %swap3A_530 = arith.index_cast %mul3A_354 : i32 to index
          %swap3A_531 = tpu.vector_load %arg14[%swap3A_529, %swap3A_530] {strides = array<i32>} : memref<32x512xf32, #tpu.memory_space<vmem>>, vector<16xf32>,
          tpu.vector_store %arg14[%swap3A_529, %swap3A_530], %add3A_524 {strides = array<i32>} : memref<32x512xf32, #tpu.memory_space<vmem>>, vector<16xf32>,
        }
        %scan3A_234 = arith.constant 32 : i32
        %add3A_235 = arith.constant 2 : i32
        %add3A_236 = arith.addi %mul3A_120, %add3A_235 : i32
        %and3A = arith.constant 15 : i32
        %and3A_237 = arith.andi %add3A_236, %and3A : i32
        %broadcast_in_dim3A_238 = vector.broadcast %and3A_237 : i32 to vector<16xi32>
        %broadcast_in_dim3A_239 = arith.constant 1.600000e+01 : f32
        %broadcast_in_dim3A_240 = vector.broadcast %broadcast_in_dim3A_239 : f32 to vector<16xf32>
        %eq3A_241 = arith.constant 1 : i32
        %eq3A_242 = vector.broadcast %eq3A_241 : i32 to vector<16xi32>
        %eq3A_243 = arith.cmpi eq, %broadcast_in_dim3A_238, %eq3A_242 : vector<16xi32>
        %jit3A_244 = arith.constant 2.100000e+01 : f32
        %broadcast_in_dim3A_245 = vector.broadcast %jit3A_244 : f32 to vector<16xf32>
        %select_n3A_246 = arith.select %eq3A_243, %broadcast_in_dim3A_245, %broadcast_in_dim3A_240 : vector<16xi1>, vector<16xf32>
        %eq3A_247 = arith.constant 2 : i32
        %eq3A_248 = vector.broadcast %eq3A_247 : i32 to vector<16xi32>
        %eq3A_249 = arith.cmpi eq, %broadcast_in_dim3A_238, %eq3A_248 : vector<16xi32>
        %jit3A_250 = arith.constant 2.700000e+01 : f32
        %broadcast_in_dim3A_251 = vector.broadcast %jit3A_250 : f32 to vector<16xf32>
        %select_n3A_252 = arith.select %eq3A_249, %broadcast_in_dim3A_251, %select_n3A_246 : vector<16xi1>, vector<16xf32>
        %eq3A_253 = arith.constant 3 : i32
        %eq3A_254 = vector.broadcast %eq3A_253 : i32 to vector<16xi32>
        %eq3A_255 = arith.cmpi eq, %broadcast_in_dim3A_238, %eq3A_254 : vector<16xi32>
        %jit3A_256 = arith.constant 3.600000e+01 : f32
        %broadcast_in_dim3A_257 = vector.broadcast %jit3A_256 : f32 to vector<16xf32>
        %select_n3A_258 = arith.select %eq3A_255, %broadcast_in_dim3A_257, %select_n3A_252 : vector<16xi1>, vector<16xf32>
        %eq3A_259 = arith.constant 4 : i32
        %eq3A_260 = vector.broadcast %eq3A_259 : i32 to vector<16xi32>
        %eq3A_261 = arith.cmpi eq, %broadcast_in_dim3A_238, %eq3A_260 : vector<16xi32>
        %jit3A_262 = arith.constant 4.800000e+01 : f32
        %broadcast_in_dim3A_263 = vector.broadcast %jit3A_262 : f32 to vector<16xf32>
        %select_n3A_264 = arith.select %eq3A_261, %broadcast_in_dim3A_263, %select_n3A_258 : vector<16xi1>, vector<16xf32>
        %eq3A_265 = arith.constant 5 : i32
        %eq3A_266 = vector.broadcast %eq3A_265 : i32 to vector<16xi32>
        %eq3A_267 = arith.cmpi eq, %broadcast_in_dim3A_238, %eq3A_266 : vector<16xi32>
        %jit3A_268 = arith.constant 6.300000e+01 : f32
        %broadcast_in_dim3A_269 = vector.broadcast %jit3A_268 : f32 to vector<16xf32>
        %select_n3A_270 = arith.select %eq3A_267, %broadcast_in_dim3A_269, %select_n3A_264 : vector<16xi1>, vector<16xf32>
        %eq3A_271 = arith.constant 6 : i32
        %eq3A_272 = vector.broadcast %eq3A_271 : i32 to vector<16xi32>
        %eq3A_273 = arith.cmpi eq, %broadcast_in_dim3A_238, %eq3A_272 : vector<16xi32>
        %jit3A_274 = arith.constant 8.400000e+01 : f32
        %broadcast_in_dim3A_275 = vector.broadcast %jit3A_274 : f32 to vector<16xf32>
        %select_n3A_276 = arith.select %eq3A_273, %broadcast_in_dim3A_275, %select_n3A_270 : vector<16xi1>, vector<16xf32>
        %eq3A_277 = arith.constant 7 : i32
        %eq3A_278 = vector.broadcast %eq3A_277 : i32 to vector<16xi32>
        %eq3A_279 = arith.cmpi eq, %broadcast_in_dim3A_238, %eq3A_278 : vector<16xi32>
        %jit3A_280 = arith.constant 1.110000e+02 : f32
        %broadcast_in_dim3A_281 = vector.broadcast %jit3A_280 : f32 to vector<16xf32>
        %select_n3A_282 = arith.select %eq3A_279, %broadcast_in_dim3A_281, %select_n3A_276 : vector<16xi1>, vector<16xf32>
        %eq3A_283 = arith.constant 8 : i32
        %eq3A_284 = vector.broadcast %eq3A_283 : i32 to vector<16xi32>
        %eq3A_285 = arith.cmpi eq, %broadcast_in_dim3A_238, %eq3A_284 : vector<16xi32>
        %jit3A_286 = arith.constant 1.470000e+02 : f32
        %broadcast_in_dim3A_287 = vector.broadcast %jit3A_286 : f32 to vector<16xf32>
        %select_n3A_288 = arith.select %eq3A_285, %broadcast_in_dim3A_287, %select_n3A_282 : vector<16xi1>, vector<16xf32>
        %eq3A_289 = arith.constant 9 : i32
        %eq3A_290 = vector.broadcast %eq3A_289 : i32 to vector<16xi32>
        %eq3A_291 = arith.cmpi eq, %broadcast_in_dim3A_238, %eq3A_290 : vector<16xi32>
        %jit3A_292 = arith.constant 1.940000e+02 : f32
        %broadcast_in_dim3A_293 = vector.broadcast %jit3A_292 : f32 to vector<16xf32>
        %select_n3A_294 = arith.select %eq3A_291, %broadcast_in_dim3A_293, %select_n3A_288 : vector<16xi1>, vector<16xf32>
        %eq3A_295 = arith.constant 10 : i32
        %eq3A_296 = vector.broadcast %eq3A_295 : i32 to vector<16xi32>
        %eq3A_297 = arith.cmpi eq, %broadcast_in_dim3A_238, %eq3A_296 : vector<16xi32>
        %jit3A_298 = arith.constant 2.550000e+02 : f32
        %broadcast_in_dim3A_299 = vector.broadcast %jit3A_298 : f32 to vector<16xf32>
        %select_n3A_300 = arith.select %eq3A_297, %broadcast_in_dim3A_299, %select_n3A_294 : vector<16xi1>, vector<16xf32>
        %eq3A_301 = arith.constant 11 : i32
        %eq3A_302 = vector.broadcast %eq3A_301 : i32 to vector<16xi32>
        %eq3A_303 = arith.cmpi eq, %broadcast_in_dim3A_238, %eq3A_302 : vector<16xi32>
        %jit3A_304 = arith.constant 3.370000e+02 : f32
        %broadcast_in_dim3A_305 = vector.broadcast %jit3A_304 : f32 to vector<16xf32>
        %select_n3A_306 = arith.select %eq3A_303, %broadcast_in_dim3A_305, %select_n3A_300 : vector<16xi1>, vector<16xf32>
        %eq3A_307 = arith.constant 12 : i32
        %eq3A_308 = vector.broadcast %eq3A_307 : i32 to vector<16xi32>
        %eq3A_309 = arith.cmpi eq, %broadcast_in_dim3A_238, %eq3A_308 : vector<16xi32>
        %jit3A_310 = arith.constant 4.450000e+02 : f32
        %broadcast_in_dim3A_311 = vector.broadcast %jit3A_310 : f32 to vector<16xf32>
        %select_n3A_312 = arith.select %eq3A_309, %broadcast_in_dim3A_311, %select_n3A_306 : vector<16xi1>, vector<16xf32>
        %eq3A_313 = arith.constant 13 : i32
        %eq3A_314 = vector.broadcast %eq3A_313 : i32 to vector<16xi32>
        %eq3A_315 = arith.cmpi eq, %broadcast_in_dim3A_238, %eq3A_314 : vector<16xi32>
        %jit3A_316 = arith.constant 5.880000e+02 : f32
        %broadcast_in_dim3A_317 = vector.broadcast %jit3A_316 : f32 to vector<16xf32>
        %select_n3A_318 = arith.select %eq3A_315, %broadcast_in_dim3A_317, %select_n3A_312 : vector<16xi1>, vector<16xf32>
        %eq3A_319 = arith.constant 14 : i32
        %eq3A_320 = vector.broadcast %eq3A_319 : i32 to vector<16xi32>
        %eq3A_321 = arith.cmpi eq, %broadcast_in_dim3A_238, %eq3A_320 : vector<16xi32>
        %jit3A_322 = arith.constant 7.760000e+02 : f32
        %broadcast_in_dim3A_323 = vector.broadcast %jit3A_322 : f32 to vector<16xf32>
        %select_n3A_324 = arith.select %eq3A_321, %broadcast_in_dim3A_323, %select_n3A_318 : vector<16xi1>, vector<16xf32>
        %eq3A_325 = arith.constant 15 : i32
        %eq3A_326 = vector.broadcast %eq3A_325 : i32 to vector<16xi32>
        %eq3A_327 = arith.cmpi eq, %broadcast_in_dim3A_238, %eq3A_326 : vector<16xi32>
        %jit3A_328 = arith.constant 1.023000e+03 : f32
        %broadcast_in_dim3A_329 = vector.broadcast %jit3A_328 : f32 to vector<16xf32>
        %select_n3A_330 = arith.select %eq3A_327, %broadcast_in_dim3A_329, %select_n3A_324 : vector<16xi1>, vector<16xf32>
        %mul3A_331 = arith.constant 131072 : i32
        %mul3A_332 = vector.broadcast %mul3A_331 : i32 to vector<16xi32>
        %mul3A_333 = arith.muli %broadcast_in_dim3A_238, %mul3A_332 : vector<16xi32>
        %scan3A_334 = arith.constant 0 : i32
        %scan3A_335 = arith.constant 32 : i32
        %scan3A_336 = arith.addi %scan3A_334, %scan3A_335 : i32
        %scan3A_337 = arith.constant 1 : i32
        scf.for %scan3A_352 = %scan3A_334 to %scan3A_336 step %scan3A_337  : i32 {
          %mul3A_353 = arith.constant 16 : i32
          %mul3A_354 = arith.muli %scan3A_352, %mul3A_353 : i32
          %get3A = arith.constant 0 : i32
          %get3A_355 = arith.index_cast %get3A : i32 to index
          %get3A_356 = arith.index_cast %mul3A_354 : i32 to index
          %get3A_357 = tpu.vector_load %arg5[%get3A_355, %get3A_356] {strides = array<i32>} : memref<3x512xf32, #tpu.memory_space<vmem>>, vector<16xf32>,
          %add3A_358 = arith.constant 1.000000e+00 : f32
          %add3A_359 = vector.broadcast %add3A_358 : f32 to vector<16xf32>
          %add3A_360 = arith.addf %get3A_357, %add3A_359 : vector<16xf32>
          %mul3A_361 = arith.constant 5.000000e-01 : f32
          %mul3A_362 = vector.broadcast %mul3A_361 : f32 to vector<16xf32>
          %mul3A_363 = arith.mulf %add3A_360, %mul3A_362 : vector<16xf32>
          %mul3A_364 = arith.mulf %mul3A_363, %select_n3A_330 : vector<16xf32>
          %convert_element_type3A = arith.fptosi %mul3A_364 : vector<16xf32> to vector<16xi32>
          %convert_element_type3A_365 = arith.sitofp %convert_element_type3A : vector<16xi32> to vector<16xf32>
          %sub3A = arith.subf %mul3A_364, %convert_element_type3A_365 : vector<16xf32>
          %gt3A = arith.cmpf ogt, %mul3A_364, %convert_element_type3A_365 : vector<16xf32>
          %add3A_366 = arith.constant 1 : i32
          %add3A_367 = vector.broadcast %add3A_366 : i32 to vector<16xi32>
          %add3A_368 = arith.addi %convert_element_type3A, %add3A_367 : vector<16xi32>
          %select_n3A_369 = arith.select %gt3A, %add3A_368, %convert_element_type3A : vector<16xi1>, vector<16xi32>
          %get3A_370 = arith.constant 1 : i32
          %get3A_371 = arith.index_cast %get3A_370 : i32 to index
          %get3A_372 = arith.index_cast %mul3A_354 : i32 to index
          %get3A_373 = tpu.vector_load %arg5[%get3A_371, %get3A_372] {strides = array<i32>} : memref<3x512xf32, #tpu.memory_space<vmem>>, vector<16xf32>,
          %add3A_374 = arith.constant 1.000000e+00 : f32
          %add3A_375 = vector.broadcast %add3A_374 : f32 to vector<16xf32>
          %add3A_376 = arith.addf %get3A_373, %add3A_375 : vector<16xf32>
          %mul3A_377 = arith.constant 5.000000e-01 : f32
          %mul3A_378 = vector.broadcast %mul3A_377 : f32 to vector<16xf32>
          %mul3A_379 = arith.mulf %add3A_376, %mul3A_378 : vector<16xf32>
          %mul3A_380 = arith.mulf %mul3A_379, %select_n3A_330 : vector<16xf32>
          %convert_element_type3A_381 = arith.fptosi %mul3A_380 : vector<16xf32> to vector<16xi32>
          %convert_element_type3A_382 = arith.sitofp %convert_element_type3A_381 : vector<16xi32> to vector<16xf32>
          %sub3A_383 = arith.subf %mul3A_380, %convert_element_type3A_382 : vector<16xf32>
          %gt3A_384 = arith.cmpf ogt, %mul3A_380, %convert_element_type3A_382 : vector<16xf32>
          %add3A_385 = arith.constant 1 : i32
          %add3A_386 = vector.broadcast %add3A_385 : i32 to vector<16xi32>
          %add3A_387 = arith.addi %convert_element_type3A_381, %add3A_386 : vector<16xi32>
          %select_n3A_388 = arith.select %gt3A_384, %add3A_387, %convert_element_type3A_381 : vector<16xi1>, vector<16xi32>
          %get3A_389 = arith.constant 2 : i32
          %get3A_390 = arith.index_cast %get3A_389 : i32 to index
          %get3A_391 = arith.index_cast %mul3A_354 : i32 to index
          %get3A_392 = tpu.vector_load %arg5[%get3A_390, %get3A_391] {strides = array<i32>} : memref<3x512xf32, #tpu.memory_space<vmem>>, vector<16xf32>,
          %add3A_393 = arith.constant 1.000000e+00 : f32
          %add3A_394 = vector.broadcast %add3A_393 : f32 to vector<16xf32>
          %add3A_395 = arith.addf %get3A_392, %add3A_394 : vector<16xf32>
          %mul3A_396 = arith.constant 5.000000e-01 : f32
          %mul3A_397 = vector.broadcast %mul3A_396 : f32 to vector<16xf32>
          %mul3A_398 = arith.mulf %add3A_395, %mul3A_397 : vector<16xf32>
          %mul3A_399 = arith.mulf %mul3A_398, %select_n3A_330 : vector<16xf32>
          %convert_element_type3A_400 = arith.fptosi %mul3A_399 : vector<16xf32> to vector<16xi32>
          %convert_element_type3A_401 = arith.sitofp %convert_element_type3A_400 : vector<16xi32> to vector<16xf32>
          %sub3A_402 = arith.subf %mul3A_399, %convert_element_type3A_401 : vector<16xf32>
          %gt3A_403 = arith.cmpf ogt, %mul3A_399, %convert_element_type3A_401 : vector<16xf32>
          %add3A_404 = arith.constant 1 : i32
          %add3A_405 = vector.broadcast %add3A_404 : i32 to vector<16xi32>
          %add3A_406 = arith.addi %convert_element_type3A_400, %add3A_405 : vector<16xi32>
          %select_n3A_407 = arith.select %gt3A_403, %add3A_406, %convert_element_type3A_400 : vector<16xi1>, vector<16xi32>
          %swap3A = arith.constant 0 : i32
          %swap3A_408 = arith.index_cast %swap3A : i32 to index
          %swap3A_409 = arith.index_cast %mul3A_354 : i32 to index
          %swap3A_410 = tpu.vector_load %arg6[%swap3A_408, %swap3A_409] {strides = array<i32>} : memref<3x512xf32, #tpu.memory_space<vmem>>, vector<16xf32>,
          tpu.vector_store %arg6[%swap3A_408, %swap3A_409], %sub3A {strides = array<i32>} : memref<3x512xf32, #tpu.memory_space<vmem>>, vector<16xf32>,
          %swap3A_411 = arith.constant 1 : i32
          %swap3A_412 = arith.index_cast %swap3A_411 : i32 to index
          %swap3A_413 = arith.index_cast %mul3A_354 : i32 to index
          %swap3A_414 = tpu.vector_load %arg6[%swap3A_412, %swap3A_413] {strides = array<i32>} : memref<3x512xf32, #tpu.memory_space<vmem>>, vector<16xf32>,
          tpu.vector_store %arg6[%swap3A_412, %swap3A_413], %sub3A_383 {strides = array<i32>} : memref<3x512xf32, #tpu.memory_space<vmem>>, vector<16xf32>,
          %swap3A_415 = arith.constant 2 : i32
          %swap3A_416 = arith.index_cast %swap3A_415 : i32 to index
          %swap3A_417 = arith.index_cast %mul3A_354 : i32 to index
          %swap3A_418 = tpu.vector_load %arg6[%swap3A_416, %swap3A_417] {strides = array<i32>} : memref<3x512xf32, #tpu.memory_space<vmem>>, vector<16xf32>,
          tpu.vector_store %arg6[%swap3A_416, %swap3A_417], %sub3A_402 {strides = array<i32>} : memref<3x512xf32, #tpu.memory_space<vmem>>, vector<16xf32>,
          %mul3A_419 = arith.constant -1640531535 : i32
          %mul3A_420 = vector.broadcast %mul3A_419 : i32 to vector<16xi32>
          %mul3A_421 = arith.muli %convert_element_type3A_381, %mul3A_420 : vector<16xi32>
          %mul3A_422 = arith.constant -1640531535 : i32
          %mul3A_423 = vector.broadcast %mul3A_422 : i32 to vector<16xi32>
          %mul3A_424 = arith.muli %select_n3A_388, %mul3A_423 : vector<16xi32>
          %mul3A_425 = arith.constant 805459861 : i32
          %mul3A_426 = vector.broadcast %mul3A_425 : i32 to vector<16xi32>
          %mul3A_427 = arith.muli %convert_element_type3A_400, %mul3A_426 : vector<16xi32>
          %mul3A_428 = arith.constant 805459861 : i32
          %mul3A_429 = vector.broadcast %mul3A_428 : i32 to vector<16xi32>
          %mul3A_430 = arith.muli %select_n3A_407, %mul3A_429 : vector<16xi32>
          %xor3A = arith.xori %convert_element_type3A, %mul3A_421 : vector<16xi32>
          %xor3A_431 = arith.xori %xor3A, %mul3A_427 : vector<16xi32>
          %xor3A_432 = arith.xori %select_n3A_369, %mul3A_421 : vector<16xi32>
          %xor3A_433 = arith.xori %xor3A_432, %mul3A_427 : vector<16xi32>
          %xor3A_434 = arith.xori %convert_element_type3A, %mul3A_424 : vector<16xi32>
          %xor3A_435 = arith.xori %xor3A_434, %mul3A_427 : vector<16xi32>
          %xor3A_436 = arith.xori %select_n3A_369, %mul3A_424 : vector<16xi32>
          %xor3A_437 = arith.xori %xor3A_436, %mul3A_427 : vector<16xi32>
          %xor3A_438 = arith.xori %convert_element_type3A, %mul3A_421 : vector<16xi32>
          %xor3A_439 = arith.xori %xor3A_438, %mul3A_430 : vector<16xi32>
          %xor3A_440 = arith.xori %select_n3A_369, %mul3A_421 : vector<16xi32>
          %xor3A_441 = arith.xori %xor3A_440, %mul3A_430 : vector<16xi32>
          %xor3A_442 = arith.xori %select_n3A_369, %mul3A_424 : vector<16xi32>
          %xor3A_443 = arith.xori %xor3A_442, %mul3A_430 : vector<16xi32>
          %xor3A_444 = arith.xori %convert_element_type3A, %mul3A_424 : vector<16xi32>
          %xor3A_445 = arith.xori %xor3A_444, %mul3A_430 : vector<16xi32>
          %and3A_446 = arith.constant 524287 : i32
          %and3A_447 = vector.broadcast %and3A_446 : i32 to vector<16xi32>
          %and3A_448 = arith.andi %xor3A_431, %and3A_447 : vector<16xi32>
          %shift_right_arithmetic3A = arith.constant 2 : i32
          %shift_right_arithmetic3A_449 = vector.broadcast %shift_right_arithmetic3A : i32 to vector<16xi32>
          %shift_right_arithmetic3A_450 = arith.shrsi %and3A_448, %shift_right_arithmetic3A_449 : vector<16xi32>
          %add3A_451 = arith.addi %shift_right_arithmetic3A_450, %mul3A_333 : vector<16xi32>
          %add3A_452 = arith.constant 0 : i32
          %add3A_453 = arith.addi %add3A_452, %mul3A_354 : i32
          %swap3A_454 = arith.index_cast %add3A_453 : i32 to index
          %swap3A_455 = tpu.vector_load %arg8[%swap3A_454] {strides = array<i32>} : memref<4096xi32, #tpu.memory_space<vmem>>, vector<16xi32>,
          tpu.vector_store %arg8[%swap3A_454], %add3A_451 {strides = array<i32>} : memref<4096xi32, #tpu.memory_space<vmem>>, vector<16xi32>,
          %and3A_456 = arith.constant 3 : i32
          %and3A_457 = vector.broadcast %and3A_456 : i32 to vector<16xi32>
          %and3A_458 = arith.andi %and3A_448, %and3A_457 : vector<16xi32>
          %mul3A_459 = arith.constant 2 : i32
          %mul3A_460 = vector.broadcast %mul3A_459 : i32 to vector<16xi32>
          %mul3A_461 = arith.muli %and3A_458, %mul3A_460 : vector<16xi32>
          %swap3A_462 = arith.constant 0 : i32
          %swap3A_463 = arith.index_cast %swap3A_462 : i32 to index
          %swap3A_464 = arith.index_cast %mul3A_354 : i32 to index
          %swap3A_465 = tpu.vector_load %arg10[%swap3A_463, %swap3A_464] {strides = array<i32>} : memref<8x512xi32, #tpu.memory_space<vmem>>, vector<16xi32>,
          tpu.vector_store %arg10[%swap3A_463, %swap3A_464], %mul3A_461 {strides = array<i32>} : memref<8x512xi32, #tpu.memory_space<vmem>>, vector<16xi32>,
          %and3A_466 = arith.constant 524287 : i32
          %and3A_467 = vector.broadcast %and3A_466 : i32 to vector<16xi32>
          %and3A_468 = arith.andi %xor3A_433, %and3A_467 : vector<16xi32>
          %shift_right_arithmetic3A_469 = arith.constant 2 : i32
          %shift_right_arithmetic3A_470 = vector.broadcast %shift_right_arithmetic3A_469 : i32 to vector<16xi32>
          %shift_right_arithmetic3A_471 = arith.shrsi %and3A_468, %shift_right_arithmetic3A_470 : vector<16xi32>
          %add3A_472 = arith.addi %shift_right_arithmetic3A_471, %mul3A_333 : vector<16xi32>
          %add3A_473 = arith.constant 512 : i32
          %add3A_474 = arith.addi %add3A_473, %mul3A_354 : i32
          %swap3A_475 = arith.index_cast %add3A_474 : i32 to index
          %swap3A_476 = tpu.vector_load %arg8[%swap3A_475] {strides = array<i32>} : memref<4096xi32, #tpu.memory_space<vmem>>, vector<16xi32>,
          tpu.vector_store %arg8[%swap3A_475], %add3A_472 {strides = array<i32>} : memref<4096xi32, #tpu.memory_space<vmem>>, vector<16xi32>,
          %and3A_477 = arith.constant 3 : i32
          %and3A_478 = vector.broadcast %and3A_477 : i32 to vector<16xi32>
          %and3A_479 = arith.andi %and3A_468, %and3A_478 : vector<16xi32>
          %mul3A_480 = arith.constant 2 : i32
          %mul3A_481 = vector.broadcast %mul3A_480 : i32 to vector<16xi32>
          %mul3A_482 = arith.muli %and3A_479, %mul3A_481 : vector<16xi32>
          %swap3A_483 = arith.constant 1 : i32
          %swap3A_484 = arith.index_cast %swap3A_483 : i32 to index
          %swap3A_485 = arith.index_cast %mul3A_354 : i32 to index
          %swap3A_486 = tpu.vector_load %arg10[%swap3A_484, %swap3A_485] {strides = array<i32>} : memref<8x512xi32, #tpu.memory_space<vmem>>, vector<16xi32>,
          tpu.vector_store %arg10[%swap3A_484, %swap3A_485], %mul3A_482 {strides = array<i32>} : memref<8x512xi32, #tpu.memory_space<vmem>>, vector<16xi32>,
          %and3A_487 = arith.constant 524287 : i32
          %and3A_488 = vector.broadcast %and3A_487 : i32 to vector<16xi32>
          %and3A_489 = arith.andi %xor3A_435, %and3A_488 : vector<16xi32>
          %shift_right_arithmetic3A_490 = arith.constant 2 : i32
          %shift_right_arithmetic3A_491 = vector.broadcast %shift_right_arithmetic3A_490 : i32 to vector<16xi32>
          %shift_right_arithmetic3A_492 = arith.shrsi %and3A_489, %shift_right_arithmetic3A_491 : vector<16xi32>
          %add3A_493 = arith.addi %shift_right_arithmetic3A_492, %mul3A_333 : vector<16xi32>
          %add3A_494 = arith.constant 1024 : i32
          %add3A_495 = arith.addi %add3A_494, %mul3A_354 : i32
          %swap3A_496 = arith.index_cast %add3A_495 : i32 to index
          %swap3A_497 = tpu.vector_load %arg8[%swap3A_496] {strides = array<i32>} : memref<4096xi32, #tpu.memory_space<vmem>>, vector<16xi32>,
          tpu.vector_store %arg8[%swap3A_496], %add3A_493 {strides = array<i32>} : memref<4096xi32, #tpu.memory_space<vmem>>, vector<16xi32>,
          %and3A_498 = arith.constant 3 : i32
          %and3A_499 = vector.broadcast %and3A_498 : i32 to vector<16xi32>
          %and3A_500 = arith.andi %and3A_489, %and3A_499 : vector<16xi32>
          %mul3A_501 = arith.constant 2 : i32
          %mul3A_502 = vector.broadcast %mul3A_501 : i32 to vector<16xi32>
          %mul3A_503 = arith.muli %and3A_500, %mul3A_502 : vector<16xi32>
          %swap3A_504 = arith.constant 2 : i32
          %swap3A_505 = arith.index_cast %swap3A_504 : i32 to index
          %swap3A_506 = arith.index_cast %mul3A_354 : i32 to index
          %swap3A_507 = tpu.vector_load %arg10[%swap3A_505, %swap3A_506] {strides = array<i32>} : memref<8x512xi32, #tpu.memory_space<vmem>>, vector<16xi32>,
          tpu.vector_store %arg10[%swap3A_505, %swap3A_506], %mul3A_503 {strides = array<i32>} : memref<8x512xi32, #tpu.memory_space<vmem>>, vector<16xi32>,
          %and3A_508 = arith.constant 524287 : i32
          %and3A_509 = vector.broadcast %and3A_508 : i32 to vector<16xi32>
          %and3A_510 = arith.andi %xor3A_437, %and3A_509 : vector<16xi32>
          %shift_right_arithmetic3A_511 = arith.constant 2 : i32
          %shift_right_arithmetic3A_512 = vector.broadcast %shift_right_arithmetic3A_511 : i32 to vector<16xi32>
          %shift_right_arithmetic3A_513 = arith.shrsi %and3A_510, %shift_right_arithmetic3A_512 : vector<16xi32>
          %add3A_514 = arith.addi %shift_right_arithmetic3A_513, %mul3A_333 : vector<16xi32>
          %add3A_515 = arith.constant 1536 : i32
          %add3A_516 = arith.addi %add3A_515, %mul3A_354 : i32
          %swap3A_517 = arith.index_cast %add3A_516 : i32 to index
          %swap3A_518 = tpu.vector_load %arg8[%swap3A_517] {strides = array<i32>} : memref<4096xi32, #tpu.memory_space<vmem>>, vector<16xi32>,
          tpu.vector_store %arg8[%swap3A_517], %add3A_514 {strides = array<i32>} : memref<4096xi32, #tpu.memory_space<vmem>>, vector<16xi32>,
          %and3A_519 = arith.constant 3 : i32
          %and3A_520 = vector.broadcast %and3A_519 : i32 to vector<16xi32>
          %and3A_521 = arith.andi %and3A_510, %and3A_520 : vector<16xi32>
          %mul3A_522 = arith.constant 2 : i32
          %mul3A_523 = vector.broadcast %mul3A_522 : i32 to vector<16xi32>
          %mul3A_524 = arith.muli %and3A_521, %mul3A_523 : vector<16xi32>
          %swap3A_525 = arith.constant 3 : i32
          %swap3A_526 = arith.index_cast %swap3A_525 : i32 to index
          %swap3A_527 = arith.index_cast %mul3A_354 : i32 to index
          %swap3A_528 = tpu.vector_load %arg10[%swap3A_526, %swap3A_527] {strides = array<i32>} : memref<8x512xi32, #tpu.memory_space<vmem>>, vector<16xi32>,
          tpu.vector_store %arg10[%swap3A_526, %swap3A_527], %mul3A_524 {strides = array<i32>} : memref<8x512xi32, #tpu.memory_space<vmem>>, vector<16xi32>,
          %and3A_529 = arith.constant 524287 : i32
          %and3A_530 = vector.broadcast %and3A_529 : i32 to vector<16xi32>
          %and3A_531 = arith.andi %xor3A_439, %and3A_530 : vector<16xi32>
          %shift_right_arithmetic3A_532 = arith.constant 2 : i32
          %shift_right_arithmetic3A_533 = vector.broadcast %shift_right_arithmetic3A_532 : i32 to vector<16xi32>
          %shift_right_arithmetic3A_534 = arith.shrsi %and3A_531, %shift_right_arithmetic3A_533 : vector<16xi32>
          %add3A_535 = arith.addi %shift_right_arithmetic3A_534, %mul3A_333 : vector<16xi32>
          %add3A_536 = arith.constant 2048 : i32
          %add3A_537 = arith.addi %add3A_536, %mul3A_354 : i32
          %swap3A_538 = arith.index_cast %add3A_537 : i32 to index
          %swap3A_539 = tpu.vector_load %arg8[%swap3A_538] {strides = array<i32>} : memref<4096xi32, #tpu.memory_space<vmem>>, vector<16xi32>,
          tpu.vector_store %arg8[%swap3A_538], %add3A_535 {strides = array<i32>} : memref<4096xi32, #tpu.memory_space<vmem>>, vector<16xi32>,
          %and3A_540 = arith.constant 3 : i32
          %and3A_541 = vector.broadcast %and3A_540 : i32 to vector<16xi32>
          %and3A_542 = arith.andi %and3A_531, %and3A_541 : vector<16xi32>
          %mul3A_543 = arith.constant 2 : i32
          %mul3A_544 = vector.broadcast %mul3A_543 : i32 to vector<16xi32>
          %mul3A_545 = arith.muli %and3A_542, %mul3A_544 : vector<16xi32>
          %swap3A_546 = arith.constant 4 : i32
          %swap3A_547 = arith.index_cast %swap3A_546 : i32 to index
          %swap3A_548 = arith.index_cast %mul3A_354 : i32 to index
          %swap3A_549 = tpu.vector_load %arg10[%swap3A_547, %swap3A_548] {strides = array<i32>} : memref<8x512xi32, #tpu.memory_space<vmem>>, vector<16xi32>,
          tpu.vector_store %arg10[%swap3A_547, %swap3A_548], %mul3A_545 {strides = array<i32>} : memref<8x512xi32, #tpu.memory_space<vmem>>, vector<16xi32>,
          %and3A_550 = arith.constant 524287 : i32
          %and3A_551 = vector.broadcast %and3A_550 : i32 to vector<16xi32>
          %and3A_552 = arith.andi %xor3A_441, %and3A_551 : vector<16xi32>
          %shift_right_arithmetic3A_553 = arith.constant 2 : i32
          %shift_right_arithmetic3A_554 = vector.broadcast %shift_right_arithmetic3A_553 : i32 to vector<16xi32>
          %shift_right_arithmetic3A_555 = arith.shrsi %and3A_552, %shift_right_arithmetic3A_554 : vector<16xi32>
          %add3A_556 = arith.addi %shift_right_arithmetic3A_555, %mul3A_333 : vector<16xi32>
          %add3A_557 = arith.constant 2560 : i32
          %add3A_558 = arith.addi %add3A_557, %mul3A_354 : i32
          %swap3A_559 = arith.index_cast %add3A_558 : i32 to index
          %swap3A_560 = tpu.vector_load %arg8[%swap3A_559] {strides = array<i32>} : memref<4096xi32, #tpu.memory_space<vmem>>, vector<16xi32>,
          tpu.vector_store %arg8[%swap3A_559], %add3A_556 {strides = array<i32>} : memref<4096xi32, #tpu.memory_space<vmem>>, vector<16xi32>,
          %and3A_561 = arith.constant 3 : i32
          %and3A_562 = vector.broadcast %and3A_561 : i32 to vector<16xi32>
          %and3A_563 = arith.andi %and3A_552, %and3A_562 : vector<16xi32>
          %mul3A_564 = arith.constant 2 : i32
          %mul3A_565 = vector.broadcast %mul3A_564 : i32 to vector<16xi32>
          %mul3A_566 = arith.muli %and3A_563, %mul3A_565 : vector<16xi32>
          %swap3A_567 = arith.constant 5 : i32
          %swap3A_568 = arith.index_cast %swap3A_567 : i32 to index
          %swap3A_569 = arith.index_cast %mul3A_354 : i32 to index
          %swap3A_570 = tpu.vector_load %arg10[%swap3A_568, %swap3A_569] {strides = array<i32>} : memref<8x512xi32, #tpu.memory_space<vmem>>, vector<16xi32>,
          tpu.vector_store %arg10[%swap3A_568, %swap3A_569], %mul3A_566 {strides = array<i32>} : memref<8x512xi32, #tpu.memory_space<vmem>>, vector<16xi32>,
          %and3A_571 = arith.constant 524287 : i32
          %and3A_572 = vector.broadcast %and3A_571 : i32 to vector<16xi32>
          %and3A_573 = arith.andi %xor3A_443, %and3A_572 : vector<16xi32>
          %shift_right_arithmetic3A_574 = arith.constant 2 : i32
          %shift_right_arithmetic3A_575 = vector.broadcast %shift_right_arithmetic3A_574 : i32 to vector<16xi32>
          %shift_right_arithmetic3A_576 = arith.shrsi %and3A_573, %shift_right_arithmetic3A_575 : vector<16xi32>
          %add3A_577 = arith.addi %shift_right_arithmetic3A_576, %mul3A_333 : vector<16xi32>
          %add3A_578 = arith.constant 3072 : i32
          %add3A_579 = arith.addi %add3A_578, %mul3A_354 : i32
          %swap3A_580 = arith.index_cast %add3A_579 : i32 to index
          %swap3A_581 = tpu.vector_load %arg8[%swap3A_580] {strides = array<i32>} : memref<4096xi32, #tpu.memory_space<vmem>>, vector<16xi32>,
          tpu.vector_store %arg8[%swap3A_580], %add3A_577 {strides = array<i32>} : memref<4096xi32, #tpu.memory_space<vmem>>, vector<16xi32>,
          %and3A_582 = arith.constant 3 : i32
          %and3A_583 = vector.broadcast %and3A_582 : i32 to vector<16xi32>
          %and3A_584 = arith.andi %and3A_573, %and3A_583 : vector<16xi32>
          %mul3A_585 = arith.constant 2 : i32
          %mul3A_586 = vector.broadcast %mul3A_585 : i32 to vector<16xi32>
          %mul3A_587 = arith.muli %and3A_584, %mul3A_586 : vector<16xi32>
          %swap3A_588 = arith.constant 6 : i32
          %swap3A_589 = arith.index_cast %swap3A_588 : i32 to index
          %swap3A_590 = arith.index_cast %mul3A_354 : i32 to index
          %swap3A_591 = tpu.vector_load %arg10[%swap3A_589, %swap3A_590] {strides = array<i32>} : memref<8x512xi32, #tpu.memory_space<vmem>>, vector<16xi32>,
          tpu.vector_store %arg10[%swap3A_589, %swap3A_590], %mul3A_587 {strides = array<i32>} : memref<8x512xi32, #tpu.memory_space<vmem>>, vector<16xi32>,
          %and3A_592 = arith.constant 524287 : i32
          %and3A_593 = vector.broadcast %and3A_592 : i32 to vector<16xi32>
          %and3A_594 = arith.andi %xor3A_445, %and3A_593 : vector<16xi32>
          %shift_right_arithmetic3A_595 = arith.constant 2 : i32
          %shift_right_arithmetic3A_596 = vector.broadcast %shift_right_arithmetic3A_595 : i32 to vector<16xi32>
          %shift_right_arithmetic3A_597 = arith.shrsi %and3A_594, %shift_right_arithmetic3A_596 : vector<16xi32>
          %add3A_598 = arith.addi %shift_right_arithmetic3A_597, %mul3A_333 : vector<16xi32>
          %add3A_599 = arith.constant 3584 : i32
          %add3A_600 = arith.addi %add3A_599, %mul3A_354 : i32
          %swap3A_601 = arith.index_cast %add3A_600 : i32 to index
          %swap3A_602 = tpu.vector_load %arg8[%swap3A_601] {strides = array<i32>} : memref<4096xi32, #tpu.memory_space<vmem>>, vector<16xi32>,
          tpu.vector_store %arg8[%swap3A_601], %add3A_598 {strides = array<i32>} : memref<4096xi32, #tpu.memory_space<vmem>>, vector<16xi32>,
          %and3A_603 = arith.constant 3 : i32
          %and3A_604 = vector.broadcast %and3A_603 : i32 to vector<16xi32>
          %and3A_605 = arith.andi %and3A_594, %and3A_604 : vector<16xi32>
          %mul3A_606 = arith.constant 2 : i32
          %mul3A_607 = vector.broadcast %mul3A_606 : i32 to vector<16xi32>
          %mul3A_608 = arith.muli %and3A_605, %mul3A_607 : vector<16xi32>
          %swap3A_609 = arith.constant 7 : i32
          %swap3A_610 = arith.index_cast %swap3A_609 : i32 to index
          %swap3A_611 = arith.index_cast %mul3A_354 : i32 to index
          %swap3A_612 = tpu.vector_load %arg10[%swap3A_610, %swap3A_611] {strides = array<i32>} : memref<8x512xi32, #tpu.memory_space<vmem>>, vector<16xi32>,
          tpu.vector_store %arg10[%swap3A_610, %swap3A_611], %mul3A_608 {strides = array<i32>} : memref<8x512xi32, #tpu.memory_space<vmem>>, vector<16xi32>,
        }
        %scan3A_338 = arith.constant 32 : i32
        %dma_wait3A_339 = arith.constant 0 : i32
        %dma_wait3A_340 = arith.constant 0 : i32
        %dma_wait3A_341 = tpu.memref_slice %arg3[%dma_wait3A_339, %dma_wait3A_340] : memref<2097152x8xf32, #tpu.memory_space<hbm>> -> memref<2097152x8xf32, #tpu.memory_space<hbm>>
        tpu.wait_indirect_dma semaphore(%arg15 : memref<!tpu.dma_semaphore, #tpu.memory_space<semaphore_mem>>) src(%dma_wait3A_341 : memref<2097152x8xf32, #tpu.memory_space<hbm>>) dst(%arg13 : memref<4096x8xf32, #tpu.memory_space<vmem>>)
        %dma_start3A_342 = arith.constant 0 : i32
        %dma_start3A_343 = arith.constant 0 : i32
        %dma_start3A_344 = tpu.memref_slice %arg3[%dma_start3A_342, %dma_start3A_343] : memref<2097152x8xf32, #tpu.memory_space<hbm>> -> memref<2097152x8xf32, #tpu.memory_space<hbm>>
        tpu.enqueue_indirect_dma source(%dma_start3A_344 : memref<2097152x8xf32, #tpu.memory_space<hbm>>) target(%arg12 : memref<4096x8xf32, #tpu.memory_space<vmem>>) offsets(%arg8 : memref<4096xi32, #tpu.memory_space<vmem>>) semaphore(%arg15 : memref<!tpu.dma_semaphore, #tpu.memory_space<semaphore_mem>>)
        %add3A_345 = arith.constant 1 : i32
        %add3A_346 = arith.addi %mul3A_120, %add3A_345 : i32
        %scan3A_347 = arith.constant 0 : i32
        %scan3A_348 = arith.constant 32 : i32
        %scan3A_349 = arith.addi %scan3A_347, %scan3A_348 : i32
        %scan3A_350 = arith.constant 1 : i32
        scf.for %scan3A_352 = %scan3A_347 to %scan3A_349 step %scan3A_350  : i32 {
          %mul3A_353 = arith.constant 16 : i32
          %mul3A_354 = arith.muli %scan3A_352, %mul3A_353 : i32
          %get3A = arith.constant 0 : i32
          %get3A_355 = arith.index_cast %get3A : i32 to index
          %get3A_356 = arith.index_cast %mul3A_354 : i32 to index
          %get3A_357 = tpu.vector_load %arg7[%get3A_355, %get3A_356] {strides = array<i32>} : memref<3x512xf32, #tpu.memory_space<vmem>>, vector<16xf32>,
          %get3A_358 = arith.constant 1 : i32
          %get3A_359 = arith.index_cast %get3A_358 : i32 to index
          %get3A_360 = arith.index_cast %mul3A_354 : i32 to index
          %get3A_361 = tpu.vector_load %arg7[%get3A_359, %get3A_360] {strides = array<i32>} : memref<3x512xf32, #tpu.memory_space<vmem>>, vector<16xf32>,
          %get3A_362 = arith.constant 2 : i32
          %get3A_363 = arith.index_cast %get3A_362 : i32 to index
          %get3A_364 = arith.index_cast %mul3A_354 : i32 to index
          %get3A_365 = tpu.vector_load %arg7[%get3A_363, %get3A_364] {strides = array<i32>} : memref<3x512xf32, #tpu.memory_space<vmem>>, vector<16xf32>,
          %sub3A = arith.constant 1.000000e+00 : f32
          %sub3A_366 = vector.broadcast %sub3A : f32 to vector<16xf32>
          %sub3A_367 = arith.subf %sub3A_366, %get3A_357 : vector<16xf32>
          %sub3A_368 = arith.constant 1.000000e+00 : f32
          %sub3A_369 = vector.broadcast %sub3A_368 : f32 to vector<16xf32>
          %sub3A_370 = arith.subf %sub3A_369, %get3A_361 : vector<16xf32>
          %sub3A_371 = arith.constant 1.000000e+00 : f32
          %sub3A_372 = vector.broadcast %sub3A_371 : f32 to vector<16xf32>
          %sub3A_373 = arith.subf %sub3A_372, %get3A_365 : vector<16xf32>
          %add3A_374 = arith.constant 0 : i32
          %add3A_375 = arith.addi %mul3A_354, %add3A_374 : i32
          %add3A_376 = vector.broadcast %add3A_375 : i32 to vector<16xi32>
          %add3A_377 = arith.addi %iota3A, %add3A_376 : vector<16xi32>
          %get3A_378 = arith.constant 0 : i32
          %get3A_379 = arith.index_cast %get3A_378 : i32 to index
          %get3A_380 = arith.index_cast %mul3A_354 : i32 to index
          %get3A_381 = tpu.vector_load %arg11[%get3A_379, %get3A_380] {strides = array<i32>} : memref<8x512xi32, #tpu.memory_space<vmem>>, vector<16xi32>,
          %gather3A = tpu.vector_load_idx %arg13[%add3A_377, %get3A_381] : memref<4096x8xf32, #tpu.memory_space<vmem>>[vector<16xi32>, vector<16xi32>], vector<16xf32>,
          %add3A_382 = arith.constant 1 : i32
          %add3A_383 = vector.broadcast %add3A_382 : i32 to vector<16xi32>
          %add3A_384 = arith.addi %get3A_381, %add3A_383 : vector<16xi32>
          %gather3A_385 = tpu.vector_load_idx %arg13[%add3A_377, %add3A_384] : memref<4096x8xf32, #tpu.memory_space<vmem>>[vector<16xi32>, vector<16xi32>], vector<16xf32>,
          %add3A_386 = arith.constant 512 : i32
          %add3A_387 = arith.addi %mul3A_354, %add3A_386 : i32
          %add3A_388 = vector.broadcast %add3A_387 : i32 to vector<16xi32>
          %add3A_389 = arith.addi %iota3A, %add3A_388 : vector<16xi32>
          %get3A_390 = arith.constant 1 : i32
          %get3A_391 = arith.index_cast %get3A_390 : i32 to index
          %get3A_392 = arith.index_cast %mul3A_354 : i32 to index
          %get3A_393 = tpu.vector_load %arg11[%get3A_391, %get3A_392] {strides = array<i32>} : memref<8x512xi32, #tpu.memory_space<vmem>>, vector<16xi32>,
          %gather3A_394 = tpu.vector_load_idx %arg13[%add3A_389, %get3A_393] : memref<4096x8xf32, #tpu.memory_space<vmem>>[vector<16xi32>, vector<16xi32>], vector<16xf32>,
          %add3A_395 = arith.constant 1 : i32
          %add3A_396 = vector.broadcast %add3A_395 : i32 to vector<16xi32>
          %add3A_397 = arith.addi %get3A_393, %add3A_396 : vector<16xi32>
          %gather3A_398 = tpu.vector_load_idx %arg13[%add3A_389, %add3A_397] : memref<4096x8xf32, #tpu.memory_space<vmem>>[vector<16xi32>, vector<16xi32>], vector<16xf32>,
          %add3A_399 = arith.constant 1024 : i32
          %add3A_400 = arith.addi %mul3A_354, %add3A_399 : i32
          %add3A_401 = vector.broadcast %add3A_400 : i32 to vector<16xi32>
          %add3A_402 = arith.addi %iota3A, %add3A_401 : vector<16xi32>
          %get3A_403 = arith.constant 2 : i32
          %get3A_404 = arith.index_cast %get3A_403 : i32 to index
          %get3A_405 = arith.index_cast %mul3A_354 : i32 to index
          %get3A_406 = tpu.vector_load %arg11[%get3A_404, %get3A_405] {strides = array<i32>} : memref<8x512xi32, #tpu.memory_space<vmem>>, vector<16xi32>,
          %gather3A_407 = tpu.vector_load_idx %arg13[%add3A_402, %get3A_406] : memref<4096x8xf32, #tpu.memory_space<vmem>>[vector<16xi32>, vector<16xi32>], vector<16xf32>,
          %add3A_408 = arith.constant 1 : i32
          %add3A_409 = vector.broadcast %add3A_408 : i32 to vector<16xi32>
          %add3A_410 = arith.addi %get3A_406, %add3A_409 : vector<16xi32>
          %gather3A_411 = tpu.vector_load_idx %arg13[%add3A_402, %add3A_410] : memref<4096x8xf32, #tpu.memory_space<vmem>>[vector<16xi32>, vector<16xi32>], vector<16xf32>,
          %add3A_412 = arith.constant 1536 : i32
          %add3A_413 = arith.addi %mul3A_354, %add3A_412 : i32
          %add3A_414 = vector.broadcast %add3A_413 : i32 to vector<16xi32>
          %add3A_415 = arith.addi %iota3A, %add3A_414 : vector<16xi32>
          %get3A_416 = arith.constant 3 : i32
          %get3A_417 = arith.index_cast %get3A_416 : i32 to index
          %get3A_418 = arith.index_cast %mul3A_354 : i32 to index
          %get3A_419 = tpu.vector_load %arg11[%get3A_417, %get3A_418] {strides = array<i32>} : memref<8x512xi32, #tpu.memory_space<vmem>>, vector<16xi32>,
          %gather3A_420 = tpu.vector_load_idx %arg13[%add3A_415, %get3A_419] : memref<4096x8xf32, #tpu.memory_space<vmem>>[vector<16xi32>, vector<16xi32>], vector<16xf32>,
          %add3A_421 = arith.constant 1 : i32
          %add3A_422 = vector.broadcast %add3A_421 : i32 to vector<16xi32>
          %add3A_423 = arith.addi %get3A_419, %add3A_422 : vector<16xi32>
          %gather3A_424 = tpu.vector_load_idx %arg13[%add3A_415, %add3A_423] : memref<4096x8xf32, #tpu.memory_space<vmem>>[vector<16xi32>, vector<16xi32>], vector<16xf32>,
          %add3A_425 = arith.constant 2048 : i32
          %add3A_426 = arith.addi %mul3A_354, %add3A_425 : i32
          %add3A_427 = vector.broadcast %add3A_426 : i32 to vector<16xi32>
          %add3A_428 = arith.addi %iota3A, %add3A_427 : vector<16xi32>
          %get3A_429 = arith.constant 4 : i32
          %get3A_430 = arith.index_cast %get3A_429 : i32 to index
          %get3A_431 = arith.index_cast %mul3A_354 : i32 to index
          %get3A_432 = tpu.vector_load %arg11[%get3A_430, %get3A_431] {strides = array<i32>} : memref<8x512xi32, #tpu.memory_space<vmem>>, vector<16xi32>,
          %gather3A_433 = tpu.vector_load_idx %arg13[%add3A_428, %get3A_432] : memref<4096x8xf32, #tpu.memory_space<vmem>>[vector<16xi32>, vector<16xi32>], vector<16xf32>,
          %add3A_434 = arith.constant 1 : i32
          %add3A_435 = vector.broadcast %add3A_434 : i32 to vector<16xi32>
          %add3A_436 = arith.addi %get3A_432, %add3A_435 : vector<16xi32>
          %gather3A_437 = tpu.vector_load_idx %arg13[%add3A_428, %add3A_436] : memref<4096x8xf32, #tpu.memory_space<vmem>>[vector<16xi32>, vector<16xi32>], vector<16xf32>,
          %add3A_438 = arith.constant 2560 : i32
          %add3A_439 = arith.addi %mul3A_354, %add3A_438 : i32
          %add3A_440 = vector.broadcast %add3A_439 : i32 to vector<16xi32>
          %add3A_441 = arith.addi %iota3A, %add3A_440 : vector<16xi32>
          %get3A_442 = arith.constant 5 : i32
          %get3A_443 = arith.index_cast %get3A_442 : i32 to index
          %get3A_444 = arith.index_cast %mul3A_354 : i32 to index
          %get3A_445 = tpu.vector_load %arg11[%get3A_443, %get3A_444] {strides = array<i32>} : memref<8x512xi32, #tpu.memory_space<vmem>>, vector<16xi32>,
          %gather3A_446 = tpu.vector_load_idx %arg13[%add3A_441, %get3A_445] : memref<4096x8xf32, #tpu.memory_space<vmem>>[vector<16xi32>, vector<16xi32>], vector<16xf32>,
          %add3A_447 = arith.constant 1 : i32
          %add3A_448 = vector.broadcast %add3A_447 : i32 to vector<16xi32>
          %add3A_449 = arith.addi %get3A_445, %add3A_448 : vector<16xi32>
          %gather3A_450 = tpu.vector_load_idx %arg13[%add3A_441, %add3A_449] : memref<4096x8xf32, #tpu.memory_space<vmem>>[vector<16xi32>, vector<16xi32>], vector<16xf32>,
          %add3A_451 = arith.constant 3072 : i32
          %add3A_452 = arith.addi %mul3A_354, %add3A_451 : i32
          %add3A_453 = vector.broadcast %add3A_452 : i32 to vector<16xi32>
          %add3A_454 = arith.addi %iota3A, %add3A_453 : vector<16xi32>
          %get3A_455 = arith.constant 6 : i32
          %get3A_456 = arith.index_cast %get3A_455 : i32 to index
          %get3A_457 = arith.index_cast %mul3A_354 : i32 to index
          %get3A_458 = tpu.vector_load %arg11[%get3A_456, %get3A_457] {strides = array<i32>} : memref<8x512xi32, #tpu.memory_space<vmem>>, vector<16xi32>,
          %gather3A_459 = tpu.vector_load_idx %arg13[%add3A_454, %get3A_458] : memref<4096x8xf32, #tpu.memory_space<vmem>>[vector<16xi32>, vector<16xi32>], vector<16xf32>,
          %add3A_460 = arith.constant 1 : i32
          %add3A_461 = vector.broadcast %add3A_460 : i32 to vector<16xi32>
          %add3A_462 = arith.addi %get3A_458, %add3A_461 : vector<16xi32>
          %gather3A_463 = tpu.vector_load_idx %arg13[%add3A_454, %add3A_462] : memref<4096x8xf32, #tpu.memory_space<vmem>>[vector<16xi32>, vector<16xi32>], vector<16xf32>,
          %add3A_464 = arith.constant 3584 : i32
          %add3A_465 = arith.addi %mul3A_354, %add3A_464 : i32
          %add3A_466 = vector.broadcast %add3A_465 : i32 to vector<16xi32>
          %add3A_467 = arith.addi %iota3A, %add3A_466 : vector<16xi32>
          %get3A_468 = arith.constant 7 : i32
          %get3A_469 = arith.index_cast %get3A_468 : i32 to index
          %get3A_470 = arith.index_cast %mul3A_354 : i32 to index
          %get3A_471 = tpu.vector_load %arg11[%get3A_469, %get3A_470] {strides = array<i32>} : memref<8x512xi32, #tpu.memory_space<vmem>>, vector<16xi32>,
          %gather3A_472 = tpu.vector_load_idx %arg13[%add3A_467, %get3A_471] : memref<4096x8xf32, #tpu.memory_space<vmem>>[vector<16xi32>, vector<16xi32>], vector<16xf32>,
          %add3A_473 = arith.constant 1 : i32
          %add3A_474 = vector.broadcast %add3A_473 : i32 to vector<16xi32>
          %add3A_475 = arith.addi %get3A_471, %add3A_474 : vector<16xi32>
          %gather3A_476 = tpu.vector_load_idx %arg13[%add3A_467, %add3A_475] : memref<4096x8xf32, #tpu.memory_space<vmem>>[vector<16xi32>, vector<16xi32>], vector<16xf32>,
          %mul3A_477 = arith.mulf %gather3A, %get3A_357 : vector<16xf32>
          %mul3A_478 = arith.mulf %gather3A_420, %sub3A_367 : vector<16xf32>
          %add3A_479 = arith.addf %mul3A_477, %mul3A_478 : vector<16xf32>
          %mul3A_480 = arith.mulf %gather3A_394, %get3A_357 : vector<16xf32>
          %mul3A_481 = arith.mulf %gather3A_407, %sub3A_367 : vector<16xf32>
          %add3A_482 = arith.addf %mul3A_480, %mul3A_481 : vector<16xf32>
          %mul3A_483 = arith.mulf %gather3A_446, %get3A_357 : vector<16xf32>
          %mul3A_484 = arith.mulf %gather3A_459, %sub3A_367 : vector<16xf32>
          %add3A_485 = arith.addf %mul3A_483, %mul3A_484 : vector<16xf32>
          %mul3A_486 = arith.mulf %gather3A_433, %get3A_357 : vector<16xf32>
          %mul3A_487 = arith.mulf %gather3A_472, %sub3A_367 : vector<16xf32>
          %add3A_488 = arith.addf %mul3A_486, %mul3A_487 : vector<16xf32>
          %mul3A_489 = arith.mulf %add3A_479, %get3A_361 : vector<16xf32>
          %mul3A_490 = arith.mulf %add3A_482, %sub3A_370 : vector<16xf32>
          %add3A_491 = arith.addf %mul3A_489, %mul3A_490 : vector<16xf32>
          %mul3A_492 = arith.mulf %add3A_488, %get3A_361 : vector<16xf32>
          %mul3A_493 = arith.mulf %add3A_485, %sub3A_370 : vector<16xf32>
          %add3A_494 = arith.addf %mul3A_492, %mul3A_493 : vector<16xf32>
          %mul3A_495 = arith.mulf %add3A_491, %get3A_365 : vector<16xf32>
          %mul3A_496 = arith.mulf %add3A_494, %sub3A_373 : vector<16xf32>
          %add3A_497 = arith.addf %mul3A_495, %mul3A_496 : vector<16xf32>
          %mul3A_498 = arith.constant 2 : i32
          %mul3A_499 = arith.muli %mul3A_498, %add3A_346 : i32
          %add3A_500 = arith.constant 0 : i32
          %add3A_501 = arith.addi %mul3A_499, %add3A_500 : i32
          %swap3A = arith.index_cast %add3A_501 : i32 to index
          %swap3A_502 = arith.index_cast %mul3A_354 : i32 to index
          %swap3A_503 = tpu.vector_load %arg14[%swap3A, %swap3A_502] {strides = array<i32>} : memref<32x512xf32, #tpu.memory_space<vmem>>, vector<16xf32>,
          tpu.vector_store %arg14[%swap3A, %swap3A_502], %add3A_497 {strides = array<i32>} : memref<32x512xf32, #tpu.memory_space<vmem>>, vector<16xf32>,
          %mul3A_504 = arith.mulf %gather3A_385, %get3A_357 : vector<16xf32>
          %mul3A_505 = arith.mulf %gather3A_424, %sub3A_367 : vector<16xf32>
          %add3A_506 = arith.addf %mul3A_504, %mul3A_505 : vector<16xf32>
          %mul3A_507 = arith.mulf %gather3A_398, %get3A_357 : vector<16xf32>
          %mul3A_508 = arith.mulf %gather3A_411, %sub3A_367 : vector<16xf32>
          %add3A_509 = arith.addf %mul3A_507, %mul3A_508 : vector<16xf32>
          %mul3A_510 = arith.mulf %gather3A_450, %get3A_357 : vector<16xf32>
          %mul3A_511 = arith.mulf %gather3A_463, %sub3A_367 : vector<16xf32>
          %add3A_512 = arith.addf %mul3A_510, %mul3A_511 : vector<16xf32>
          %mul3A_513 = arith.mulf %gather3A_437, %get3A_357 : vector<16xf32>
          %mul3A_514 = arith.mulf %gather3A_476, %sub3A_367 : vector<16xf32>
          %add3A_515 = arith.addf %mul3A_513, %mul3A_514 : vector<16xf32>
          %mul3A_516 = arith.mulf %add3A_506, %get3A_361 : vector<16xf32>
          %mul3A_517 = arith.mulf %add3A_509, %sub3A_370 : vector<16xf32>
          %add3A_518 = arith.addf %mul3A_516, %mul3A_517 : vector<16xf32>
          %mul3A_519 = arith.mulf %add3A_515, %get3A_361 : vector<16xf32>
          %mul3A_520 = arith.mulf %add3A_512, %sub3A_370 : vector<16xf32>
          %add3A_521 = arith.addf %mul3A_519, %mul3A_520 : vector<16xf32>
          %mul3A_522 = arith.mulf %add3A_518, %get3A_365 : vector<16xf32>
          %mul3A_523 = arith.mulf %add3A_521, %sub3A_373 : vector<16xf32>
          %add3A_524 = arith.addf %mul3A_522, %mul3A_523 : vector<16xf32>
          %mul3A_525 = arith.constant 2 : i32
          %mul3A_526 = arith.muli %mul3A_525, %add3A_346 : i32
          %add3A_527 = arith.constant 1 : i32
          %add3A_528 = arith.addi %mul3A_526, %add3A_527 : i32
          %swap3A_529 = arith.index_cast %add3A_528 : i32 to index
          %swap3A_530 = arith.index_cast %mul3A_354 : i32 to index
          %swap3A_531 = tpu.vector_load %arg14[%swap3A_529, %swap3A_530] {strides = array<i32>} : memref<32x512xf32, #tpu.memory_space<vmem>>, vector<16xf32>,
          tpu.vector_store %arg14[%swap3A_529, %swap3A_530], %add3A_524 {strides = array<i32>} : memref<32x512xf32, #tpu.memory_space<vmem>>, vector<16xf32>,
        }
        %scan3A_351 = arith.constant 32 : i32
      }
      %scan3A_115 = arith.constant 8 : i32
      %dma_wait3A = arith.constant 0 : i32
      %dma_wait3A_116 = arith.constant 0 : i32
      %dma_wait3A_117 = tpu.memref_slice %arg3[%dma_wait3A, %dma_wait3A_116] : memref<2097152x8xf32, #tpu.memory_space<hbm>> -> memref<2097152x8xf32, #tpu.memory_space<hbm>>
      tpu.wait_indirect_dma semaphore(%arg15 : memref<!tpu.dma_semaphore, #tpu.memory_space<semaphore_mem>>) src(%dma_wait3A_117 : memref<2097152x8xf32, #tpu.memory_space<hbm>>) dst(%arg12 : memref<4096x8xf32, #tpu.memory_space<vmem>>)
      "tpu.region"() ({
        %run_scoped3A = tpu.sem_alloc : memref<!tpu.dma_semaphore, #tpu.memory_space<semaphore_mem>>
        %dma_start3A_118 = arith.constant 0 : i32
        %dma_start3A_119 = tpu.memref_slice %arg4[%dma_start3A_118, %add3A_10] : memref<32x262144xf32, #tpu.memory_space<hbm>> -> memref<32x512xf32, #tpu.memory_space<hbm>>
        %dma_start3A_120 = arith.constant 0 : i32
        %dma_start3A_121 = tpu.memref_slice %arg4[%dma_start3A_120, %add3A_10] : memref<32x262144xf32, #tpu.memory_space<hbm>> -> memref<32x512xf32, #tpu.memory_space<hbm>>
        tpu.enqueue_dma source(%arg14 : memref<32x512xf32, #tpu.memory_space<vmem>>) target(%dma_start3A_121 : memref<32x512xf32, #tpu.memory_space<hbm>>) target_semaphore(%run_scoped3A : memref<!tpu.dma_semaphore, #tpu.memory_space<semaphore_mem>>)
        %dma_wait3A_122 = arith.constant 0 : i32
        %dma_wait3A_123 = tpu.memref_slice %arg4[%dma_wait3A_122, %add3A_10] : memref<32x262144xf32, #tpu.memory_space<hbm>> -> memref<32x512xf32, #tpu.memory_space<hbm>>
        %dma_wait3A_124 = arith.constant 0 : i32
        %dma_wait3A_125 = tpu.memref_slice %arg4[%dma_wait3A_124, %add3A_10] : memref<32x262144xf32, #tpu.memory_space<hbm>> -> memref<32x512xf32, #tpu.memory_space<hbm>>
        tpu.wait_dma2 semaphore(%run_scoped3A : memref<!tpu.dma_semaphore, #tpu.memory_space<semaphore_mem>>) src(%arg14 : memref<32x512xf32, #tpu.memory_space<vmem>>) dst(%dma_wait3A_125 : memref<32x512xf32, #tpu.memory_space<hbm>>)
        tpu.yield
      }) : () -> ()
    }
    %scan3A_4 = arith.constant 16 : i32
    return
  }
}

module attributes {stable_mosaic.version = 14 : i64} {
  func.func @body(%arg0: i32, %arg1: memref<32x1024xf32, #tpu.memory_space<vmem>>, %arg2: memref<32x64xf32, #tpu.memory_space<vmem>>, %arg3: memref<64x64xf32, #tpu.memory_space<vmem>>, %arg4: memref<64x1xf32, #tpu.memory_space<vmem>>, %arg5: memref<1x1024xf32, #tpu.memory_space<vmem>>) attributes {dimension_semantics = [#tpu.dimension_semantics<arbitrary>], iteration_bounds = array<i64: 256>, scalar_prefetch = 0 : i64, scratch_operands = 0 : i64, tpu.core_type = #tpu.core_type<tc>, window_params = [{transform_indices = @transform_0, window_bounds = array<i64: 32, 1024>}, {pipeline_mode = #tpu.pipeline_mode<synchronous>, transform_indices = @transform_1, window_bounds = array<i64: 32, 64>}, {pipeline_mode = #tpu.pipeline_mode<synchronous>, transform_indices = @transform_2, window_bounds = array<i64: 64, 64>}, {pipeline_mode = #tpu.pipeline_mode<synchronous>, transform_indices = @transform_3, window_bounds = array<i64: 64, 1>}, {transform_indices = @transform_4, window_bounds = array<i64: 1, 1024>}]} {
    %get3A = arith.constant 0 : index
    %get3A_0 = arith.constant 0 : index
    %get3A_1 = vector.load %arg1[%get3A, %get3A_0] : memref<32x1024xf32, #tpu.memory_space<vmem>>, vector<32x1024xf32>
    %get3A_2 = arith.constant 0 : index
    %get3A_3 = arith.constant 0 : index
    %get3A_4 = vector.load %arg2[%get3A_2, %get3A_3] : memref<32x64xf32, #tpu.memory_space<vmem>>, vector<32x64xf32>
    %dot_general3A = arith.constant dense<0.000000e+00> : vector<1024x64xf32>
    %dot_general3A_5 = tpu.matmul %get3A_1, %get3A_4, %dot_general3A {dimension_numbers = #tpu.dot_dimension_numbers<[0], [0], [1], [1], [0, 1, 1, 1], [], []>, transpose_lhs_hint = false} : vector<32x1024xf32>, vector<32x64xf32>, vector<1024x64xf32> -> vector<1024x64xf32>
    %max3A = arith.constant 0.000000e+00 : f32
    %max3A_6 = vector.broadcast %max3A : f32 to vector<1024x64xf32>
    %max3A_7 = arith.maximumf %dot_general3A_5, %max3A_6 : vector<1024x64xf32>
    %get3A_8 = arith.constant 0 : index
    %get3A_9 = arith.constant 0 : index
    %get3A_10 = vector.load %arg3[%get3A_8, %get3A_9] : memref<64x64xf32, #tpu.memory_space<vmem>>, vector<64x64xf32>
    %dot_general3A_11 = arith.constant dense<0.000000e+00> : vector<1024x64xf32>
    %dot_general3A_12 = tpu.matmul %max3A_7, %get3A_10, %dot_general3A_11 {dimension_numbers = #tpu.dot_dimension_numbers<[1], [0], [0], [1], [0, 0, 1, 1], [], []>, transpose_lhs_hint = false} : vector<1024x64xf32>, vector<64x64xf32>, vector<1024x64xf32> -> vector<1024x64xf32>
    %max3A_13 = arith.constant 0.000000e+00 : f32
    %max3A_14 = vector.broadcast %max3A_13 : f32 to vector<1024x64xf32>
    %max3A_15 = arith.maximumf %dot_general3A_12, %max3A_14 : vector<1024x64xf32>
    %get3A_16 = arith.constant 0 : index
    %get3A_17 = arith.constant 0 : index
    %get3A_18 = vector.load %arg4[%get3A_16, %get3A_17] : memref<64x1xf32, #tpu.memory_space<vmem>>, vector<64x1xf32>
    %dot_general3A_19 = arith.constant dense<0.000000e+00> : vector<1x1024xf32>
    %dot_general3A_20 = tpu.matmul %get3A_18, %max3A_15, %dot_general3A_19 {dimension_numbers = #tpu.dot_dimension_numbers<[0], [1], [1], [0], [0, 1, 1, 0], [], []>, transpose_lhs_hint = false} : vector<64x1xf32>, vector<1024x64xf32>, vector<1x1024xf32> -> vector<1x1024xf32>
    %swap3A = arith.constant 0 : index
    %swap3A_21 = arith.constant 0 : index
    %swap3A_22 = vector.load %arg5[%swap3A, %swap3A_21] : memref<1x1024xf32, #tpu.memory_space<vmem>>, vector<1x1024xf32>
    tpu.vector_store %arg5[%swap3A, %swap3A_21], %dot_general3A_20 {strides = array<i32>} : memref<1x1024xf32, #tpu.memory_space<vmem>>, vector<1x1024xf32>,
    return
  }
  func.func @transform_0(%arg0: i32) -> (i32, i32) {
    %c0_i32 = arith.constant 0 : i32
    %c0_i32_0 = arith.constant 0 : i32
    return %c0_i32, %arg0 : i32, i32
  }
  func.func @transform_1(%arg0: i32) -> (i32, i32) {
    %c0_i32 = arith.constant 0 : i32
    %c0_i32_0 = arith.constant 0 : i32
    %c0_i32_1 = arith.constant 0 : i32
    return %c0_i32, %c0_i32_0 : i32, i32
  }
  func.func @transform_2(%arg0: i32) -> (i32, i32) {
    %c0_i32 = arith.constant 0 : i32
    %c0_i32_0 = arith.constant 0 : i32
    %c0_i32_1 = arith.constant 0 : i32
    return %c0_i32, %c0_i32_0 : i32, i32
  }
  func.func @transform_3(%arg0: i32) -> (i32, i32) {
    %c0_i32 = arith.constant 0 : i32
    %c0_i32_0 = arith.constant 0 : i32
    %c0_i32_1 = arith.constant 0 : i32
    return %c0_i32, %c0_i32_0 : i32, i32
  }
  func.func @transform_4(%arg0: i32) -> (i32, i32) {
    %c0_i32 = arith.constant 0 : i32
    %c0_i32_0 = arith.constant 0 : i32
    return %c0_i32, %arg0 : i32, i32
  }
}

</mosaic_0001>

<sc_bundles>
// kernel: kernel.5.cloned.1.call-start
scs
__scs_entry_jumppad:
0x0: {  	(pc) =	sbr.rel $0x88, $3  }
0x1: {  	(tag) =	ssettag $0x0;
	lr =	simm.s32 $0x1  }
0x2: {  	[smem:$0x3F9C] =	sst lr;
	_ =	strace $0xD0000000  }
0x3: {  	_ = 	snop  }
0x4: {  	_ = 	snop  }
0x5: {  	_ = 	snop  }
0x6: {  	_ = 	snop  }
0x7: {  	_ = 	snop  }
__scs_overlays_trampoline_lowered:
0x8: {  	[smem:$0x3FAB] =	sst s0  }
0x9: {  	[smem:$0x3FAC] =	sst s1  }
0xa: {  	[smem:$0x3FAD] =	sst s2  }
0xb: {  	[smem:$0x3FAE] =	sst s3  }
0xc: {  	[smem:$0x3FAF] =	sst s4  }
0xd: {  	[smem:$0x3FB0] =	sst s5  }
0xe: {  	[smem:$0x3FB1] =	sst s6  }
0xf: {  	[smem:$0x3FB2] =	sst s7  }
0x10: {  	[smem:$0x3FB3] =	sst s8  }
0x11: {  	[smem:$0x3FB4] =	sst s9;
	s0 =	simm.s32 @!p0 $0x0  }
0x12: {  	s1 =	sld [smem:$0x3F9A];
	s0 =	simm.s32 @p0 $0x1  }
0x13: {  	[smem:$0x3FB5] =	sst s0;
	s0 =	simm.s32 @!p1 $0x0  }
0x14: {  	s2 =	sld [smem:$0x3F99];
	s0 =	simm.s32 @p1 $0x1  }
0x15: {  	[smem:$0x3FB6] =	sst s0;
	s0 =	simm.s32 @!p2 $0x0  }
0x16: {  	s3 =	sld [smem:$0x3FDB];
	s0 =	simm.s32 @p2 $0x1  }
0x17: {  	s4 =	simm.s32 $0x1BF5;
	[smem:$0x3FB8] =	sst s0  }
0x18: {  	s0 =	sld [smem:$0x3F9B];
	_ =	swait.ge [sflag:s4], $0x0  }
0x19: {  	s7 =	sld [smem:$0x3F9C]  }
0x1a: {  	s8 =	sadd.s32 $0xFFFFE003, lr  }
0x1b: {  	s9 =	sadd.s32 $0xFFFFFEF7, lr;
	s5 =	simm.s32 $0xFFFFFFFF;
	p2 =	slt.u32 s8, $0xFFFFF086  }
0x1c: {  	p1 =	slt.u32 s9, $0xF7A;
	s5 =	simm.s32 @!p2 $0x0  }
0x1d: {  	s5 =	simm.s32 @p1 $0x1;
	p0 =	seq.s32 s7, s2  }
0x1e: {  	s7 =	smul.u32 @!p0 $0xF7A, s2;
	p2 =	seq.s32 @!p0 s5, $0x0  }
0x1f: {  	s9 =	smul.u32 $0xF7A, s1;
	s8 =	simm.s32 @!p0 $0x1BF5;
	p2 =	por !p2, p0  }
0x20: {  	[sflag:s8] =	ssyncset.s32 @!p0 $0xFFFFF086;
	s6 =	sadd.s32 @!p0 s3, s7;
	s7 =	simm.s32 @!p0 $0x108  }
0x21: {  	s3 =	sadd.s32 s3, s9;
	s6 =	sadd.s32 @!p0 $0x88, s6;
	s7 =	simm.s32 @p2 $0x1082  }
0x22: {  	[simem:s7], [sflag:s8] =	dma.local @!p0 [hbm:s6], $0xF7A  }
0x23: {  	s9 =	sor.u32 $0xD0000000, s2;
	s6 =	simm.s32 $0x108;
	_ =	swait.ge @!p0 [sflag:s8], $0x0  }
0x24: {  	s3 =	sadd.s32 $0x88, s3;
	s6 =	simm.s32 @!p1 $0x1082;
	[sflag:s4] =	ssyncset.s32 $0xFFFFF086  }
0x25: {  	[simem:s6], [sflag:s4] =	dma.local [hbm:s3], $0xF7A  }
0x26: {  	[smem:$0x3F9C] =	sst s1;
	(tag) =	ssettag s2;
	_ =	strace s9  }
0x27: {  	s1 =	sld [smem:$0x3FAC]  }
0x28: {  	s2 =	sld [smem:$0x3FAD]  }
0x29: {  	s4 =	sld [smem:$0x3FAF]  }
0x2a: {  	p0 =	seq.s32 s5, $0x0;
	s5 =	sld [smem:$0x3FB0]  }
0x2b: {  	s6 =	sld [smem:$0x3FB1]  }
0x2c: {  	s7 =	sld [smem:$0x3FB2]  }
0x2d: {  	s3 =	simm.s32 $0x108;
	s8 =	sld [smem:$0x3FB3]  }
0x2e: {  	s3 =	simm.s32 @!p0 $0x1082;
	s9 =	sld [smem:$0x3FB4]  }
0x2f: {  	lr =	sadd.s32 s0, s3;
	s0 =	sld [smem:$0x3FAB]  }
0x30: {  	s3 =	sld [smem:$0x3FAE]  }
0x31: {  	[smem:$0x3FB7] =	sst s10  }
0x32: {  	s10 =	sld [smem:$0x3FB5];
	_ =	sdelay $0x3  }
0x33: {  	p0 =	seq.s32 s10, $0x1;
	s10 =	sld [smem:$0x3FB7];
	_ =	sdelay $0x3  }
0x34: {  	[smem:$0x3FB7] =	sst s10  }
0x35: {  	s10 =	sld [smem:$0x3FB6];
	_ =	sdelay $0x3  }
0x36: {  	p1 =	seq.s32 s10, $0x1;
	s10 =	sld [smem:$0x3FB7];
	_ =	sdelay $0x3  }
0x37: {  	[smem:$0x3FB7] =	sst s10  }
0x38: {  	s10 =	sld [smem:$0x3FB8]  }
0x39: {  	_ = 	snop;
	(pc) =	sbr.ind lr, $3  }
0x3a: {  	_ = 	snop  }
0x3b: {  	_ = 	snop  }
0x3c: {  	p2 =	seq.s32 s10, $0x1;
	s10 =	sld [smem:$0x3FB7]  }
0x3d: {  	_ =	shalt  }
0x3e: {  	_ =	shalt  }
0x3f: {  	_ =	shalt  }
0x40: {  	_ =	shalt  }
0x41: {  	_ =	shalt  }
0x42: {  	_ =	shalt  }
0x43: {  	_ =	shalt  }
0x44: {  	_ =	shalt  }
0x45: {  	_ =	shalt  }
0x46: {  	_ =	shalt  }
0x47: {  	_ =	shalt  }
0x48: {  	_ =	shalt  }
0x49: {  	_ =	shalt  }
0x4a: {  	_ =	shalt  }
0x4b: {  	_ =	shalt  }
0x4c: {  	_ =	shalt  }
0x4d: {  	_ =	shalt  }
0x4e: {  	_ =	shalt  }
0x4f: {  	_ =	shalt  }
0x50: {  	_ =	shalt  }
0x51: {  	_ =	shalt  }
0x52: {  	_ =	shalt  }
0x53: {  	_ =	shalt  }
0x54: {  	_ =	shalt  }
0x55: {  	_ =	shalt  }
0x56: {  	_ =	shalt  }
0x57: {  	_ =	shalt  }
0x58: {  	_ =	shalt  }
0x59: {  	_ =	shalt  }
0x5a: {  	_ =	shalt  }
0x5b: {  	_ =	shalt  }
0x5c: {  	_ =	shalt  }
0x5d: {  	_ =	shalt  }
0x5e: {  	_ =	shalt  }
0x5f: {  	_ =	shalt  }
0x60: {  	_ =	shalt  }
0x61: {  	_ =	shalt  }
0x62: {  	_ =	shalt  }
0x63: {  	_ =	shalt  }
0x64: {  	_ =	shalt  }
0x65: {  	_ =	shalt  }
0x66: {  	_ =	shalt  }
0x67: {  	_ =	shalt  }
0x68: {  	_ =	shalt  }
0x69: {  	_ =	shalt  }
0x6a: {  	_ =	shalt  }
0x6b: {  	_ =	shalt  }
0x6c: {  	_ =	shalt  }
0x6d: {  	_ =	shalt  }
0x6e: {  	_ =	shalt  }
0x6f: {  	_ =	shalt  }
0x70: {  	_ =	shalt  }
0x71: {  	_ =	shalt  }
0x72: {  	_ =	shalt  }
0x73: {  	_ =	shalt  }
0x74: {  	_ =	shalt  }
0x75: {  	_ =	shalt  }
0x76: {  	_ =	shalt  }
0x77: {  	_ =	shalt  }
0x78: {  	_ =	shalt  }
0x79: {  	_ =	shalt  }
0x7a: {  	_ =	shalt  }
0x7b: {  	_ =	shalt  }
0x7c: {  	_ =	shalt  }
0x7d: {  	_ =	shalt  }
0x7e: {  	_ =	shalt  }
0x7f: {  	_ =	shalt  }
0x80: {  	_ =	shalt  }
0x81: {  	_ =	shalt  }
0x82: {  	_ =	shalt  }
0x83: {  	_ =	shalt  }
0x84: {  	_ =	shalt  }
0x85: {  	_ =	shalt  }
0x86: {  	_ =	shalt  }
0x87: {  	_ =	shalt  }
.Lfunc_end0:
.L_simem_size_0:
called_computation_lowered:
.L_overlay_start_0:
0x88: {  	s2 =	sld [smem:$0x3FD9]  }
0x89: {  	s3 =	sld [smem:$0x3FFE];
	_ =	sdelay $0x1  }
0x8a: {  	s1 =	srdreg.scid  }
0x8b: {  	s0 =	sand.u32 $0x1, s1  }
0x8c: {  	s17 =	sshll.u32 s0, $0xA;
	s2 =	sadd.s32 s3, s2  }
0x8d: {  	s2 =	sadd.s32 s2, s17  }
0x8e: {  	[smem:$0x3FC3] =	sst s2  }
0x8f: {  	_ = 	snop  }
0x90: {  	s2 =	sld [smem:$0x3FC8];
	(tm) =	ssettm $0x1  }
0x91: {  	s18 =	sld [smem:$0x3FFB];
	_ =	sdelay $0x3  }
0x92: {  	_ =	strace s18  }
0x93: {  	s3 =	sld [smem:$0x3FFC];
	_ =	sdelay $0x3  }
0x94: {  	_ =	strace s3  }
0x95: {  	s3 =	sld [smem:$0x3FFD];
	_ =	sdelay $0x3  }
0x96: {  	_ =	strace s3  }
0x97: {  	_ =	strace $0x8FFFFFFF  }
0x98: {  	s19 =	sld [smem:$0x3FDB];
	_ =	sdelay $0x1  }
0x99: {  	s4 =	simm.s32 $_scs_section_size  }
0x9a: {  	s5 =	simm.s32 $_size__tile_overlayer_lowered;
	s6 =	simm.s32 $_tile_overlayer_lowered  }
0x9b: {  	s22 =	simm.s32 $0x1BFF;
	s21 =	sshll.u32 s6, $0x1;
	s3 =	sadd.s32 s4, s19  }
0x9c: {  	s7 =	simm.s32 $0x0;
	s20 =	sshll.u32 s5, $0x1;
	s5 =	sadd.s32 s21, s3  }
0x9d: {  	[timem:s7], [sflag:s22] =	dma.local [hbm:s5], s20  }
0x9e: {  	_ =	swait.ge [sflag:s22], s20  }
0x9f: {  	s4 =	ssub.s32 $0x0, s20;
	[sflag:s22] =	ssyncset.done $0x0  }
0xa0: {  	[sflag:s22] =	ssyncadd.s32 s4;
	_ =	sdelay $0x1  }
0xa1: {  	s23 =	simm.s32 $0x1B8B  }
0xa2: {  	_ =	swait.ge [sflag:s23], $0x1  }
0xa3: {  	[sflag:s23] =	ssyncset.done $0x0  }
0xa4: {  	s25 =	simm.s32 $0x1B8E;
	s24 =	sld [smem:$0x3FFE];
	[sflag:s23] =	ssyncadd.s32 $0xFFFFFFFF  }
0xa5: {  	s26 =	simm.s32 $execute0_lowered;
	[smem:$0x3FD2] =	sst s25  }
0xa6: {  	s5 =	sshll.u32 s26, $0x1;
	_ =	strace $0x80000046;
	[dreg:$0x1] =	wrdreg $0xFFFFFFFF  }
0xa7: {  	s28 =	simm.s32 $_size_execute0_lowered;
	s3 =	sadd.s32 s3, s5;
	[dreg:$0x0] =	wrdreg $0x0  }
0xa8: {  	s5 =	sshll.u32 s28, $0x1;
	[dreg:$0x2] =	wrdreg s3  }
0xa9: {  	[dreg:$0x3] =	wrdreg s5  }
0xaa: {  	[dreg:$0x4] =	wrdreg $0xC0  }
0xab: {  	_ =	task [dreg:s7], $0x5FFFF  }
0xac: {  	[dreg:$0x1] =	wrdreg $0xFFFFFFFF  }
0xad: {  	[dreg:$0x0] =	wrdreg $0x60  }
0xae: {  	[dreg:$0x2] =	wrdreg s2  }
0xaf: {  	[dreg:$0x3] =	wrdreg s24  }
0xb0: {  	[dreg:$0x4] =	wrdreg $0x9  }
0xb1: {  	_ =	task.clear_ibuf [dreg:s7], $0x5FFFF;
	_ =	strace $0x90000046  }
0xb2: {  	s29 =	simm.s32 $0x9;
	_ =	strace $0x80000048  }
0xb3: {  	_ =	swait.ge [sflag:s29], $0x1  }
0xb4: {  	[sflag:s29] =	ssyncadd.s32 $0xFFFFFFFF  }
0xb5: {  	_ =	strace $0x90000048  }
0xb6: {  	_ =	sfence  }
0xb7: {  	s30 =	sld [smem:$0x0];
	_ =	sdelay $0x2  }
0xb8: {  	s31 =	sshll.u32 s1, $0xD;
	s1 =	sshrl.u32 s1, $0x2  }
0xb9: {  	s3 =	sand.u32 $0x4000, s31;
	s1 =	sadd.s32 s1, s30  }
0xba: {  	s0 =	sor.u32 s3, s0;
	s1 =	sshll.u32 s1, $0x11  }
0xbb: {  	s0 =	sor.u32 s1, s0  }
0xbc: {  	s0 =	sadd.s32 $0x8F2B, s0  }
0xbd: {  	[sflag:s0] =	ssyncadd.remote.s32 $0x1  }
0xbe: {  	_ =	sfence.sel $0xFFFF  }
0xbf: {  	[dreg:$0x0] =	wrdreg $0xFFFFFFFF;
	(pc) =	sbr.abs _section_cstart, $3  }
0xc0: {  	[dreg:$0x1] =	wrdreg $0xFFFFFFFF  }
0xc1: {  	_ =	task.clear_ibuf [dreg:s7], $0x2FFFF;
	_ =	strace $0x9FFFFFFF  }
0xc2: {  	(tm) =	ssettm $0x7FFFFFFF  }
0xc3: {  	_ =	shalt  }
tec
execute0_lowered:
.L_overlay_start_1:
0x0: {  	(tag) =	ssettag $0x1  }
0x1: {  	s4 =	rddreg [dreg:$0x0]  }
0x2: {  	s3 =	rddreg [dreg:$0x1];
	v0 =	vimm.s32 $0x15051404;
	v1 =	vimm.s32 $0x17071606  }
0x3: {  	s0 =	rddreg [dreg:$0x2];
	vm0 =	vcmask $0x1F10;
	v2 =	vimm.s32 $0x11011000;
	v3 =	vimm.s32 $0x13031202  }
0x4: {  	s1 =	simm.s32 $0x0;
	s5 =	srdreg.scid;
	s2 =	stileid.u32;
	v4 =	vimm.s32 $0x1D0D1C0C;
	v5 =	vimm.s32 $0x1F0F1E0E;
	v6 =	vimm.s32 $0x19091808  }
0x5: {  	v7 =	vimm.s32 $0x1B0B1A0A;
	v0 =	vunpack.c.0.s8.s32 v0;
	v1 =	vunpack.c.0.s8.s32 v1;
	[smem:$0x7FF] =	sst s1;
	s5 =	sand.u32 $0x1, s5;
	s6 =	sshll.u32 s2, $0x11  }
0x6: {  	v2 =	vunpack.c.0.s8.s32 v2;
	v3 =	vunpack.c.0.s8.s32 v3;
	v4 =	vunpack.c.0.s8.s32 v4;
	_ =	strace $0x80000047;
	s7 =	ssub.s32 $0x2, s5;
	s9 =	sadd.s32 s6, s3  }
0x7: {  	v5 =	vunpack.c.0.s8.s32 v5;
	v6 =	vunpack.c.0.s8.s32 v6;
	v7 =	vunpack.c.0.s8.s32 v7;
	s5 =	sshll.u32 s5, $0x10;
	s6 =	sadd.s32 s6, s4;
	s8 =	sshrl.u32 s7, $0x1  }
0x8: {  	v0 =	vsel vm0, v1, v0;
	s31 =	sadd.s32 s5, s9;
	s5 =	sadd.s32 s5, s6;
	s6 =	simm.s32 $0x1  }
0x9: {  	v1 =	vsel vm0, v3, v2;
	v2 =	vsel vm0, v5, v4;
	v3 =	vsel vm0, v7, v6;
	s9 =	simm.s32 $0x0;
	s30 =	ssub.s32 s7, s8;
	s4 =	sadd.s32 $0x1000, s31  }
0xa: {  	v0 =	vcombine.low v1, v0;
	s7 =	simm.s32 $0x2000;
	v1 =	vcombine.low v3, v2;
	s8 =	simm.s32 $0x1000;
	s3 =	smax.u32 s30, $0x1  }
.LBB2_1:
0xb: {  	s10 =	simm.s32 $0x0  }
.LBB2_2:
0xc: {  	s11 =	sadd.s32 s10, s5  }
0xd: {  	[tilespmem:s1], [sflag:$0x1] =	stream.linear.gather [hbm4b:s11+s1], $0x1000, $0x38;
	[tilespmem:$0x2020] =	vst v63  }
0xe: {  	_ =	swait.ge [sflag:s6], $0x1000  }
0xf: {  	[sflag:s6] =	ssyncset.done $0x0  }
0x10: {  	[sflag:s6] =	ssyncadd.s32 $0xFFFFF000  }
0x11: {  	v2 =	vld [tilespmem:$0x0]  }
0x12: {  	v3 =	vld [tilespmem:$0x80];
	_ =	sdelay $0x3  }
0x13: {  	[tilespmem:$0x2000] =	vst v2  }
0x14: {  	[tilespmem:$0x2010] =	vst v3  }
0x15: {  	v2 =	vld.idx.msk [tilespmem:v0+s7+$0x0], $0xffff;
	_ =	sdelay $0x3  }
0x16: {  	v3 =	vld [tilespmem:$0x10]  }
0x17: {  	v4 =	vld [tilespmem:$0x90];
	[tilespmem:$0x1000] =	vst v2  }
0x18: {  	v2 =	vld.idx.msk [tilespmem:v1+s7+$0x0], $0xffff;
	_ =	sdelay $0x2  }
0x19: {  	[tilespmem:$0x2000] =	vst v3  }
0x1a: {  	[tilespmem:$0x2010] =	vst v4  }
0x1b: {  	[tilespmem:$0x1010] =	vst v2  }
0x1c: {  	v2 =	vld.idx.msk [tilespmem:v0+s7+$0x0], $0xffff;
	_ =	sdelay $0x3  }
0x1d: {  	v3 =	vld [tilespmem:$0x20]  }
0x1e: {  	v52 =	vld [tilespmem:$0xA0];
	[tilespmem:$0x1020] =	vst v2  }
0x1f: {  	v2 =	vld.idx.msk [tilespmem:v1+s7+$0x0], $0xffff;
	_ =	sdelay $0x2  }
0x20: {  	[tilespmem:$0x2000] =	vst v3  }
0x21: {  	[tilespmem:$0x2010] =	vst v52  }
0x22: {  	[tilespmem:$0x1030] =	vst v2  }
0x23: {  	v2 =	vld.idx.msk [tilespmem:v0+s7+$0x0], $0xffff;
	_ =	sdelay $0x4  }
0x24: {  	v3 =	vld [tilespmem:$0x30];
	[tilespmem:$0x1040] =	vst v2  }
0x25: {  	v2 =	vld.idx.msk [tilespmem:v1+s7+$0x0], $0xffff  }
0x26: {  	v53 =	vld [tilespmem:$0xB0];
	_ =	sdelay $0x2  }
0x27: {  	[tilespmem:$0x2000] =	vst v3  }
0x28: {  	[tilespmem:$0x1050] =	vst v2  }
0x29: {  	[tilespmem:$0x2010] =	vst v53  }
0x2a: {  	v2 =	vld.idx.msk [tilespmem:v0+s7+$0x0], $0xffff;
	_ =	sdelay $0x3  }
0x2b: {  	v3 =	vld [tilespmem:$0x40]  }
0x2c: {  	v4 =	vld [tilespmem:$0xC0];
	[tilespmem:$0x1060] =	vst v2  }
0x2d: {  	v2 =	vld.idx.msk [tilespmem:v1+s7+$0x0], $0xffff;
	_ =	sdelay $0x2  }
0x2e: {  	[tilespmem:$0x2000] =	vst v3  }
0x2f: {  	[tilespmem:$0x2010] =	vst v4  }
0x30: {  	[tilespmem:$0x1070] =	vst v2  }
0x31: {  	v2 =	vld.idx.msk [tilespmem:v0+s7+$0x0], $0xffff;
	_ =	sdelay $0x3  }
0x32: {  	v3 =	vld [tilespmem:$0x50]  }
0x33: {  	v54 =	vld [tilespmem:$0xD0];
	[tilespmem:$0x1080] =	vst v2  }
0x34: {  	v2 =	vld.idx.msk [tilespmem:v1+s7+$0x0], $0xffff;
	_ =	sdelay $0x2  }
0x35: {  	[tilespmem:$0x2000] =	vst v3  }
0x36: {  	[tilespmem:$0x2010] =	vst v54  }
0x37: {  	[tilespmem:$0x1090] =	vst v2  }
0x38: {  	v2 =	vld.idx.msk [tilespmem:v0+s7+$0x0], $0xffff;
	_ =	sdelay $0x3  }
0x39: {  	v3 =	vld [tilespmem:$0x60]  }
0x3a: {  	v55 =	vld [tilespmem:$0xE0];
	[tilespmem:$0x10A0] =	vst v2  }
0x3b: {  	v2 =	vld.idx.msk [tilespmem:v1+s7+$0x0], $0xffff;
	_ =	sdelay $0x2  }
0x3c: {  	[tilespmem:$0x2000] =	vst v3  }
0x3d: {  	[tilespmem:$0x2010] =	vst v55  }
0x3e: {  	[tilespmem:$0x10B0] =	vst v2  }
0x3f: {  	v2 =	vld.idx.msk [tilespmem:v0+s7+$0x0], $0xffff;
	_ =	sdelay $0x3  }
0x40: {  	v3 =	vld [tilespmem:$0x70]  }
0x41: {  	v56 =	vld [tilespmem:$0xF0];
	[tilespmem:$0x10C0] =	vst v2  }
0x42: {  	v2 =	vld.idx.msk [tilespmem:v1+s7+$0x0], $0xffff;
	_ =	sdelay $0x2  }
0x43: {  	[tilespmem:$0x2000] =	vst v3  }
0x44: {  	[tilespmem:$0x2010] =	vst v56  }
0x45: {  	[tilespmem:$0x10D0] =	vst v2  }
0x46: {  	v2 =	vld.idx.msk [tilespmem:v0+s7+$0x0], $0xffff;
	_ =	sdelay $0x3  }
0x47: {  	v3 =	vld [tilespmem:$0x100]  }
0x48: {  	v57 =	vld [tilespmem:$0x180];
	[tilespmem:$0x10E0] =	vst v2  }
0x49: {  	v2 =	vld.idx.msk [tilespmem:v1+s7+$0x0], $0xffff;
	_ =	sdelay $0x2  }
0x4a: {  	[tilespmem:$0x2000] =	vst v3  }
0x4b: {  	[tilespmem:$0x2010] =	vst v57  }
0x4c: {  	[tilespmem:$0x10F0] =	vst v2  }
0x4d: {  	v2 =	vld.idx.msk [tilespmem:v0+s7+$0x0], $0xffff;
	_ =	sdelay $0x3  }
0x4e: {  	v3 =	vld [tilespmem:$0x110]  }
0x4f: {  	v58 =	vld [tilespmem:$0x190];
	[tilespmem:$0x1100] =	vst v2  }
0x50: {  	v2 =	vld.idx.msk [tilespmem:v1+s7+$0x0], $0xffff;
	_ =	sdelay $0x2  }
0x51: {  	[tilespmem:$0x2000] =	vst v3  }
0x52: {  	[tilespmem:$0x2010] =	vst v58  }
0x53: {  	[tilespmem:$0x1110] =	vst v2  }
0x54: {  	v2 =	vld.idx.msk [tilespmem:v0+s7+$0x0], $0xffff;
	_ =	sdelay $0x3  }
0x55: {  	v3 =	vld [tilespmem:$0x120]  }
0x56: {  	v59 =	vld [tilespmem:$0x1A0];
	[tilespmem:$0x1120] =	vst v2  }
0x57: {  	v2 =	vld.idx.msk [tilespmem:v1+s7+$0x0], $0xffff;
	_ =	sdelay $0x2  }
0x58: {  	[tilespmem:$0x2000] =	vst v3  }
0x59: {  	[tilespmem:$0x2010] =	vst v59  }
0x5a: {  	[tilespmem:$0x1130] =	vst v2  }
0x5b: {  	v2 =	vld.idx.msk [tilespmem:v0+s7+$0x0], $0xffff;
	_ =	sdelay $0x3  }
0x5c: {  	v3 =	vld [tilespmem:$0x130]  }
0x5d: {  	v60 =	vld [tilespmem:$0x1B0];
	[tilespmem:$0x1140] =	vst v2  }
0x5e: {  	v2 =	vld.idx.msk [tilespmem:v1+s7+$0x0], $0xffff;
	_ =	sdelay $0x2  }
0x5f: {  	[tilespmem:$0x2000] =	vst v3  }
0x60: {  	[tilespmem:$0x2010] =	vst v60  }
0x61: {  	[tilespmem:$0x1150] =	vst v2  }
0x62: {  	v2 =	vld.idx.msk [tilespmem:v0+s7+$0x0], $0xffff;
	_ =	sdelay $0x3  }
0x63: {  	v3 =	vld [tilespmem:$0x140]  }
0x64: {  	v61 =	vld [tilespmem:$0x1C0];
	[tilespmem:$0x1160] =	vst v2  }
0x65: {  	v2 =	vld.idx.msk [tilespmem:v1+s7+$0x0], $0xffff;
	_ =	sdelay $0x2  }
0x66: {  	[tilespmem:$0x2000] =	vst v3  }
0x67: {  	[tilespmem:$0x2010] =	vst v61  }
0x68: {  	[tilespmem:$0x1170] =	vst v2  }
0x69: {  	v2 =	vld.idx.msk [tilespmem:v0+s7+$0x0], $0xffff;
	_ =	sdelay $0x3  }
0x6a: {  	v3 =	vld [tilespmem:$0x150]  }
0x6b: {  	v62 =	vld [tilespmem:$0x1D0];
	[tilespmem:$0x1180] =	vst v2  }
0x6c: {  	v2 =	vld.idx.msk [tilespmem:v1+s7+$0x0], $0xffff;
	_ =	sdelay $0x2  }
0x6d: {  	[tilespmem:$0x2000] =	vst v3  }
0x6e: {  	[tilespmem:$0x2010] =	vst v62  }
0x6f: {  	[tilespmem:$0x1190] =	vst v2  }
0x70: {  	v2 =	vld.idx.msk [tilespmem:v0+s7+$0x0], $0xffff;
	_ =	sdelay $0x3  }
0x71: {  	v3 =	vld [tilespmem:$0x160]  }
0x72: {  	v63 =	vld [tilespmem:$0x1E0];
	[tilespmem:$0x11A0] =	vst v2  }
0x73: {  	v2 =	vld.idx.msk [tilespmem:v1+s7+$0x0], $0xffff;
	_ =	sdelay $0x2  }
0x74: {  	[tilespmem:$0x2000] =	vst v3  }
0x75: {  	[tilespmem:$0x2010] =	vst v63  }
0x76: {  	[tilespmem:$0x11B0] =	vst v2  }
0x77: {  	v2 =	vld.idx.msk [tilespmem:v0+s7+$0x0], $0xffff;
	_ =	sdelay $0x3  }
0x78: {  	v3 =	vld [tilespmem:$0x170]  }
0x79: {  	v8 =	vld [tilespmem:$0x1F0];
	[tilespmem:$0x11C0] =	vst v2  }
0x7a: {  	v2 =	vld.idx.msk [tilespmem:v1+s7+$0x0], $0xffff;
	_ =	sdelay $0x2  }
0x7b: {  	[tilespmem:$0x2000] =	vst v3  }
0x7c: {  	[tilespmem:$0x2010] =	vst v8  }
0x7d: {  	[tilespmem:$0x11D0] =	vst v2  }
0x7e: {  	v2 =	vld.idx.msk [tilespmem:v0+s7+$0x0], $0xffff;
	_ =	sdelay $0x3  }
0x7f: {  	v3 =	vld [tilespmem:$0x200]  }
0x80: {  	v9 =	vld [tilespmem:$0x280];
	[tilespmem:$0x11E0] =	vst v2  }
0x81: {  	v2 =	vld.idx.msk [tilespmem:v1+s7+$0x0], $0xffff;
	_ =	sdelay $0x2  }
0x82: {  	[tilespmem:$0x2000] =	vst v3  }
0x83: {  	[tilespmem:$0x2010] =	vst v9  }
0x84: {  	[tilespmem:$0x11F0] =	vst v2  }
0x85: {  	v2 =	vld.idx.msk [tilespmem:v0+s7+$0x0], $0xffff;
	_ =	sdelay $0x3  }
0x86: {  	v3 =	vld [tilespmem:$0x210]  }
0x87: {  	v10 =	vld [tilespmem:$0x290];
	[tilespmem:$0x1200] =	vst v2  }
0x88: {  	v2 =	vld.idx.msk [tilespmem:v1+s7+$0x0], $0xffff;
	_ =	sdelay $0x2  }
0x89: {  	[tilespmem:$0x2000] =	vst v3  }
0x8a: {  	[tilespmem:$0x2010] =	vst v10  }
0x8b: {  	[tilespmem:$0x1210] =	vst v2  }
0x8c: {  	v2 =	vld.idx.msk [tilespmem:v0+s7+$0x0], $0xffff;
	_ =	sdelay $0x3  }
0x8d: {  	v3 =	vld [tilespmem:$0x220]  }
0x8e: {  	v11 =	vld [tilespmem:$0x2A0];
	[tilespmem:$0x1220] =	vst v2  }
0x8f: {  	v2 =	vld.idx.msk [tilespmem:v1+s7+$0x0], $0xffff;
	_ =	sdelay $0x2  }
0x90: {  	[tilespmem:$0x2000] =	vst v3  }
0x91: {  	[tilespmem:$0x2010] =	vst v11  }
0x92: {  	[tilespmem:$0x1230] =	vst v2  }
0x93: {  	v2 =	vld.idx.msk [tilespmem:v0+s7+$0x0], $0xffff;
	_ =	sdelay $0x3  }
0x94: {  	v3 =	vld [tilespmem:$0x230]  }
0x95: {  	v12 =	vld [tilespmem:$0x2B0];
	[tilespmem:$0x1240] =	vst v2  }
0x96: {  	v2 =	vld.idx.msk [tilespmem:v1+s7+$0x0], $0xffff;
	_ =	sdelay $0x2  }
0x97: {  	[tilespmem:$0x2000] =	vst v3  }
0x98: {  	[tilespmem:$0x2010] =	vst v12  }
0x99: {  	[tilespmem:$0x1250] =	vst v2  }
0x9a: {  	v2 =	vld.idx.msk [tilespmem:v0+s7+$0x0], $0xffff;
	_ =	sdelay $0x3  }
0x9b: {  	v3 =	vld [tilespmem:$0x240]  }
0x9c: {  	v13 =	vld [tilespmem:$0x2C0];
	[tilespmem:$0x1260] =	vst v2  }
0x9d: {  	v2 =	vld.idx.msk [tilespmem:v1+s7+$0x0], $0xffff;
	_ =	sdelay $0x2  }
0x9e: {  	[tilespmem:$0x2000] =	vst v3  }
0x9f: {  	[tilespmem:$0x2010] =	vst v13  }
0xa0: {  	[tilespmem:$0x1270] =	vst v2  }
0xa1: {  	v2 =	vld.idx.msk [tilespmem:v0+s7+$0x0], $0xffff;
	_ =	sdelay $0x3  }
0xa2: {  	v3 =	vld [tilespmem:$0x250]  }
0xa3: {  	v14 =	vld [tilespmem:$0x2D0];
	[tilespmem:$0x1280] =	vst v2  }
0xa4: {  	v2 =	vld.idx.msk [tilespmem:v1+s7+$0x0], $0xffff;
	_ =	sdelay $0x2  }
0xa5: {  	[tilespmem:$0x2000] =	vst v3  }
0xa6: {  	[tilespmem:$0x2010] =	vst v14  }
0xa7: {  	[tilespmem:$0x1290] =	vst v2  }
0xa8: {  	v2 =	vld.idx.msk [tilespmem:v0+s7+$0x0], $0xffff;
	_ =	sdelay $0x3  }
0xa9: {  	v3 =	vld [tilespmem:$0x260]  }
0xaa: {  	v15 =	vld [tilespmem:$0x2E0];
	[tilespmem:$0x12A0] =	vst v2  }
0xab: {  	v2 =	vld.idx.msk [tilespmem:v1+s7+$0x0], $0xffff;
	_ =	sdelay $0x2  }
0xac: {  	[tilespmem:$0x2000] =	vst v3  }
0xad: {  	[tilespmem:$0x2010] =	vst v15  }
0xae: {  	[tilespmem:$0x12B0] =	vst v2  }
0xaf: {  	v2 =	vld.idx.msk [tilespmem:v0+s7+$0x0], $0xffff;
	_ =	sdelay $0x3  }
0xb0: {  	v3 =	vld [tilespmem:$0x270]  }
0xb1: {  	v16 =	vld [tilespmem:$0x2F0];
	[tilespmem:$0x12C0] =	vst v2  }
0xb2: {  	v2 =	vld.idx.msk [tilespmem:v1+s7+$0x0], $0xffff;
	_ =	sdelay $0x2  }
0xb3: {  	[tilespmem:$0x2000] =	vst v3  }
0xb4: {  	[tilespmem:$0x2010] =	vst v16  }
0xb5: {  	[tilespmem:$0x12D0] =	vst v2  }
0xb6: {  	v2 =	vld.idx.msk [tilespmem:v0+s7+$0x0], $0xffff;
	_ =	sdelay $0x3  }
0xb7: {  	v3 =	vld [tilespmem:$0x300]  }
0xb8: {  	v17 =	vld [tilespmem:$0x380];
	[tilespmem:$0x12E0] =	vst v2  }
0xb9: {  	v2 =	vld.idx.msk [tilespmem:v1+s7+$0x0], $0xffff;
	_ =	sdelay $0x2  }
0xba: {  	[tilespmem:$0x2000] =	vst v3  }
0xbb: {  	[tilespmem:$0x2010] =	vst v17  }
0xbc: {  	[tilespmem:$0x12F0] =	vst v2  }
0xbd: {  	v2 =	vld.idx.msk [tilespmem:v0+s7+$0x0], $0xffff;
	_ =	sdelay $0x3  }
0xbe: {  	v3 =	vld [tilespmem:$0x310]  }
0xbf: {  	v18 =	vld [tilespmem:$0x390];
	[tilespmem:$0x1300] =	vst v2  }
0xc0: {  	v2 =	vld.idx.msk [tilespmem:v1+s7+$0x0], $0xffff;
	_ =	sdelay $0x2  }
0xc1: {  	[tilespmem:$0x2000] =	vst v3  }
0xc2: {  	[tilespmem:$0x2010] =	vst v18  }
0xc3: {  	[tilespmem:$0x1310] =	vst v2  }
0xc4: {  	v2 =	vld.idx.msk [tilespmem:v0+s7+$0x0], $0xffff;
	_ =	sdelay $0x3  }
0xc5: {  	v3 =	vld [tilespmem:$0x320]  }
0xc6: {  	v19 =	vld [tilespmem:$0x3A0];
	[tilespmem:$0x1320] =	vst v2  }
0xc7: {  	v2 =	vld.idx.msk [tilespmem:v1+s7+$0x0], $0xffff;
	_ =	sdelay $0x2  }
0xc8: {  	[tilespmem:$0x2000] =	vst v3  }
0xc9: {  	[tilespmem:$0x2010] =	vst v19  }
0xca: {  	[tilespmem:$0x1330] =	vst v2  }
0xcb: {  	v2 =	vld.idx.msk [tilespmem:v0+s7+$0x0], $0xffff;
	_ =	sdelay $0x3  }
0xcc: {  	v3 =	vld [tilespmem:$0x330]  }
0xcd: {  	v20 =	vld [tilespmem:$0x3B0];
	[tilespmem:$0x1340] =	vst v2  }
0xce: {  	v2 =	vld.idx.msk [tilespmem:v1+s7+$0x0], $0xffff;
	_ =	sdelay $0x2  }
0xcf: {  	[tilespmem:$0x2000] =	vst v3  }
0xd0: {  	[tilespmem:$0x2010] =	vst v20  }
0xd1: {  	[tilespmem:$0x1350] =	vst v2  }
0xd2: {  	v2 =	vld.idx.msk [tilespmem:v0+s7+$0x0], $0xffff;
	_ =	sdelay $0x3  }
0xd3: {  	v3 =	vld [tilespmem:$0x340]  }
0xd4: {  	v21 =	vld [tilespmem:$0x3C0];
	[tilespmem:$0x1360] =	vst v2  }
0xd5: {  	v2 =	vld.idx.msk [tilespmem:v1+s7+$0x0], $0xffff;
	_ =	sdelay $0x2  }
0xd6: {  	[tilespmem:$0x2000] =	vst v3  }
0xd7: {  	[tilespmem:$0x2010] =	vst v21  }
0xd8: {  	[tilespmem:$0x1370] =	vst v2  }
0xd9: {  	v2 =	vld.idx.msk [tilespmem:v0+s7+$0x0], $0xffff;
	_ =	sdelay $0x3  }
0xda: {  	v3 =	vld [tilespmem:$0x350]  }
0xdb: {  	v22 =	vld [tilespmem:$0x3D0];
	[tilespmem:$0x1380] =	vst v2  }
0xdc: {  	v2 =	vld.idx.msk [tilespmem:v1+s7+$0x0], $0xffff;
	_ =	sdelay $0x2  }
0xdd: {  	[tilespmem:$0x2000] =	vst v3  }
0xde: {  	[tilespmem:$0x2010] =	vst v22  }
0xdf: {  	[tilespmem:$0x1390] =	vst v2  }
0xe0: {  	v2 =	vld.idx.msk [tilespmem:v0+s7+$0x0], $0xffff;
	_ =	sdelay $0x3  }
0xe1: {  	v3 =	vld [tilespmem:$0x360]  }
0xe2: {  	v23 =	vld [tilespmem:$0x3E0];
	[tilespmem:$0x13A0] =	vst v2  }
0xe3: {  	v2 =	vld.idx.msk [tilespmem:v1+s7+$0x0], $0xffff;
	_ =	sdelay $0x2  }
0xe4: {  	[tilespmem:$0x2000] =	vst v3  }
0xe5: {  	[tilespmem:$0x2010] =	vst v23  }
0xe6: {  	[tilespmem:$0x13B0] =	vst v2  }
0xe7: {  	v2 =	vld.idx.msk [tilespmem:v0+s7+$0x0], $0xffff;
	_ =	sdelay $0x3  }
0xe8: {  	v3 =	vld [tilespmem:$0x370]  }
0xe9: {  	v24 =	vld [tilespmem:$0x3F0];
	[tilespmem:$0x13C0] =	vst v2  }
0xea: {  	v2 =	vld.idx.msk [tilespmem:v1+s7+$0x0], $0xffff;
	_ =	sdelay $0x2  }
0xeb: {  	[tilespmem:$0x2000] =	vst v3  }
0xec: {  	[tilespmem:$0x2010] =	vst v24  }
0xed: {  	[tilespmem:$0x13D0] =	vst v2  }
0xee: {  	v2 =	vld.idx.msk [tilespmem:v0+s7+$0x0], $0xffff;
	_ =	sdelay $0x3  }
0xef: {  	v3 =	vld [tilespmem:$0x400]  }
0xf0: {  	v25 =	vld [tilespmem:$0x480];
	[tilespmem:$0x13E0] =	vst v2  }
0xf1: {  	v2 =	vld.idx.msk [tilespmem:v1+s7+$0x0], $0xffff;
	_ =	sdelay $0x2  }
0xf2: {  	[tilespmem:$0x2000] =	vst v3  }
0xf3: {  	[tilespmem:$0x2010] =	vst v25  }
0xf4: {  	[tilespmem:$0x13F0] =	vst v2  }
0xf5: {  	v2 =	vld.idx.msk [tilespmem:v0+s7+$0x0], $0xffff;
	_ =	sdelay $0x3  }
0xf6: {  	v3 =	vld [tilespmem:$0x410]  }
0xf7: {  	v26 =	vld [tilespmem:$0x490];
	[tilespmem:$0x1400] =	vst v2  }
0xf8: {  	v2 =	vld.idx.msk [tilespmem:v1+s7+$0x0], $0xffff;
	_ =	sdelay $0x2  }
0xf9: {  	[tilespmem:$0x2000] =	vst v3  }
0xfa: {  	[tilespmem:$0x2010] =	vst v26  }
0xfb: {  	[tilespmem:$0x1410] =	vst v2  }
0xfc: {  	v2 =	vld.idx.msk [tilespmem:v0+s7+$0x0], $0xffff;
	_ =	sdelay $0x3  }
0xfd: {  	v3 =	vld [tilespmem:$0x420]  }
0xfe: {  	v27 =	vld [tilespmem:$0x4A0];
	[tilespmem:$0x1420] =	vst v2  }
0xff: {  	v2 =	vld.idx.msk [tilespmem:v1+s7+$0x0], $0xffff;
	_ =	sdelay $0x2  }
0x100: {  	[tilespmem:$0x2000] =	vst v3  }
0x101: {  	[tilespmem:$0x2010] =	vst v27  }
0x102: {  	[tilespmem:$0x1430] =	vst v2  }
0x103: {  	v2 =	vld.idx.msk [tilespmem:v0+s7+$0x0], $0xffff;
	_ =	sdelay $0x3  }
0x104: {  	v3 =	vld [tilespmem:$0x430]  }
0x105: {  	v28 =	vld [tilespmem:$0x4B0];
	[tilespmem:$0x1440] =	vst v2  }
0x106: {  	v2 =	vld.idx.msk [tilespmem:v1+s7+$0x0], $0xffff;
	_ =	sdelay $0x2  }
0x107: {  	[tilespmem:$0x2000] =	vst v3  }
0x108: {  	[tilespmem:$0x2010] =	vst v28  }
0x109: {  	[tilespmem:$0x1450] =	vst v2  }
0x10a: {  	v2 =	vld.idx.msk [tilespmem:v0+s7+$0x0], $0xffff;
	_ =	sdelay $0x3  }
0x10b: {  	v3 =	vld [tilespmem:$0x440]  }
0x10c: {  	v29 =	vld [tilespmem:$0x4C0];
	[tilespmem:$0x1460] =	vst v2  }
0x10d: {  	v2 =	vld.idx.msk [tilespmem:v1+s7+$0x0], $0xffff;
	_ =	sdelay $0x2  }
0x10e: {  	[tilespmem:$0x2000] =	vst v3  }
0x10f: {  	[tilespmem:$0x2010] =	vst v29  }
0x110: {  	[tilespmem:$0x1470] =	vst v2  }
0x111: {  	v2 =	vld.idx.msk [tilespmem:v0+s7+$0x0], $0xffff;
	_ =	sdelay $0x3  }
0x112: {  	v3 =	vld [tilespmem:$0x450]  }
0x113: {  	v30 =	vld [tilespmem:$0x4D0];
	[tilespmem:$0x1480] =	vst v2  }
0x114: {  	v2 =	vld.idx.msk [tilespmem:v1+s7+$0x0], $0xffff;
	_ =	sdelay $0x2  }
0x115: {  	[tilespmem:$0x2000] =	vst v3  }
0x116: {  	[tilespmem:$0x2010] =	vst v30  }
0x117: {  	[tilespmem:$0x1490] =	vst v2  }
0x118: {  	v2 =	vld.idx.msk [tilespmem:v0+s7+$0x0], $0xffff;
	_ =	sdelay $0x3  }
0x119: {  	v3 =	vld [tilespmem:$0x460]  }
0x11a: {  	v31 =	vld [tilespmem:$0x4E0];
	[tilespmem:$0x14A0] =	vst v2  }
0x11b: {  	v2 =	vld.idx.msk [tilespmem:v1+s7+$0x0], $0xffff;
	_ =	sdelay $0x2  }
0x11c: {  	[tilespmem:$0x2000] =	vst v3  }
0x11d: {  	[tilespmem:$0x2010] =	vst v31  }
0x11e: {  	[tilespmem:$0x14B0] =	vst v2  }
0x11f: {  	v2 =	vld.idx.msk [tilespmem:v0+s7+$0x0], $0xffff;
	_ =	sdelay $0x3  }
0x120: {  	v3 =	vld [tilespmem:$0x470]  }
0x121: {  	v32 =	vld [tilespmem:$0x4F0];
	[tilespmem:$0x14C0] =	vst v2  }
0x122: {  	v2 =	vld.idx.msk [tilespmem:v1+s7+$0x0], $0xffff;
	_ =	sdelay $0x2  }
0x123: {  	[tilespmem:$0x2000] =	vst v3  }
0x124: {  	[tilespmem:$0x2010] =	vst v32  }
0x125: {  	[tilespmem:$0x14D0] =	vst v2  }
0x126: {  	v2 =	vld.idx.msk [tilespmem:v0+s7+$0x0], $0xffff;
	_ =	sdelay $0x3  }
0x127: {  	v3 =	vld [tilespmem:$0x500]  }
0x128: {  	v33 =	vld [tilespmem:$0x580];
	[tilespmem:$0x14E0] =	vst v2  }
0x129: {  	v2 =	vld.idx.msk [tilespmem:v1+s7+$0x0], $0xffff;
	_ =	sdelay $0x2  }
0x12a: {  	[tilespmem:$0x2000] =	vst v3  }
0x12b: {  	[tilespmem:$0x2010] =	vst v33  }
0x12c: {  	[tilespmem:$0x14F0] =	vst v2  }
0x12d: {  	v2 =	vld.idx.msk [tilespmem:v0+s7+$0x0], $0xffff;
	_ =	sdelay $0x3  }
0x12e: {  	v3 =	vld [tilespmem:$0x510]  }
0x12f: {  	v34 =	vld [tilespmem:$0x590];
	[tilespmem:$0x1500] =	vst v2  }
0x130: {  	v2 =	vld.idx.msk [tilespmem:v1+s7+$0x0], $0xffff;
	_ =	sdelay $0x2  }
0x131: {  	[tilespmem:$0x2000] =	vst v3  }
0x132: {  	[tilespmem:$0x2010] =	vst v34  }
0x133: {  	[tilespmem:$0x1510] =	vst v2  }
0x134: {  	v2 =	vld.idx.msk [tilespmem:v0+s7+$0x0], $0xffff;
	_ =	sdelay $0x3  }
0x135: {  	v3 =	vld [tilespmem:$0x520]  }
0x136: {  	v35 =	vld [tilespmem:$0x5A0];
	[tilespmem:$0x1520] =	vst v2  }
0x137: {  	v2 =	vld.idx.msk [tilespmem:v1+s7+$0x0], $0xffff;
	_ =	sdelay $0x2  }
0x138: {  	[tilespmem:$0x2000] =	vst v3  }
0x139: {  	[tilespmem:$0x2010] =	vst v35  }
0x13a: {  	[tilespmem:$0x1530] =	vst v2  }
0x13b: {  	v2 =	vld.idx.msk [tilespmem:v0+s7+$0x0], $0xffff;
	_ =	sdelay $0x3  }
0x13c: {  	v3 =	vld [tilespmem:$0x530]  }
0x13d: {  	v36 =	vld [tilespmem:$0x5B0];
	[tilespmem:$0x1540] =	vst v2  }
0x13e: {  	v2 =	vld.idx.msk [tilespmem:v1+s7+$0x0], $0xffff;
	_ =	sdelay $0x2  }
0x13f: {  	[tilespmem:$0x2000] =	vst v3  }
0x140: {  	[tilespmem:$0x2010] =	vst v36  }
0x141: {  	[tilespmem:$0x1550] =	vst v2  }
0x142: {  	v2 =	vld.idx.msk [tilespmem:v0+s7+$0x0], $0xffff;
	_ =	sdelay $0x3  }
0x143: {  	v3 =	vld [tilespmem:$0x540]  }
0x144: {  	v37 =	vld [tilespmem:$0x5C0];
	[tilespmem:$0x1560] =	vst v2  }
0x145: {  	v2 =	vld.idx.msk [tilespmem:v1+s7+$0x0], $0xffff;
	_ =	sdelay $0x2  }
0x146: {  	[tilespmem:$0x2000] =	vst v3  }
0x147: {  	[tilespmem:$0x2010] =	vst v37  }
0x148: {  	[tilespmem:$0x1570] =	vst v2  }
0x149: {  	v2 =	vld.idx.msk [tilespmem:v0+s7+$0x0], $0xffff;
	_ =	sdelay $0x3  }
0x14a: {  	v3 =	vld [tilespmem:$0x550]  }
0x14b: {  	v38 =	vld [tilespmem:$0x5D0];
	[tilespmem:$0x1580] =	vst v2  }
0x14c: {  	v2 =	vld.idx.msk [tilespmem:v1+s7+$0x0], $0xffff;
	_ =	sdelay $0x2  }
0x14d: {  	[tilespmem:$0x2000] =	vst v3  }
0x14e: {  	[tilespmem:$0x2010] =	vst v38  }
0x14f: {  	[tilespmem:$0x1590] =	vst v2  }
0x150: {  	v2 =	vld.idx.msk [tilespmem:v0+s7+$0x0], $0xffff;
	_ =	sdelay $0x3  }
0x151: {  	v3 =	vld [tilespmem:$0x560]  }
0x152: {  	v39 =	vld [tilespmem:$0x5E0];
	[tilespmem:$0x15A0] =	vst v2  }
0x153: {  	v2 =	vld.idx.msk [tilespmem:v1+s7+$0x0], $0xffff;
	_ =	sdelay $0x2  }
0x154: {  	[tilespmem:$0x2000] =	vst v3  }
0x155: {  	[tilespmem:$0x2010] =	vst v39  }
0x156: {  	[tilespmem:$0x15B0] =	vst v2  }
0x157: {  	v2 =	vld.idx.msk [tilespmem:v0+s7+$0x0], $0xffff;
	_ =	sdelay $0x3  }
0x158: {  	v3 =	vld [tilespmem:$0x570]  }
0x159: {  	v40 =	vld [tilespmem:$0x5F0];
	[tilespmem:$0x15C0] =	vst v2  }
0x15a: {  	v2 =	vld.idx.msk [tilespmem:v1+s7+$0x0], $0xffff;
	_ =	sdelay $0x2  }
0x15b: {  	[tilespmem:$0x2000] =	vst v3  }
0x15c: {  	[tilespmem:$0x2010] =	vst v40  }
0x15d: {  	[tilespmem:$0x15D0] =	vst v2  }
0x15e: {  	v2 =	vld.idx.msk [tilespmem:v0+s7+$0x0], $0xffff;
	_ =	sdelay $0x3  }
0x15f: {  	v3 =	vld [tilespmem:$0x600]  }
0x160: {  	v41 =	vld [tilespmem:$0x680];
	[tilespmem:$0x15E0] =	vst v2  }
0x161: {  	v2 =	vld.idx.msk [tilespmem:v1+s7+$0x0], $0xffff;
	_ =	sdelay $0x2  }
0x162: {  	[tilespmem:$0x2000] =	vst v3  }
0x163: {  	[tilespmem:$0x2010] =	vst v41  }
0x164: {  	[tilespmem:$0x15F0] =	vst v2  }
0x165: {  	v2 =	vld.idx.msk [tilespmem:v0+s7+$0x0], $0xffff;
	_ =	sdelay $0x3  }
0x166: {  	v3 =	vld [tilespmem:$0x610]  }
0x167: {  	v42 =	vld [tilespmem:$0x690];
	[tilespmem:$0x1600] =	vst v2  }
0x168: {  	v2 =	vld.idx.msk [tilespmem:v1+s7+$0x0], $0xffff;
	_ =	sdelay $0x2  }
0x169: {  	[tilespmem:$0x2000] =	vst v3  }
0x16a: {  	[tilespmem:$0x2010] =	vst v42  }
0x16b: {  	[tilespmem:$0x1610] =	vst v2  }
0x16c: {  	v2 =	vld.idx.msk [tilespmem:v0+s7+$0x0], $0xffff;
	_ =	sdelay $0x3  }
0x16d: {  	v3 =	vld [tilespmem:$0x620]  }
0x16e: {  	v43 =	vld [tilespmem:$0x6A0];
	[tilespmem:$0x1620] =	vst v2  }
0x16f: {  	v2 =	vld.idx.msk [tilespmem:v1+s7+$0x0], $0xffff;
	_ =	sdelay $0x2  }
0x170: {  	[tilespmem:$0x2000] =	vst v3  }
0x171: {  	[tilespmem:$0x2010] =	vst v43  }
0x172: {  	[tilespmem:$0x1630] =	vst v2  }
0x173: {  	v2 =	vld.idx.msk [tilespmem:v0+s7+$0x0], $0xffff;
	_ =	sdelay $0x3  }
0x174: {  	v3 =	vld [tilespmem:$0x630]  }
0x175: {  	v44 =	vld [tilespmem:$0x6B0];
	[tilespmem:$0x1640] =	vst v2  }
0x176: {  	v2 =	vld.idx.msk [tilespmem:v1+s7+$0x0], $0xffff;
	_ =	sdelay $0x2  }
0x177: {  	[tilespmem:$0x2000] =	vst v3  }
0x178: {  	[tilespmem:$0x2010] =	vst v44  }
0x179: {  	[tilespmem:$0x1650] =	vst v2  }
0x17a: {  	v2 =	vld.idx.msk [tilespmem:v0+s7+$0x0], $0xffff;
	_ =	sdelay $0x3  }
0x17b: {  	v3 =	vld [tilespmem:$0x640]  }
0x17c: {  	v45 =	vld [tilespmem:$0x6C0];
	[tilespmem:$0x1660] =	vst v2  }
0x17d: {  	v2 =	vld.idx.msk [tilespmem:v1+s7+$0x0], $0xffff;
	_ =	sdelay $0x2  }
0x17e: {  	[tilespmem:$0x2000] =	vst v3  }
0x17f: {  	[tilespmem:$0x2010] =	vst v45  }
0x180: {  	[tilespmem:$0x1670] =	vst v2  }
0x181: {  	v2 =	vld.idx.msk [tilespmem:v0+s7+$0x0], $0xffff;
	_ =	sdelay $0x3  }
0x182: {  	v3 =	vld [tilespmem:$0x650]  }
0x183: {  	v46 =	vld [tilespmem:$0x6D0];
	[tilespmem:$0x1680] =	vst v2  }
0x184: {  	v2 =	vld.idx.msk [tilespmem:v1+s7+$0x0], $0xffff;
	_ =	sdelay $0x2  }
0x185: {  	[tilespmem:$0x2000] =	vst v3  }
0x186: {  	[tilespmem:$0x2010] =	vst v46  }
0x187: {  	[tilespmem:$0x1690] =	vst v2  }
0x188: {  	v2 =	vld.idx.msk [tilespmem:v0+s7+$0x0], $0xffff;
	_ =	sdelay $0x3  }
0x189: {  	v3 =	vld [tilespmem:$0x660]  }
0x18a: {  	v47 =	vld [tilespmem:$0x6E0];
	[tilespmem:$0x16A0] =	vst v2  }
0x18b: {  	v2 =	vld.idx.msk [tilespmem:v1+s7+$0x0], $0xffff;
	_ =	sdelay $0x2  }
0x18c: {  	[tilespmem:$0x2000] =	vst v3  }
0x18d: {  	[tilespmem:$0x2010] =	vst v47  }
0x18e: {  	[tilespmem:$0x16B0] =	vst v2  }
0x18f: {  	v2 =	vld.idx.msk [tilespmem:v0+s7+$0x0], $0xffff;
	_ =	sdelay $0x3  }
0x190: {  	v3 =	vld [tilespmem:$0x670]  }
0x191: {  	v48 =	vld [tilespmem:$0x6F0];
	[tilespmem:$0x16C0] =	vst v2  }
0x192: {  	v2 =	vld.idx.msk [tilespmem:v1+s7+$0x0], $0xffff;
	_ =	sdelay $0x2  }
0x193: {  	[tilespmem:$0x2000] =	vst v3  }
0x194: {  	[tilespmem:$0x2010] =	vst v48  }
0x195: {  	[tilespmem:$0x16D0] =	vst v2  }
0x196: {  	v2 =	vld.idx.msk [tilespmem:v0+s7+$0x0], $0xffff;
	_ =	sdelay $0x3  }
0x197: {  	v3 =	vld [tilespmem:$0x700]  }
0x198: {  	v49 =	vld [tilespmem:$0x780];
	[tilespmem:$0x16E0] =	vst v2  }
0x199: {  	v2 =	vld.idx.msk [tilespmem:v1+s7+$0x0], $0xffff;
	_ =	sdelay $0x2  }
0x19a: {  	[tilespmem:$0x2000] =	vst v3  }
0x19b: {  	[tilespmem:$0x2010] =	vst v49  }
0x19c: {  	[tilespmem:$0x16F0] =	vst v2  }
0x19d: {  	v2 =	vld.idx.msk [tilespmem:v0+s7+$0x0], $0xffff;
	_ =	sdelay $0x3  }
0x19e: {  	v3 =	vld [tilespmem:$0x710]  }
0x19f: {  	v50 =	vld [tilespmem:$0x790];
	[tilespmem:$0x1700] =	vst v2  }
0x1a0: {  	v2 =	vld.idx.msk [tilespmem:v1+s7+$0x0], $0xffff;
	_ =	sdelay $0x2  }
0x1a1: {  	[tilespmem:$0x2000] =	vst v3  }
0x1a2: {  	[tilespmem:$0x2010] =	vst v50  }
0x1a3: {  	[tilespmem:$0x1710] =	vst v2  }
0x1a4: {  	v2 =	vld.idx.msk [tilespmem:v0+s7+$0x0], $0xffff;
	_ =	sdelay $0x3  }
0x1a5: {  	v3 =	vld [tilespmem:$0x720]  }
0x1a6: {  	v51 =	vld [tilespmem:$0x7A0];
	[tilespmem:$0x1720] =	vst v2  }
0x1a7: {  	v2 =	vld.idx.msk [tilespmem:v1+s7+$0x0], $0xffff;
	_ =	sdelay $0x2  }
0x1a8: {  	[tilespmem:$0x2000] =	vst v3  }
0x1a9: {  	[tilespmem:$0x2010] =	vst v51  }
0x1aa: {  	[tilespmem:$0x1730] =	vst v2  }
0x1ab: {  	v2 =	vld.idx.msk [tilespmem:v0+s7+$0x0], $0xffff;
	_ =	sdelay $0x3  }
0x1ac: {  	v3 =	vld [tilespmem:$0x730]  }
0x1ad: {  	v52 =	vld [tilespmem:$0x7B0];
	[tilespmem:$0x1740] =	vst v2  }
0x1ae: {  	v2 =	vld.idx.msk [tilespmem:v1+s7+$0x0], $0xffff;
	_ =	sdelay $0x2  }
0x1af: {  	[tilespmem:$0x2000] =	vst v3  }
0x1b0: {  	[tilespmem:$0x2010] =	vst v52  }
0x1b1: {  	[tilespmem:$0x1750] =	vst v2  }
0x1b2: {  	v2 =	vld.idx.msk [tilespmem:v0+s7+$0x0], $0xffff;
	_ =	sdelay $0x3  }
0x1b3: {  	v3 =	vld [tilespmem:$0x740]  }
0x1b4: {  	v53 =	vld [tilespmem:$0x7C0];
	[tilespmem:$0x1760] =	vst v2  }
0x1b5: {  	v2 =	vld.idx.msk [tilespmem:v1+s7+$0x0], $0xffff;
	_ =	sdelay $0x2  }
0x1b6: {  	[tilespmem:$0x2000] =	vst v3  }
0x1b7: {  	[tilespmem:$0x2010] =	vst v53  }
0x1b8: {  	[tilespmem:$0x1770] =	vst v2  }
0x1b9: {  	v2 =	vld.idx.msk [tilespmem:v0+s7+$0x0], $0xffff;
	_ =	sdelay $0x3  }
0x1ba: {  	v3 =	vld [tilespmem:$0x750]  }
0x1bb: {  	v54 =	vld [tilespmem:$0x7D0];
	[tilespmem:$0x1780] =	vst v2  }
0x1bc: {  	v2 =	vld.idx.msk [tilespmem:v1+s7+$0x0], $0xffff;
	_ =	sdelay $0x2  }
0x1bd: {  	[tilespmem:$0x2000] =	vst v3  }
0x1be: {  	[tilespmem:$0x2010] =	vst v54  }
0x1bf: {  	[tilespmem:$0x1790] =	vst v2  }
0x1c0: {  	v2 =	vld.idx.msk [tilespmem:v0+s7+$0x0], $0xffff;
	_ =	sdelay $0x3  }
0x1c1: {  	v3 =	vld [tilespmem:$0x760]  }
0x1c2: {  	v55 =	vld [tilespmem:$0x7E0];
	[tilespmem:$0x17A0] =	vst v2  }
0x1c3: {  	v2 =	vld.idx.msk [tilespmem:v1+s7+$0x0], $0xffff;
	_ =	sdelay $0x2  }
0x1c4: {  	[tilespmem:$0x2000] =	vst v3  }
0x1c5: {  	[tilespmem:$0x2010] =	vst v55  }
0x1c6: {  	[tilespmem:$0x17B0] =	vst v2  }
0x1c7: {  	v2 =	vld.idx.msk [tilespmem:v0+s7+$0x0], $0xffff;
	_ =	sdelay $0x3  }
0x1c8: {  	v3 =	vld [tilespmem:$0x770]  }
0x1c9: {  	v56 =	vld [tilespmem:$0x7F0];
	[tilespmem:$0x17C0] =	vst v2  }
0x1ca: {  	v2 =	vld.idx.msk [tilespmem:v1+s7+$0x0], $0xffff;
	_ =	sdelay $0x2  }
0x1cb: {  	[tilespmem:$0x2000] =	vst v3  }
0x1cc: {  	[tilespmem:$0x2010] =	vst v56  }
0x1cd: {  	[tilespmem:$0x17D0] =	vst v2  }
0x1ce: {  	v2 =	vld.idx.msk [tilespmem:v0+s7+$0x0], $0xffff;
	_ =	sdelay $0x3  }
0x1cf: {  	v3 =	vld [tilespmem:$0x800]  }
0x1d0: {  	v57 =	vld [tilespmem:$0x880];
	[tilespmem:$0x17E0] =	vst v2  }
0x1d1: {  	v2 =	vld.idx.msk [tilespmem:v1+s7+$0x0], $0xffff;
	_ =	sdelay $0x2  }
0x1d2: {  	[tilespmem:$0x2000] =	vst v3  }
0x1d3: {  	[tilespmem:$0x2010] =	vst v57  }
0x1d4: {  	[tilespmem:$0x17F0] =	vst v2  }
0x1d5: {  	v2 =	vld.idx.msk [tilespmem:v0+s7+$0x0], $0xffff;
	_ =	sdelay $0x3  }
0x1d6: {  	v3 =	vld [tilespmem:$0x810]  }
0x1d7: {  	v58 =	vld [tilespmem:$0x890];
	[tilespmem:$0x1800] =	vst v2  }
0x1d8: {  	v2 =	vld.idx.msk [tilespmem:v1+s7+$0x0], $0xffff;
	_ =	sdelay $0x2  }
0x1d9: {  	[tilespmem:$0x2000] =	vst v3  }
0x1da: {  	[tilespmem:$0x2010] =	vst v58  }
0x1db: {  	[tilespmem:$0x1810] =	vst v2  }
0x1dc: {  	v2 =	vld.idx.msk [tilespmem:v0+s7+$0x0], $0xffff;
	_ =	sdelay $0x4  }
0x1dd: {  	[tilespmem:$0x1820] =	vst v2  }
0x1de: {  	v2 =	vld.idx.msk [tilespmem:v1+s7+$0x0], $0xffff;
	_ =	sdelay $0x4  }
0x1df: {  	[tilespmem:$0x1830] =	vst v2  }
0x1e0: {  	v2 =	vld [tilespmem:$0x820]  }
0x1e1: {  	v3 =	vld [tilespmem:$0x8A0];
	_ =	sdelay $0x3  }
0x1e2: {  	[tilespmem:$0x2000] =	vst v2  }
0x1e3: {  	[tilespmem:$0x2010] =	vst v3  }
0x1e4: {  	v2 =	vld.idx.msk [tilespmem:v0+s7+$0x0], $0xffff;
	_ =	sdelay $0x3  }
0x1e5: {  	v3 =	vld [tilespmem:$0x830]  }
0x1e6: {  	v59 =	vld [tilespmem:$0x8B0];
	[tilespmem:$0x1840] =	vst v2  }
0x1e7: {  	v2 =	vld.idx.msk [tilespmem:v1+s7+$0x0], $0xffff;
	_ =	sdelay $0x2  }
0x1e8: {  	[tilespmem:$0x2000] =	vst v3  }
0x1e9: {  	[tilespmem:$0x2010] =	vst v59  }
0x1ea: {  	[tilespmem:$0x1850] =	vst v2  }
0x1eb: {  	v2 =	vld.idx.msk [tilespmem:v0+s7+$0x0], $0xffff;
	_ =	sdelay $0x3  }
0x1ec: {  	v3 =	vld [tilespmem:$0x840]  }
0x1ed: {  	v60 =	vld [tilespmem:$0x8C0];
	[tilespmem:$0x1860] =	vst v2  }
0x1ee: {  	v2 =	vld.idx.msk [tilespmem:v1+s7+$0x0], $0xffff;
	_ =	sdelay $0x2  }
0x1ef: {  	[tilespmem:$0x2000] =	vst v3  }
0x1f0: {  	[tilespmem:$0x2010] =	vst v60  }
0x1f1: {  	[tilespmem:$0x1870] =	vst v2  }
0x1f2: {  	v2 =	vld.idx.msk [tilespmem:v0+s7+$0x0], $0xffff;
	_ =	sdelay $0x3  }
0x1f3: {  	v3 =	vld [tilespmem:$0x850]  }
0x1f4: {  	v61 =	vld [tilespmem:$0x8D0];
	[tilespmem:$0x1880] =	vst v2  }
0x1f5: {  	v2 =	vld.idx.msk [tilespmem:v1+s7+$0x0], $0xffff;
	_ =	sdelay $0x2  }
0x1f6: {  	[tilespmem:$0x2000] =	vst v3  }
0x1f7: {  	[tilespmem:$0x2010] =	vst v61  }
0x1f8: {  	[tilespmem:$0x1890] =	vst v2  }
0x1f9: {  	v2 =	vld.idx.msk [tilespmem:v0+s7+$0x0], $0xffff;
	_ =	sdelay $0x3  }
0x1fa: {  	v3 =	vld [tilespmem:$0x860]  }
0x1fb: {  	v62 =	vld [tilespmem:$0x8E0];
	[tilespmem:$0x18A0] =	vst v2  }
0x1fc: {  	v2 =	vld.idx.msk [tilespmem:v1+s7+$0x0], $0xffff;
	_ =	sdelay $0x2  }
0x1fd: {  	[tilespmem:$0x2000] =	vst v3  }
0x1fe: {  	[tilespmem:$0x2010] =	vst v62  }
0x1ff: {  	[tilespmem:$0x18B0] =	vst v2  }
0x200: {  	v2 =	vld.idx.msk [tilespmem:v0+s7+$0x0], $0xffff;
	_ =	sdelay $0x3  }
0x201: {  	v3 =	vld [tilespmem:$0x870]  }
0x202: {  	v63 =	vld [tilespmem:$0x8F0];
	[tilespmem:$0x18C0] =	vst v2  }
0x203: {  	v2 =	vld.idx.msk [tilespmem:v1+s7+$0x0], $0xffff;
	_ =	sdelay $0x2  }
0x204: {  	[tilespmem:$0x2000] =	vst v3  }
0x205: {  	[tilespmem:$0x2010] =	vst v63  }
0x206: {  	[tilespmem:$0x18D0] =	vst v2  }
0x207: {  	v2 =	vld.idx.msk [tilespmem:v0+s7+$0x0], $0xffff;
	_ =	sdelay $0x3  }
0x208: {  	v3 =	vld [tilespmem:$0x900]  }
0x209: {  	v8 =	vld [tilespmem:$0x980];
	[tilespmem:$0x18E0] =	vst v2  }
0x20a: {  	v2 =	vld.idx.msk [tilespmem:v1+s7+$0x0], $0xffff;
	_ =	sdelay $0x2  }
0x20b: {  	[tilespmem:$0x2000] =	vst v3  }
0x20c: {  	[tilespmem:$0x2010] =	vst v8  }
0x20d: {  	[tilespmem:$0x18F0] =	vst v2  }
0x20e: {  	v2 =	vld.idx.msk [tilespmem:v0+s7+$0x0], $0xffff;
	_ =	sdelay $0x3  }
0x20f: {  	v3 =	vld [tilespmem:$0x910]  }
0x210: {  	v9 =	vld [tilespmem:$0x990];
	[tilespmem:$0x1900] =	vst v2  }
0x211: {  	v2 =	vld.idx.msk [tilespmem:v1+s7+$0x0], $0xffff;
	_ =	sdelay $0x2  }
0x212: {  	[tilespmem:$0x2000] =	vst v3  }
0x213: {  	[tilespmem:$0x2010] =	vst v9  }
0x214: {  	[tilespmem:$0x1910] =	vst v2  }
0x215: {  	v2 =	vld.idx.msk [tilespmem:v0+s7+$0x0], $0xffff;
	_ =	sdelay $0x3  }
0x216: {  	v3 =	vld [tilespmem:$0x920]  }
0x217: {  	v10 =	vld [tilespmem:$0x9A0];
	[tilespmem:$0x1920] =	vst v2  }
0x218: {  	v2 =	vld.idx.msk [tilespmem:v1+s7+$0x0], $0xffff;
	_ =	sdelay $0x2  }
0x219: {  	[tilespmem:$0x2000] =	vst v3  }
0x21a: {  	[tilespmem:$0x2010] =	vst v10  }
0x21b: {  	[tilespmem:$0x1930] =	vst v2  }
0x21c: {  	v2 =	vld.idx.msk [tilespmem:v0+s7+$0x0], $0xffff;
	_ =	sdelay $0x3  }
0x21d: {  	v3 =	vld [tilespmem:$0x930]  }
0x21e: {  	v11 =	vld [tilespmem:$0x9B0];
	[tilespmem:$0x1940] =	vst v2  }
0x21f: {  	v2 =	vld.idx.msk [tilespmem:v1+s7+$0x0], $0xffff;
	_ =	sdelay $0x2  }
0x220: {  	[tilespmem:$0x2000] =	vst v3  }
0x221: {  	[tilespmem:$0x2010] =	vst v11  }
0x222: {  	[tilespmem:$0x1950] =	vst v2  }
0x223: {  	v2 =	vld.idx.msk [tilespmem:v0+s7+$0x0], $0xffff;
	_ =	sdelay $0x3  }
0x224: {  	v3 =	vld [tilespmem:$0x940]  }
0x225: {  	v12 =	vld [tilespmem:$0x9C0];
	[tilespmem:$0x1960] =	vst v2  }
0x226: {  	v2 =	vld.idx.msk [tilespmem:v1+s7+$0x0], $0xffff;
	_ =	sdelay $0x2  }
0x227: {  	[tilespmem:$0x2000] =	vst v3  }
0x228: {  	[tilespmem:$0x2010] =	vst v12  }
0x229: {  	[tilespmem:$0x1970] =	vst v2  }
0x22a: {  	v2 =	vld.idx.msk [tilespmem:v0+s7+$0x0], $0xffff;
	_ =	sdelay $0x3  }
0x22b: {  	v3 =	vld [tilespmem:$0x950]  }
0x22c: {  	v13 =	vld [tilespmem:$0x9D0];
	[tilespmem:$0x1980] =	vst v2  }
0x22d: {  	v2 =	vld.idx.msk [tilespmem:v1+s7+$0x0], $0xffff;
	_ =	sdelay $0x2  }
0x22e: {  	[tilespmem:$0x2000] =	vst v3  }
0x22f: {  	[tilespmem:$0x2010] =	vst v13  }
0x230: {  	[tilespmem:$0x1990] =	vst v2  }
0x231: {  	v2 =	vld.idx.msk [tilespmem:v0+s7+$0x0], $0xffff;
	_ =	sdelay $0x3  }
0x232: {  	v3 =	vld [tilespmem:$0x960]  }
0x233: {  	v14 =	vld [tilespmem:$0x9E0];
	[tilespmem:$0x19A0] =	vst v2  }
0x234: {  	v2 =	vld.idx.msk [tilespmem:v1+s7+$0x0], $0xffff;
	_ =	sdelay $0x2  }
0x235: {  	[tilespmem:$0x2000] =	vst v3  }
0x236: {  	[tilespmem:$0x2010] =	vst v14  }
0x237: {  	[tilespmem:$0x19B0] =	vst v2  }
0x238: {  	v2 =	vld.idx.msk [tilespmem:v0+s7+$0x0], $0xffff;
	_ =	sdelay $0x3  }
0x239: {  	v3 =	vld [tilespmem:$0x970]  }
0x23a: {  	v15 =	vld [tilespmem:$0x9F0];
	[tilespmem:$0x19C0] =	vst v2  }
0x23b: {  	v2 =	vld.idx.msk [tilespmem:v1+s7+$0x0], $0xffff;
	_ =	sdelay $0x2  }
0x23c: {  	[tilespmem:$0x2000] =	vst v3  }
0x23d: {  	[tilespmem:$0x2010] =	vst v15  }
0x23e: {  	[tilespmem:$0x19D0] =	vst v2  }
0x23f: {  	v2 =	vld.idx.msk [tilespmem:v0+s7+$0x0], $0xffff;
	_ =	sdelay $0x3  }
0x240: {  	v3 =	vld [tilespmem:$0xA00]  }
0x241: {  	v16 =	vld [tilespmem:$0xA80];
	[tilespmem:$0x19E0] =	vst v2  }
0x242: {  	v2 =	vld.idx.msk [tilespmem:v1+s7+$0x0], $0xffff;
	_ =	sdelay $0x2  }
0x243: {  	[tilespmem:$0x2000] =	vst v3  }
0x244: {  	[tilespmem:$0x2010] =	vst v16  }
0x245: {  	[tilespmem:$0x19F0] =	vst v2  }
0x246: {  	v2 =	vld.idx.msk [tilespmem:v0+s7+$0x0], $0xffff;
	_ =	sdelay $0x3  }
0x247: {  	v3 =	vld [tilespmem:$0xA10]  }
0x248: {  	v17 =	vld [tilespmem:$0xA90];
	[tilespmem:$0x1A00] =	vst v2  }
0x249: {  	v2 =	vld.idx.msk [tilespmem:v1+s7+$0x0], $0xffff;
	_ =	sdelay $0x2  }
0x24a: {  	[tilespmem:$0x2000] =	vst v3  }
0x24b: {  	[tilespmem:$0x2010] =	vst v17  }
0x24c: {  	[tilespmem:$0x1A10] =	vst v2  }
0x24d: {  	v2 =	vld.idx.msk [tilespmem:v0+s7+$0x0], $0xffff;
	_ =	sdelay $0x3  }
0x24e: {  	v3 =	vld [tilespmem:$0xA20]  }
0x24f: {  	v18 =	vld [tilespmem:$0xAA0];
	[tilespmem:$0x1A20] =	vst v2  }
0x250: {  	v2 =	vld.idx.msk [tilespmem:v1+s7+$0x0], $0xffff;
	_ =	sdelay $0x2  }
0x251: {  	[tilespmem:$0x2000] =	vst v3  }
0x252: {  	[tilespmem:$0x2010] =	vst v18  }
0x253: {  	[tilespmem:$0x1A30] =	vst v2  }
0x254: {  	v2 =	vld.idx.msk [tilespmem:v0+s7+$0x0], $0xffff;
	_ =	sdelay $0x3  }
0x255: {  	v3 =	vld [tilespmem:$0xA30]  }
0x256: {  	v19 =	vld [tilespmem:$0xAB0];
	[tilespmem:$0x1A40] =	vst v2  }
0x257: {  	v2 =	vld.idx.msk [tilespmem:v1+s7+$0x0], $0xffff;
	_ =	sdelay $0x2  }
0x258: {  	[tilespmem:$0x2000] =	vst v3  }
0x259: {  	[tilespmem:$0x2010] =	vst v19  }
0x25a: {  	[tilespmem:$0x1A50] =	vst v2  }
0x25b: {  	v2 =	vld.idx.msk [tilespmem:v0+s7+$0x0], $0xffff;
	_ =	sdelay $0x3  }
0x25c: {  	v3 =	vld [tilespmem:$0xA40]  }
0x25d: {  	v20 =	vld [tilespmem:$0xAC0];
	[tilespmem:$0x1A60] =	vst v2  }
0x25e: {  	v2 =	vld.idx.msk [tilespmem:v1+s7+$0x0], $0xffff;
	_ =	sdelay $0x2  }
0x25f: {  	[tilespmem:$0x2000] =	vst v3  }
0x260: {  	[tilespmem:$0x2010] =	vst v20  }
0x261: {  	[tilespmem:$0x1A70] =	vst v2  }
0x262: {  	v2 =	vld.idx.msk [tilespmem:v0+s7+$0x0], $0xffff;
	_ =	sdelay $0x3  }
0x263: {  	v3 =	vld [tilespmem:$0xA50]  }
0x264: {  	v21 =	vld [tilespmem:$0xAD0];
	[tilespmem:$0x1A80] =	vst v2  }
0x265: {  	v2 =	vld.idx.msk [tilespmem:v1+s7+$0x0], $0xffff;
	_ =	sdelay $0x2  }
0x266: {  	[tilespmem:$0x2000] =	vst v3  }
0x267: {  	[tilespmem:$0x2010] =	vst v21  }
0x268: {  	[tilespmem:$0x1A90] =	vst v2  }
0x269: {  	v2 =	vld.idx.msk [tilespmem:v0+s7+$0x0], $0xffff;
	_ =	sdelay $0x3  }
0x26a: {  	v3 =	vld [tilespmem:$0xA60]  }
0x26b: {  	v22 =	vld [tilespmem:$0xAE0];
	[tilespmem:$0x1AA0] =	vst v2  }
0x26c: {  	v2 =	vld.idx.msk [tilespmem:v1+s7+$0x0], $0xffff;
	_ =	sdelay $0x2  }
0x26d: {  	[tilespmem:$0x2000] =	vst v3  }
0x26e: {  	[tilespmem:$0x2010] =	vst v22  }
0x26f: {  	[tilespmem:$0x1AB0] =	vst v2  }
0x270: {  	v2 =	vld.idx.msk [tilespmem:v0+s7+$0x0], $0xffff;
	_ =	sdelay $0x3  }
0x271: {  	v3 =	vld [tilespmem:$0xA70]  }
0x272: {  	v23 =	vld [tilespmem:$0xAF0];
	[tilespmem:$0x1AC0] =	vst v2  }
0x273: {  	v2 =	vld.idx.msk [tilespmem:v1+s7+$0x0], $0xffff;
	_ =	sdelay $0x2  }
0x274: {  	[tilespmem:$0x2000] =	vst v3  }
0x275: {  	[tilespmem:$0x2010] =	vst v23  }
0x276: {  	[tilespmem:$0x1AD0] =	vst v2  }
0x277: {  	v2 =	vld.idx.msk [tilespmem:v0+s7+$0x0], $0xffff;
	_ =	sdelay $0x3  }
0x278: {  	v3 =	vld [tilespmem:$0xB00]  }
0x279: {  	v24 =	vld [tilespmem:$0xB80];
	[tilespmem:$0x1AE0] =	vst v2  }
0x27a: {  	v2 =	vld.idx.msk [tilespmem:v1+s7+$0x0], $0xffff;
	_ =	sdelay $0x2  }
0x27b: {  	[tilespmem:$0x2000] =	vst v3  }
0x27c: {  	[tilespmem:$0x2010] =	vst v24  }
0x27d: {  	[tilespmem:$0x1AF0] =	vst v2  }
0x27e: {  	v2 =	vld.idx.msk [tilespmem:v0+s7+$0x0], $0xffff;
	_ =	sdelay $0x3  }
0x27f: {  	v3 =	vld [tilespmem:$0xB10]  }
0x280: {  	v25 =	vld [tilespmem:$0xB90];
	[tilespmem:$0x1B00] =	vst v2  }
0x281: {  	v2 =	vld.idx.msk [tilespmem:v1+s7+$0x0], $0xffff;
	_ =	sdelay $0x2  }
0x282: {  	[tilespmem:$0x2000] =	vst v3  }
0x283: {  	[tilespmem:$0x2010] =	vst v25  }
0x284: {  	[tilespmem:$0x1B10] =	vst v2  }
0x285: {  	v2 =	vld.idx.msk [tilespmem:v0+s7+$0x0], $0xffff;
	_ =	sdelay $0x3  }
0x286: {  	v3 =	vld [tilespmem:$0xB20]  }
0x287: {  	v26 =	vld [tilespmem:$0xBA0];
	[tilespmem:$0x1B20] =	vst v2  }
0x288: {  	v2 =	vld.idx.msk [tilespmem:v1+s7+$0x0], $0xffff;
	_ =	sdelay $0x2  }
0x289: {  	[tilespmem:$0x2000] =	vst v3  }
0x28a: {  	[tilespmem:$0x2010] =	vst v26  }
0x28b: {  	[tilespmem:$0x1B30] =	vst v2  }
0x28c: {  	v2 =	vld.idx.msk [tilespmem:v0+s7+$0x0], $0xffff;
	_ =	sdelay $0x3  }
0x28d: {  	v3 =	vld [tilespmem:$0xB30]  }
0x28e: {  	v27 =	vld [tilespmem:$0xBB0];
	[tilespmem:$0x1B40] =	vst v2  }
0x28f: {  	v2 =	vld.idx.msk [tilespmem:v1+s7+$0x0], $0xffff;
	_ =	sdelay $0x2  }
0x290: {  	[tilespmem:$0x2000] =	vst v3  }
0x291: {  	[tilespmem:$0x2010] =	vst v27  }
0x292: {  	[tilespmem:$0x1B50] =	vst v2  }
0x293: {  	v2 =	vld.idx.msk [tilespmem:v0+s7+$0x0], $0xffff;
	_ =	sdelay $0x3  }
0x294: {  	v3 =	vld [tilespmem:$0xB40]  }
0x295: {  	v28 =	vld [tilespmem:$0xBC0];
	[tilespmem:$0x1B60] =	vst v2  }
0x296: {  	v2 =	vld.idx.msk [tilespmem:v1+s7+$0x0], $0xffff;
	_ =	sdelay $0x2  }
0x297: {  	[tilespmem:$0x2000] =	vst v3  }
0x298: {  	[tilespmem:$0x2010] =	vst v28  }
0x299: {  	[tilespmem:$0x1B70] =	vst v2  }
0x29a: {  	v2 =	vld.idx.msk [tilespmem:v0+s7+$0x0], $0xffff;
	_ =	sdelay $0x3  }
0x29b: {  	v3 =	vld [tilespmem:$0xB50]  }
0x29c: {  	v29 =	vld [tilespmem:$0xBD0];
	[tilespmem:$0x1B80] =	vst v2  }
0x29d: {  	v2 =	vld.idx.msk [tilespmem:v1+s7+$0x0], $0xffff;
	_ =	sdelay $0x2  }
0x29e: {  	[tilespmem:$0x2000] =	vst v3  }
0x29f: {  	[tilespmem:$0x2010] =	vst v29  }
0x2a0: {  	[tilespmem:$0x1B90] =	vst v2  }
0x2a1: {  	v2 =	vld.idx.msk [tilespmem:v0+s7+$0x0], $0xffff;
	_ =	sdelay $0x3  }
0x2a2: {  	v3 =	vld [tilespmem:$0xB60]  }
0x2a3: {  	v30 =	vld [tilespmem:$0xBE0];
	[tilespmem:$0x1BA0] =	vst v2  }
0x2a4: {  	v2 =	vld.idx.msk [tilespmem:v1+s7+$0x0], $0xffff;
	_ =	sdelay $0x2  }
0x2a5: {  	[tilespmem:$0x2000] =	vst v3  }
0x2a6: {  	[tilespmem:$0x2010] =	vst v30  }
0x2a7: {  	[tilespmem:$0x1BB0] =	vst v2  }
0x2a8: {  	v2 =	vld.idx.msk [tilespmem:v0+s7+$0x0], $0xffff;
	_ =	sdelay $0x3  }
0x2a9: {  	v3 =	vld [tilespmem:$0xB70]  }
0x2aa: {  	v31 =	vld [tilespmem:$0xBF0];
	[tilespmem:$0x1BC0] =	vst v2  }
0x2ab: {  	v2 =	vld.idx.msk [tilespmem:v1+s7+$0x0], $0xffff;
	_ =	sdelay $0x2  }
0x2ac: {  	[tilespmem:$0x2000] =	vst v3  }
0x2ad: {  	[tilespmem:$0x2010] =	vst v31  }
0x2ae: {  	[tilespmem:$0x1BD0] =	vst v2  }
0x2af: {  	v2 =	vld.idx.msk [tilespmem:v0+s7+$0x0], $0xffff;
	_ =	sdelay $0x3  }
0x2b0: {  	v3 =	vld [tilespmem:$0xC00]  }
0x2b1: {  	v32 =	vld [tilespmem:$0xC80];
	[tilespmem:$0x1BE0] =	vst v2  }
0x2b2: {  	v2 =	vld.idx.msk [tilespmem:v1+s7+$0x0], $0xffff;
	_ =	sdelay $0x2  }
0x2b3: {  	[tilespmem:$0x2000] =	vst v3  }
0x2b4: {  	[tilespmem:$0x2010] =	vst v32  }
0x2b5: {  	[tilespmem:$0x1BF0] =	vst v2  }
0x2b6: {  	v2 =	vld.idx.msk [tilespmem:v0+s7+$0x0], $0xffff;
	_ =	sdelay $0x3  }
0x2b7: {  	v3 =	vld [tilespmem:$0xC10]  }
0x2b8: {  	v33 =	vld [tilespmem:$0xC90];
	[tilespmem:$0x1C00] =	vst v2  }
0x2b9: {  	v2 =	vld.idx.msk [tilespmem:v1+s7+$0x0], $0xffff;
	_ =	sdelay $0x2  }
0x2ba: {  	[tilespmem:$0x2000] =	vst v3  }
0x2bb: {  	[tilespmem:$0x2010] =	vst v33  }
0x2bc: {  	[tilespmem:$0x1C10] =	vst v2  }
0x2bd: {  	v2 =	vld.idx.msk [tilespmem:v0+s7+$0x0], $0xffff;
	_ =	sdelay $0x3  }
0x2be: {  	v3 =	vld [tilespmem:$0xC20]  }
0x2bf: {  	v34 =	vld [tilespmem:$0xCA0];
	[tilespmem:$0x1C20] =	vst v2  }
0x2c0: {  	v2 =	vld.idx.msk [tilespmem:v1+s7+$0x0], $0xffff;
	_ =	sdelay $0x2  }
0x2c1: {  	[tilespmem:$0x2000] =	vst v3  }
0x2c2: {  	[tilespmem:$0x2010] =	vst v34  }
0x2c3: {  	[tilespmem:$0x1C30] =	vst v2  }
0x2c4: {  	v2 =	vld.idx.msk [tilespmem:v0+s7+$0x0], $0xffff;
	_ =	sdelay $0x3  }
0x2c5: {  	v3 =	vld [tilespmem:$0xC30]  }
0x2c6: {  	v35 =	vld [tilespmem:$0xCB0];
	[tilespmem:$0x1C40] =	vst v2  }
0x2c7: {  	v2 =	vld.idx.msk [tilespmem:v1+s7+$0x0], $0xffff;
	_ =	sdelay $0x2  }
0x2c8: {  	[tilespmem:$0x2000] =	vst v3  }
0x2c9: {  	[tilespmem:$0x2010] =	vst v35  }
0x2ca: {  	[tilespmem:$0x1C50] =	vst v2  }
0x2cb: {  	v2 =	vld.idx.msk [tilespmem:v0+s7+$0x0], $0xffff;
	_ =	sdelay $0x3  }
0x2cc: {  	v3 =	vld [tilespmem:$0xC40]  }
0x2cd: {  	v36 =	vld [tilespmem:$0xCC0];
	[tilespmem:$0x1C60] =	vst v2  }
0x2ce: {  	v2 =	vld.idx.msk [tilespmem:v1+s7+$0x0], $0xffff;
	_ =	sdelay $0x2  }
0x2cf: {  	[tilespmem:$0x2000] =	vst v3  }
0x2d0: {  	[tilespmem:$0x2010] =	vst v36  }
0x2d1: {  	[tilespmem:$0x1C70] =	vst v2  }
0x2d2: {  	v2 =	vld.idx.msk [tilespmem:v0+s7+$0x0], $0xffff;
	_ =	sdelay $0x3  }
0x2d3: {  	v3 =	vld [tilespmem:$0xC50]  }
0x2d4: {  	v37 =	vld [tilespmem:$0xCD0];
	[tilespmem:$0x1C80] =	vst v2  }
0x2d5: {  	v2 =	vld.idx.msk [tilespmem:v1+s7+$0x0], $0xffff;
	_ =	sdelay $0x2  }
0x2d6: {  	[tilespmem:$0x2000] =	vst v3  }
0x2d7: {  	[tilespmem:$0x2010] =	vst v37  }
0x2d8: {  	[tilespmem:$0x1C90] =	vst v2  }
0x2d9: {  	v2 =	vld.idx.msk [tilespmem:v0+s7+$0x0], $0xffff;
	_ =	sdelay $0x3  }
0x2da: {  	v3 =	vld [tilespmem:$0xC60]  }
0x2db: {  	v38 =	vld [tilespmem:$0xCE0];
	[tilespmem:$0x1CA0] =	vst v2  }
0x2dc: {  	v2 =	vld.idx.msk [tilespmem:v1+s7+$0x0], $0xffff;
	_ =	sdelay $0x2  }
0x2dd: {  	[tilespmem:$0x2000] =	vst v3  }
0x2de: {  	[tilespmem:$0x2010] =	vst v38  }
0x2df: {  	[tilespmem:$0x1CB0] =	vst v2  }
0x2e0: {  	v2 =	vld.idx.msk [tilespmem:v0+s7+$0x0], $0xffff;
	_ =	sdelay $0x3  }
0x2e1: {  	v3 =	vld [tilespmem:$0xC70]  }
0x2e2: {  	v39 =	vld [tilespmem:$0xCF0];
	[tilespmem:$0x1CC0] =	vst v2  }
0x2e3: {  	v2 =	vld.idx.msk [tilespmem:v1+s7+$0x0], $0xffff;
	_ =	sdelay $0x2  }
0x2e4: {  	[tilespmem:$0x2000] =	vst v3  }
0x2e5: {  	[tilespmem:$0x2010] =	vst v39  }
0x2e6: {  	[tilespmem:$0x1CD0] =	vst v2  }
0x2e7: {  	v2 =	vld.idx.msk [tilespmem:v0+s7+$0x0], $0xffff;
	_ =	sdelay $0x3  }
0x2e8: {  	v3 =	vld [tilespmem:$0xD00]  }
0x2e9: {  	v40 =	vld [tilespmem:$0xD80];
	[tilespmem:$0x1CE0] =	vst v2  }
0x2ea: {  	v2 =	vld.idx.msk [tilespmem:v1+s7+$0x0], $0xffff;
	_ =	sdelay $0x2  }
0x2eb: {  	[tilespmem:$0x2000] =	vst v3  }
0x2ec: {  	[tilespmem:$0x2010] =	vst v40  }
0x2ed: {  	[tilespmem:$0x1CF0] =	vst v2  }
0x2ee: {  	v2 =	vld.idx.msk [tilespmem:v0+s7+$0x0], $0xffff;
	_ =	sdelay $0x3  }
0x2ef: {  	v3 =	vld [tilespmem:$0xD10]  }
0x2f0: {  	v41 =	vld [tilespmem:$0xD90];
	[tilespmem:$0x1D00] =	vst v2  }
0x2f1: {  	v2 =	vld.idx.msk [tilespmem:v1+s7+$0x0], $0xffff;
	_ =	sdelay $0x2  }
0x2f2: {  	[tilespmem:$0x2000] =	vst v3  }
0x2f3: {  	[tilespmem:$0x2010] =	vst v41  }
0x2f4: {  	[tilespmem:$0x1D10] =	vst v2  }
0x2f5: {  	v2 =	vld.idx.msk [tilespmem:v0+s7+$0x0], $0xffff;
	_ =	sdelay $0x3  }
0x2f6: {  	v3 =	vld [tilespmem:$0xD20]  }
0x2f7: {  	v42 =	vld [tilespmem:$0xDA0];
	[tilespmem:$0x1D20] =	vst v2  }
0x2f8: {  	v2 =	vld.idx.msk [tilespmem:v1+s7+$0x0], $0xffff;
	_ =	sdelay $0x2  }
0x2f9: {  	[tilespmem:$0x2000] =	vst v3  }
0x2fa: {  	[tilespmem:$0x2010] =	vst v42  }
0x2fb: {  	[tilespmem:$0x1D30] =	vst v2  }
0x2fc: {  	v2 =	vld.idx.msk [tilespmem:v0+s7+$0x0], $0xffff;
	_ =	sdelay $0x3  }
0x2fd: {  	v3 =	vld [tilespmem:$0xD30]  }
0x2fe: {  	v43 =	vld [tilespmem:$0xDB0];
	[tilespmem:$0x1D40] =	vst v2  }
0x2ff: {  	v2 =	vld.idx.msk [tilespmem:v1+s7+$0x0], $0xffff;
	_ =	sdelay $0x2  }
0x300: {  	[tilespmem:$0x2000] =	vst v3  }
0x301: {  	[tilespmem:$0x2010] =	vst v43  }
0x302: {  	[tilespmem:$0x1D50] =	vst v2  }
0x303: {  	v2 =	vld.idx.msk [tilespmem:v0+s7+$0x0], $0xffff;
	_ =	sdelay $0x3  }
0x304: {  	v3 =	vld [tilespmem:$0xD40]  }
0x305: {  	v44 =	vld [tilespmem:$0xDC0];
	[tilespmem:$0x1D60] =	vst v2  }
0x306: {  	v2 =	vld.idx.msk [tilespmem:v1+s7+$0x0], $0xffff;
	_ =	sdelay $0x2  }
0x307: {  	[tilespmem:$0x2000] =	vst v3  }
0x308: {  	[tilespmem:$0x2010] =	vst v44  }
0x309: {  	[tilespmem:$0x1D70] =	vst v2  }
0x30a: {  	v2 =	vld.idx.msk [tilespmem:v0+s7+$0x0], $0xffff;
	_ =	sdelay $0x3  }
0x30b: {  	v3 =	vld [tilespmem:$0xD50]  }
0x30c: {  	v45 =	vld [tilespmem:$0xDD0];
	[tilespmem:$0x1D80] =	vst v2  }
0x30d: {  	v2 =	vld.idx.msk [tilespmem:v1+s7+$0x0], $0xffff;
	_ =	sdelay $0x2  }
0x30e: {  	[tilespmem:$0x2000] =	vst v3  }
0x30f: {  	[tilespmem:$0x2010] =	vst v45  }
0x310: {  	[tilespmem:$0x1D90] =	vst v2  }
0x311: {  	v2 =	vld.idx.msk [tilespmem:v0+s7+$0x0], $0xffff;
	_ =	sdelay $0x3  }
0x312: {  	v3 =	vld [tilespmem:$0xD60]  }
0x313: {  	v46 =	vld [tilespmem:$0xDE0];
	[tilespmem:$0x1DA0] =	vst v2  }
0x314: {  	v2 =	vld.idx.msk [tilespmem:v1+s7+$0x0], $0xffff;
	_ =	sdelay $0x2  }
0x315: {  	[tilespmem:$0x2000] =	vst v3  }
0x316: {  	[tilespmem:$0x2010] =	vst v46  }
0x317: {  	[tilespmem:$0x1DB0] =	vst v2  }
0x318: {  	v2 =	vld.idx.msk [tilespmem:v0+s7+$0x0], $0xffff;
	_ =	sdelay $0x3  }
0x319: {  	v3 =	vld [tilespmem:$0xD70]  }
0x31a: {  	v47 =	vld [tilespmem:$0xDF0];
	[tilespmem:$0x1DC0] =	vst v2  }
0x31b: {  	v2 =	vld.idx.msk [tilespmem:v1+s7+$0x0], $0xffff;
	_ =	sdelay $0x2  }
0x31c: {  	[tilespmem:$0x2000] =	vst v3  }
0x31d: {  	[tilespmem:$0x2010] =	vst v47  }
0x31e: {  	[tilespmem:$0x1DD0] =	vst v2  }
0x31f: {  	v2 =	vld.idx.msk [tilespmem:v0+s7+$0x0], $0xffff;
	_ =	sdelay $0x3  }
0x320: {  	v3 =	vld [tilespmem:$0xE00]  }
0x321: {  	v48 =	vld [tilespmem:$0xE80];
	[tilespmem:$0x1DE0] =	vst v2  }
0x322: {  	v2 =	vld.idx.msk [tilespmem:v1+s7+$0x0], $0xffff;
	_ =	sdelay $0x2  }
0x323: {  	[tilespmem:$0x2000] =	vst v3  }
0x324: {  	[tilespmem:$0x2010] =	vst v48  }
0x325: {  	[tilespmem:$0x1DF0] =	vst v2  }
0x326: {  	v2 =	vld.idx.msk [tilespmem:v0+s7+$0x0], $0xffff;
	_ =	sdelay $0x3  }
0x327: {  	v3 =	vld [tilespmem:$0xE10]  }
0x328: {  	v49 =	vld [tilespmem:$0xE90];
	[tilespmem:$0x1E00] =	vst v2  }
0x329: {  	v2 =	vld.idx.msk [tilespmem:v1+s7+$0x0], $0xffff;
	_ =	sdelay $0x2  }
0x32a: {  	[tilespmem:$0x2000] =	vst v3  }
0x32b: {  	[tilespmem:$0x2010] =	vst v49  }
0x32c: {  	[tilespmem:$0x1E10] =	vst v2  }
0x32d: {  	v2 =	vld.idx.msk [tilespmem:v0+s7+$0x0], $0xffff;
	_ =	sdelay $0x3  }
0x32e: {  	v3 =	vld [tilespmem:$0xE20]  }
0x32f: {  	v50 =	vld [tilespmem:$0xEA0];
	[tilespmem:$0x1E20] =	vst v2  }
0x330: {  	v2 =	vld.idx.msk [tilespmem:v1+s7+$0x0], $0xffff;
	_ =	sdelay $0x2  }
0x331: {  	[tilespmem:$0x2000] =	vst v3  }
0x332: {  	[tilespmem:$0x2010] =	vst v50  }
0x333: {  	[tilespmem:$0x1E30] =	vst v2  }
0x334: {  	v2 =	vld.idx.msk [tilespmem:v0+s7+$0x0], $0xffff;
	_ =	sdelay $0x3  }
0x335: {  	v3 =	vld [tilespmem:$0xE30]  }
0x336: {  	v51 =	vld [tilespmem:$0xEB0];
	[tilespmem:$0x1E40] =	vst v2  }
0x337: {  	v2 =	vld.idx.msk [tilespmem:v1+s7+$0x0], $0xffff;
	_ =	sdelay $0x2  }
0x338: {  	[tilespmem:$0x2000] =	vst v3  }
0x339: {  	[tilespmem:$0x2010] =	vst v51  }
0x33a: {  	[tilespmem:$0x1E50] =	vst v2  }
0x33b: {  	v2 =	vld.idx.msk [tilespmem:v0+s7+$0x0], $0xffff;
	_ =	sdelay $0x3  }
0x33c: {  	v3 =	vld [tilespmem:$0xE40]  }
0x33d: {  	v52 =	vld [tilespmem:$0xEC0];
	[tilespmem:$0x1E60] =	vst v2  }
0x33e: {  	v2 =	vld.idx.msk [tilespmem:v1+s7+$0x0], $0xffff;
	_ =	sdelay $0x2  }
0x33f: {  	[tilespmem:$0x2000] =	vst v3  }
0x340: {  	[tilespmem:$0x2010] =	vst v52  }
0x341: {  	[tilespmem:$0x1E70] =	vst v2  }
0x342: {  	v2 =	vld.idx.msk [tilespmem:v0+s7+$0x0], $0xffff;
	_ =	sdelay $0x3  }
0x343: {  	v3 =	vld [tilespmem:$0xE50]  }
0x344: {  	v53 =	vld [tilespmem:$0xED0];
	[tilespmem:$0x1E80] =	vst v2  }
0x345: {  	v2 =	vld.idx.msk [tilespmem:v1+s7+$0x0], $0xffff;
	_ =	sdelay $0x2  }
0x346: {  	[tilespmem:$0x2000] =	vst v3  }
0x347: {  	[tilespmem:$0x2010] =	vst v53  }
0x348: {  	[tilespmem:$0x1E90] =	vst v2  }
0x349: {  	v2 =	vld.idx.msk [tilespmem:v0+s7+$0x0], $0xffff;
	_ =	sdelay $0x3  }
0x34a: {  	v3 =	vld [tilespmem:$0xE60]  }
0x34b: {  	v54 =	vld [tilespmem:$0xEE0];
	[tilespmem:$0x1EA0] =	vst v2  }
0x34c: {  	v2 =	vld.idx.msk [tilespmem:v1+s7+$0x0], $0xffff;
	_ =	sdelay $0x2  }
0x34d: {  	[tilespmem:$0x2000] =	vst v3  }
0x34e: {  	[tilespmem:$0x2010] =	vst v54  }
0x34f: {  	[tilespmem:$0x1EB0] =	vst v2  }
0x350: {  	v2 =	vld.idx.msk [tilespmem:v0+s7+$0x0], $0xffff;
	_ =	sdelay $0x3  }
0x351: {  	v3 =	vld [tilespmem:$0xE70]  }
0x352: {  	v55 =	vld [tilespmem:$0xEF0];
	[tilespmem:$0x1EC0] =	vst v2  }
0x353: {  	v2 =	vld.idx.msk [tilespmem:v1+s7+$0x0], $0xffff;
	_ =	sdelay $0x2  }
0x354: {  	[tilespmem:$0x2000] =	vst v3  }
0x355: {  	[tilespmem:$0x2010] =	vst v55  }
0x356: {  	[tilespmem:$0x1ED0] =	vst v2  }
0x357: {  	v2 =	vld.idx.msk [tilespmem:v0+s7+$0x0], $0xffff;
	_ =	sdelay $0x3  }
0x358: {  	v3 =	vld [tilespmem:$0xF00]  }
0x359: {  	v56 =	vld [tilespmem:$0xF80];
	[tilespmem:$0x1EE0] =	vst v2  }
0x35a: {  	v2 =	vld.idx.msk [tilespmem:v1+s7+$0x0], $0xffff;
	_ =	sdelay $0x2  }
0x35b: {  	[tilespmem:$0x2000] =	vst v3  }
0x35c: {  	[tilespmem:$0x2010] =	vst v56  }
0x35d: {  	[tilespmem:$0x1EF0] =	vst v2  }
0x35e: {  	v2 =	vld.idx.msk [tilespmem:v0+s7+$0x0], $0xffff;
	_ =	sdelay $0x3  }
0x35f: {  	v3 =	vld [tilespmem:$0xF10]  }
0x360: {  	v57 =	vld [tilespmem:$0xF90];
	[tilespmem:$0x1F00] =	vst v2  }
0x361: {  	v2 =	vld.idx.msk [tilespmem:v1+s7+$0x0], $0xffff;
	_ =	sdelay $0x2  }
0x362: {  	[tilespmem:$0x2000] =	vst v3  }
0x363: {  	[tilespmem:$0x2010] =	vst v57  }
0x364: {  	[tilespmem:$0x1F10] =	vst v2  }
0x365: {  	v2 =	vld.idx.msk [tilespmem:v0+s7+$0x0], $0xffff;
	_ =	sdelay $0x3  }
0x366: {  	v3 =	vld [tilespmem:$0xF20]  }
0x367: {  	v58 =	vld [tilespmem:$0xFA0];
	[tilespmem:$0x1F20] =	vst v2  }
0x368: {  	v2 =	vld.idx.msk [tilespmem:v1+s7+$0x0], $0xffff;
	_ =	sdelay $0x2  }
0x369: {  	[tilespmem:$0x2000] =	vst v3  }
0x36a: {  	[tilespmem:$0x2010] =	vst v58  }
0x36b: {  	[tilespmem:$0x1F30] =	vst v2  }
0x36c: {  	v2 =	vld.idx.msk [tilespmem:v0+s7+$0x0], $0xffff;
	_ =	sdelay $0x3  }
0x36d: {  	v3 =	vld [tilespmem:$0xF30]  }
0x36e: {  	v59 =	vld [tilespmem:$0xFB0];
	[tilespmem:$0x1F40] =	vst v2  }
0x36f: {  	v2 =	vld.idx.msk [tilespmem:v1+s7+$0x0], $0xffff;
	_ =	sdelay $0x2  }
0x370: {  	[tilespmem:$0x2000] =	vst v3  }
0x371: {  	[tilespmem:$0x2010] =	vst v59  }
0x372: {  	[tilespmem:$0x1F50] =	vst v2  }
0x373: {  	v2 =	vld.idx.msk [tilespmem:v0+s7+$0x0], $0xffff;
	_ =	sdelay $0x3  }
0x374: {  	v3 =	vld [tilespmem:$0xF40]  }
0x375: {  	v60 =	vld [tilespmem:$0xFC0];
	[tilespmem:$0x1F60] =	vst v2  }
0x376: {  	v2 =	vld.idx.msk [tilespmem:v1+s7+$0x0], $0xffff;
	_ =	sdelay $0x2  }
0x377: {  	[tilespmem:$0x2000] =	vst v3  }
0x378: {  	[tilespmem:$0x2010] =	vst v60  }
0x379: {  	[tilespmem:$0x1F70] =	vst v2  }
0x37a: {  	v2 =	vld.idx.msk [tilespmem:v0+s7+$0x0], $0xffff;
	_ =	sdelay $0x3  }
0x37b: {  	v3 =	vld [tilespmem:$0xF50]  }
0x37c: {  	v61 =	vld [tilespmem:$0xFD0];
	[tilespmem:$0x1F80] =	vst v2  }
0x37d: {  	v2 =	vld.idx.msk [tilespmem:v1+s7+$0x0], $0xffff;
	_ =	sdelay $0x2  }
0x37e: {  	[tilespmem:$0x2000] =	vst v3  }
0x37f: {  	[tilespmem:$0x2010] =	vst v61  }
0x380: {  	[tilespmem:$0x1F90] =	vst v2  }
0x381: {  	v2 =	vld.idx.msk [tilespmem:v0+s7+$0x0], $0xffff;
	_ =	sdelay $0x3  }
0x382: {  	v3 =	vld [tilespmem:$0xF60]  }
0x383: {  	v62 =	vld [tilespmem:$0xFE0];
	[tilespmem:$0x1FA0] =	vst v2  }
0x384: {  	v2 =	vld.idx.msk [tilespmem:v1+s7+$0x0], $0xffff;
	_ =	sdelay $0x2  }
0x385: {  	[tilespmem:$0x2000] =	vst v3  }
0x386: {  	[tilespmem:$0x2010] =	vst v62  }
0x387: {  	[tilespmem:$0x1FB0] =	vst v2  }
0x388: {  	v2 =	vld.idx.msk [tilespmem:v0+s7+$0x0], $0xffff;
	_ =	sdelay $0x3  }
0x389: {  	v3 =	vld [tilespmem:$0xF70]  }
0x38a: {  	v63 =	vld [tilespmem:$0xFF0];
	[tilespmem:$0x1FC0] =	vst v2  }
0x38b: {  	v2 =	vld.idx.msk [tilespmem:v1+s7+$0x0], $0xffff;
	_ =	sdelay $0x2  }
0x38c: {  	[tilespmem:$0x2000] =	vst v3  }
0x38d: {  	[tilespmem:$0x2010] =	vst v63  }
0x38e: {  	[tilespmem:$0x1FD0] =	vst v2  }
0x38f: {  	v2 =	vld.idx.msk [tilespmem:v0+s7+$0x0], $0xffff;
	_ =	sdelay $0x4  }
0x390: {  	[tilespmem:$0x1FE0] =	vst v2  }
0x391: {  	v2 =	vld.idx.msk [tilespmem:v1+s7+$0x0], $0xffff;
	_ =	sdelay $0x3  }
0x392: {  	p0 =	sne.s32 s10, $0xFE00  }
.Ltmp0:
0x393: {  	s31 =	sadd.s32 s10, s4;
	[tilespmem:$0x1FF0] =	vst v2;
	(pc) =	sbr.rel @p0 .LBB2_2-.Ltmp0, $4  }
0x394: {  	[hbm4b:s31+s1] =	stream.linear.scatter [tilespmem:s8], [sflag:$0x1], $0x1000, $0x38;
	[tilespmem:$0x2020] =	vst v63  }
0x395: {  	_ =	swait.ge [sflag:s6], $0x1000  }
0x396: {  	[sflag:s6] =	ssyncset.done $0x0  }
0x397: {  	s10 =	sadd.s32 $0x200, s10;
	[sflag:s6] =	ssyncadd.s32 $0xFFFFF000  }
0x398: {  	s9 =	sadd.s32 $0x1, s9  }
0x399: {  	p0 =	sne.s32 s9, s3  }
.Ltmp1:
0x39a: {  	_ = 	snop;
	(pc) =	sbr.rel @p0 .LBB2_1-.Ltmp1, $1  }
0x39b: {  	_ =	sdelay $0x3  }
0x39c: {  	_ =	sfence.sel $0x180000  }
0x39d: {  	[bflag:$0x0] =	sbarrier.arrive $0xFFFF  }
0x39e: {  	p0 =	sne.s32 s2, $0x0;
	_ =	strace $0x90000047  }
0x39f: {  	s0 =	sadd.s32 @!p0 $0x100000, s0;
	[bflag:$0x2] =	sbarrier.arrive $0xFFFF  }
0x3a0: {  	[sflag:s0] =	ssyncadd.tile.s32 @!p0 $0x1;
	_ =	shalt  }
.Lfunc_end2:
_tile_overlayer_lowered:
.L_overlay_start_2:
0x3a1: {  	(tag) =	ssettag $0x2  }
0x3a2: {  	s0 =	rddreg [dreg:$0x0];
	s2 =	stileid.u32  }
0x3a3: {  	s1 =	rddreg [dreg:$0x1];
	p0 =	sne.s32 s2, $0x0  }
0x3a4: {  	s3 =	rddreg [dreg:$0x2];
	[bflag:$0x3] =	sbarrier.arrive $0xFFFF;
	s2 =	simm.s32 @!p0 $0x1C01  }
0x3a5: {  	[timem:s3], [sflag:s2] =	dma.local @!p0 [hbm:s0], s1  }
0x3a6: {  	s0 =	simm.s32 @!p0 $0x1  }
0x3a7: {  	_ =	swait.ge @!p0 [sflag:s0], s1  }
0x3a8: {  	s1 =	ssub.s32 @!p0 $0x0, s1;
	[sflag:s0] =	ssyncset.done @!p0 $0x0  }
0x3a9: {  	[sflag:s0] =	ssyncadd.s32 @!p0 s1  }
0x3aa: {  	[bflag:$0x3] =	sbarrier.arrive $0xFFFF  }
0x3ab: {  	_ =	shalt  }

// kernel: kernel.8.cloned.1.call-start
scs
__scs_entry_jumppad:
0x0: {  	(pc) =	sbr.rel $0x88, $3  }
0x1: {  	(tag) =	ssettag $0x0;
	lr =	simm.s32 $0x1  }
0x2: {  	[smem:$0x3F9C] =	sst lr;
	_ =	strace $0xD0000000  }
0x3: {  	_ = 	snop  }
0x4: {  	_ = 	snop  }
0x5: {  	_ = 	snop  }
0x6: {  	_ = 	snop  }
0x7: {  	_ = 	snop  }
__scs_overlays_trampoline_lowered:
0x8: {  	[smem:$0x3FAB] =	sst s0  }
0x9: {  	[smem:$0x3FAC] =	sst s1  }
0xa: {  	[smem:$0x3FAD] =	sst s2  }
0xb: {  	[smem:$0x3FAE] =	sst s3  }
0xc: {  	[smem:$0x3FAF] =	sst s4  }
0xd: {  	[smem:$0x3FB0] =	sst s5  }
0xe: {  	[smem:$0x3FB1] =	sst s6  }
0xf: {  	[smem:$0x3FB2] =	sst s7  }
0x10: {  	[smem:$0x3FB3] =	sst s8  }
0x11: {  	[smem:$0x3FB4] =	sst s9;
	s0 =	simm.s32 @!p0 $0x0  }
0x12: {  	s1 =	sld [smem:$0x3F9A];
	s0 =	simm.s32 @p0 $0x1  }
0x13: {  	[smem:$0x3FB5] =	sst s0;
	s0 =	simm.s32 @!p1 $0x0  }
0x14: {  	s2 =	sld [smem:$0x3F99];
	s0 =	simm.s32 @p1 $0x1  }
0x15: {  	[smem:$0x3FB6] =	sst s0;
	s0 =	simm.s32 @!p2 $0x0  }
0x16: {  	s3 =	sld [smem:$0x3FDB];
	s0 =	simm.s32 @p2 $0x1  }
0x17: {  	s4 =	simm.s32 $0x1BF5;
	[smem:$0x3FB8] =	sst s0  }
0x18: {  	s0 =	sld [smem:$0x3F9B];
	_ =	swait.ge [sflag:s4], $0x0  }
0x19: {  	s7 =	sld [smem:$0x3F9C]  }
0x1a: {  	s8 =	sadd.s32 $0xFFFFE003, lr  }
0x1b: {  	s9 =	sadd.s32 $0xFFFFFEF7, lr;
	s5 =	simm.s32 $0xFFFFFFFF;
	p2 =	slt.u32 s8, $0xFFFFF086  }
0x1c: {  	p1 =	slt.u32 s9, $0xF7A;
	s5 =	simm.s32 @!p2 $0x0  }
0x1d: {  	s5 =	simm.s32 @p1 $0x1;
	p0 =	seq.s32 s7, s2  }
0x1e: {  	s7 =	smul.u32 @!p0 $0xF7A, s2;
	p2 =	seq.s32 @!p0 s5, $0x0  }
0x1f: {  	s9 =	smul.u32 $0xF7A, s1;
	s8 =	simm.s32 @!p0 $0x1BF5;
	p2 =	por !p2, p0  }
0x20: {  	[sflag:s8] =	ssyncset.s32 @!p0 $0xFFFFF086;
	s6 =	sadd.s32 @!p0 s3, s7;
	s7 =	simm.s32 @!p0 $0x108  }
0x21: {  	s3 =	sadd.s32 s3, s9;
	s6 =	sadd.s32 @!p0 $0x88, s6;
	s7 =	simm.s32 @p2 $0x1082  }
0x22: {  	[simem:s7], [sflag:s8] =	dma.local @!p0 [hbm:s6], $0xF7A  }
0x23: {  	s9 =	sor.u32 $0xD0000000, s2;
	s6 =	simm.s32 $0x108;
	_ =	swait.ge @!p0 [sflag:s8], $0x0  }
0x24: {  	s3 =	sadd.s32 $0x88, s3;
	s6 =	simm.s32 @!p1 $0x1082;
	[sflag:s4] =	ssyncset.s32 $0xFFFFF086  }
0x25: {  	[simem:s6], [sflag:s4] =	dma.local [hbm:s3], $0xF7A  }
0x26: {  	[smem:$0x3F9C] =	sst s1;
	(tag) =	ssettag s2;
	_ =	strace s9  }
0x27: {  	s1 =	sld [smem:$0x3FAC]  }
0x28: {  	s2 =	sld [smem:$0x3FAD]  }
0x29: {  	s4 =	sld [smem:$0x3FAF]  }
0x2a: {  	p0 =	seq.s32 s5, $0x0;
	s5 =	sld [smem:$0x3FB0]  }
0x2b: {  	s6 =	sld [smem:$0x3FB1]  }
0x2c: {  	s7 =	sld [smem:$0x3FB2]  }
0x2d: {  	s3 =	simm.s32 $0x108;
	s8 =	sld [smem:$0x3FB3]  }
0x2e: {  	s3 =	simm.s32 @!p0 $0x1082;
	s9 =	sld [smem:$0x3FB4]  }
0x2f: {  	lr =	sadd.s32 s0, s3;
	s0 =	sld [smem:$0x3FAB]  }
0x30: {  	s3 =	sld [smem:$0x3FAE]  }
0x31: {  	[smem:$0x3FB7] =	sst s10  }
0x32: {  	s10 =	sld [smem:$0x3FB5];
	_ =	sdelay $0x3  }
0x33: {  	p0 =	seq.s32 s10, $0x1;
	s10 =	sld [smem:$0x3FB7];
	_ =	sdelay $0x3  }
0x34: {  	[smem:$0x3FB7] =	sst s10  }
0x35: {  	s10 =	sld [smem:$0x3FB6];
	_ =	sdelay $0x3  }
0x36: {  	p1 =	seq.s32 s10, $0x1;
	s10 =	sld [smem:$0x3FB7];
	_ =	sdelay $0x3  }
0x37: {  	[smem:$0x3FB7] =	sst s10  }
0x38: {  	s10 =	sld [smem:$0x3FB8]  }
0x39: {  	_ = 	snop;
	(pc) =	sbr.ind lr, $3  }
0x3a: {  	_ = 	snop  }
0x3b: {  	_ = 	snop  }
0x3c: {  	p2 =	seq.s32 s10, $0x1;
	s10 =	sld [smem:$0x3FB7]  }
0x3d: {  	_ =	shalt  }
0x3e: {  	_ =	shalt  }
0x3f: {  	_ =	shalt  }
0x40: {  	_ =	shalt  }
0x41: {  	_ =	shalt  }
0x42: {  	_ =	shalt  }
0x43: {  	_ =	shalt  }
0x44: {  	_ =	shalt  }
0x45: {  	_ =	shalt  }
0x46: {  	_ =	shalt  }
0x47: {  	_ =	shalt  }
0x48: {  	_ =	shalt  }
0x49: {  	_ =	shalt  }
0x4a: {  	_ =	shalt  }
0x4b: {  	_ =	shalt  }
0x4c: {  	_ =	shalt  }
0x4d: {  	_ =	shalt  }
0x4e: {  	_ =	shalt  }
0x4f: {  	_ =	shalt  }
0x50: {  	_ =	shalt  }
0x51: {  	_ =	shalt  }
0x52: {  	_ =	shalt  }
0x53: {  	_ =	shalt  }
0x54: {  	_ =	shalt  }
0x55: {  	_ =	shalt  }
0x56: {  	_ =	shalt  }
0x57: {  	_ =	shalt  }
0x58: {  	_ =	shalt  }
0x59: {  	_ =	shalt  }
0x5a: {  	_ =	shalt  }
0x5b: {  	_ =	shalt  }
0x5c: {  	_ =	shalt  }
0x5d: {  	_ =	shalt  }
0x5e: {  	_ =	shalt  }
0x5f: {  	_ =	shalt  }
0x60: {  	_ =	shalt  }
0x61: {  	_ =	shalt  }
0x62: {  	_ =	shalt  }
0x63: {  	_ =	shalt  }
0x64: {  	_ =	shalt  }
0x65: {  	_ =	shalt  }
0x66: {  	_ =	shalt  }
0x67: {  	_ =	shalt  }
0x68: {  	_ =	shalt  }
0x69: {  	_ =	shalt  }
0x6a: {  	_ =	shalt  }
0x6b: {  	_ =	shalt  }
0x6c: {  	_ =	shalt  }
0x6d: {  	_ =	shalt  }
0x6e: {  	_ =	shalt  }
0x6f: {  	_ =	shalt  }
0x70: {  	_ =	shalt  }
0x71: {  	_ =	shalt  }
0x72: {  	_ =	shalt  }
0x73: {  	_ =	shalt  }
0x74: {  	_ =	shalt  }
0x75: {  	_ =	shalt  }
0x76: {  	_ =	shalt  }
0x77: {  	_ =	shalt  }
0x78: {  	_ =	shalt  }
0x79: {  	_ =	shalt  }
0x7a: {  	_ =	shalt  }
0x7b: {  	_ =	shalt  }
0x7c: {  	_ =	shalt  }
0x7d: {  	_ =	shalt  }
0x7e: {  	_ =	shalt  }
0x7f: {  	_ =	shalt  }
0x80: {  	_ =	shalt  }
0x81: {  	_ =	shalt  }
0x82: {  	_ =	shalt  }
0x83: {  	_ =	shalt  }
0x84: {  	_ =	shalt  }
0x85: {  	_ =	shalt  }
0x86: {  	_ =	shalt  }
0x87: {  	_ =	shalt  }
.Lfunc_end0:
.L_simem_size_0:
called_computation.1_lowered:
.L_overlay_start_0:
0x88: {  	s2 =	sld [smem:$0x3FD9]  }
0x89: {  	s3 =	sld [smem:$0x3FFE];
	_ =	sdelay $0x1  }
0x8a: {  	s1 =	srdreg.scid  }
0x8b: {  	s0 =	sand.u32 $0x1, s1  }
0x8c: {  	s16 =	sshll.u32 s0, $0xA;
	s2 =	sadd.s32 s3, s2  }
0x8d: {  	s2 =	sadd.s32 s2, s16  }
0x8e: {  	[smem:$0x3FC3] =	sst s2  }
0x8f: {  	_ = 	snop  }
0x90: {  	(tm) =	ssettm $0x1  }
0x91: {  	s17 =	sld [smem:$0x3FFB];
	_ =	sdelay $0x3  }
0x92: {  	_ =	strace s17  }
0x93: {  	s2 =	sld [smem:$0x3FFC];
	_ =	sdelay $0x3  }
0x94: {  	_ =	strace s2  }
0x95: {  	s2 =	sld [smem:$0x3FFD];
	_ =	sdelay $0x3  }
0x96: {  	_ =	strace s2  }
0x97: {  	_ =	strace $0x8FFFFFFF  }
0x98: {  	s18 =	sld [smem:$0x3FDB];
	_ =	sdelay $0x1  }
0x99: {  	s19 =	simm.s32 $_scs_section_size  }
0x9a: {  	s4 =	simm.s32 $_size__tile_overlayer_lowered;
	s5 =	simm.s32 $_tile_overlayer_lowered  }
0x9b: {  	s22 =	simm.s32 $0x1BFF;
	s21 =	sshll.u32 s5, $0x1;
	s2 =	sadd.s32 s19, s18  }
0x9c: {  	s6 =	simm.s32 $0x0;
	s20 =	sshll.u32 s4, $0x1;
	s4 =	sadd.s32 s21, s2  }
0x9d: {  	[timem:s6], [sflag:s22] =	dma.local [hbm:s4], s20  }
0x9e: {  	_ =	swait.ge [sflag:s22], s20  }
0x9f: {  	s3 =	ssub.s32 $0x0, s20;
	[sflag:s22] =	ssyncset.done $0x0  }
0xa0: {  	[sflag:s22] =	ssyncadd.s32 s3;
	_ =	sdelay $0x1  }
0xa1: {  	s23 =	simm.s32 $0x1B8B  }
0xa2: {  	_ =	swait.ge [sflag:s23], $0x1  }
0xa3: {  	[sflag:s23] =	ssyncset.done $0x0  }
0xa4: {  	s25 =	simm.s32 $0x1B8E;
	s24 =	sld [smem:$0x3FFE];
	[sflag:s23] =	ssyncadd.s32 $0xFFFFFFFF  }
0xa5: {  	s26 =	simm.s32 $execute0_lowered;
	[smem:$0x3FD2] =	sst s25  }
0xa6: {  	s4 =	sshll.u32 s26, $0x1;
	_ =	strace $0x80000049;
	[dreg:$0x1] =	wrdreg $0xFFFFFFFF  }
0xa7: {  	s28 =	simm.s32 $_size_execute0_lowered;
	s2 =	sadd.s32 s2, s4;
	[dreg:$0x0] =	wrdreg $0x0  }
0xa8: {  	s4 =	sshll.u32 s28, $0x1;
	[dreg:$0x2] =	wrdreg s2  }
0xa9: {  	[dreg:$0x3] =	wrdreg s4  }
0xaa: {  	[dreg:$0x4] =	wrdreg $0xC0  }
0xab: {  	_ =	task [dreg:s6], $0x5FFFF  }
0xac: {  	[dreg:$0x1] =	wrdreg $0xFFFFFFFF  }
0xad: {  	[dreg:$0x0] =	wrdreg $0x60  }
0xae: {  	[dreg:$0x2] =	wrdreg s24  }
0xaf: {  	[dreg:$0x3] =	wrdreg $0x9  }
0xb0: {  	_ =	task.clear_ibuf [dreg:s6], $0x4FFFF;
	_ =	strace $0x90000049  }
0xb1: {  	s29 =	simm.s32 $0x9;
	_ =	strace $0x8000004B  }
0xb2: {  	_ =	swait.ge [sflag:s29], $0x1  }
0xb3: {  	[sflag:s29] =	ssyncadd.s32 $0xFFFFFFFF  }
0xb4: {  	_ =	strace $0x9000004B  }
0xb5: {  	_ =	sfence  }
0xb6: {  	s30 =	sld [smem:$0x0];
	_ =	sdelay $0x2  }
0xb7: {  	s31 =	sshll.u32 s1, $0xD;
	s1 =	sshrl.u32 s1, $0x2  }
0xb8: {  	s3 =	sand.u32 $0x4000, s31;
	s1 =	sadd.s32 s1, s30  }
0xb9: {  	s0 =	sor.u32 s3, s0;
	s1 =	sshll.u32 s1, $0x11  }
0xba: {  	s0 =	sor.u32 s1, s0  }
0xbb: {  	s0 =	sadd.s32 $0x8F2B, s0  }
0xbc: {  	[sflag:s0] =	ssyncadd.remote.s32 $0x1  }
0xbd: {  	_ =	sfence.sel $0xFFFF  }
0xbe: {  	[dreg:$0x0] =	wrdreg $0xFFFFFFFF;
	(pc) =	sbr.abs _section_cstart, $3  }
0xbf: {  	[dreg:$0x1] =	wrdreg $0xFFFFFFFF  }
0xc0: {  	_ =	task.clear_ibuf [dreg:s6], $0x2FFFF;
	_ =	strace $0x9FFFFFFF  }
0xc1: {  	(tm) =	ssettm $0x7FFFFFFF  }
tec
execute0_lowered:
.L_overlay_start_1:
0x0: {  	(tag) =	ssettag $0x1  }
0x1: {  	s2 =	rddreg [dreg:$0x0]  }
0x2: {  	s0 =	rddreg [dreg:$0x1];
	s1 =	simm.s32 $0x0;
	s3 =	srdreg.scid  }
0x3: {  	s9 =	simm.s32 $0x40000;
	s10 =	simm.s32 $0x2;
	s11 =	simm.s32 $0x1000  }
0x4: {  	s12 =	simm.s32 $0x1200;
	s13 =	simm.s32 $0x5200;
	s14 =	simm.s32 $0x1  }
0x5: {  	s15 =	simm.s32 $0x2200;
	s16 =	simm.s32 $0xD200;
	s17 =	simm.s32 $0x15200  }
0x6: {  	[smem:$0x7FF] =	sst s1;
	s6 =	sand.u32 $0x1, s3;
	s3 =	sadd.s32 $0x201000, s2  }
0x7: {  	s4 =	sadd.s32 $0x1000, s2;
	s5 =	sadd.s32 $0x219000, s2;
	s7 =	ssub.s32 $0x2, s6  }
0x8: {  	s2 =	stileid.u32;
	_ =	strace $0x8000004A;
	s8 =	sshrl.u32 s7, $0x1  }
0x9: {  	v2 =	vlaneseq.u32;
	s31 =	sshll.u32 s2, $0xB;
	s6 =	sshll.u32 s6, $0xA;
	s7 =	ssub.s32 s7, s8  }
0xa: {  	v0 =	vimm.s32 $0x0;
	v1 =	vimm.f32 $1.600000000e+01;
	v2 =	vmul.u32 $0x8, v2;
	s6 =	sor.u32 s6, s31;
	s8 =	simm.s32 $0x200;
	s7 =	smax.u32 s7, $0x1  }
.LBB2_1:
0xb: {  	s18 =	simm.s32 $0x0  }
.LBB2_2:
0xc: {  	s19 =	sshll.u32 s18, $0x6  }
0xd: {  	s19 =	sadd.s32 s6, s19  }
0xe: {  	s21 =	simm.s32 $0x0;
	s20 =	sadd.s32 s3, s19  }
0xf: {  	[tilespmem:s21], [sflag:$0x2] =	stream.strided.gather [hbm4b:s20+s8], $0x600, s9, s8, $0x38;
	[tilespmem:$0x19200] =	vst v63  }
0x10: {  	_ =	swait.ge [sflag:s10], $0x600  }
0x11: {  	[sflag:s10] =	ssyncset.done $0x0  }
0x12: {  	s21 =	simm.s32 $0x0;
	[sflag:s10] =	ssyncadd.s32 $0xFFFFFA00  }
0x13: {  	v3 =	vld [tilespmem:s21+$0x200]  }
0x14: {  	v4 =	vld [tilespmem:s21+$0x400];
	_ =	sdelay $0x3  }
0x15: {  	v3 =	vadd.f32 $1.000000000e+00, v3  }
0x16: {  	v4 =	vadd.f32 $1.000000000e+00, v4  }
0x17: {  	v5 =	vld [tilespmem:s21+$0x0];
	v3 =	vmul.f32 $5.000000000e-01, v3  }
0x18: {  	v4 =	vmul.f32 $5.000000000e-01, v4  }
0x19: {  	v7 =	vmul.f32 $1.600000000e+01, v3  }
0x1a: {  	v8 =	vmul.f32 $1.600000000e+01, v4  }
0x1b: {  	v3 =	vtrunc.f32 v7  }
0x1c: {  	v4 =	vadd.f32 $1.000000000e+00, v5;
	v5 =	vcvt.f32.s32 v3;
	v3 =	vtrunc.f32 v8  }
0x1d: {  	v9 =	vcvt.f32.s32 v3  }
0x1e: {  	v3 =	vmul.f32 $5.000000000e-01, v4;
	v10 =	vcvt.s32.f32 v5  }
0x1f: {  	v11 =	vcvt.s32.f32 v9  }
0x20: {  	v6 =	vmul.u32 $0x9E3779B1, v5;
	v3 =	vmul.f32 $1.600000000e+01, v3;
	vm0 =	vgt.f32 v7, v10  }
0x21: {  	v4 =	vmul.u32 $0x30025795, v9;
	v12 =	vsel vm0, $0x1, v0;
	vm14 =	vgt.f32 v8, v11  }
0x22: {  	v13 =	vtrunc.f32 v3;
	v5 =	vadd.s32 v5, v12;
	v12 =	vsel vm14, $0x1, v0  }
0x23: {  	v15 =	vcvt.f32.s32 v13;
	v9 =	vadd.s32 v9, v12;
	v13 =	vmul.u32 $0x9E3779B1, v5  }
0x24: {  	v7 =	vsub.f32 v7, v10;
	v10 =	vsub.f32 v8, v11;
	v11 =	vmul.u32 $0x30025795, v9  }
0x25: {  	v5 =	vcvt.s32.f32 v15;
	v8 =	vxor.u32 v15, v6;
	v9 =	vxor.u32 v15, v13  }
0x26: {  	v12 =	vxor.u32 v4, v9;
	v14 =	vxor.u32 v8, v11;
	v16 =	vxor.u32 v11, v9  }
0x27: {  	vm15 =	vgt.f32 v3, v5;
	v8 =	vxor.u32 v4, v8;
	v17 =	vshll.u32 v16, $0x1  }
0x28: {  	[tilespmem:s21+$0x800] =	vst v7;
	v18 =	vsel vm15, $0x1, v0;
	v9 =	vshrl.u32 v12, $0x2;
	v17 =	vand.u32 $0x6, v17  }
0x29: {  	s22 =	simm.s32 $0x80;
	s20 =	simm.s32 $0x10;
	v12 =	vshll.u32 v12, $0x1;
	v7 =	vshrl.u32 v16, $0x2;
	v15 =	vadd.s32 v15, v18;
	[tilespmem:s21+$0x4000] =	vst v17  }
.LBB2_3:
0x2a: {  	p0 =	sne.s32 s22, $0x7C0;
	v16 =	vld [tilespmem:s20+$0x200];
	[tilespmem:s21+$0xA00] =	vst v10;
	v6 =	vxor.u32 v6, v15;
	v10 =	vxor.u32 v15, v13;
	v13 =	vshrl.u32 v14, $0x2  }
0x2b: {  	v15 =	vld [tilespmem:s20+$0x400];
	v17 =	vxor.u32 v4, v10;
	v18 =	vxor.u32 v6, v11;
	v10 =	vxor.u32 v11, v10  }
0x2c: {  	v4 =	vxor.u32 v4, v6;
	v6 =	vshrl.u32 v17, $0x2;
	v11 =	vshll.u32 v17, $0x1  }
0x2d: {  	v14 =	vshll.u32 v14, $0x1;
	v17 =	vshrl.u32 v10, $0x2;
	v10 =	vshll.u32 v10, $0x1  }
0x2e: {  	v19 =	vshrl.u32 v4, $0x2;
	v20 =	vshrl.u32 v18, $0x2;
	v18 =	vshll.u32 v18, $0x1  }
0x2f: {  	v21 =	vshrl.u32 v8, $0x2;
	v22 =	vshll.u32 v4, $0x1;
	v16 =	vadd.f32 $1.000000000e+00, v16  }
0x30: {  	v4 =	vadd.f32 $1.000000000e+00, v15;
	v15 =	vsub.f32 v3, v5;
	v5 =	vshll.u32 v8, $0x1  }
0x31: {  	v9 =	vand.u32 $0x1FFFF, v9;
	v12 =	vand.u32 $0x6, v12;
	v3 =	vld [tilespmem:s20+$0x0];
	v8 =	vmul.f32 $5.000000000e-01, v16  }
0x32: {  	v6 =	vand.u32 $0x1FFFF, v6;
	v4 =	vmul.f32 $5.000000000e-01, v4;
	[tilespmem:s21+$0x1600] =	vst v9;
	v9 =	vand.u32 $0x6, v11  }
0x33: {  	v10 =	vand.u32 $0x6, v10;
	v11 =	vand.u32 $0x1FFFF, v17;
	v8 =	vmul.f32 $1.600000000e+01, v8;
	[tilespmem:s21+$0x3600] =	vst v12  }
0x34: {  	v13 =	vand.u32 $0x1FFFF, v13;
	v12 =	vmul.f32 $1.600000000e+01, v4;
	[tilespmem:s21+$0x1800] =	vst v6;
	v4 =	vand.u32 $0x1FFFF, v7  }
0x35: {  	v7 =	vand.u32 $0x6, v14;
	v6 =	vtrunc.f32 v8;
	[tilespmem:s21+$0x3800] =	vst v9;
	v9 =	vand.u32 $0x1FFFF, v20  }
0x36: {  	v3 =	vadd.f32 $1.000000000e+00, v3;
	v14 =	vcvt.f32.s32 v6;
	v6 =	vtrunc.f32 v12;
	[tilespmem:s21+$0x1E00] =	vst v11  }
0x37: {  	v16 =	vand.u32 $0x1FFFF, v19;
	v17 =	vand.u32 $0x6, v18;
	v11 =	vcvt.f32.s32 v6;
	[tilespmem:s21+$0x3E00] =	vst v10  }
0x38: {  	v3 =	vmul.f32 $5.000000000e-01, v3;
	v10 =	vcvt.s32.f32 v14;
	v6 =	vmul.u32 $0x9E3779B1, v14;
	[tilespmem:s21+$0x2000] =	vst v4  }
0x39: {  	v19 =	vand.u32 $0x6, v22;
	v18 =	vcvt.s32.f32 v11;
	v4 =	vmul.u32 $0x30025795, v11;
	[tilespmem:s21+$0x1A00] =	vst v13  }
0x3a: {  	v3 =	vmul.f32 $1.600000000e+01, v3;
	v20 =	vsub.f32 v8, v10;
	vm0 =	vgt.f32 v8, v10;
	[tilespmem:s21+$0x3A00] =	vst v7  }
0x3b: {  	v7 =	vsel vm0, $0x1, v0;
	v10 =	vsub.f32 v12, v18;
	vm0 =	vgt.f32 v12, v18;
	[tilespmem:s21+$0x1C00] =	vst v9  }
0x3c: {  	v8 =	vtrunc.f32 v3;
	v7 =	vadd.s32 v14, v7;
	v9 =	vsel vm0, $0x1, v0;
	[tilespmem:s21+$0x3C00] =	vst v17  }
0x3d: {  	v12 =	vcvt.f32.s32 v8;
	v8 =	vadd.s32 v11, v9;
	v13 =	vmul.u32 $0x9E3779B1, v7;
	[tilespmem:s21+$0x1400] =	vst v16  }
0x3e: {  	v7 =	vand.u32 $0x1FFFF, v21;
	v11 =	vmul.u32 $0x30025795, v8;
	v8 =	vand.u32 $0x6, v5;
	[tilespmem:s21+$0x3400] =	vst v19  }
.Ltmp0:
0x3f: {  	v5 =	vcvt.s32.f32 v12;
	v9 =	vxor.u32 v12, v6;
	v16 =	vxor.u32 v12, v13;
	[tilespmem:s21+$0x1200] =	vst v7;
	(pc) =	sbr.rel @p0 .LBB2_3-.Ltmp0, $4  }
0x40: {  	v7 =	vxor.u32 v4, v16;
	v14 =	vxor.u32 v9, v11;
	v16 =	vxor.u32 v11, v16;
	[tilespmem:s21+$0x3200] =	vst v8  }
0x41: {  	v8 =	vxor.u32 v4, v9;
	vm0 =	vgt.f32 v3, v5;
	v17 =	vshll.u32 v16, $0x1;
	[tilespmem:s21+$0x600] =	vst v15;
	s21 =	smov.u32 s20  }
0x42: {  	v9 =	vshrl.u32 v7, $0x2;
	v15 =	vsel vm0, $0x1, v0;
	[tilespmem:s21+$0x800] =	vst v20;
	v17 =	vand.u32 $0x6, v17  }
0x43: {  	s20 =	sshra.s32 s22, $0x2;
	s22 =	sadd.s32 $0x40, s22;
	v15 =	vadd.s32 v12, v15;
	v12 =	vshll.u32 v7, $0x1;
	v7 =	vshrl.u32 v16, $0x2;
	[tilespmem:s21+$0x4000] =	vst v17  }
0x44: {  	v16 =	vld [tilespmem:s20+$0x200];
	[tilespmem:s21+$0xA00] =	vst v10;
	v6 =	vxor.u32 v6, v15;
	v47 =	vxor.u32 v15, v13;
	v49 =	vshrl.u32 v14, $0x2  }
0x45: {  	v53 =	vshll.u32 v14, $0x1;
	v22 =	vshrl.u32 v8, $0x2;
	v9 =	vand.u32 $0x1FFFF, v9;
	v48 =	vld [tilespmem:s20+$0x400]  }
0x46: {  	v55 =	vand.u32 $0x6, v12;
	v3 =	vsub.f32 v3, v5;
	v59 =	vshll.u32 v8, $0x1  }
0x47: {  	v17 =	vxor.u32 v4, v47;
	v18 =	vxor.u32 v6, v11;
	v10 =	vxor.u32 v11, v47  }
0x48: {  	v50 =	vxor.u32 v4, v6;
	v21 =	vld [tilespmem:s20+$0x0];
	v24 =	vand.u32 $0x1FFFF, v49;
	v25 =	vand.u32 $0x6, v53  }
0x49: {  	v36 =	vand.u32 $0x1FFFF, v22;
	v8 =	vand.u32 $0x6, v59;
	v16 =	vadd.f32 $1.000000000e+00, v16  }
0x4a: {  	v51 =	vshrl.u32 v17, $0x2;
	v52 =	vshll.u32 v17, $0x1;
	v13 =	vadd.f32 $1.000000000e+00, v48  }
0x4b: {  	[tilespmem:s21+$0x1600] =	vst v9;
	v54 =	vshrl.u32 v10, $0x2;
	v10 =	vshll.u32 v10, $0x1;
	v16 =	vmul.f32 $5.000000000e-01, v16  }
0x4c: {  	[tilespmem:s21+$0x3600] =	vst v55;
	v19 =	vshrl.u32 v50, $0x2;
	v20 =	vshrl.u32 v18, $0x2;
	v56 =	vmul.f32 $5.000000000e-01, v13  }
0x4d: {  	v18 =	vshll.u32 v18, $0x1;
	[tilespmem:s21+$0x1A00] =	vst v24;
	v58 =	vmul.f32 $1.600000000e+01, v16;
	v16 =	vadd.f32 $1.000000000e+00, v21  }
0x4e: {  	v4 =	vshll.u32 v50, $0x1;
	[tilespmem:s21+$0x3A00] =	vst v25;
	v57 =	vand.u32 $0x1FFFF, v51;
	v61 =	vmul.f32 $1.600000000e+01, v56  }
0x4f: {  	[tilespmem:s21+$0x1200] =	vst v36;
	v60 =	vand.u32 $0x6, v52;
	v63 =	vtrunc.f32 v58;
	v9 =	vmul.f32 $5.000000000e-01, v16  }
0x50: {  	[tilespmem:s21+$0x3200] =	vst v8;
	v62 =	vand.u32 $0x1FFFF, v54;
	v12 =	vcvt.f32.s32 v63;
	v17 =	vtrunc.f32 v61  }
0x51: {  	[tilespmem:s21+$0x600] =	vst v3;
	v10 =	vand.u32 $0x6, v10;
	v27 =	vand.u32 $0x1FFFF, v20;
	v23 =	vcvt.f32.s32 v17  }
0x52: {  	v29 =	vand.u32 $0x1FFFF, v19;
	[tilespmem:s21+$0x1800] =	vst v57;
	v9 =	vmul.f32 $1.600000000e+01, v9;
	v26 =	vcvt.s32.f32 v12  }
0x53: {  	v30 =	vand.u32 $0x6, v18;
	v4 =	vand.u32 $0x6, v4;
	[tilespmem:s21+$0x3800] =	vst v60;
	v28 =	vcvt.s32.f32 v23  }
0x54: {  	[tilespmem:s21+$0x1E00] =	vst v62;
	v21 =	vand.u32 $0x1FFFF, v7;
	v32 =	vtrunc.f32 v9;
	vm0 =	vgt.f32 v58, v26  }
0x55: {  	[tilespmem:s21+$0x3E00] =	vst v10;
	v5 =	vcvt.f32.s32 v32;
	v31 =	vsel vm0, $0x1, v0;
	vm14 =	vgt.f32 v61, v28  }
0x56: {  	[tilespmem:s21+$0x1C00] =	vst v27;
	v7 =	vmul.u32 $0x30025795, v23;
	v13 =	vadd.s32 v12, v31;
	v33 =	vsel vm14, $0x1, v0  }
0x57: {  	[tilespmem:s21+$0x3C00] =	vst v30;
	v37 =	vcvt.s32.f32 v5;
	v34 =	vadd.s32 v23, v33;
	v13 =	vmul.u32 $0x9E3779B1, v13  }
0x58: {  	[tilespmem:s21+$0x1400] =	vst v29;
	v6 =	vsub.f32 v58, v26;
	v40 =	vsub.f32 v61, v28;
	v35 =	vmul.u32 $0x30025795, v34  }
0x59: {  	[tilespmem:s21+$0x3400] =	vst v4;
	v12 =	vmul.u32 $0x9E3779B1, v12;
	vm15 =	vgt.f32 v9, v37;
	v38 =	vxor.u32 v5, v13  }
0x5a: {  	[tilespmem:s21+$0x2000] =	vst v21;
	v3 =	vsel vm15, $0x1, v0;
	v39 =	vxor.u32 v35, v38;
	v42 =	vxor.u32 v7, v38  }
0x5b: {  	[tilespmem:s20+$0x800] =	vst v6;
	v3 =	vadd.s32 v5, v3;
	v5 =	vxor.u32 v5, v12;
	v41 =	vshll.u32 v39, $0x1  }
0x5c: {  	[tilespmem:s20+$0xA00] =	vst v40;
	v44 =	vshrl.u32 v42, $0x2;
	v45 =	vxor.u32 v3, v13;
	v43 =	vand.u32 $0x6, v41  }
0x5d: {  	v46 =	vshll.u32 v42, $0x1;
	v52 =	vxor.u32 v5, v35;
	v11 =	vand.u32 $0x1FFFF, v44;
	[tilespmem:s20+$0x4000] =	vst v43  }
0x5e: {  	v53 =	vshrl.u32 v39, $0x2;
	v5 =	vxor.u32 v7, v5;
	v13 =	vand.u32 $0x6, v46;
	[tilespmem:s20+$0x1600] =	vst v11  }
0x5f: {  	v47 =	vxor.u32 v7, v45;
	v54 =	vshrl.u32 v52, $0x2;
	v55 =	vand.u32 $0x1FFFF, v53;
	[tilespmem:s20+$0x3600] =	vst v13  }
0x60: {  	v62 =	vshrl.u32 v5, $0x2;
	v5 =	vshll.u32 v5, $0x1;
	v57 =	vand.u32 $0x1FFFF, v54;
	[tilespmem:s20+$0x2000] =	vst v55  }
0x61: {  	v48 =	vshrl.u32 v47, $0x2;
	v63 =	vand.u32 $0x6, v5;
	[tilespmem:s20+$0x1A00] =	vst v57  }
0x62: {  	v6 =	vxor.u32 v35, v45;
	v8 =	vshll.u32 v47, $0x1;
	v49 =	vand.u32 $0x1FFFF, v48;
	[tilespmem:s20+$0x3200] =	vst v63  }
0x63: {  	v3 =	vxor.u32 v12, v3;
	v50 =	vshrl.u32 v6, $0x2;
	v8 =	vand.u32 $0x6, v8;
	[tilespmem:s20+$0x1800] =	vst v49  }
0x64: {  	v56 =	vxor.u32 v3, v35;
	v6 =	vshll.u32 v6, $0x1;
	v51 =	vand.u32 $0x1FFFF, v50;
	[tilespmem:s20+$0x3800] =	vst v8  }
0x65: {  	v3 =	vxor.u32 v7, v3;
	v58 =	vshrl.u32 v56, $0x2;
	v6 =	vand.u32 $0x6, v6;
	[tilespmem:s20+$0x1E00] =	vst v51  }
0x66: {  	v60 =	vshrl.u32 v3, $0x2;
	v59 =	vand.u32 $0x1FFFF, v58;
	[tilespmem:s20+$0x3E00] =	vst v6  }
0x67: {  	v3 =	vshll.u32 v3, $0x1;
	v61 =	vand.u32 $0x1FFFF, v60;
	[tilespmem:s20+$0x1C00] =	vst v59  }
0x68: {  	v3 =	vand.u32 $0x6, v3;
	v8 =	vshll.u32 v52, $0x1;
	[tilespmem:s20+$0x1400] =	vst v61  }
0x69: {  	v6 =	vshll.u32 v56, $0x1;
	[tilespmem:s20+$0x3400] =	vst v3;
	v8 =	vand.u32 $0x6, v8  }
0x6a: {  	v3 =	vsub.f32 v9, v37;
	v6 =	vand.u32 $0x6, v6;
	[tilespmem:s20+$0x3A00] =	vst v8  }
0x6b: {  	[tilespmem:s20+$0x3C00] =	vst v6  }
0x6c: {  	v6 =	vand.u32 $0x1FFFF, v62;
	[tilespmem:s20+$0x600] =	vst v3  }
0x6d: {  	s22 =	simm.s32 $0x15800;
	s21 =	simm.s32 $0x15400;
	[tilespmem:s20+$0x1200] =	vst v6;
	s20 =	simm.s32 $0x0  }
0x6e: {  	[tilespmem:s13], [sflag:$0x1] =	stream.indirect.gather [hbm4b:s4+s11], $0x8, s12, s11, $0xb8;
	[tilespmem:$0x19200] =	vst v63  }
.LBB2_5:
0x6f: {  	s23 =	sshllo.u32 s20, $0x1  }
0x70: {  	s24 =	simm.s32 $0x0;
	v3 =	vmov s23  }
0x71: {  	v4 =	vld [tilespmem:s24+$0x200];
	vm0 =	veq.s32 v3, $0x1  }
0x72: {  	v6 =	vld [tilespmem:s24+$0x400];
	vm6 =	veq.s32 v3, $0x3;
	v5 =	vsel vm0, $0x41A80000, v1  }
0x73: {  	vm7 =	veq.s32 v3, $0x5;
	v5 =	vsel vm6, $0x42100000, v5  }
0x74: {  	vm8 =	veq.s32 v3, $0x7;
	v5 =	vsel vm7, $0x427C0000, v5  }
0x75: {  	vm9 =	veq.s32 v3, $0x9;
	v5 =	vsel vm8, $0x42DE0000, v5  }
0x76: {  	vm10 =	veq.s32 v3, $0xB;
	v4 =	vadd.f32 $1.000000000e+00, v4;
	v5 =	vsel vm9, $0x43420000, v5  }
0x77: {  	vm11 =	veq.s32 v3, $0xD;
	v6 =	vadd.f32 $1.000000000e+00, v6;
	v5 =	vsel vm10, $0x43A88000, v5  }
0x78: {  	v7 =	vld [tilespmem:s24+$0x0];
	vm12 =	veq.s32 v3, $0xF;
	v8 =	vmul.f32 $5.000000000e-01, v4;
	v5 =	vsel vm11, $0x44130000, v5  }
0x79: {  	v4 =	vsel vm12, $0x447FC000, v5;
	v5 =	vmul.f32 $5.000000000e-01, v6  }
0x7a: {  	v6 =	vmul.f32 v8, v4  }
0x7b: {  	v8 =	vmul.f32 v5, v4  }
0x7c: {  	v5 =	vtrunc.f32 v6  }
0x7d: {  	v7 =	vadd.f32 $1.000000000e+00, v7;
	v9 =	vcvt.f32.s32 v5;
	v5 =	vtrunc.f32 v8  }
0x7e: {  	v10 =	vcvt.f32.s32 v5  }
0x7f: {  	v5 =	vmul.f32 $5.000000000e-01, v7;
	v7 =	vcvt.s32.f32 v9  }
0x80: {  	v3 =	vshll.u32 v3, $0x11;
	v11 =	vcvt.s32.f32 v10  }
0x81: {  	v13 =	vmul.u32 $0x9E3779B1, v9;
	v5 =	vmul.f32 v5, v4;
	vm13 =	vgt.f32 v6, v7  }
0x82: {  	v16 =	vmul.u32 $0x30025795, v10;
	v12 =	vsel vm13, $0x1, v0;
	vm14 =	vgt.f32 v8, v11  }
0x83: {  	v14 =	vtrunc.f32 v5;
	v9 =	vadd.s32 v9, v12;
	v12 =	vsel vm14, $0x1, v0  }
0x84: {  	v15 =	vcvt.f32.s32 v14;
	v10 =	vadd.s32 v10, v12;
	v17 =	vmul.u32 $0x9E3779B1, v9  }
0x85: {  	v18 =	vsub.f32 v6, v7;
	v19 =	vsub.f32 v8, v11;
	v20 =	vmul.u32 $0x30025795, v10  }
0x86: {  	v6 =	vcvt.s32.f32 v15;
	v7 =	vxor.u32 v15, v13;
	v9 =	vxor.u32 v15, v17  }
0x87: {  	v10 =	vxor.u32 v16, v9;
	v8 =	vxor.u32 v7, v20;
	v9 =	vxor.u32 v20, v9  }
0x88: {  	vm15 =	vgt.f32 v5, v6;
	v7 =	vxor.u32 v16, v7;
	v11 =	vshrl.u32 v9, $0x2  }
0x89: {  	v12 =	vsel vm15, $0x1, v0;
	v14 =	vshrl.u32 v10, $0x2;
	v11 =	vand.u32 $0x1FFFF, v11  }
0x8a: {  	v15 =	vadd.s32 v15, v12;
	v12 =	vshrl.u32 v8, $0x2;
	v21 =	vor.u32 v3, v11  }
0x8b: {  	[tilespmem:s24+$0xE00] =	vst v18;
	v18 =	vxor.u32 v13, v15;
	v13 =	vxor.u32 v15, v17;
	v11 =	vshrl.u32 v7, $0x2  }
0x8c: {  	[tilespmem:s24+$0x1000] =	vst v19;
	v17 =	vxor.u32 v16, v13;
	v15 =	vxor.u32 v20, v13;
	v13 =	vxor.u32 v18, v20  }
0x8d: {  	s25 =	simm.s32 $0x10;
	s26 =	simm.s32 $0x80;
	s23 =	sshll.u32 s20, $0x1;
	[tilespmem:s24+$0x3000] =	vst v21;
	v16 =	vxor.u32 v16, v18;
	v18 =	vshrl.u32 v17, $0x2;
	v19 =	vshrl.u32 v15, $0x2  }
.LBB2_6:
0x8e: {  	p0 =	sne.s32 s26, $0x7C0;
	v20 =	vld [tilespmem:s25+$0x200];
	v21 =	vshrl.u32 v16, $0x2;
	v14 =	vand.u32 $0x1FFFF, v14;
	v22 =	vshrl.u32 v13, $0x2  }
0x8f: {  	v10 =	vshll.u32 v10, $0x1;
	v18 =	vand.u32 $0x1FFFF, v18;
	v19 =	vand.u32 $0x1FFFF, v19;
	v23 =	vld [tilespmem:s25+$0x400]  }
0x90: {  	v17 =	vshll.u32 v17, $0x1;
	v12 =	vand.u32 $0x1FFFF, v12;
	v22 =	vand.u32 $0x1FFFF, v22  }
0x91: {  	v15 =	vshll.u32 v15, $0x1;
	v9 =	vshll.u32 v9, $0x1;
	v21 =	vand.u32 $0x1FFFF, v21  }
0x92: {  	v16 =	vshll.u32 v16, $0x1;
	v8 =	vshll.u32 v8, $0x1;
	v13 =	vshll.u32 v13, $0x1  }
0x93: {  	v11 =	vand.u32 $0x1FFFF, v11;
	v7 =	vshll.u32 v7, $0x1;
	v20 =	vadd.f32 $1.000000000e+00, v20  }
0x94: {  	v24 =	vsub.f32 v5, v6;
	v5 =	vor.u32 v3, v14;
	v23 =	vadd.f32 $1.000000000e+00, v23  }
0x95: {  	v6 =	vld [tilespmem:s25+$0x0];
	v14 =	vmul.f32 $5.000000000e-01, v20;
	[tilespmem:s24+$0x2600] =	vst v5;
	v5 =	vor.u32 v3, v18;
	v18 =	vor.u32 v3, v19  }
0x96: {  	v10 =	vand.u32 $0x6, v10;
	v19 =	vmul.f32 $5.000000000e-01, v23;
	[tilespmem:s24+$0x2800] =	vst v5;
	v5 =	vand.u32 $0x6, v17  }
0x97: {  	v12 =	vor.u32 v3, v12;
	v17 =	vor.u32 v3, v22;
	v14 =	vmul.f32 v14, v4;
	[tilespmem:s24+$0x2E00] =	vst v18  }
0x98: {  	v9 =	vand.u32 $0x6, v9;
	v18 =	vmul.f32 v19, v4;
	[tilespmem:s24+$0x4600] =	vst v10;
	v10 =	vand.u32 $0x6, v15  }
0x99: {  	v8 =	vand.u32 $0x6, v8;
	v19 =	vor.u32 v3, v21;
	v15 =	vtrunc.f32 v14;
	[tilespmem:s24+$0x4800] =	vst v5  }
0x9a: {  	v5 =	vadd.f32 $1.000000000e+00, v6;
	v6 =	vcvt.f32.s32 v15;
	v15 =	vtrunc.f32 v18;
	[tilespmem:s24+$0x2A00] =	vst v12  }
0x9b: {  	v13 =	vand.u32 $0x6, v13;
	v12 =	vcvt.f32.s32 v15;
	v15 =	vand.u32 $0x6, v16;
	[tilespmem:s24+$0x2C00] =	vst v17  }
0x9c: {  	v5 =	vmul.f32 $5.000000000e-01, v5;
	v16 =	vcvt.s32.f32 v6;
	v17 =	vmul.u32 $0x9E3779B1, v6;
	[tilespmem:s24+$0x4E00] =	vst v10  }
0x9d: {  	v11 =	vor.u32 v3, v11;
	v10 =	vcvt.s32.f32 v12;
	v20 =	vmul.u32 $0x30025795, v12;
	[tilespmem:s24+$0x5000] =	vst v9  }
0x9e: {  	v5 =	vmul.f32 v5, v4;
	v21 =	vsub.f32 v14, v16;
	vm0 =	vgt.f32 v14, v16;
	[tilespmem:s24+$0x2400] =	vst v19  }
0x9f: {  	v9 =	vsel vm0, $0x1, v0;
	v14 =	vsub.f32 v18, v10;
	vm0 =	vgt.f32 v18, v10;
	[tilespmem:s24+$0x4A00] =	vst v8  }
0xa0: {  	v8 =	vtrunc.f32 v5;
	v6 =	vadd.s32 v6, v9;
	v9 =	vsel vm0, $0x1, v0;
	[tilespmem:s24+$0x4C00] =	vst v13  }
0xa1: {  	v13 =	vcvt.f32.s32 v8;
	v8 =	vadd.s32 v12, v9;
	v16 =	vmul.u32 $0x9E3779B1, v6;
	[tilespmem:s24+$0x4400] =	vst v15  }
0xa2: {  	v7 =	vand.u32 $0x6, v7;
	v15 =	vmul.u32 $0x30025795, v8;
	[tilespmem:s24+$0x2200] =	vst v11  }
0xa3: {  	v6 =	vcvt.s32.f32 v13;
	v11 =	vxor.u32 v13, v17;
	v9 =	vxor.u32 v13, v16;
	[tilespmem:s24+$0x4200] =	vst v7  }
0xa4: {  	v10 =	vxor.u32 v20, v9;
	v8 =	vxor.u32 v11, v15;
	v9 =	vxor.u32 v15, v9;
	[tilespmem:s24+$0xC00] =	vst v24;
	s24 =	smov.u32 s25  }
0xa5: {  	v7 =	vxor.u32 v20, v11;
	vm0 =	vgt.f32 v5, v6;
	[tilespmem:s24+$0xE00] =	vst v21;
	v11 =	vshrl.u32 v9, $0x2  }
.Ltmp1:
0xa6: {  	v12 =	vsel vm0, $0x1, v0;
	[tilespmem:s24+$0x1000] =	vst v14;
	v14 =	vshrl.u32 v10, $0x2;
	v11 =	vand.u32 $0x1FFFF, v11;
	(pc) =	sbr.rel @p0 .LBB2_6-.Ltmp1, $4  }
0xa7: {  	v13 =	vadd.s32 v13, v12;
	v12 =	vshrl.u32 v8, $0x2;
	v18 =	vor.u32 v3, v11  }
0xa8: {  	v11 =	vshrl.u32 v7, $0x2;
	v19 =	vxor.u32 v17, v13;
	v16 =	vxor.u32 v13, v16;
	[tilespmem:s24+$0x3000] =	vst v18  }
0xa9: {  	v17 =	vxor.u32 v20, v16;
	v13 =	vxor.u32 v19, v15;
	v15 =	vxor.u32 v15, v16  }
0xaa: {  	s25 =	sshra.s32 s26, $0x2;
	s26 =	sadd.s32 $0x40, s26;
	v16 =	vxor.u32 v20, v19;
	v18 =	vshrl.u32 v17, $0x2;
	v19 =	vshrl.u32 v15, $0x2  }
0xab: {  	v21 =	vshrl.u32 v16, $0x2;
	v14 =	vand.u32 $0x1FFFF, v14;
	v22 =	vshrl.u32 v13, $0x2  }
0xac: {  	v20 =	vld [tilespmem:s25+$0x200];
	v10 =	vshll.u32 v10, $0x1;
	v18 =	vand.u32 $0x1FFFF, v18;
	v19 =	vand.u32 $0x1FFFF, v19  }
0xad: {  	v23 =	vld [tilespmem:s25+$0x400];
	v17 =	vshll.u32 v17, $0x1;
	v12 =	vand.u32 $0x1FFFF, v12;
	v15 =	vshll.u32 v15, $0x1  }
0xae: {  	v9 =	vshll.u32 v9, $0x1;
	v55 =	vshll.u32 v16, $0x1;
	v8 =	vshll.u32 v8, $0x1;
	v57 =	vld [tilespmem:s25+$0x0]  }
0xaf: {  	v56 =	vshll.u32 v13, $0x1;
	v5 =	vsub.f32 v5, v6;
	v11 =	vand.u32 $0x1FFFF, v11  }
0xb0: {  	v7 =	vshll.u32 v7, $0x1;
	v22 =	vand.u32 $0x1FFFF, v22;
	v21 =	vand.u32 $0x1FFFF, v21  }
0xb1: {  	v14 =	vor.u32 v3, v14;
	v18 =	vor.u32 v3, v18;
	v20 =	vadd.f32 $1.000000000e+00, v20  }
0xb2: {  	v19 =	vor.u32 v3, v19;
	v10 =	vand.u32 $0x6, v10;
	v23 =	vadd.f32 $1.000000000e+00, v23  }
0xb3: {  	v58 =	vand.u32 $0x6, v17;
	[tilespmem:s24+$0x2600] =	vst v14;
	v6 =	vadd.f32 $1.000000000e+00, v57;
	v20 =	vmul.f32 $5.000000000e-01, v20  }
0xb4: {  	v12 =	vor.u32 v3, v12;
	v15 =	vand.u32 $0x6, v15;
	[tilespmem:s24+$0x2800] =	vst v18;
	v23 =	vmul.f32 $5.000000000e-01, v23  }
0xb5: {  	v9 =	vand.u32 $0x6, v9;
	[tilespmem:s24+$0x2E00] =	vst v19;
	v6 =	vmul.f32 $5.000000000e-01, v6;
	v20 =	vmul.f32 v20, v4  }
0xb6: {  	v8 =	vand.u32 $0x6, v8;
	v63 =	vand.u32 $0x6, v55;
	[tilespmem:s24+$0x4600] =	vst v10;
	v59 =	vmul.f32 v23, v4  }
0xb7: {  	v26 =	vand.u32 $0x6, v56;
	[tilespmem:s24+$0x4800] =	vst v58;
	v25 =	vmul.f32 v6, v4;
	v60 =	vtrunc.f32 v20  }
0xb8: {  	v11 =	vor.u32 v3, v11;
	[tilespmem:s24+$0x2A00] =	vst v12;
	v61 =	vtrunc.f32 v59;
	v18 =	vcvt.f32.s32 v60  }
0xb9: {  	v7 =	vand.u32 $0x6, v7;
	[tilespmem:s24+$0x4E00] =	vst v15;
	v30 =	vtrunc.f32 v25;
	v10 =	vcvt.f32.s32 v61  }
0xba: {  	v62 =	vor.u32 v3, v21;
	[tilespmem:s24+$0x5000] =	vst v9;
	v21 =	vcvt.f32.s32 v30;
	v24 =	vcvt.s32.f32 v18  }
0xbb: {  	v22 =	vor.u32 v3, v22;
	[tilespmem:s24+$0x4A00] =	vst v8;
	v27 =	vmul.u32 $0x9E3779B1, v18;
	v28 =	vcvt.s32.f32 v10  }
0xbc: {  	[tilespmem:s24+$0x4C00] =	vst v26;
	v29 =	vmul.u32 $0x30025795, v10;
	v34 =	vcvt.s32.f32 v21;
	vm0 =	vgt.f32 v20, v24  }
0xbd: {  	[tilespmem:s24+$0x4400] =	vst v63;
	vm14 =	vgt.f32 v59, v28;
	v14 =	vsub.f32 v20, v24;
	v16 =	vsub.f32 v59, v28  }
0xbe: {  	[tilespmem:s24+$0x2200] =	vst v11;
	vm15 =	vgt.f32 v25, v34;
	v31 =	vsel vm0, $0x1, v0;
	v32 =	vsel vm14, $0x1, v0  }
0xbf: {  	[tilespmem:s24+$0x4200] =	vst v7;
	v39 =	vsel vm15, $0x1, v0;
	v9 =	vadd.s32 v18, v31;
	v33 =	vadd.s32 v10, v32  }
0xc0: {  	[tilespmem:s24+$0xC00] =	vst v5;
	v17 =	vadd.s32 v21, v39;
	v9 =	vmul.u32 $0x9E3779B1, v9;
	v35 =	vmul.u32 $0x30025795, v33  }
0xc1: {  	[tilespmem:s24+$0x2C00] =	vst v22;
	v37 =	vxor.u32 v21, v27;
	v4 =	vsub.f32 v25, v34;
	v13 =	vxor.u32 v27, v17  }
0xc2: {  	[tilespmem:s24+$0x2400] =	vst v62;
	v36 =	vxor.u32 v21, v9;
	v42 =	vxor.u32 v37, v35;
	v44 =	vxor.u32 v17, v9  }
0xc3: {  	[tilespmem:s25+$0xE00] =	vst v14;
	v6 =	vxor.u32 v13, v35;
	v38 =	vxor.u32 v35, v36;
	v40 =	vxor.u32 v29, v36  }
0xc4: {  	[tilespmem:s25+$0x1000] =	vst v16;
	v46 =	vxor.u32 v29, v44;
	v52 =	vshrl.u32 v6, $0x2;
	v6 =	vshll.u32 v6, $0x1  }
0xc5: {  	[tilespmem:s25+$0xC00] =	vst v4;
	v49 =	vshrl.u32 v42, $0x2;
	v7 =	vshll.u32 v40, $0x1;
	v6 =	vand.u32 $0x6, v6  }
0xc6: {  	v8 =	vxor.u32 v35, v44;
	v53 =	vand.u32 $0x1FFFF, v49;
	v7 =	vand.u32 $0x6, v7;
	[tilespmem:s25+$0x4C00] =	vst v6  }
0xc7: {  	v48 =	vshrl.u32 v8, $0x2;
	v8 =	vshll.u32 v8, $0x1;
	v54 =	vor.u32 v3, v53;
	[tilespmem:s25+$0x4600] =	vst v7  }
0xc8: {  	v41 =	vshrl.u32 v38, $0x2;
	v12 =	vshll.u32 v38, $0x1;
	v8 =	vand.u32 $0x6, v8;
	[tilespmem:s25+$0x2A00] =	vst v54  }
0xc9: {  	v45 =	vshrl.u32 v40, $0x2;
	v43 =	vand.u32 $0x1FFFF, v41;
	v58 =	vand.u32 $0x6, v12;
	[tilespmem:s25+$0x4E00] =	vst v8  }
0xca: {  	v47 =	vshrl.u32 v46, $0x2;
	v9 =	vand.u32 $0x1FFFF, v45;
	v5 =	vor.u32 v3, v43;
	[tilespmem:s25+$0x5000] =	vst v58  }
0xcb: {  	v16 =	vand.u32 $0x1FFFF, v47;
	v9 =	vor.u32 v3, v9;
	[tilespmem:s25+$0x3000] =	vst v5  }
0xcc: {  	v59 =	vshll.u32 v42, $0x1;
	v50 =	vor.u32 v3, v16;
	[tilespmem:s25+$0x2600] =	vst v9  }
0xcd: {  	v8 =	vand.u32 $0x6, v59;
	v5 =	vand.u32 $0x1FFFF, v48;
	[tilespmem:s25+$0x2800] =	vst v50  }
0xce: {  	v55 =	vxor.u32 v29, v13;
	v51 =	vshll.u32 v46, $0x1;
	[tilespmem:s25+$0x4A00] =	vst v8;
	v5 =	vor.u32 v3, v5  }
0xcf: {  	v56 =	vshrl.u32 v55, $0x2;
	v9 =	vand.u32 $0x6, v51;
	[tilespmem:s25+$0x2E00] =	vst v5;
	v5 =	vand.u32 $0x1FFFF, v52  }
0xd0: {  	v60 =	vxor.u32 v29, v37;
	v57 =	vand.u32 $0x1FFFF, v56;
	[tilespmem:s25+$0x4800] =	vst v9;
	v5 =	vor.u32 v3, v5  }
0xd1: {  	v61 =	vshrl.u32 v60, $0x2;
	v9 =	vshll.u32 v55, $0x1;
	[tilespmem:s25+$0x2C00] =	vst v5;
	v5 =	vor.u32 v3, v57  }
0xd2: {  	v62 =	vand.u32 $0x6, v9;
	[tilespmem:s25+$0x2400] =	vst v5;
	v5 =	vand.u32 $0x1FFFF, v61  }
0xd3: {  	v63 =	vshll.u32 v60, $0x1;
	[tilespmem:s25+$0x4400] =	vst v62;
	v3 =	vor.u32 v3, v5  }
0xd4: {  	[tilespmem:s25+$0x2200] =	vst v3;
	v3 =	vand.u32 $0x6, v63  }
0xd5: {  	[tilespmem:s25+$0x4200] =	vst v3  }
0xd6: {  	_ =	swait.ge [sflag:s14], $0x8000  }
0xd7: {  	s26 =	simm.s32 $0x800;
	s28 =	smov.u32 s21;
	[sflag:s14] =	ssyncset.done $0x0  }
0xd8: {  	s24 =	simm.s32 $0xE00;
	s25 =	simm.s32 $0x3A00;
	[sflag:s14] =	ssyncadd.s32 $0xFFFF8000  }
0xd9: {  	[tilespmem:s16], [sflag:$0x1] =	stream.indirect.gather [hbm4b:s4+s11], $0x8, s15, s11, $0xb8;
	[tilespmem:$0x19200] =	vst v63  }
.LBB2_8:
0xda: {  	v5 =	vld [tilespmem:s25+$0xFFFFF800];
	s29 =	sadd.s32 $0xFFFFF200, s24;
	s30 =	sadd.s32 $0xFFFFF400, s24  }
0xdb: {  	v7 =	vld [tilespmem:s25+$0xFFFFFA00];
	s31 =	sadd.s32 $0xFFFFF600, s24;
	v6 =	vmov s29;
	v21 =	vmov s30  }
0xdc: {  	v23 =	vld [tilespmem:s25+$0xFFFFFC00];
	v25 =	vmov s31;
	s30 =	sadd.s32 $0xFFFFF800, s24;
	s31 =	sadd.s32 $0xFFFFFA00, s24;
	v6 =	vshll.u32 v6, $0x3;
	v22 =	vshll.u32 v21, $0x3  }
0xdd: {  	v27 =	vld [tilespmem:s25+$0xFFFFFE00];
	v26 =	vshll.u32 v25, $0x3;
	v29 =	vmov s30;
	v33 =	vmov s31;
	s30 =	sadd.s32 $0xFFFFFC00, s24  }
0xde: {  	v31 =	vld [tilespmem:s25+$0x0];
	s31 =	sadd.s32 $0xFFFFFE00, s24;
	v6 =	vor.u32 v2, v6;
	v30 =	vshll.u32 v29, $0x3;
	v18 =	vmov s30  }
0xdf: {  	v17 =	vld [tilespmem:s25+$0x200];
	v34 =	vshll.u32 v33, $0x3;
	v39 =	vmov s31;
	v18 =	vshll.u32 v18, $0x3  }
0xe0: {  	v19 =	vld [tilespmem:s25+$0x400];
	v8 =	vand.u32 $0xFFFFFFF8, v5;
	v9 =	vadd.s32 $0x1, v5;
	v5 =	vand.u32 $0x7, v5  }
0xe1: {  	v24 =	vand.u32 $0xFFFFFFF8, v7;
	v11 =	vadd.s32 $0x1, v7;
	v7 =	vand.u32 $0x7, v7  }
0xe2: {  	v28 =	vand.u32 $0xFFFFFFF8, v23;
	v13 =	vadd.s32 $0x1, v23;
	v32 =	vand.u32 $0xFFFFFFF8, v27  }
0xe3: {  	v15 =	vadd.s32 $0x1, v27;
	v35 =	vand.u32 $0xFFFFFFF8, v31;
	v36 =	vand.u32 $0x7, v31  }
0xe4: {  	v20 =	vand.u32 $0xFFFFFFF8, v17;
	v18 =	vor.u32 v2, v18;
	v38 =	vand.u32 $0x7, v17  }
0xe5: {  	v17 =	vadd.s32 $0x1, v17;
	v25 =	vand.u32 $0x7, v19;
	v42 =	vadd.s32 $0x1, v19  }
0xe6: {  	v21 =	vld [tilespmem:s25+$0x600];
	v8 =	vadd.s32 v6, v8;
	v10 =	vand.u32 $0xFFFFFFF8, v9;
	v9 =	vand.u32 $0x7, v9  }
0xe7: {  	v12 =	vand.u32 $0xFFFFFFF8, v11;
	v11 =	vand.u32 $0x7, v11;
	v14 =	vand.u32 $0xFFFFFFF8, v13  }
0xe8: {  	v13 =	vand.u32 $0x7, v13;
	v16 =	vand.u32 $0xFFFFFFF8, v15;
	v15 =	vand.u32 $0x7, v15  }
0xe9: {  	v20 =	vadd.s32 v18, v20;
	v41 =	vand.u32 $0xFFFFFFF8, v17;
	v17 =	vand.u32 $0x7, v17  }
0xea: {  	v43 =	vand.u32 $0xFFFFFFF8, v42;
	v6 =	vadd.s32 v6, v10;
	v5 =	vor.u32 v5, v8  }
0xeb: {  	v8 =	vor.u32 v2, v22;
	v40 =	vand.u32 $0x7, v21;
	v44 =	vadd.s32 $0x1, v21  }
0xec: {  	v6 =	vor.u32 v9, v6;
	v10 =	vadd.s32 v8, v24;
	v8 =	vadd.s32 v8, v12  }
0xed: {  	v9 =	vand.u32 $0x7, v23;
	v23 =	vand.u32 $0xFFFFFFF8, v19;
	v24 =	vmov s24  }
0xee: {  	v7 =	vor.u32 v7, v10;
	v8 =	vor.u32 v11, v8;
	v10 =	vor.u32 v2, v26  }
0xef: {  	v3 =	vld [tilespmem:s26+$0xFFFFFE00];
	v11 =	vand.u32 $0x7, v27;
	v24 =	vshll.u32 v24, $0x3;
	v12 =	vadd.s32 v10, v28  }
0xf0: {  	v22 =	vld [tilespmem:s26+$0x0];
	v26 =	vand.u32 $0xFFFFFFF8, v21;
	v10 =	vadd.s32 v10, v14;
	v9 =	vor.u32 v9, v12  }
0xf1: {  	v24 =	vor.u32 v2, v24;
	v10 =	vor.u32 v13, v10;
	v12 =	vor.u32 v2, v30;
	v5 =	vld.idx.msk [tilespmem:v5+s13+$0x0], $0xffff  }
0xf2: {  	v14 =	vadd.s32 v12, v32;
	v12 =	vadd.s32 v12, v16;
	v16 =	vor.u32 v38, v20;
	v6 =	vld.idx.msk [tilespmem:v6+s13+$0x0], $0xffff  }
0xf3: {  	v20 =	vshll.u32 v39, $0x3;
	v11 =	vor.u32 v11, v14;
	v14 =	vor.u32 v2, v34;
	v7 =	vld.idx.msk [tilespmem:v7+s13+$0x0], $0xffff  }
0xf4: {  	v12 =	vor.u32 v15, v12;
	v20 =	vor.u32 v2, v20;
	v15 =	vadd.s32 v14, v35;
	v8 =	vld.idx.msk [tilespmem:v8+s13+$0x0], $0xffff  }
0xf5: {  	v13 =	vadd.s32 $0x1, v31;
	v23 =	vadd.s32 v20, v23;
	v15 =	vor.u32 v36, v15;
	v9 =	vld.idx.msk [tilespmem:v9+s13+$0x0], $0xffff  }
0xf6: {  	v26 =	vadd.s32 v24, v26;
	v37 =	vand.u32 $0xFFFFFFF8, v13;
	v23 =	vor.u32 v25, v23;
	v10 =	vld.idx.msk [tilespmem:v10+s13+$0x0], $0xffff  }
0xf7: {  	v13 =	vand.u32 $0x7, v13;
	v14 =	vadd.s32 v14, v37;
	v25 =	vor.u32 v40, v26;
	v16 =	vld.idx.msk [tilespmem:v16+s13+$0x0], $0xffff  }
0xf8: {  	v45 =	vand.u32 $0xFFFFFFF8, v44;
	v13 =	vor.u32 v13, v14;
	v14 =	vadd.s32 v18, v41;
	v11 =	vld.idx.msk [tilespmem:v11+s13+$0x0], $0xffff  }
0xf9: {  	v18 =	vand.u32 $0x7, v42;
	v14 =	vor.u32 v17, v14;
	v17 =	vadd.s32 v20, v43;
	v12 =	vld.idx.msk [tilespmem:v12+s13+$0x0], $0xffff  }
0xfa: {  	v47 =	vand.u32 $0x7, v44;
	v48 =	vadd.s32 v24, v45;
	v17 =	vor.u32 v18, v17;
	v15 =	vld.idx.msk [tilespmem:v15+s13+$0x0], $0xffff  }
0xfb: {  	v18 =	vor.u32 v47, v48;
	v46 =	vld.idx.msk [tilespmem:v23+s13+$0x0], $0xffff  }
0xfc: {  	v4 =	vsub.f32 $1.000000000e+00, v3;
	v49 =	vld.idx.msk [tilespmem:v25+s13+$0x0], $0xffff  }
0xfd: {  	v5 =	vmul.f32 v5, v3;
	v6 =	vmul.f32 v6, v3;
	v13 =	vld.idx.msk [tilespmem:v13+s13+$0x0], $0xffff  }
0xfe: {  	v7 =	vmul.f32 v7, v3;
	v9 =	vmul.f32 v9, v4;
	v14 =	vld.idx.msk [tilespmem:v14+s13+$0x0], $0xffff  }
0xff: {  	v50 =	vsub.f32 $1.000000000e+00, v22;
	v8 =	vmul.f32 v8, v3;
	v10 =	vmul.f32 v10, v4;
	v51 =	vld.idx.msk [tilespmem:v17+s13+$0x0], $0xffff  }
0x100: {  	v52 =	vmul.f32 v16, v3;
	v54 =	vld.idx.msk [tilespmem:v18+s13+$0x0], $0xffff;
	v11 =	vmul.f32 v11, v4;
	v7 =	vadd.f32 v9, v7  }
0x101: {  	v12 =	vmul.f32 v12, v4;
	v8 =	vadd.f32 v10, v8;
	v53 =	vmul.f32 v46, v4  }
0x102: {  	v15 =	vmul.f32 v15, v3;
	v55 =	vmul.f32 v49, v4  }
0x103: {  	v7 =	vmul.f32 v7, v50;
	v60 =	vmul.f32 v8, v50  }
0x104: {  	v56 =	vld [tilespmem:s26+$0x200];
	v5 =	vadd.f32 v11, v5;
	v14 =	vmul.f32 v14, v3;
	v3 =	vmul.f32 v13, v3  }
0x105: {  	v6 =	vadd.f32 v12, v6;
	v11 =	vmul.f32 v51, v4;
	v4 =	vmul.f32 v54, v4  }
0x106: {  	v5 =	vmul.f32 v5, v22;
	v15 =	vadd.f32 v55, v15;
	v9 =	vadd.f32 v53, v52  }
0x107: {  	v59 =	vmul.f32 v6, v22;
	v58 =	vadd.f32 v11, v14;
	v3 =	vadd.f32 v4, v3  }
0x108: {  	v57 =	vmul.f32 v15, v22;
	v9 =	vmul.f32 v9, v50  }
0x109: {  	v61 =	vsub.f32 $1.000000000e+00, v56;
	v3 =	vmul.f32 v3, v22;
	v10 =	vmul.f32 v58, v50  }
0x10a: {  	v5 =	vadd.f32 v5, v7;
	v62 =	vadd.f32 v57, v9  }
0x10b: {  	v4 =	vadd.f32 v59, v60;
	v3 =	vadd.f32 v3, v10  }
0x10c: {  	p0 =	sne.s32 s24, $0xFF0;
	v5 =	vmul.f32 v5, v56;
	v63 =	vmul.f32 v62, v61  }
.Ltmp2:
0x10d: {  	v4 =	vmul.f32 v4, v56;
	v3 =	vmul.f32 v3, v61;
	(pc) =	sbr.rel @p0 .LBB2_8-.Ltmp2, $4  }
0x10e: {  	v5 =	vadd.f32 v63, v5  }
0x10f: {  	v3 =	vadd.f32 v3, v4  }
0x110: {  	s25 =	sadd.s32 $0x10, s25;
	[tilespmem:s28+$0xFFFFFE00] =	vst v5  }
0x111: {  	s26 =	sadd.s32 $0x10, s26;
	s24 =	sadd.s32 $0x10, s24;
	[tilespmem:s28+$0x0] =	vst v3;
	s28 =	sadd.s32 $0x10, s28  }
0x112: {  	s23 =	sadd.s32 $0x2, s23  }
0x113: {  	s24 =	sand.u32 $0xE, s23;
	s23 =	simm.s32 $0x0  }
0x114: {  	v3 =	vmov s24;
	v4 =	vld [tilespmem:s23+$0x200]  }
0x115: {  	v5 =	vld [tilespmem:s23+$0x400];
	vm0 =	veq.s32 v3, $0x2  }
0x116: {  	vm7 =	veq.s32 v3, $0x4;
	v6 =	vsel vm0, $0x41D80000, v1  }
0x117: {  	vm8 =	veq.s32 v3, $0x6;
	v6 =	vsel vm7, $0x42400000, v6  }
0x118: {  	vm9 =	veq.s32 v3, $0x8;
	v6 =	vsel vm8, $0x42A80000, v6  }
0x119: {  	vm10 =	veq.s32 v3, $0xA;
	v6 =	vsel vm9, $0x43130000, v6;
	v4 =	vadd.f32 $1.000000000e+00, v4  }
0x11a: {  	vm11 =	veq.s32 v3, $0xC;
	v5 =	vadd.f32 $1.000000000e+00, v5;
	v6 =	vsel vm10, $0x437F0000, v6  }
0x11b: {  	v7 =	vld [tilespmem:s23+$0x0];
	vm12 =	veq.s32 v3, $0xE;
	v6 =	vsel vm11, $0x43DE8000, v6;
	v8 =	vmul.f32 $5.000000000e-01, v4  }
0x11c: {  	v5 =	vmul.f32 $5.000000000e-01, v5;
	v4 =	vsel vm12, $0x44420000, v6  }
0x11d: {  	v6 =	vmul.f32 v8, v4  }
0x11e: {  	v8 =	vmul.f32 v5, v4  }
0x11f: {  	v5 =	vtrunc.f32 v6  }
0x120: {  	v7 =	vadd.f32 $1.000000000e+00, v7;
	v9 =	vcvt.f32.s32 v5;
	v5 =	vtrunc.f32 v8  }
0x121: {  	v10 =	vcvt.f32.s32 v5  }
0x122: {  	v5 =	vmul.f32 $5.000000000e-01, v7;
	v7 =	vcvt.s32.f32 v9  }
0x123: {  	v3 =	vshll.u32 v3, $0x11;
	v11 =	vcvt.s32.f32 v10  }
0x124: {  	v13 =	vmul.u32 $0x9E3779B1, v9;
	v5 =	vmul.f32 v5, v4;
	vm13 =	vgt.f32 v6, v7  }
0x125: {  	v16 =	vmul.u32 $0x30025795, v10;
	v12 =	vsel vm13, $0x1, v0;
	vm14 =	vgt.f32 v8, v11  }
0x126: {  	v14 =	vtrunc.f32 v5;
	v9 =	vadd.s32 v9, v12;
	v12 =	vsel vm14, $0x1, v0  }
0x127: {  	v15 =	vcvt.f32.s32 v14;
	v10 =	vadd.s32 v10, v12;
	v17 =	vmul.u32 $0x9E3779B1, v9  }
0x128: {  	v18 =	vsub.f32 v6, v7;
	v19 =	vsub.f32 v8, v11;
	v20 =	vmul.u32 $0x30025795, v10  }
0x129: {  	v6 =	vcvt.s32.f32 v15;
	v7 =	vxor.u32 v15, v13;
	v9 =	vxor.u32 v15, v17  }
0x12a: {  	v10 =	vxor.u32 v16, v9;
	v8 =	vxor.u32 v7, v20;
	v9 =	vxor.u32 v20, v9  }
0x12b: {  	vm15 =	vgt.f32 v5, v6;
	v7 =	vxor.u32 v16, v7;
	v11 =	vshrl.u32 v9, $0x2  }
0x12c: {  	v12 =	vsel vm15, $0x1, v0;
	v14 =	vshrl.u32 v10, $0x2;
	v11 =	vand.u32 $0x1FFFF, v11  }
0x12d: {  	v15 =	vadd.s32 v15, v12;
	v12 =	vshrl.u32 v8, $0x2;
	v21 =	vor.u32 v3, v11  }
0x12e: {  	[tilespmem:s23+$0x800] =	vst v18;
	v18 =	vxor.u32 v13, v15;
	v13 =	vxor.u32 v15, v17;
	v11 =	vshrl.u32 v7, $0x2  }
0x12f: {  	[tilespmem:s23+$0xA00] =	vst v19;
	v17 =	vxor.u32 v16, v13;
	v15 =	vxor.u32 v20, v13;
	v13 =	vxor.u32 v18, v20  }
0x130: {  	s25 =	simm.s32 $0x80;
	s24 =	simm.s32 $0x10;
	[tilespmem:s23+$0x2000] =	vst v21;
	v16 =	vxor.u32 v16, v18;
	v18 =	vshrl.u32 v17, $0x2;
	v19 =	vshrl.u32 v15, $0x2  }
.LBB2_10:
0x131: {  	p0 =	sne.s32 s25, $0x7C0;
	v20 =	vld [tilespmem:s24+$0x200];
	v21 =	vshrl.u32 v16, $0x2;
	v14 =	vand.u32 $0x1FFFF, v14;
	v22 =	vshrl.u32 v13, $0x2  }
0x132: {  	v10 =	vshll.u32 v10, $0x1;
	v18 =	vand.u32 $0x1FFFF, v18;
	v19 =	vand.u32 $0x1FFFF, v19;
	v23 =	vld [tilespmem:s24+$0x400]  }
0x133: {  	v17 =	vshll.u32 v17, $0x1;
	v12 =	vand.u32 $0x1FFFF, v12;
	v22 =	vand.u32 $0x1FFFF, v22  }
0x134: {  	v15 =	vshll.u32 v15, $0x1;
	v9 =	vshll.u32 v9, $0x1;
	v21 =	vand.u32 $0x1FFFF, v21  }
0x135: {  	v16 =	vshll.u32 v16, $0x1;
	v8 =	vshll.u32 v8, $0x1;
	v13 =	vshll.u32 v13, $0x1  }
0x136: {  	v11 =	vand.u32 $0x1FFFF, v11;
	v7 =	vshll.u32 v7, $0x1;
	v20 =	vadd.f32 $1.000000000e+00, v20  }
0x137: {  	v24 =	vsub.f32 v5, v6;
	v5 =	vor.u32 v3, v14;
	v23 =	vadd.f32 $1.000000000e+00, v23  }
0x138: {  	v6 =	vld [tilespmem:s24+$0x0];
	v14 =	vmul.f32 $5.000000000e-01, v20;
	[tilespmem:s23+$0x1600] =	vst v5;
	v5 =	vor.u32 v3, v18;
	v18 =	vor.u32 v3, v19  }
0x139: {  	v10 =	vand.u32 $0x6, v10;
	v19 =	vmul.f32 $5.000000000e-01, v23;
	[tilespmem:s23+$0x1800] =	vst v5;
	v5 =	vand.u32 $0x6, v17  }
0x13a: {  	v12 =	vor.u32 v3, v12;
	v17 =	vor.u32 v3, v22;
	v14 =	vmul.f32 v14, v4;
	[tilespmem:s23+$0x1E00] =	vst v18  }
0x13b: {  	v9 =	vand.u32 $0x6, v9;
	v18 =	vmul.f32 v19, v4;
	[tilespmem:s23+$0x3600] =	vst v10;
	v10 =	vand.u32 $0x6, v15  }
0x13c: {  	v8 =	vand.u32 $0x6, v8;
	v19 =	vor.u32 v3, v21;
	v15 =	vtrunc.f32 v14;
	[tilespmem:s23+$0x3800] =	vst v5  }
0x13d: {  	v5 =	vadd.f32 $1.000000000e+00, v6;
	v6 =	vcvt.f32.s32 v15;
	v15 =	vtrunc.f32 v18;
	[tilespmem:s23+$0x1A00] =	vst v12  }
0x13e: {  	v13 =	vand.u32 $0x6, v13;
	v12 =	vcvt.f32.s32 v15;
	v15 =	vand.u32 $0x6, v16;
	[tilespmem:s23+$0x1C00] =	vst v17  }
0x13f: {  	v5 =	vmul.f32 $5.000000000e-01, v5;
	v16 =	vcvt.s32.f32 v6;
	v17 =	vmul.u32 $0x9E3779B1, v6;
	[tilespmem:s23+$0x3E00] =	vst v10  }
0x140: {  	v11 =	vor.u32 v3, v11;
	v10 =	vcvt.s32.f32 v12;
	v20 =	vmul.u32 $0x30025795, v12;
	[tilespmem:s23+$0x4000] =	vst v9  }
0x141: {  	v5 =	vmul.f32 v5, v4;
	v21 =	vsub.f32 v14, v16;
	vm0 =	vgt.f32 v14, v16;
	[tilespmem:s23+$0x1400] =	vst v19  }
0x142: {  	v9 =	vsel vm0, $0x1, v0;
	v14 =	vsub.f32 v18, v10;
	vm0 =	vgt.f32 v18, v10;
	[tilespmem:s23+$0x3A00] =	vst v8  }
0x143: {  	v8 =	vtrunc.f32 v5;
	v6 =	vadd.s32 v6, v9;
	v9 =	vsel vm0, $0x1, v0;
	[tilespmem:s23+$0x3C00] =	vst v13  }
0x144: {  	v13 =	vcvt.f32.s32 v8;
	v8 =	vadd.s32 v12, v9;
	v16 =	vmul.u32 $0x9E3779B1, v6;
	[tilespmem:s23+$0x3400] =	vst v15  }
0x145: {  	v7 =	vand.u32 $0x6, v7;
	v15 =	vmul.u32 $0x30025795, v8;
	[tilespmem:s23+$0x1200] =	vst v11  }
0x146: {  	v6 =	vcvt.s32.f32 v13;
	v11 =	vxor.u32 v13, v17;
	v9 =	vxor.u32 v13, v16;
	[tilespmem:s23+$0x3200] =	vst v7  }
0x147: {  	v10 =	vxor.u32 v20, v9;
	v8 =	vxor.u32 v11, v15;
	v9 =	vxor.u32 v15, v9;
	[tilespmem:s23+$0x600] =	vst v24;
	s23 =	smov.u32 s24  }
0x148: {  	v7 =	vxor.u32 v20, v11;
	vm0 =	vgt.f32 v5, v6;
	[tilespmem:s23+$0x800] =	vst v21;
	v11 =	vshrl.u32 v9, $0x2  }
.Ltmp3:
0x149: {  	v12 =	vsel vm0, $0x1, v0;
	[tilespmem:s23+$0xA00] =	vst v14;
	v14 =	vshrl.u32 v10, $0x2;
	v11 =	vand.u32 $0x1FFFF, v11;
	(pc) =	sbr.rel @p0 .LBB2_10-.Ltmp3, $4  }
0x14a: {  	v13 =	vadd.s32 v13, v12;
	v12 =	vshrl.u32 v8, $0x2;
	v18 =	vor.u32 v3, v11  }
0x14b: {  	v11 =	vshrl.u32 v7, $0x2;
	v19 =	vxor.u32 v17, v13;
	v16 =	vxor.u32 v13, v16;
	[tilespmem:s23+$0x2000] =	vst v18  }
0x14c: {  	v17 =	vxor.u32 v20, v16;
	v13 =	vxor.u32 v19, v15;
	v15 =	vxor.u32 v15, v16  }
0x14d: {  	s24 =	sshra.s32 s25, $0x2;
	s25 =	sadd.s32 $0x40, s25;
	v16 =	vxor.u32 v20, v19;
	v18 =	vshrl.u32 v17, $0x2;
	v19 =	vshrl.u32 v15, $0x2  }
0x14e: {  	v21 =	vshrl.u32 v16, $0x2;
	v14 =	vand.u32 $0x1FFFF, v14;
	v22 =	vshrl.u32 v13, $0x2  }
0x14f: {  	v20 =	vld [tilespmem:s24+$0x200];
	v10 =	vshll.u32 v10, $0x1;
	v18 =	vand.u32 $0x1FFFF, v18;
	v19 =	vand.u32 $0x1FFFF, v19  }
0x150: {  	v23 =	vld [tilespmem:s24+$0x400];
	v17 =	vshll.u32 v17, $0x1;
	v12 =	vand.u32 $0x1FFFF, v12;
	v15 =	vshll.u32 v15, $0x1  }
0x151: {  	v9 =	vshll.u32 v9, $0x1;
	v55 =	vshll.u32 v16, $0x1;
	v8 =	vshll.u32 v8, $0x1;
	v57 =	vld [tilespmem:s24+$0x0]  }
0x152: {  	v56 =	vshll.u32 v13, $0x1;
	v5 =	vsub.f32 v5, v6;
	v11 =	vand.u32 $0x1FFFF, v11  }
0x153: {  	v7 =	vshll.u32 v7, $0x1;
	v22 =	vand.u32 $0x1FFFF, v22;
	v21 =	vand.u32 $0x1FFFF, v21  }
0x154: {  	v14 =	vor.u32 v3, v14;
	v18 =	vor.u32 v3, v18;
	v20 =	vadd.f32 $1.000000000e+00, v20  }
0x155: {  	v19 =	vor.u32 v3, v19;
	v10 =	vand.u32 $0x6, v10;
	v23 =	vadd.f32 $1.000000000e+00, v23  }
0x156: {  	v58 =	vand.u32 $0x6, v17;
	[tilespmem:s23+$0x1600] =	vst v14;
	v6 =	vadd.f32 $1.000000000e+00, v57;
	v20 =	vmul.f32 $5.000000000e-01, v20  }
0x157: {  	v12 =	vor.u32 v3, v12;
	v15 =	vand.u32 $0x6, v15;
	[tilespmem:s23+$0x1800] =	vst v18;
	v23 =	vmul.f32 $5.000000000e-01, v23  }
0x158: {  	v9 =	vand.u32 $0x6, v9;
	[tilespmem:s23+$0x1E00] =	vst v19;
	v6 =	vmul.f32 $5.000000000e-01, v6;
	v20 =	vmul.f32 v20, v4  }
0x159: {  	v8 =	vand.u32 $0x6, v8;
	v63 =	vand.u32 $0x6, v55;
	[tilespmem:s23+$0x3600] =	vst v10;
	v59 =	vmul.f32 v23, v4  }
0x15a: {  	v26 =	vand.u32 $0x6, v56;
	[tilespmem:s23+$0x3800] =	vst v58;
	v25 =	vmul.f32 v6, v4;
	v60 =	vtrunc.f32 v20  }
0x15b: {  	v11 =	vor.u32 v3, v11;
	[tilespmem:s23+$0x1A00] =	vst v12;
	v61 =	vtrunc.f32 v59;
	v18 =	vcvt.f32.s32 v60  }
0x15c: {  	v7 =	vand.u32 $0x6, v7;
	[tilespmem:s23+$0x3E00] =	vst v15;
	v30 =	vtrunc.f32 v25;
	v10 =	vcvt.f32.s32 v61  }
0x15d: {  	v62 =	vor.u32 v3, v21;
	[tilespmem:s23+$0x4000] =	vst v9;
	v21 =	vcvt.f32.s32 v30;
	v24 =	vcvt.s32.f32 v18  }
0x15e: {  	v22 =	vor.u32 v3, v22;
	[tilespmem:s23+$0x3A00] =	vst v8;
	v27 =	vmul.u32 $0x9E3779B1, v18;
	v28 =	vcvt.s32.f32 v10  }
0x15f: {  	[tilespmem:s23+$0x3C00] =	vst v26;
	v29 =	vmul.u32 $0x30025795, v10;
	v34 =	vcvt.s32.f32 v21;
	vm0 =	vgt.f32 v20, v24  }
0x160: {  	[tilespmem:s23+$0x3400] =	vst v63;
	vm14 =	vgt.f32 v59, v28;
	v14 =	vsub.f32 v20, v24;
	v16 =	vsub.f32 v59, v28  }
0x161: {  	[tilespmem:s23+$0x1200] =	vst v11;
	vm15 =	vgt.f32 v25, v34;
	v31 =	vsel vm0, $0x1, v0;
	v32 =	vsel vm14, $0x1, v0  }
0x162: {  	[tilespmem:s23+$0x3200] =	vst v7;
	v39 =	vsel vm15, $0x1, v0;
	v9 =	vadd.s32 v18, v31;
	v33 =	vadd.s32 v10, v32  }
0x163: {  	[tilespmem:s23+$0x600] =	vst v5;
	v17 =	vadd.s32 v21, v39;
	v9 =	vmul.u32 $0x9E3779B1, v9;
	v35 =	vmul.u32 $0x30025795, v33  }
0x164: {  	[tilespmem:s23+$0x1C00] =	vst v22;
	v37 =	vxor.u32 v21, v27;
	v4 =	vsub.f32 v25, v34;
	v13 =	vxor.u32 v27, v17  }
0x165: {  	[tilespmem:s23+$0x1400] =	vst v62;
	v36 =	vxor.u32 v21, v9;
	v42 =	vxor.u32 v37, v35;
	v44 =	vxor.u32 v17, v9  }
0x166: {  	[tilespmem:s24+$0x800] =	vst v14;
	v6 =	vxor.u32 v13, v35;
	v38 =	vxor.u32 v35, v36;
	v40 =	vxor.u32 v29, v36  }
0x167: {  	[tilespmem:s24+$0xA00] =	vst v16;
	v46 =	vxor.u32 v29, v44;
	v52 =	vshrl.u32 v6, $0x2;
	v6 =	vshll.u32 v6, $0x1  }
0x168: {  	[tilespmem:s24+$0x600] =	vst v4;
	v49 =	vshrl.u32 v42, $0x2;
	v7 =	vshll.u32 v40, $0x1;
	v6 =	vand.u32 $0x6, v6  }
0x169: {  	v8 =	vxor.u32 v35, v44;
	v53 =	vand.u32 $0x1FFFF, v49;
	v7 =	vand.u32 $0x6, v7;
	[tilespmem:s24+$0x3C00] =	vst v6  }
0x16a: {  	v48 =	vshrl.u32 v8, $0x2;
	v8 =	vshll.u32 v8, $0x1;
	v54 =	vor.u32 v3, v53;
	[tilespmem:s24+$0x3600] =	vst v7  }
0x16b: {  	v41 =	vshrl.u32 v38, $0x2;
	v12 =	vshll.u32 v38, $0x1;
	v8 =	vand.u32 $0x6, v8;
	[tilespmem:s24+$0x1A00] =	vst v54  }
0x16c: {  	v45 =	vshrl.u32 v40, $0x2;
	v43 =	vand.u32 $0x1FFFF, v41;
	v58 =	vand.u32 $0x6, v12;
	[tilespmem:s24+$0x3E00] =	vst v8  }
0x16d: {  	v47 =	vshrl.u32 v46, $0x2;
	v9 =	vand.u32 $0x1FFFF, v45;
	v5 =	vor.u32 v3, v43;
	[tilespmem:s24+$0x4000] =	vst v58  }
0x16e: {  	v16 =	vand.u32 $0x1FFFF, v47;
	v9 =	vor.u32 v3, v9;
	[tilespmem:s24+$0x2000] =	vst v5  }
0x16f: {  	v59 =	vshll.u32 v42, $0x1;
	v50 =	vor.u32 v3, v16;
	[tilespmem:s24+$0x1600] =	vst v9  }
0x170: {  	v8 =	vand.u32 $0x6, v59;
	v5 =	vand.u32 $0x1FFFF, v48;
	[tilespmem:s24+$0x1800] =	vst v50  }
0x171: {  	v55 =	vxor.u32 v29, v13;
	v51 =	vshll.u32 v46, $0x1;
	[tilespmem:s24+$0x3A00] =	vst v8;
	v5 =	vor.u32 v3, v5  }
0x172: {  	v56 =	vshrl.u32 v55, $0x2;
	v9 =	vand.u32 $0x6, v51;
	[tilespmem:s24+$0x1E00] =	vst v5;
	v5 =	vand.u32 $0x1FFFF, v52  }
0x173: {  	v60 =	vxor.u32 v29, v37;
	v57 =	vand.u32 $0x1FFFF, v56;
	[tilespmem:s24+$0x3800] =	vst v9;
	v5 =	vor.u32 v3, v5  }
0x174: {  	v61 =	vshrl.u32 v60, $0x2;
	v9 =	vshll.u32 v55, $0x1;
	[tilespmem:s24+$0x1C00] =	vst v5;
	v5 =	vor.u32 v3, v57  }
0x175: {  	v62 =	vand.u32 $0x6, v9;
	[tilespmem:s24+$0x1400] =	vst v5;
	v5 =	vand.u32 $0x1FFFF, v61  }
0x176: {  	v63 =	vshll.u32 v60, $0x1;
	[tilespmem:s24+$0x3400] =	vst v62;
	v3 =	vor.u32 v3, v5  }
0x177: {  	[tilespmem:s24+$0x1200] =	vst v3;
	v3 =	vand.u32 $0x6, v63  }
0x178: {  	[tilespmem:s24+$0x3200] =	vst v3  }
0x179: {  	_ =	swait.ge [sflag:s14], $0x8000  }
0x17a: {  	s25 =	smov.u32 s22;
	s26 =	simm.s32 $0xE00;
	[sflag:s14] =	ssyncset.done $0x0  }
0x17b: {  	s23 =	simm.s32 $0xE00;
	s24 =	simm.s32 $0x4A00;
	[sflag:s14] =	ssyncadd.s32 $0xFFFF8000  }
0x17c: {  	[tilespmem:s13], [sflag:$0x1] =	stream.indirect.gather [hbm4b:s4+s11], $0x8, s12, s11, $0xb8;
	[tilespmem:$0x19200] =	vst v63  }
.LBB2_12:
0x17d: {  	v5 =	vld [tilespmem:s24+$0xFFFFF800];
	s28 =	sadd.s32 $0xFFFFF200, s26;
	s29 =	sadd.s32 $0xFFFFF400, s26  }
0x17e: {  	v7 =	vld [tilespmem:s24+$0xFFFFFA00];
	s30 =	sadd.s32 $0xFFFFF600, s26;
	s31 =	sadd.s32 $0xFFFFF800, s26;
	v6 =	vmov s28;
	v21 =	vmov s29  }
0x17f: {  	v23 =	vld [tilespmem:s24+$0xFFFFFC00];
	v25 =	vmov s30;
	v29 =	vmov s31;
	v6 =	vshll.u32 v6, $0x3  }
0x180: {  	v27 =	vld [tilespmem:s24+$0xFFFFFE00];
	s29 =	sadd.s32 $0xFFFFFA00, s26;
	s30 =	sadd.s32 $0xFFFFFC00, s26;
	s31 =	sadd.s32 $0xFFFFFE00, s26;
	v22 =	vshll.u32 v21, $0x3;
	v26 =	vshll.u32 v25, $0x3;
	v30 =	vshll.u32 v29, $0x3  }
0x181: {  	v31 =	vld [tilespmem:s24+$0x0];
	v33 =	vmov s29;
	v18 =	vmov s30;
	v39 =	vmov s31  }
0x182: {  	v17 =	vld [tilespmem:s24+$0x200];
	v6 =	vor.u32 v2, v6;
	v34 =	vshll.u32 v33, $0x3;
	v18 =	vshll.u32 v18, $0x3  }
0x183: {  	v19 =	vld [tilespmem:s24+$0x400];
	v18 =	vor.u32 v2, v18;
	v8 =	vand.u32 $0xFFFFFFF8, v5;
	v9 =	vadd.s32 $0x1, v5  }
0x184: {  	v5 =	vand.u32 $0x7, v5;
	v24 =	vand.u32 $0xFFFFFFF8, v7;
	v11 =	vadd.s32 $0x1, v7  }
0x185: {  	v7 =	vand.u32 $0x7, v7;
	v28 =	vand.u32 $0xFFFFFFF8, v23;
	v13 =	vadd.s32 $0x1, v23  }
0x186: {  	v32 =	vand.u32 $0xFFFFFFF8, v27;
	v15 =	vadd.s32 $0x1, v27;
	v35 =	vand.u32 $0xFFFFFFF8, v31  }
0x187: {  	v36 =	vand.u32 $0x7, v31;
	v20 =	vand.u32 $0xFFFFFFF8, v17;
	v38 =	vand.u32 $0x7, v17  }
0x188: {  	v17 =	vadd.s32 $0x1, v17;
	v25 =	vand.u32 $0x7, v19;
	v42 =	vadd.s32 $0x1, v19  }
0x189: {  	v21 =	vld [tilespmem:s24+$0x600];
	v8 =	vadd.s32 v6, v8;
	v10 =	vand.u32 $0xFFFFFFF8, v9;
	v9 =	vand.u32 $0x7, v9  }
0x18a: {  	v12 =	vand.u32 $0xFFFFFFF8, v11;
	v11 =	vand.u32 $0x7, v11;
	v14 =	vand.u32 $0xFFFFFFF8, v13  }
0x18b: {  	v13 =	vand.u32 $0x7, v13;
	v16 =	vand.u32 $0xFFFFFFF8, v15;
	v15 =	vand.u32 $0x7, v15  }
0x18c: {  	v20 =	vadd.s32 v18, v20;
	v41 =	vand.u32 $0xFFFFFFF8, v17;
	v17 =	vand.u32 $0x7, v17  }
0x18d: {  	v43 =	vand.u32 $0xFFFFFFF8, v42;
	v6 =	vadd.s32 v6, v10;
	v5 =	vor.u32 v5, v8  }
0x18e: {  	v8 =	vor.u32 v2, v22;
	v40 =	vand.u32 $0x7, v21;
	v44 =	vadd.s32 $0x1, v21  }
0x18f: {  	v6 =	vor.u32 v9, v6;
	v10 =	vadd.s32 v8, v24;
	v8 =	vadd.s32 v8, v12  }
0x190: {  	v9 =	vand.u32 $0x7, v23;
	v23 =	vand.u32 $0xFFFFFFF8, v19;
	v24 =	vmov s26  }
0x191: {  	v7 =	vor.u32 v7, v10;
	v8 =	vor.u32 v11, v8;
	v10 =	vor.u32 v2, v26  }
0x192: {  	v3 =	vld [tilespmem:s23+$0xFFFFFE00];
	v11 =	vand.u32 $0x7, v27;
	v24 =	vshll.u32 v24, $0x3;
	v12 =	vadd.s32 v10, v28  }
0x193: {  	v22 =	vld [tilespmem:s23+$0x0];
	v26 =	vand.u32 $0xFFFFFFF8, v21;
	v10 =	vadd.s32 v10, v14;
	v9 =	vor.u32 v9, v12  }
0x194: {  	v24 =	vor.u32 v2, v24;
	v10 =	vor.u32 v13, v10;
	v12 =	vor.u32 v2, v30;
	v5 =	vld.idx.msk [tilespmem:v5+s16+$0x0], $0xffff  }
0x195: {  	v14 =	vadd.s32 v12, v32;
	v12 =	vadd.s32 v12, v16;
	v16 =	vor.u32 v38, v20;
	v6 =	vld.idx.msk [tilespmem:v6+s16+$0x0], $0xffff  }
0x196: {  	v20 =	vshll.u32 v39, $0x3;
	v11 =	vor.u32 v11, v14;
	v14 =	vor.u32 v2, v34;
	v7 =	vld.idx.msk [tilespmem:v7+s16+$0x0], $0xffff  }
0x197: {  	v12 =	vor.u32 v15, v12;
	v20 =	vor.u32 v2, v20;
	v15 =	vadd.s32 v14, v35;
	v8 =	vld.idx.msk [tilespmem:v8+s16+$0x0], $0xffff  }
0x198: {  	v13 =	vadd.s32 $0x1, v31;
	v23 =	vadd.s32 v20, v23;
	v15 =	vor.u32 v36, v15;
	v9 =	vld.idx.msk [tilespmem:v9+s16+$0x0], $0xffff  }
0x199: {  	v26 =	vadd.s32 v24, v26;
	v37 =	vand.u32 $0xFFFFFFF8, v13;
	v23 =	vor.u32 v25, v23;
	v10 =	vld.idx.msk [tilespmem:v10+s16+$0x0], $0xffff  }
0x19a: {  	v13 =	vand.u32 $0x7, v13;
	v14 =	vadd.s32 v14, v37;
	v25 =	vor.u32 v40, v26;
	v16 =	vld.idx.msk [tilespmem:v16+s16+$0x0], $0xffff  }
0x19b: {  	v45 =	vand.u32 $0xFFFFFFF8, v44;
	v13 =	vor.u32 v13, v14;
	v14 =	vadd.s32 v18, v41;
	v11 =	vld.idx.msk [tilespmem:v11+s16+$0x0], $0xffff  }
0x19c: {  	v18 =	vand.u32 $0x7, v42;
	v14 =	vor.u32 v17, v14;
	v17 =	vadd.s32 v20, v43;
	v12 =	vld.idx.msk [tilespmem:v12+s16+$0x0], $0xffff  }
0x19d: {  	v47 =	vand.u32 $0x7, v44;
	v48 =	vadd.s32 v24, v45;
	v17 =	vor.u32 v18, v17;
	v15 =	vld.idx.msk [tilespmem:v15+s16+$0x0], $0xffff  }
0x19e: {  	v18 =	vor.u32 v47, v48;
	v46 =	vld.idx.msk [tilespmem:v23+s16+$0x0], $0xffff  }
0x19f: {  	v4 =	vsub.f32 $1.000000000e+00, v3;
	v49 =	vld.idx.msk [tilespmem:v25+s16+$0x0], $0xffff  }
0x1a0: {  	v5 =	vmul.f32 v5, v3;
	v6 =	vmul.f32 v6, v3;
	v13 =	vld.idx.msk [tilespmem:v13+s16+$0x0], $0xffff  }
0x1a1: {  	v7 =	vmul.f32 v7, v3;
	v9 =	vmul.f32 v9, v4;
	v14 =	vld.idx.msk [tilespmem:v14+s16+$0x0], $0xffff  }
0x1a2: {  	v50 =	vsub.f32 $1.000000000e+00, v22;
	v8 =	vmul.f32 v8, v3;
	v10 =	vmul.f32 v10, v4;
	v51 =	vld.idx.msk [tilespmem:v17+s16+$0x0], $0xffff  }
0x1a3: {  	v52 =	vmul.f32 v16, v3;
	v54 =	vld.idx.msk [tilespmem:v18+s16+$0x0], $0xffff;
	v11 =	vmul.f32 v11, v4;
	v7 =	vadd.f32 v9, v7  }
0x1a4: {  	v12 =	vmul.f32 v12, v4;
	v8 =	vadd.f32 v10, v8;
	v53 =	vmul.f32 v46, v4  }
0x1a5: {  	v15 =	vmul.f32 v15, v3;
	v55 =	vmul.f32 v49, v4  }
0x1a6: {  	v7 =	vmul.f32 v7, v50;
	v60 =	vmul.f32 v8, v50  }
0x1a7: {  	v56 =	vld [tilespmem:s23+$0x200];
	v5 =	vadd.f32 v11, v5;
	v14 =	vmul.f32 v14, v3;
	v3 =	vmul.f32 v13, v3  }
0x1a8: {  	v6 =	vadd.f32 v12, v6;
	v11 =	vmul.f32 v51, v4;
	v4 =	vmul.f32 v54, v4  }
0x1a9: {  	v5 =	vmul.f32 v5, v22;
	v15 =	vadd.f32 v55, v15;
	v9 =	vadd.f32 v53, v52  }
0x1aa: {  	v59 =	vmul.f32 v6, v22;
	v58 =	vadd.f32 v11, v14;
	v3 =	vadd.f32 v4, v3  }
0x1ab: {  	v57 =	vmul.f32 v15, v22;
	v9 =	vmul.f32 v9, v50  }
0x1ac: {  	v61 =	vsub.f32 $1.000000000e+00, v56;
	v3 =	vmul.f32 v3, v22;
	v10 =	vmul.f32 v58, v50  }
0x1ad: {  	v5 =	vadd.f32 v5, v7;
	v62 =	vadd.f32 v57, v9  }
0x1ae: {  	v4 =	vadd.f32 v59, v60;
	v3 =	vadd.f32 v3, v10  }
0x1af: {  	p0 =	sne.s32 s26, $0xFF0;
	v5 =	vmul.f32 v5, v56;
	v63 =	vmul.f32 v62, v61  }
.Ltmp4:
0x1b0: {  	v4 =	vmul.f32 v4, v56;
	v3 =	vmul.f32 v3, v61;
	(pc) =	sbr.rel @p0 .LBB2_12-.Ltmp4, $4  }
0x1b1: {  	v5 =	vadd.f32 v63, v5  }
0x1b2: {  	v3 =	vadd.f32 v3, v4  }
0x1b3: {  	s24 =	sadd.s32 $0x10, s24;
	[tilespmem:s25+$0xFFFFFE00] =	vst v5  }
0x1b4: {  	s23 =	sadd.s32 $0x10, s23;
	s26 =	sadd.s32 $0x10, s26;
	[tilespmem:s25+$0x0] =	vst v3;
	s25 =	sadd.s32 $0x10, s25  }
0x1b5: {  	s20 =	sadd.s32 $0x1, s20  }
0x1b6: {  	p0 =	sne.s32 s20, $0x8  }
.Ltmp5:
0x1b7: {  	_ = 	snop;
	(pc) =	sbr.rel @p0 .LBB2_5-.Ltmp5, $2  }
0x1b8: {  	_ =	sdelay $0x2  }
0x1b9: {  	s21 =	sadd.s32 $0x800, s21;
	s22 =	sadd.s32 $0x800, s22  }
0x1ba: {  	_ =	swait.ge [sflag:s14], $0x8000;
	s18 =	sadd.s32 $0x1, s18  }
0x1bb: {  	[sflag:s14] =	ssyncset.done $0x0;
	p0 =	sne.s32 s18, $0x10  }
.Ltmp6:
0x1bc: {  	s19 =	sadd.s32 s5, s19;
	[sflag:s14] =	ssyncadd.s32 $0xFFFF8000;
	(pc) =	sbr.rel @p0 .LBB2_2-.Ltmp6, $4  }
0x1bd: {  	[hbm4b:s19+s8] =	stream.strided.scatter [tilespmem:s17], [sflag:$0x2], $0x4000, s9, s8, $0x38;
	[tilespmem:$0x19200] =	vst v63  }
0x1be: {  	_ =	swait.ge [sflag:s10], $0x4000  }
0x1bf: {  	[sflag:s10] =	ssyncset.done $0x0  }
0x1c0: {  	[sflag:s10] =	ssyncadd.s32 $0xFFFFC000  }
0x1c1: {  	s1 =	sadd.s32 $0x1, s1  }
0x1c2: {  	p0 =	sne.s32 s1, s7  }
.Ltmp7:
0x1c3: {  	_ = 	snop;
	(pc) =	sbr.rel @p0 .LBB2_1-.Ltmp7, $1  }
0x1c4: {  	_ =	sdelay $0x3  }
0x1c5: {  	_ =	sfence.sel $0x180000  }
0x1c6: {  	[bflag:$0x0] =	sbarrier.arrive $0xFFFF  }
0x1c7: {  	p0 =	sne.s32 s2, $0x0;
	_ =	strace $0x9000004A  }
0x1c8: {  	s0 =	sadd.s32 @!p0 $0x100000, s0;
	[bflag:$0x2] =	sbarrier.arrive $0xFFFF  }
0x1c9: {  	[sflag:s0] =	ssyncadd.tile.s32 @!p0 $0x1;
	_ =	shalt  }
.Lfunc_end2:
_tile_overlayer_lowered:
.L_overlay_start_2:
0x1ca: {  	(tag) =	ssettag $0x2  }
0x1cb: {  	s0 =	rddreg [dreg:$0x0];
	s2 =	stileid.u32  }
0x1cc: {  	s1 =	rddreg [dreg:$0x1];
	p0 =	sne.s32 s2, $0x0  }
0x1cd: {  	s3 =	rddreg [dreg:$0x2];
	[bflag:$0x3] =	sbarrier.arrive $0xFFFF;
	s2 =	simm.s32 @!p0 $0x1C02  }
0x1ce: {  	[timem:s3], [sflag:s2] =	dma.local @!p0 [hbm:s0], s1  }
0x1cf: {  	s0 =	simm.s32 @!p0 $0x2  }
0x1d0: {  	_ =	swait.ge @!p0 [sflag:s0], s1  }
0x1d1: {  	s1 =	ssub.s32 @!p0 $0x0, s1;
	[sflag:s0] =	ssyncset.done @!p0 $0x0  }
0x1d2: {  	[sflag:s0] =	ssyncadd.s32 @!p0 s1  }
0x1d3: {  	[bflag:$0x3] =	sbarrier.arrive $0xFFFF  }
0x1d4: {  	_ =	shalt  }

</sc_bundles>
